<compile_context>
chip_gen: v7x
topology: tpu7x:2x2x1
jax: 0.10.2.dev20260603
libtpu: 0.0.44.dev20260713+nightly
codegen_flags: <defaults>
</compile_context>

<pallas_src>
import functools

import jax
import jax.numpy as jnp
from jax import lax
from jax.experimental import pallas as pl
from jax.experimental.pallas import tpu as pltpu
from jax.experimental.pallas import tpu_sc as plsc

NC = 2
NS = 16
NW = NC * NS
CH = 128


@functools.lru_cache(maxsize=None)
def _build(batch, hist, feat):
    bw = batch // NW
    ng = bw // CH
    per_w = bw * hist
    mesh = plsc.VectorSubcoreMesh(
        core_axis_name="c", subcore_axis_name="s", num_cores=NC, num_subcores=NS
    )
    out_sds = jax.ShapeDtypeStruct((hist * feat, batch), jnp.bfloat16)
    buf_t = pltpu.VMEM((bw, feat), jnp.float32)
    cidx_t = pltpu.VMEM((ng, CH), jnp.int32)

    @functools.partial(
        pl.kernel,
        out_type=out_sds,
        mesh=mesh,
        compiler_params=pltpu.CompilerParams(
            needs_layout_passes=False, use_tc_tiling_on_sc=False
        ),
        scratch_types=[
            pltpu.VMEM((per_w,), jnp.int32),
            (cidx_t, cidx_t),
            (buf_t, buf_t),
            pltpu.VMEM((feat, bw), jnp.bfloat16),
            (pltpu.SemaphoreType.DMA, pltpu.SemaphoreType.DMA),
        ],
    )
    def grab(x_hbm, tab_hbm, out_hbm, idx_v, cidx, buf, zb, sem):
        wid = lax.axis_index("s") * NC + lax.axis_index("c")
        b0 = wid * bw
        pltpu.sync_copy(x_hbm.at[pl.ds(b0 * hist, per_w)], idx_v)

        i16 = lax.iota(jnp.int32, 16)
        i16h = i16 * hist
        ev = [i16 * 2 + bb * 32 for bb in range(bw // 32)]

        def build_cidx(h, p):
            for g in range(ng):
                for bb in range(CH // 16):
                    base = (g * CH + bb * 16) * hist + h
                    cidx[p][g, pl.ds(bb * 16, 16)] = plsc.load_gather(
                        idx_v, [i16h + base]
                    )

        def start(p):
            for g in range(ng):
                pltpu.async_copy(tab_hbm.at[cidx[p].at[g]],
                                 buf[p].at[pl.ds(g * CH, CH)], sem[p])

        def wait(p):
            for g in range(ng):
                pltpu.make_async_copy(
                    tab_hbm.at[cidx[p].at[g]],
                    buf[p].at[pl.ds(g * CH, CH)], sem[p]).wait()

        def convert(b, zbuf):
            @pl.loop(0, feat)
            def _f(f):
                cf = jnp.full((16,), f, jnp.int32)
                for bb in range(bw // 32):
                    f0 = plsc.load_gather(b, [ev[bb], cf])
                    f1 = plsc.load_gather(b, [ev[bb] + 1, cf])
                    zbuf[f, pl.ds(bb * 32, 32)] = plsc.pack(
                        f0, f1, format=plsc.PackFormat.INTERLEAVED
                    )

        build_cidx(0, 0)
        start(0)

        @pl.loop(0, hist, step=2)
        def _unit(j):
            for p in range(2):
                h = j + p
                q = 1 - p

                @pl.when(h + 1 < hist)
                def _():
                    build_cidx(h + 1, q)
                    start(q)

                wait(p)
                convert(buf[p], zb)
                pltpu.sync_copy(
                    zb, out_hbm.at[pl.ds(h * feat, feat), pl.ds(b0, bw)])

    return grab


def kernel(x, real_embed, imag_embed):
    batch, hist = x.shape
    feat = real_embed.shape[1]
    x1 = x.reshape(-1)
    fn = _build(batch, hist, feat)
    z_r = fn(x1, real_embed)
    z_i = fn(x1, imag_embed)

    def to_logical(z):
        return z.reshape(hist, feat, batch).transpose(2, 0, 1)

    return to_logical(z_r), to_logical(z_i)

# --- scband reference (transcript-rebuilt; emitter-appended) ---
"""Pipeline reference for scband-complex-embedding-33131377721376 (READ-ONLY COPY).

The authoritative reference and input builder live on the scoring server;
editing this copy changes nothing except your own understanding.
"""

import jax, jax.numpy as jnp
import numpy as np

NUM_EMBEDDINGS = 1000000
FEATURES = 32
BATCH = 16384
HIST_LEN = 20


def setup_inputs(seed: int = 0) -> dict:
    key = jax.random.key(seed)
    k1, k2, k3 = jax.random.split(key, 3)
    x = jax.random.randint(k1, (BATCH, HIST_LEN), 0, NUM_EMBEDDINGS, dtype=jnp.int32)
    # nn.Embed default init: normal(stddev=1/sqrt(features)) stored in float32
    real_embed = jax.random.normal(k2, (NUM_EMBEDDINGS, FEATURES), dtype=jnp.float32) / np.sqrt(FEATURES)
    imag_embed = jax.random.normal(k3, (NUM_EMBEDDINGS, FEATURES), dtype=jnp.float32) / np.sqrt(FEATURES)
    return {"x": x, "real_embed": real_embed, "imag_embed": imag_embed}


def reference(x, real_embed, imag_embed):
    # flax nn.Embed with dtype=bfloat16: params cast to bfloat16 for the lookup
    r = jnp.take(real_embed.astype(jnp.bfloat16), x, axis=0)
    i = jnp.take(imag_embed.astype(jnp.bfloat16), x, axis=0)
    return (r, i)

if __name__ == "__main__":
    import jax
    _d = setup_inputs()
    print(jax.jit(kernel)(*tuple(_d.values())))

</pallas_src>

<mosaic_0001>
#map = affine_map<(d0, d1) -> (0)>
#map1 = affine_map<(d0, d1) -> (0, 0)>
module attributes {stable_mosaic.version = 14 : i64} {
  func.func @grab(%arg0: i32, %arg1: i32, %arg2: memref<327680xi32, #tpu.memory_space<hbm>>, %arg3: memref<1000000x32xf32, #tpu.memory_space<hbm>>, %arg4: memref<640x16384xbf16, #tpu.memory_space<hbm>>, %arg5: memref<10240xi32, #tpu.memory_space<vmem>>, %arg6: memref<4x128xi32, #tpu.memory_space<vmem>>, %arg7: memref<4x128xi32, #tpu.memory_space<vmem>>, %arg8: memref<512x32xf32, #tpu.memory_space<vmem>>, %arg9: memref<512x32xf32, #tpu.memory_space<vmem>>, %arg10: memref<32x512xbf16, #tpu.memory_space<vmem>>, %arg11: memref<!tpu.dma_semaphore, #tpu.memory_space<semaphore_mem>>, %arg12: memref<!tpu.dma_semaphore, #tpu.memory_space<semaphore_mem>>) attributes {dimension_semantics = [#tpu.dimension_semantics<core_parallel>, #tpu.dimension_semantics<subcore_parallel>], iteration_bounds = array<i64: 2, 16>, scalar_prefetch = 0 : i64, scratch_operands = 8 : i64, tpu.core_type = #tpu.core_type<sc_vector_subcore>, window_params = [{transform_indices = #map}, {transform_indices = #map1}, {transform_indices = #map1}]} {
    %mul3A = arith.constant 2 : i32
    %mul3A_0 = arith.muli %arg1, %mul3A : i32
    %add3A = arith.addi %mul3A_0, %arg0 : i32
    %mul3A_1 = arith.constant 512 : i32
    %mul3A_2 = arith.muli %add3A, %mul3A_1 : i32
    %mul3A_3 = arith.constant 20 : i32
    %mul3A_4 = arith.muli %mul3A_2, %mul3A_3 : i32
    "tpu.region"() ({
      %run_scoped3A = tpu.sem_alloc : memref<!tpu.dma_semaphore, #tpu.memory_space<semaphore_mem>>
      %dma_start3A_401 = tpu.memref_slice %arg2[%mul3A_4] : memref<327680xi32, #tpu.memory_space<hbm>> -> memref<10240xi32, #tpu.memory_space<hbm>>
      %dma_start3A_402 = tpu.memref_slice %arg2[%mul3A_4] : memref<327680xi32, #tpu.memory_space<hbm>> -> memref<10240xi32, #tpu.memory_space<hbm>>
      tpu.enqueue_dma source(%dma_start3A_402 : memref<10240xi32, #tpu.memory_space<hbm>>) target(%arg5 : memref<10240xi32, #tpu.memory_space<vmem>>) target_semaphore(%run_scoped3A : memref<!tpu.dma_semaphore, #tpu.memory_space<semaphore_mem>>)
      %dma_wait3A = tpu.memref_slice %arg2[%mul3A_4] : memref<327680xi32, #tpu.memory_space<hbm>> -> memref<10240xi32, #tpu.memory_space<hbm>>
      %dma_wait3A_403 = tpu.memref_slice %arg2[%mul3A_4] : memref<327680xi32, #tpu.memory_space<hbm>> -> memref<10240xi32, #tpu.memory_space<hbm>>
      tpu.wait_dma2 semaphore(%run_scoped3A : memref<!tpu.dma_semaphore, #tpu.memory_space<semaphore_mem>>) src(%dma_wait3A_403 : memref<10240xi32, #tpu.memory_space<hbm>>) dst(%arg5 : memref<10240xi32, #tpu.memory_space<vmem>>)
      tpu.yield
    }) : () -> ()
    %iota3A = tpu.iota {dimensions = array<i32: 0>} : vector<16xi32>
    %mul3A_5 = arith.constant 20 : i32
    %mul3A_6 = vector.broadcast %mul3A_5 : i32 to vector<16xi32>
    %mul3A_7 = arith.muli %iota3A, %mul3A_6 : vector<16xi32>
    %mul3A_8 = arith.constant 2 : i32
    %mul3A_9 = vector.broadcast %mul3A_8 : i32 to vector<16xi32>
    %mul3A_10 = arith.muli %iota3A, %mul3A_9 : vector<16xi32>
    %add3A_11 = arith.constant 0 : i32
    %add3A_12 = vector.broadcast %add3A_11 : i32 to vector<16xi32>
    %add3A_13 = arith.addi %mul3A_10, %add3A_12 : vector<16xi32>
    %mul3A_14 = arith.constant 2 : i32
    %mul3A_15 = vector.broadcast %mul3A_14 : i32 to vector<16xi32>
    %mul3A_16 = arith.muli %iota3A, %mul3A_15 : vector<16xi32>
    %add3A_17 = arith.constant 32 : i32
    %add3A_18 = vector.broadcast %add3A_17 : i32 to vector<16xi32>
    %add3A_19 = arith.addi %mul3A_16, %add3A_18 : vector<16xi32>
    %mul3A_20 = arith.constant 2 : i32
    %mul3A_21 = vector.broadcast %mul3A_20 : i32 to vector<16xi32>
    %mul3A_22 = arith.muli %iota3A, %mul3A_21 : vector<16xi32>
    %add3A_23 = arith.constant 64 : i32
    %add3A_24 = vector.broadcast %add3A_23 : i32 to vector<16xi32>
    %add3A_25 = arith.addi %mul3A_22, %add3A_24 : vector<16xi32>
    %mul3A_26 = arith.constant 2 : i32
    %mul3A_27 = vector.broadcast %mul3A_26 : i32 to vector<16xi32>
    %mul3A_28 = arith.muli %iota3A, %mul3A_27 : vector<16xi32>
    %add3A_29 = arith.constant 96 : i32
    %add3A_30 = vector.broadcast %add3A_29 : i32 to vector<16xi32>
    %add3A_31 = arith.addi %mul3A_28, %add3A_30 : vector<16xi32>
    %mul3A_32 = arith.constant 2 : i32
    %mul3A_33 = vector.broadcast %mul3A_32 : i32 to vector<16xi32>
    %mul3A_34 = arith.muli %iota3A, %mul3A_33 : vector<16xi32>
    %add3A_35 = arith.constant 128 : i32
    %add3A_36 = vector.broadcast %add3A_35 : i32 to vector<16xi32>
    %add3A_37 = arith.addi %mul3A_34, %add3A_36 : vector<16xi32>
    %mul3A_38 = arith.constant 2 : i32
    %mul3A_39 = vector.broadcast %mul3A_38 : i32 to vector<16xi32>
    %mul3A_40 = arith.muli %iota3A, %mul3A_39 : vector<16xi32>
    %add3A_41 = arith.constant 160 : i32
    %add3A_42 = vector.broadcast %add3A_41 : i32 to vector<16xi32>
    %add3A_43 = arith.addi %mul3A_40, %add3A_42 : vector<16xi32>
    %mul3A_44 = arith.constant 2 : i32
    %mul3A_45 = vector.broadcast %mul3A_44 : i32 to vector<16xi32>
    %mul3A_46 = arith.muli %iota3A, %mul3A_45 : vector<16xi32>
    %add3A_47 = arith.constant 192 : i32
    %add3A_48 = vector.broadcast %add3A_47 : i32 to vector<16xi32>
    %add3A_49 = arith.addi %mul3A_46, %add3A_48 : vector<16xi32>
    %mul3A_50 = arith.constant 2 : i32
    %mul3A_51 = vector.broadcast %mul3A_50 : i32 to vector<16xi32>
    %mul3A_52 = arith.muli %iota3A, %mul3A_51 : vector<16xi32>
    %add3A_53 = arith.constant 224 : i32
    %add3A_54 = vector.broadcast %add3A_53 : i32 to vector<16xi32>
    %add3A_55 = arith.addi %mul3A_52, %add3A_54 : vector<16xi32>
    %mul3A_56 = arith.constant 2 : i32
    %mul3A_57 = vector.broadcast %mul3A_56 : i32 to vector<16xi32>
    %mul3A_58 = arith.muli %iota3A, %mul3A_57 : vector<16xi32>
    %add3A_59 = arith.constant 256 : i32
    %add3A_60 = vector.broadcast %add3A_59 : i32 to vector<16xi32>
    %add3A_61 = arith.addi %mul3A_58, %add3A_60 : vector<16xi32>
    %mul3A_62 = arith.constant 2 : i32
    %mul3A_63 = vector.broadcast %mul3A_62 : i32 to vector<16xi32>
    %mul3A_64 = arith.muli %iota3A, %mul3A_63 : vector<16xi32>
    %add3A_65 = arith.constant 288 : i32
    %add3A_66 = vector.broadcast %add3A_65 : i32 to vector<16xi32>
    %add3A_67 = arith.addi %mul3A_64, %add3A_66 : vector<16xi32>
    %mul3A_68 = arith.constant 2 : i32
    %mul3A_69 = vector.broadcast %mul3A_68 : i32 to vector<16xi32>
    %mul3A_70 = arith.muli %iota3A, %mul3A_69 : vector<16xi32>
    %add3A_71 = arith.constant 320 : i32
    %add3A_72 = vector.broadcast %add3A_71 : i32 to vector<16xi32>
    %add3A_73 = arith.addi %mul3A_70, %add3A_72 : vector<16xi32>
    %mul3A_74 = arith.constant 2 : i32
    %mul3A_75 = vector.broadcast %mul3A_74 : i32 to vector<16xi32>
    %mul3A_76 = arith.muli %iota3A, %mul3A_75 : vector<16xi32>
    %add3A_77 = arith.constant 352 : i32
    %add3A_78 = vector.broadcast %add3A_77 : i32 to vector<16xi32>
    %add3A_79 = arith.addi %mul3A_76, %add3A_78 : vector<16xi32>
    %mul3A_80 = arith.constant 2 : i32
    %mul3A_81 = vector.broadcast %mul3A_80 : i32 to vector<16xi32>
    %mul3A_82 = arith.muli %iota3A, %mul3A_81 : vector<16xi32>
    %add3A_83 = arith.constant 384 : i32
    %add3A_84 = vector.broadcast %add3A_83 : i32 to vector<16xi32>
    %add3A_85 = arith.addi %mul3A_82, %add3A_84 : vector<16xi32>
    %mul3A_86 = arith.constant 2 : i32
    %mul3A_87 = vector.broadcast %mul3A_86 : i32 to vector<16xi32>
    %mul3A_88 = arith.muli %iota3A, %mul3A_87 : vector<16xi32>
    %add3A_89 = arith.constant 416 : i32
    %add3A_90 = vector.broadcast %add3A_89 : i32 to vector<16xi32>
    %add3A_91 = arith.addi %mul3A_88, %add3A_90 : vector<16xi32>
    %mul3A_92 = arith.constant 2 : i32
    %mul3A_93 = vector.broadcast %mul3A_92 : i32 to vector<16xi32>
    %mul3A_94 = arith.muli %iota3A, %mul3A_93 : vector<16xi32>
    %add3A_95 = arith.constant 448 : i32
    %add3A_96 = vector.broadcast %add3A_95 : i32 to vector<16xi32>
    %add3A_97 = arith.addi %mul3A_94, %add3A_96 : vector<16xi32>
    %mul3A_98 = arith.constant 2 : i32
    %mul3A_99 = vector.broadcast %mul3A_98 : i32 to vector<16xi32>
    %mul3A_100 = arith.muli %iota3A, %mul3A_99 : vector<16xi32>
    %add3A_101 = arith.constant 480 : i32
    %add3A_102 = vector.broadcast %add3A_101 : i32 to vector<16xi32>
    %add3A_103 = arith.addi %mul3A_100, %add3A_102 : vector<16xi32>
    %add3A_104 = arith.constant 0 : i32
    %add3A_105 = vector.broadcast %add3A_104 : i32 to vector<16xi32>
    %add3A_106 = arith.addi %mul3A_7, %add3A_105 : vector<16xi32>
    %gather3A = tpu.vector_load_idx %arg5[%add3A_106] : memref<10240xi32, #tpu.memory_space<vmem>>[vector<16xi32>], vector<16xi32>,
    %swap3A = arith.constant 0 : i32
    %swap3A_107 = arith.index_cast %swap3A : i32 to index
    %swap3A_108 = arith.constant 0 : index
    %swap3A_109 = tpu.vector_load %arg6[%swap3A_107, %swap3A_108] {strides = array<i32>} : memref<4x128xi32, #tpu.memory_space<vmem>>, vector<16xi32>,
    tpu.vector_store %arg6[%swap3A_107, %swap3A_108], %gather3A {strides = array<i32>} : memref<4x128xi32, #tpu.memory_space<vmem>>, vector<16xi32>,
    %add3A_110 = arith.constant 320 : i32
    %add3A_111 = vector.broadcast %add3A_110 : i32 to vector<16xi32>
    %add3A_112 = arith.addi %mul3A_7, %add3A_111 : vector<16xi32>
    %gather3A_113 = tpu.vector_load_idx %arg5[%add3A_112] : memref<10240xi32, #tpu.memory_space<vmem>>[vector<16xi32>], vector<16xi32>,
    %swap3A_114 = arith.constant 0 : i32
    %swap3A_115 = arith.index_cast %swap3A_114 : i32 to index
    %swap3A_116 = arith.constant 16 : index
    %swap3A_117 = tpu.vector_load %arg6[%swap3A_115, %swap3A_116] {strides = array<i32>} : memref<4x128xi32, #tpu.memory_space<vmem>>, vector<16xi32>,
    tpu.vector_store %arg6[%swap3A_115, %swap3A_116], %gather3A_113 {strides = array<i32>} : memref<4x128xi32, #tpu.memory_space<vmem>>, vector<16xi32>,
    %add3A_118 = arith.constant 640 : i32
    %add3A_119 = vector.broadcast %add3A_118 : i32 to vector<16xi32>
    %add3A_120 = arith.addi %mul3A_7, %add3A_119 : vector<16xi32>
    %gather3A_121 = tpu.vector_load_idx %arg5[%add3A_120] : memref<10240xi32, #tpu.memory_space<vmem>>[vector<16xi32>], vector<16xi32>,
    %swap3A_122 = arith.constant 0 : i32
    %swap3A_123 = arith.index_cast %swap3A_122 : i32 to index
    %swap3A_124 = arith.constant 32 : index
    %swap3A_125 = tpu.vector_load %arg6[%swap3A_123, %swap3A_124] {strides = array<i32>} : memref<4x128xi32, #tpu.memory_space<vmem>>, vector<16xi32>,
    tpu.vector_store %arg6[%swap3A_123, %swap3A_124], %gather3A_121 {strides = array<i32>} : memref<4x128xi32, #tpu.memory_space<vmem>>, vector<16xi32>,
    %add3A_126 = arith.constant 960 : i32
    %add3A_127 = vector.broadcast %add3A_126 : i32 to vector<16xi32>
    %add3A_128 = arith.addi %mul3A_7, %add3A_127 : vector<16xi32>
    %gather3A_129 = tpu.vector_load_idx %arg5[%add3A_128] : memref<10240xi32, #tpu.memory_space<vmem>>[vector<16xi32>], vector<16xi32>,
    %swap3A_130 = arith.constant 0 : i32
    %swap3A_131 = arith.index_cast %swap3A_130 : i32 to index
    %swap3A_132 = arith.constant 48 : index
    %swap3A_133 = tpu.vector_load %arg6[%swap3A_131, %swap3A_132] {strides = array<i32>} : memref<4x128xi32, #tpu.memory_space<vmem>>, vector<16xi32>,
    tpu.vector_store %arg6[%swap3A_131, %swap3A_132], %gather3A_129 {strides = array<i32>} : memref<4x128xi32, #tpu.memory_space<vmem>>, vector<16xi32>,
    %add3A_134 = arith.constant 1280 : i32
    %add3A_135 = vector.broadcast %add3A_134 : i32 to vector<16xi32>
    %add3A_136 = arith.addi %mul3A_7, %add3A_135 : vector<16xi32>
    %gather3A_137 = tpu.vector_load_idx %arg5[%add3A_136] : memref<10240xi32, #tpu.memory_space<vmem>>[vector<16xi32>], vector<16xi32>,
    %swap3A_138 = arith.constant 0 : i32
    %swap3A_139 = arith.index_cast %swap3A_138 : i32 to index
    %swap3A_140 = arith.constant 64 : index
    %swap3A_141 = tpu.vector_load %arg6[%swap3A_139, %swap3A_140] {strides = array<i32>} : memref<4x128xi32, #tpu.memory_space<vmem>>, vector<16xi32>,
    tpu.vector_store %arg6[%swap3A_139, %swap3A_140], %gather3A_137 {strides = array<i32>} : memref<4x128xi32, #tpu.memory_space<vmem>>, vector<16xi32>,
    %add3A_142 = arith.constant 1600 : i32
    %add3A_143 = vector.broadcast %add3A_142 : i32 to vector<16xi32>
    %add3A_144 = arith.addi %mul3A_7, %add3A_143 : vector<16xi32>
    %gather3A_145 = tpu.vector_load_idx %arg5[%add3A_144] : memref<10240xi32, #tpu.memory_space<vmem>>[vector<16xi32>], vector<16xi32>,
    %swap3A_146 = arith.constant 0 : i32
    %swap3A_147 = arith.index_cast %swap3A_146 : i32 to index
    %swap3A_148 = arith.constant 80 : index
    %swap3A_149 = tpu.vector_load %arg6[%swap3A_147, %swap3A_148] {strides = array<i32>} : memref<4x128xi32, #tpu.memory_space<vmem>>, vector<16xi32>,
    tpu.vector_store %arg6[%swap3A_147, %swap3A_148], %gather3A_145 {strides = array<i32>} : memref<4x128xi32, #tpu.memory_space<vmem>>, vector<16xi32>,
    %add3A_150 = arith.constant 1920 : i32
    %add3A_151 = vector.broadcast %add3A_150 : i32 to vector<16xi32>
    %add3A_152 = arith.addi %mul3A_7, %add3A_151 : vector<16xi32>
    %gather3A_153 = tpu.vector_load_idx %arg5[%add3A_152] : memref<10240xi32, #tpu.memory_space<vmem>>[vector<16xi32>], vector<16xi32>,
    %swap3A_154 = arith.constant 0 : i32
    %swap3A_155 = arith.index_cast %swap3A_154 : i32 to index
    %swap3A_156 = arith.constant 96 : index
    %swap3A_157 = tpu.vector_load %arg6[%swap3A_155, %swap3A_156] {strides = array<i32>} : memref<4x128xi32, #tpu.memory_space<vmem>>, vector<16xi32>,
    tpu.vector_store %arg6[%swap3A_155, %swap3A_156], %gather3A_153 {strides = array<i32>} : memref<4x128xi32, #tpu.memory_space<vmem>>, vector<16xi32>,
    %add3A_158 = arith.constant 2240 : i32
    %add3A_159 = vector.broadcast %add3A_158 : i32 to vector<16xi32>
    %add3A_160 = arith.addi %mul3A_7, %add3A_159 : vector<16xi32>
    %gather3A_161 = tpu.vector_load_idx %arg5[%add3A_160] : memref<10240xi32, #tpu.memory_space<vmem>>[vector<16xi32>], vector<16xi32>,
    %swap3A_162 = arith.constant 0 : i32
    %swap3A_163 = arith.index_cast %swap3A_162 : i32 to index
    %swap3A_164 = arith.constant 112 : index
    %swap3A_165 = tpu.vector_load %arg6[%swap3A_163, %swap3A_164] {strides = array<i32>} : memref<4x128xi32, #tpu.memory_space<vmem>>, vector<16xi32>,
    tpu.vector_store %arg6[%swap3A_163, %swap3A_164], %gather3A_161 {strides = array<i32>} : memref<4x128xi32, #tpu.memory_space<vmem>>, vector<16xi32>,
    %add3A_166 = arith.constant 2560 : i32
    %add3A_167 = vector.broadcast %add3A_166 : i32 to vector<16xi32>
    %add3A_168 = arith.addi %mul3A_7, %add3A_167 : vector<16xi32>
    %gather3A_169 = tpu.vector_load_idx %arg5[%add3A_168] : memref<10240xi32, #tpu.memory_space<vmem>>[vector<16xi32>], vector<16xi32>,
    %swap3A_170 = arith.constant 1 : i32
    %swap3A_171 = arith.index_cast %swap3A_170 : i32 to index
    %swap3A_172 = arith.constant 0 : index
    %swap3A_173 = tpu.vector_load %arg6[%swap3A_171, %swap3A_172] {strides = array<i32>} : memref<4x128xi32, #tpu.memory_space<vmem>>, vector<16xi32>,
    tpu.vector_store %arg6[%swap3A_171, %swap3A_172], %gather3A_169 {strides = array<i32>} : memref<4x128xi32, #tpu.memory_space<vmem>>, vector<16xi32>,
    %add3A_174 = arith.constant 2880 : i32
    %add3A_175 = vector.broadcast %add3A_174 : i32 to vector<16xi32>
    %add3A_176 = arith.addi %mul3A_7, %add3A_175 : vector<16xi32>
    %gather3A_177 = tpu.vector_load_idx %arg5[%add3A_176] : memref<10240xi32, #tpu.memory_space<vmem>>[vector<16xi32>], vector<16xi32>,
    %swap3A_178 = arith.constant 1 : i32
    %swap3A_179 = arith.index_cast %swap3A_178 : i32 to index
    %swap3A_180 = arith.constant 16 : index
    %swap3A_181 = tpu.vector_load %arg6[%swap3A_179, %swap3A_180] {strides = array<i32>} : memref<4x128xi32, #tpu.memory_space<vmem>>, vector<16xi32>,
    tpu.vector_store %arg6[%swap3A_179, %swap3A_180], %gather3A_177 {strides = array<i32>} : memref<4x128xi32, #tpu.memory_space<vmem>>, vector<16xi32>,
    %add3A_182 = arith.constant 3200 : i32
    %add3A_183 = vector.broadcast %add3A_182 : i32 to vector<16xi32>
    %add3A_184 = arith.addi %mul3A_7, %add3A_183 : vector<16xi32>
    %gather3A_185 = tpu.vector_load_idx %arg5[%add3A_184] : memref<10240xi32, #tpu.memory_space<vmem>>[vector<16xi32>], vector<16xi32>,
    %swap3A_186 = arith.constant 1 : i32
    %swap3A_187 = arith.index_cast %swap3A_186 : i32 to index
    %swap3A_188 = arith.constant 32 : index
    %swap3A_189 = tpu.vector_load %arg6[%swap3A_187, %swap3A_188] {strides = array<i32>} : memref<4x128xi32, #tpu.memory_space<vmem>>, vector<16xi32>,
    tpu.vector_store %arg6[%swap3A_187, %swap3A_188], %gather3A_185 {strides = array<i32>} : memref<4x128xi32, #tpu.memory_space<vmem>>, vector<16xi32>,
    %add3A_190 = arith.constant 3520 : i32
    %add3A_191 = vector.broadcast %add3A_190 : i32 to vector<16xi32>
    %add3A_192 = arith.addi %mul3A_7, %add3A_191 : vector<16xi32>
    %gather3A_193 = tpu.vector_load_idx %arg5[%add3A_192] : memref<10240xi32, #tpu.memory_space<vmem>>[vector<16xi32>], vector<16xi32>,
    %swap3A_194 = arith.constant 1 : i32
    %swap3A_195 = arith.index_cast %swap3A_194 : i32 to index
    %swap3A_196 = arith.constant 48 : index
    %swap3A_197 = tpu.vector_load %arg6[%swap3A_195, %swap3A_196] {strides = array<i32>} : memref<4x128xi32, #tpu.memory_space<vmem>>, vector<16xi32>,
    tpu.vector_store %arg6[%swap3A_195, %swap3A_196], %gather3A_193 {strides = array<i32>} : memref<4x128xi32, #tpu.memory_space<vmem>>, vector<16xi32>,
    %add3A_198 = arith.constant 3840 : i32
    %add3A_199 = vector.broadcast %add3A_198 : i32 to vector<16xi32>
    %add3A_200 = arith.addi %mul3A_7, %add3A_199 : vector<16xi32>
    %gather3A_201 = tpu.vector_load_idx %arg5[%add3A_200] : memref<10240xi32, #tpu.memory_space<vmem>>[vector<16xi32>], vector<16xi32>,
    %swap3A_202 = arith.constant 1 : i32
    %swap3A_203 = arith.index_cast %swap3A_202 : i32 to index
    %swap3A_204 = arith.constant 64 : index
    %swap3A_205 = tpu.vector_load %arg6[%swap3A_203, %swap3A_204] {strides = array<i32>} : memref<4x128xi32, #tpu.memory_space<vmem>>, vector<16xi32>,
    tpu.vector_store %arg6[%swap3A_203, %swap3A_204], %gather3A_201 {strides = array<i32>} : memref<4x128xi32, #tpu.memory_space<vmem>>, vector<16xi32>,
    %add3A_206 = arith.constant 4160 : i32
    %add3A_207 = vector.broadcast %add3A_206 : i32 to vector<16xi32>
    %add3A_208 = arith.addi %mul3A_7, %add3A_207 : vector<16xi32>
    %gather3A_209 = tpu.vector_load_idx %arg5[%add3A_208] : memref<10240xi32, #tpu.memory_space<vmem>>[vector<16xi32>], vector<16xi32>,
    %swap3A_210 = arith.constant 1 : i32
    %swap3A_211 = arith.index_cast %swap3A_210 : i32 to index
    %swap3A_212 = arith.constant 80 : index
    %swap3A_213 = tpu.vector_load %arg6[%swap3A_211, %swap3A_212] {strides = array<i32>} : memref<4x128xi32, #tpu.memory_space<vmem>>, vector<16xi32>,
    tpu.vector_store %arg6[%swap3A_211, %swap3A_212], %gather3A_209 {strides = array<i32>} : memref<4x128xi32, #tpu.memory_space<vmem>>, vector<16xi32>,
    %add3A_214 = arith.constant 4480 : i32
    %add3A_215 = vector.broadcast %add3A_214 : i32 to vector<16xi32>
    %add3A_216 = arith.addi %mul3A_7, %add3A_215 : vector<16xi32>
    %gather3A_217 = tpu.vector_load_idx %arg5[%add3A_216] : memref<10240xi32, #tpu.memory_space<vmem>>[vector<16xi32>], vector<16xi32>,
    %swap3A_218 = arith.constant 1 : i32
    %swap3A_219 = arith.index_cast %swap3A_218 : i32 to index
    %swap3A_220 = arith.constant 96 : index
    %swap3A_221 = tpu.vector_load %arg6[%swap3A_219, %swap3A_220] {strides = array<i32>} : memref<4x128xi32, #tpu.memory_space<vmem>>, vector<16xi32>,
    tpu.vector_store %arg6[%swap3A_219, %swap3A_220], %gather3A_217 {strides = array<i32>} : memref<4x128xi32, #tpu.memory_space<vmem>>, vector<16xi32>,
    %add3A_222 = arith.constant 4800 : i32
    %add3A_223 = vector.broadcast %add3A_222 : i32 to vector<16xi32>
    %add3A_224 = arith.addi %mul3A_7, %add3A_223 : vector<16xi32>
    %gather3A_225 = tpu.vector_load_idx %arg5[%add3A_224] : memref<10240xi32, #tpu.memory_space<vmem>>[vector<16xi32>], vector<16xi32>,
    %swap3A_226 = arith.constant 1 : i32
    %swap3A_227 = arith.index_cast %swap3A_226 : i32 to index
    %swap3A_228 = arith.constant 112 : index
    %swap3A_229 = tpu.vector_load %arg6[%swap3A_227, %swap3A_228] {strides = array<i32>} : memref<4x128xi32, #tpu.memory_space<vmem>>, vector<16xi32>,
    tpu.vector_store %arg6[%swap3A_227, %swap3A_228], %gather3A_225 {strides = array<i32>} : memref<4x128xi32, #tpu.memory_space<vmem>>, vector<16xi32>,
    %add3A_230 = arith.constant 5120 : i32
    %add3A_231 = vector.broadcast %add3A_230 : i32 to vector<16xi32>
    %add3A_232 = arith.addi %mul3A_7, %add3A_231 : vector<16xi32>
    %gather3A_233 = tpu.vector_load_idx %arg5[%add3A_232] : memref<10240xi32, #tpu.memory_space<vmem>>[vector<16xi32>], vector<16xi32>,
    %swap3A_234 = arith.constant 2 : i32
    %swap3A_235 = arith.index_cast %swap3A_234 : i32 to index
    %swap3A_236 = arith.constant 0 : index
    %swap3A_237 = tpu.vector_load %arg6[%swap3A_235, %swap3A_236] {strides = array<i32>} : memref<4x128xi32, #tpu.memory_space<vmem>>, vector<16xi32>,
    tpu.vector_store %arg6[%swap3A_235, %swap3A_236], %gather3A_233 {strides = array<i32>} : memref<4x128xi32, #tpu.memory_space<vmem>>, vector<16xi32>,
    %add3A_238 = arith.constant 5440 : i32
    %add3A_239 = vector.broadcast %add3A_238 : i32 to vector<16xi32>
    %add3A_240 = arith.addi %mul3A_7, %add3A_239 : vector<16xi32>
    %gather3A_241 = tpu.vector_load_idx %arg5[%add3A_240] : memref<10240xi32, #tpu.memory_space<vmem>>[vector<16xi32>], vector<16xi32>,
    %swap3A_242 = arith.constant 2 : i32
    %swap3A_243 = arith.index_cast %swap3A_242 : i32 to index
    %swap3A_244 = arith.constant 16 : index
    %swap3A_245 = tpu.vector_load %arg6[%swap3A_243, %swap3A_244] {strides = array<i32>} : memref<4x128xi32, #tpu.memory_space<vmem>>, vector<16xi32>,
    tpu.vector_store %arg6[%swap3A_243, %swap3A_244], %gather3A_241 {strides = array<i32>} : memref<4x128xi32, #tpu.memory_space<vmem>>, vector<16xi32>,
    %add3A_246 = arith.constant 5760 : i32
    %add3A_247 = vector.broadcast %add3A_246 : i32 to vector<16xi32>
    %add3A_248 = arith.addi %mul3A_7, %add3A_247 : vector<16xi32>
    %gather3A_249 = tpu.vector_load_idx %arg5[%add3A_248] : memref<10240xi32, #tpu.memory_space<vmem>>[vector<16xi32>], vector<16xi32>,
    %swap3A_250 = arith.constant 2 : i32
    %swap3A_251 = arith.index_cast %swap3A_250 : i32 to index
    %swap3A_252 = arith.constant 32 : index
    %swap3A_253 = tpu.vector_load %arg6[%swap3A_251, %swap3A_252] {strides = array<i32>} : memref<4x128xi32, #tpu.memory_space<vmem>>, vector<16xi32>,
    tpu.vector_store %arg6[%swap3A_251, %swap3A_252], %gather3A_249 {strides = array<i32>} : memref<4x128xi32, #tpu.memory_space<vmem>>, vector<16xi32>,
    %add3A_254 = arith.constant 6080 : i32
    %add3A_255 = vector.broadcast %add3A_254 : i32 to vector<16xi32>
    %add3A_256 = arith.addi %mul3A_7, %add3A_255 : vector<16xi32>
    %gather3A_257 = tpu.vector_load_idx %arg5[%add3A_256] : memref<10240xi32, #tpu.memory_space<vmem>>[vector<16xi32>], vector<16xi32>,
    %swap3A_258 = arith.constant 2 : i32
    %swap3A_259 = arith.index_cast %swap3A_258 : i32 to index
    %swap3A_260 = arith.constant 48 : index
    %swap3A_261 = tpu.vector_load %arg6[%swap3A_259, %swap3A_260] {strides = array<i32>} : memref<4x128xi32, #tpu.memory_space<vmem>>, vector<16xi32>,
    tpu.vector_store %arg6[%swap3A_259, %swap3A_260], %gather3A_257 {strides = array<i32>} : memref<4x128xi32, #tpu.memory_space<vmem>>, vector<16xi32>,
    %add3A_262 = arith.constant 6400 : i32
    %add3A_263 = vector.broadcast %add3A_262 : i32 to vector<16xi32>
    %add3A_264 = arith.addi %mul3A_7, %add3A_263 : vector<16xi32>
    %gather3A_265 = tpu.vector_load_idx %arg5[%add3A_264] : memref<10240xi32, #tpu.memory_space<vmem>>[vector<16xi32>], vector<16xi32>,
    %swap3A_266 = arith.constant 2 : i32
    %swap3A_267 = arith.index_cast %swap3A_266 : i32 to index
    %swap3A_268 = arith.constant 64 : index
    %swap3A_269 = tpu.vector_load %arg6[%swap3A_267, %swap3A_268] {strides = array<i32>} : memref<4x128xi32, #tpu.memory_space<vmem>>, vector<16xi32>,
    tpu.vector_store %arg6[%swap3A_267, %swap3A_268], %gather3A_265 {strides = array<i32>} : memref<4x128xi32, #tpu.memory_space<vmem>>, vector<16xi32>,
    %add3A_270 = arith.constant 6720 : i32
    %add3A_271 = vector.broadcast %add3A_270 : i32 to vector<16xi32>
    %add3A_272 = arith.addi %mul3A_7, %add3A_271 : vector<16xi32>
    %gather3A_273 = tpu.vector_load_idx %arg5[%add3A_272] : memref<10240xi32, #tpu.memory_space<vmem>>[vector<16xi32>], vector<16xi32>,
    %swap3A_274 = arith.constant 2 : i32
    %swap3A_275 = arith.index_cast %swap3A_274 : i32 to index
    %swap3A_276 = arith.constant 80 : index
    %swap3A_277 = tpu.vector_load %arg6[%swap3A_275, %swap3A_276] {strides = array<i32>} : memref<4x128xi32, #tpu.memory_space<vmem>>, vector<16xi32>,
    tpu.vector_store %arg6[%swap3A_275, %swap3A_276], %gather3A_273 {strides = array<i32>} : memref<4x128xi32, #tpu.memory_space<vmem>>, vector<16xi32>,
    %add3A_278 = arith.constant 7040 : i32
    %add3A_279 = vector.broadcast %add3A_278 : i32 to vector<16xi32>
    %add3A_280 = arith.addi %mul3A_7, %add3A_279 : vector<16xi32>
    %gather3A_281 = tpu.vector_load_idx %arg5[%add3A_280] : memref<10240xi32, #tpu.memory_space<vmem>>[vector<16xi32>], vector<16xi32>,
    %swap3A_282 = arith.constant 2 : i32
    %swap3A_283 = arith.index_cast %swap3A_282 : i32 to index
    %swap3A_284 = arith.constant 96 : index
    %swap3A_285 = tpu.vector_load %arg6[%swap3A_283, %swap3A_284] {strides = array<i32>} : memref<4x128xi32, #tpu.memory_space<vmem>>, vector<16xi32>,
    tpu.vector_store %arg6[%swap3A_283, %swap3A_284], %gather3A_281 {strides = array<i32>} : memref<4x128xi32, #tpu.memory_space<vmem>>, vector<16xi32>,
    %add3A_286 = arith.constant 7360 : i32
    %add3A_287 = vector.broadcast %add3A_286 : i32 to vector<16xi32>
    %add3A_288 = arith.addi %mul3A_7, %add3A_287 : vector<16xi32>
    %gather3A_289 = tpu.vector_load_idx %arg5[%add3A_288] : memref<10240xi32, #tpu.memory_space<vmem>>[vector<16xi32>], vector<16xi32>,
    %swap3A_290 = arith.constant 2 : i32
    %swap3A_291 = arith.index_cast %swap3A_290 : i32 to index
    %swap3A_292 = arith.constant 112 : index
    %swap3A_293 = tpu.vector_load %arg6[%swap3A_291, %swap3A_292] {strides = array<i32>} : memref<4x128xi32, #tpu.memory_space<vmem>>, vector<16xi32>,
    tpu.vector_store %arg6[%swap3A_291, %swap3A_292], %gather3A_289 {strides = array<i32>} : memref<4x128xi32, #tpu.memory_space<vmem>>, vector<16xi32>,
    %add3A_294 = arith.constant 7680 : i32
    %add3A_295 = vector.broadcast %add3A_294 : i32 to vector<16xi32>
    %add3A_296 = arith.addi %mul3A_7, %add3A_295 : vector<16xi32>
    %gather3A_297 = tpu.vector_load_idx %arg5[%add3A_296] : memref<10240xi32, #tpu.memory_space<vmem>>[vector<16xi32>], vector<16xi32>,
    %swap3A_298 = arith.constant 3 : i32
    %swap3A_299 = arith.index_cast %swap3A_298 : i32 to index
    %swap3A_300 = arith.constant 0 : index
    %swap3A_301 = tpu.vector_load %arg6[%swap3A_299, %swap3A_300] {strides = array<i32>} : memref<4x128xi32, #tpu.memory_space<vmem>>, vector<16xi32>,
    tpu.vector_store %arg6[%swap3A_299, %swap3A_300], %gather3A_297 {strides = array<i32>} : memref<4x128xi32, #tpu.memory_space<vmem>>, vector<16xi32>,
    %add3A_302 = arith.constant 8000 : i32
    %add3A_303 = vector.broadcast %add3A_302 : i32 to vector<16xi32>
    %add3A_304 = arith.addi %mul3A_7, %add3A_303 : vector<16xi32>
    %gather3A_305 = tpu.vector_load_idx %arg5[%add3A_304] : memref<10240xi32, #tpu.memory_space<vmem>>[vector<16xi32>], vector<16xi32>,
    %swap3A_306 = arith.constant 3 : i32
    %swap3A_307 = arith.index_cast %swap3A_306 : i32 to index
    %swap3A_308 = arith.constant 16 : index
    %swap3A_309 = tpu.vector_load %arg6[%swap3A_307, %swap3A_308] {strides = array<i32>} : memref<4x128xi32, #tpu.memory_space<vmem>>, vector<16xi32>,
    tpu.vector_store %arg6[%swap3A_307, %swap3A_308], %gather3A_305 {strides = array<i32>} : memref<4x128xi32, #tpu.memory_space<vmem>>, vector<16xi32>,
    %add3A_310 = arith.constant 8320 : i32
    %add3A_311 = vector.broadcast %add3A_310 : i32 to vector<16xi32>
    %add3A_312 = arith.addi %mul3A_7, %add3A_311 : vector<16xi32>
    %gather3A_313 = tpu.vector_load_idx %arg5[%add3A_312] : memref<10240xi32, #tpu.memory_space<vmem>>[vector<16xi32>], vector<16xi32>,
    %swap3A_314 = arith.constant 3 : i32
    %swap3A_315 = arith.index_cast %swap3A_314 : i32 to index
    %swap3A_316 = arith.constant 32 : index
    %swap3A_317 = tpu.vector_load %arg6[%swap3A_315, %swap3A_316] {strides = array<i32>} : memref<4x128xi32, #tpu.memory_space<vmem>>, vector<16xi32>,
    tpu.vector_store %arg6[%swap3A_315, %swap3A_316], %gather3A_313 {strides = array<i32>} : memref<4x128xi32, #tpu.memory_space<vmem>>, vector<16xi32>,
    %add3A_318 = arith.constant 8640 : i32
    %add3A_319 = vector.broadcast %add3A_318 : i32 to vector<16xi32>
    %add3A_320 = arith.addi %mul3A_7, %add3A_319 : vector<16xi32>
    %gather3A_321 = tpu.vector_load_idx %arg5[%add3A_320] : memref<10240xi32, #tpu.memory_space<vmem>>[vector<16xi32>], vector<16xi32>,
    %swap3A_322 = arith.constant 3 : i32
    %swap3A_323 = arith.index_cast %swap3A_322 : i32 to index
    %swap3A_324 = arith.constant 48 : index
    %swap3A_325 = tpu.vector_load %arg6[%swap3A_323, %swap3A_324] {strides = array<i32>} : memref<4x128xi32, #tpu.memory_space<vmem>>, vector<16xi32>,
    tpu.vector_store %arg6[%swap3A_323, %swap3A_324], %gather3A_321 {strides = array<i32>} : memref<4x128xi32, #tpu.memory_space<vmem>>, vector<16xi32>,
    %add3A_326 = arith.constant 8960 : i32
    %add3A_327 = vector.broadcast %add3A_326 : i32 to vector<16xi32>
    %add3A_328 = arith.addi %mul3A_7, %add3A_327 : vector<16xi32>
    %gather3A_329 = tpu.vector_load_idx %arg5[%add3A_328] : memref<10240xi32, #tpu.memory_space<vmem>>[vector<16xi32>], vector<16xi32>,
    %swap3A_330 = arith.constant 3 : i32
    %swap3A_331 = arith.index_cast %swap3A_330 : i32 to index
    %swap3A_332 = arith.constant 64 : index
    %swap3A_333 = tpu.vector_load %arg6[%swap3A_331, %swap3A_332] {strides = array<i32>} : memref<4x128xi32, #tpu.memory_space<vmem>>, vector<16xi32>,
    tpu.vector_store %arg6[%swap3A_331, %swap3A_332], %gather3A_329 {strides = array<i32>} : memref<4x128xi32, #tpu.memory_space<vmem>>, vector<16xi32>,
    %add3A_334 = arith.constant 9280 : i32
    %add3A_335 = vector.broadcast %add3A_334 : i32 to vector<16xi32>
    %add3A_336 = arith.addi %mul3A_7, %add3A_335 : vector<16xi32>
    %gather3A_337 = tpu.vector_load_idx %arg5[%add3A_336] : memref<10240xi32, #tpu.memory_space<vmem>>[vector<16xi32>], vector<16xi32>,
    %swap3A_338 = arith.constant 3 : i32
    %swap3A_339 = arith.index_cast %swap3A_338 : i32 to index
    %swap3A_340 = arith.constant 80 : index
    %swap3A_341 = tpu.vector_load %arg6[%swap3A_339, %swap3A_340] {strides = array<i32>} : memref<4x128xi32, #tpu.memory_space<vmem>>, vector<16xi32>,
    tpu.vector_store %arg6[%swap3A_339, %swap3A_340], %gather3A_337 {strides = array<i32>} : memref<4x128xi32, #tpu.memory_space<vmem>>, vector<16xi32>,
    %add3A_342 = arith.constant 9600 : i32
    %add3A_343 = vector.broadcast %add3A_342 : i32 to vector<16xi32>
    %add3A_344 = arith.addi %mul3A_7, %add3A_343 : vector<16xi32>
    %gather3A_345 = tpu.vector_load_idx %arg5[%add3A_344] : memref<10240xi32, #tpu.memory_space<vmem>>[vector<16xi32>], vector<16xi32>,
    %swap3A_346 = arith.constant 3 : i32
    %swap3A_347 = arith.index_cast %swap3A_346 : i32 to index
    %swap3A_348 = arith.constant 96 : index
    %swap3A_349 = tpu.vector_load %arg6[%swap3A_347, %swap3A_348] {strides = array<i32>} : memref<4x128xi32, #tpu.memory_space<vmem>>, vector<16xi32>,
    tpu.vector_store %arg6[%swap3A_347, %swap3A_348], %gather3A_345 {strides = array<i32>} : memref<4x128xi32, #tpu.memory_space<vmem>>, vector<16xi32>,
    %add3A_350 = arith.constant 9920 : i32
    %add3A_351 = vector.broadcast %add3A_350 : i32 to vector<16xi32>
    %add3A_352 = arith.addi %mul3A_7, %add3A_351 : vector<16xi32>
    %gather3A_353 = tpu.vector_load_idx %arg5[%add3A_352] : memref<10240xi32, #tpu.memory_space<vmem>>[vector<16xi32>], vector<16xi32>,
    %swap3A_354 = arith.constant 3 : i32
    %swap3A_355 = arith.index_cast %swap3A_354 : i32 to index
    %swap3A_356 = arith.constant 112 : index
    %swap3A_357 = tpu.vector_load %arg6[%swap3A_355, %swap3A_356] {strides = array<i32>} : memref<4x128xi32, #tpu.memory_space<vmem>>, vector<16xi32>,
    tpu.vector_store %arg6[%swap3A_355, %swap3A_356], %gather3A_353 {strides = array<i32>} : memref<4x128xi32, #tpu.memory_space<vmem>>, vector<16xi32>,
    %dma_start3A = arith.constant 0 : i32
    %dma_start3A_358 = arith.constant 0 : i32
    %dma_start3A_359 = arith.constant 0 : i32
    %dma_start3A_360 = tpu.memref_slice %arg8[%dma_start3A_358, %dma_start3A_359] : memref<512x32xf32, #tpu.memory_space<vmem>> -> memref<128x32xf32, #tpu.memory_space<vmem>>
    %dma_start3A_361 = arith.constant 0 : i32
    %dma_start3A_362 = tpu.memref_slice %arg6[%dma_start3A, %dma_start3A_361] : memref<4x128xi32, #tpu.memory_space<vmem>> -> memref<1x128xi32, #tpu.memory_space<vmem>>
    %dma_start3A_363 = tpu.memref_squeeze %dma_start3A_362 : memref<1x128xi32, #tpu.memory_space<vmem>> -> memref<128xi32, #tpu.memory_space<vmem>>
    %dma_start3A_364 = arith.constant 0 : i32
    %dma_start3A_365 = arith.constant 0 : i32
    %dma_start3A_366 = tpu.memref_slice %arg3[%dma_start3A_364, %dma_start3A_365] : memref<1000000x32xf32, #tpu.memory_space<hbm>> -> memref<1000000x32xf32, #tpu.memory_space<hbm>>
    tpu.enqueue_indirect_dma source(%dma_start3A_366 : memref<1000000x32xf32, #tpu.memory_space<hbm>>) target(%dma_start3A_360 : memref<128x32xf32, #tpu.memory_space<vmem>>) offsets(%dma_start3A_363 : memref<128xi32, #tpu.memory_space<vmem>>) semaphore(%arg11 : memref<!tpu.dma_semaphore, #tpu.memory_space<semaphore_mem>>)
    %dma_start3A_367 = arith.constant 1 : i32
    %dma_start3A_368 = arith.constant 128 : i32
    %dma_start3A_369 = arith.constant 0 : i32
    %dma_start3A_370 = tpu.memref_slice %arg8[%dma_start3A_368, %dma_start3A_369] : memref<512x32xf32, #tpu.memory_space<vmem>> -> memref<128x32xf32, #tpu.memory_space<vmem>>
    %dma_start3A_371 = arith.constant 0 : i32
    %dma_start3A_372 = tpu.memref_slice %arg6[%dma_start3A_367, %dma_start3A_371] : memref<4x128xi32, #tpu.memory_space<vmem>> -> memref<1x128xi32, #tpu.memory_space<vmem>>
    %dma_start3A_373 = tpu.memref_squeeze %dma_start3A_372 : memref<1x128xi32, #tpu.memory_space<vmem>> -> memref<128xi32, #tpu.memory_space<vmem>>
    %dma_start3A_374 = arith.constant 0 : i32
    %dma_start3A_375 = arith.constant 0 : i32
    %dma_start3A_376 = tpu.memref_slice %arg3[%dma_start3A_374, %dma_start3A_375] : memref<1000000x32xf32, #tpu.memory_space<hbm>> -> memref<1000000x32xf32, #tpu.memory_space<hbm>>
    tpu.enqueue_indirect_dma source(%dma_start3A_376 : memref<1000000x32xf32, #tpu.memory_space<hbm>>) target(%dma_start3A_370 : memref<128x32xf32, #tpu.memory_space<vmem>>) offsets(%dma_start3A_373 : memref<128xi32, #tpu.memory_space<vmem>>) semaphore(%arg11 : memref<!tpu.dma_semaphore, #tpu.memory_space<semaphore_mem>>)
    %dma_start3A_377 = arith.constant 2 : i32
    %dma_start3A_378 = arith.constant 256 : i32
    %dma_start3A_379 = arith.constant 0 : i32
    %dma_start3A_380 = tpu.memref_slice %arg8[%dma_start3A_378, %dma_start3A_379] : memref<512x32xf32, #tpu.memory_space<vmem>> -> memref<128x32xf32, #tpu.memory_space<vmem>>
    %dma_start3A_381 = arith.constant 0 : i32
    %dma_start3A_382 = tpu.memref_slice %arg6[%dma_start3A_377, %dma_start3A_381] : memref<4x128xi32, #tpu.memory_space<vmem>> -> memref<1x128xi32, #tpu.memory_space<vmem>>
    %dma_start3A_383 = tpu.memref_squeeze %dma_start3A_382 : memref<1x128xi32, #tpu.memory_space<vmem>> -> memref<128xi32, #tpu.memory_space<vmem>>
    %dma_start3A_384 = arith.constant 0 : i32
    %dma_start3A_385 = arith.constant 0 : i32
    %dma_start3A_386 = tpu.memref_slice %arg3[%dma_start3A_384, %dma_start3A_385] : memref<1000000x32xf32, #tpu.memory_space<hbm>> -> memref<1000000x32xf32, #tpu.memory_space<hbm>>
    tpu.enqueue_indirect_dma source(%dma_start3A_386 : memref<1000000x32xf32, #tpu.memory_space<hbm>>) target(%dma_start3A_380 : memref<128x32xf32, #tpu.memory_space<vmem>>) offsets(%dma_start3A_383 : memref<128xi32, #tpu.memory_space<vmem>>) semaphore(%arg11 : memref<!tpu.dma_semaphore, #tpu.memory_space<semaphore_mem>>)
    %dma_start3A_387 = arith.constant 3 : i32
    %dma_start3A_388 = arith.constant 384 : i32
    %dma_start3A_389 = arith.constant 0 : i32
    %dma_start3A_390 = tpu.memref_slice %arg8[%dma_start3A_388, %dma_start3A_389] : memref<512x32xf32, #tpu.memory_space<vmem>> -> memref<128x32xf32, #tpu.memory_space<vmem>>
    %dma_start3A_391 = arith.constant 0 : i32
    %dma_start3A_392 = tpu.memref_slice %arg6[%dma_start3A_387, %dma_start3A_391] : memref<4x128xi32, #tpu.memory_space<vmem>> -> memref<1x128xi32, #tpu.memory_space<vmem>>
    %dma_start3A_393 = tpu.memref_squeeze %dma_start3A_392 : memref<1x128xi32, #tpu.memory_space<vmem>> -> memref<128xi32, #tpu.memory_space<vmem>>
    %dma_start3A_394 = arith.constant 0 : i32
    %dma_start3A_395 = arith.constant 0 : i32
    %dma_start3A_396 = tpu.memref_slice %arg3[%dma_start3A_394, %dma_start3A_395] : memref<1000000x32xf32, #tpu.memory_space<hbm>> -> memref<1000000x32xf32, #tpu.memory_space<hbm>>
    tpu.enqueue_indirect_dma source(%dma_start3A_396 : memref<1000000x32xf32, #tpu.memory_space<hbm>>) target(%dma_start3A_390 : memref<128x32xf32, #tpu.memory_space<vmem>>) offsets(%dma_start3A_393 : memref<128xi32, #tpu.memory_space<vmem>>) semaphore(%arg11 : memref<!tpu.dma_semaphore, #tpu.memory_space<semaphore_mem>>)
    %scan3A = arith.constant 0 : i32
    %scan3A_397 = arith.constant 10 : i32
    %scan3A_398 = arith.addi %scan3A, %scan3A_397 : i32
    %scan3A_399 = arith.constant 1 : i32
    scf.for %scan3A_401 = %scan3A to %scan3A_398 step %scan3A_399  : i32 {
      %mul3A_402 = arith.constant 2 : i32
      %mul3A_403 = arith.muli %scan3A_401, %mul3A_402 : i32
      %add3A_404 = arith.constant 0 : i32
      %add3A_405 = arith.addi %add3A_404, %mul3A_403 : i32
      %add3A_406 = arith.constant 0 : i32
      %add3A_407 = arith.addi %add3A_405, %add3A_406 : i32
      %add3A_408 = arith.constant 1 : i32
      %add3A_409 = arith.addi %add3A_407, %add3A_408 : i32
      %lt3A = arith.constant 20 : i32
      %lt3A_410 = arith.cmpi slt, %add3A_409, %lt3A : i32
      %convert_element_type3A = arith.extui %lt3A_410 : i1 to i32
      %cond3A = arith.constant 0 : i32
      %cond3A_411 = arith.cmpi ne, %convert_element_type3A, %cond3A : i32
      scf.if %cond3A_411 {
        %add3A_514 = arith.constant 1 : i32
        %add3A_515 = arith.addi %add3A_407, %add3A_514 : i32
        %add3A_516 = arith.constant 0 : i32
        %add3A_517 = arith.addi %add3A_516, %add3A_515 : i32
        %add3A_518 = vector.broadcast %add3A_517 : i32 to vector<16xi32>
        %add3A_519 = arith.addi %mul3A_7, %add3A_518 : vector<16xi32>
        %gather3A_520 = tpu.vector_load_idx %arg5[%add3A_519] : memref<10240xi32, #tpu.memory_space<vmem>>[vector<16xi32>], vector<16xi32>,
        %swap3A_521 = arith.constant 0 : i32
        %swap3A_522 = arith.index_cast %swap3A_521 : i32 to index
        %swap3A_523 = arith.constant 0 : index
        %swap3A_524 = tpu.vector_load %arg7[%swap3A_522, %swap3A_523] {strides = array<i32>} : memref<4x128xi32, #tpu.memory_space<vmem>>, vector<16xi32>,
        tpu.vector_store %arg7[%swap3A_522, %swap3A_523], %gather3A_520 {strides = array<i32>} : memref<4x128xi32, #tpu.memory_space<vmem>>, vector<16xi32>,
        %add3A_525 = arith.constant 320 : i32
        %add3A_526 = arith.addi %add3A_525, %add3A_515 : i32
        %add3A_527 = vector.broadcast %add3A_526 : i32 to vector<16xi32>
        %add3A_528 = arith.addi %mul3A_7, %add3A_527 : vector<16xi32>
        %gather3A_529 = tpu.vector_load_idx %arg5[%add3A_528] : memref<10240xi32, #tpu.memory_space<vmem>>[vector<16xi32>], vector<16xi32>,
        %swap3A_530 = arith.constant 0 : i32
        %swap3A_531 = arith.index_cast %swap3A_530 : i32 to index
        %swap3A_532 = arith.constant 16 : index
        %swap3A_533 = tpu.vector_load %arg7[%swap3A_531, %swap3A_532] {strides = array<i32>} : memref<4x128xi32, #tpu.memory_space<vmem>>, vector<16xi32>,
        tpu.vector_store %arg7[%swap3A_531, %swap3A_532], %gather3A_529 {strides = array<i32>} : memref<4x128xi32, #tpu.memory_space<vmem>>, vector<16xi32>,
        %add3A_534 = arith.constant 640 : i32
        %add3A_535 = arith.addi %add3A_534, %add3A_515 : i32
        %add3A_536 = vector.broadcast %add3A_535 : i32 to vector<16xi32>
        %add3A_537 = arith.addi %mul3A_7, %add3A_536 : vector<16xi32>
        %gather3A_538 = tpu.vector_load_idx %arg5[%add3A_537] : memref<10240xi32, #tpu.memory_space<vmem>>[vector<16xi32>], vector<16xi32>,
        %swap3A_539 = arith.constant 0 : i32
        %swap3A_540 = arith.index_cast %swap3A_539 : i32 to index
        %swap3A_541 = arith.constant 32 : index
        %swap3A_542 = tpu.vector_load %arg7[%swap3A_540, %swap3A_541] {strides = array<i32>} : memref<4x128xi32, #tpu.memory_space<vmem>>, vector<16xi32>,
        tpu.vector_store %arg7[%swap3A_540, %swap3A_541], %gather3A_538 {strides = array<i32>} : memref<4x128xi32, #tpu.memory_space<vmem>>, vector<16xi32>,
        %add3A_543 = arith.constant 960 : i32
        %add3A_544 = arith.addi %add3A_543, %add3A_515 : i32
        %add3A_545 = vector.broadcast %add3A_544 : i32 to vector<16xi32>
        %add3A_546 = arith.addi %mul3A_7, %add3A_545 : vector<16xi32>
        %gather3A_547 = tpu.vector_load_idx %arg5[%add3A_546] : memref<10240xi32, #tpu.memory_space<vmem>>[vector<16xi32>], vector<16xi32>,
        %swap3A_548 = arith.constant 0 : i32
        %swap3A_549 = arith.index_cast %swap3A_548 : i32 to index
        %swap3A_550 = arith.constant 48 : index
        %swap3A_551 = tpu.vector_load %arg7[%swap3A_549, %swap3A_550] {strides = array<i32>} : memref<4x128xi32, #tpu.memory_space<vmem>>, vector<16xi32>,
        tpu.vector_store %arg7[%swap3A_549, %swap3A_550], %gather3A_547 {strides = array<i32>} : memref<4x128xi32, #tpu.memory_space<vmem>>, vector<16xi32>,
        %add3A_552 = arith.constant 1280 : i32
        %add3A_553 = arith.addi %add3A_552, %add3A_515 : i32
        %add3A_554 = vector.broadcast %add3A_553 : i32 to vector<16xi32>
        %add3A_555 = arith.addi %mul3A_7, %add3A_554 : vector<16xi32>
        %gather3A_556 = tpu.vector_load_idx %arg5[%add3A_555] : memref<10240xi32, #tpu.memory_space<vmem>>[vector<16xi32>], vector<16xi32>,
        %swap3A_557 = arith.constant 0 : i32
        %swap3A_558 = arith.index_cast %swap3A_557 : i32 to index
        %swap3A_559 = arith.constant 64 : index
        %swap3A_560 = tpu.vector_load %arg7[%swap3A_558, %swap3A_559] {strides = array<i32>} : memref<4x128xi32, #tpu.memory_space<vmem>>, vector<16xi32>,
        tpu.vector_store %arg7[%swap3A_558, %swap3A_559], %gather3A_556 {strides = array<i32>} : memref<4x128xi32, #tpu.memory_space<vmem>>, vector<16xi32>,
        %add3A_561 = arith.constant 1600 : i32
        %add3A_562 = arith.addi %add3A_561, %add3A_515 : i32
        %add3A_563 = vector.broadcast %add3A_562 : i32 to vector<16xi32>
        %add3A_564 = arith.addi %mul3A_7, %add3A_563 : vector<16xi32>
        %gather3A_565 = tpu.vector_load_idx %arg5[%add3A_564] : memref<10240xi32, #tpu.memory_space<vmem>>[vector<16xi32>], vector<16xi32>,
        %swap3A_566 = arith.constant 0 : i32
        %swap3A_567 = arith.index_cast %swap3A_566 : i32 to index
        %swap3A_568 = arith.constant 80 : index
        %swap3A_569 = tpu.vector_load %arg7[%swap3A_567, %swap3A_568] {strides = array<i32>} : memref<4x128xi32, #tpu.memory_space<vmem>>, vector<16xi32>,
        tpu.vector_store %arg7[%swap3A_567, %swap3A_568], %gather3A_565 {strides = array<i32>} : memref<4x128xi32, #tpu.memory_space<vmem>>, vector<16xi32>,
        %add3A_570 = arith.constant 1920 : i32
        %add3A_571 = arith.addi %add3A_570, %add3A_515 : i32
        %add3A_572 = vector.broadcast %add3A_571 : i32 to vector<16xi32>
        %add3A_573 = arith.addi %mul3A_7, %add3A_572 : vector<16xi32>
        %gather3A_574 = tpu.vector_load_idx %arg5[%add3A_573] : memref<10240xi32, #tpu.memory_space<vmem>>[vector<16xi32>], vector<16xi32>,
        %swap3A_575 = arith.constant 0 : i32
        %swap3A_576 = arith.index_cast %swap3A_575 : i32 to index
        %swap3A_577 = arith.constant 96 : index
        %swap3A_578 = tpu.vector_load %arg7[%swap3A_576, %swap3A_577] {strides = array<i32>} : memref<4x128xi32, #tpu.memory_space<vmem>>, vector<16xi32>,
        tpu.vector_store %arg7[%swap3A_576, %swap3A_577], %gather3A_574 {strides = array<i32>} : memref<4x128xi32, #tpu.memory_space<vmem>>, vector<16xi32>,
        %add3A_579 = arith.constant 2240 : i32
        %add3A_580 = arith.addi %add3A_579, %add3A_515 : i32
        %add3A_581 = vector.broadcast %add3A_580 : i32 to vector<16xi32>
        %add3A_582 = arith.addi %mul3A_7, %add3A_581 : vector<16xi32>
        %gather3A_583 = tpu.vector_load_idx %arg5[%add3A_582] : memref<10240xi32, #tpu.memory_space<vmem>>[vector<16xi32>], vector<16xi32>,
        %swap3A_584 = arith.constant 0 : i32
        %swap3A_585 = arith.index_cast %swap3A_584 : i32 to index
        %swap3A_586 = arith.constant 112 : index
        %swap3A_587 = tpu.vector_load %arg7[%swap3A_585, %swap3A_586] {strides = array<i32>} : memref<4x128xi32, #tpu.memory_space<vmem>>, vector<16xi32>,
        tpu.vector_store %arg7[%swap3A_585, %swap3A_586], %gather3A_583 {strides = array<i32>} : memref<4x128xi32, #tpu.memory_space<vmem>>, vector<16xi32>,
        %add3A_588 = arith.constant 2560 : i32
        %add3A_589 = arith.addi %add3A_588, %add3A_515 : i32
        %add3A_590 = vector.broadcast %add3A_589 : i32 to vector<16xi32>
        %add3A_591 = arith.addi %mul3A_7, %add3A_590 : vector<16xi32>
        %gather3A_592 = tpu.vector_load_idx %arg5[%add3A_591] : memref<10240xi32, #tpu.memory_space<vmem>>[vector<16xi32>], vector<16xi32>,
        %swap3A_593 = arith.constant 1 : i32
        %swap3A_594 = arith.index_cast %swap3A_593 : i32 to index
        %swap3A_595 = arith.constant 0 : index
        %swap3A_596 = tpu.vector_load %arg7[%swap3A_594, %swap3A_595] {strides = array<i32>} : memref<4x128xi32, #tpu.memory_space<vmem>>, vector<16xi32>,
        tpu.vector_store %arg7[%swap3A_594, %swap3A_595], %gather3A_592 {strides = array<i32>} : memref<4x128xi32, #tpu.memory_space<vmem>>, vector<16xi32>,
        %add3A_597 = arith.constant 2880 : i32
        %add3A_598 = arith.addi %add3A_597, %add3A_515 : i32
        %add3A_599 = vector.broadcast %add3A_598 : i32 to vector<16xi32>
        %add3A_600 = arith.addi %mul3A_7, %add3A_599 : vector<16xi32>
        %gather3A_601 = tpu.vector_load_idx %arg5[%add3A_600] : memref<10240xi32, #tpu.memory_space<vmem>>[vector<16xi32>], vector<16xi32>,
        %swap3A_602 = arith.constant 1 : i32
        %swap3A_603 = arith.index_cast %swap3A_602 : i32 to index
        %swap3A_604 = arith.constant 16 : index
        %swap3A_605 = tpu.vector_load %arg7[%swap3A_603, %swap3A_604] {strides = array<i32>} : memref<4x128xi32, #tpu.memory_space<vmem>>, vector<16xi32>,
        tpu.vector_store %arg7[%swap3A_603, %swap3A_604], %gather3A_601 {strides = array<i32>} : memref<4x128xi32, #tpu.memory_space<vmem>>, vector<16xi32>,
        %add3A_606 = arith.constant 3200 : i32
        %add3A_607 = arith.addi %add3A_606, %add3A_515 : i32
        %add3A_608 = vector.broadcast %add3A_607 : i32 to vector<16xi32>
        %add3A_609 = arith.addi %mul3A_7, %add3A_608 : vector<16xi32>
        %gather3A_610 = tpu.vector_load_idx %arg5[%add3A_609] : memref<10240xi32, #tpu.memory_space<vmem>>[vector<16xi32>], vector<16xi32>,
        %swap3A_611 = arith.constant 1 : i32
        %swap3A_612 = arith.index_cast %swap3A_611 : i32 to index
        %swap3A_613 = arith.constant 32 : index
        %swap3A_614 = tpu.vector_load %arg7[%swap3A_612, %swap3A_613] {strides = array<i32>} : memref<4x128xi32, #tpu.memory_space<vmem>>, vector<16xi32>,
        tpu.vector_store %arg7[%swap3A_612, %swap3A_613], %gather3A_610 {strides = array<i32>} : memref<4x128xi32, #tpu.memory_space<vmem>>, vector<16xi32>,
        %add3A_615 = arith.constant 3520 : i32
        %add3A_616 = arith.addi %add3A_615, %add3A_515 : i32
        %add3A_617 = vector.broadcast %add3A_616 : i32 to vector<16xi32>
        %add3A_618 = arith.addi %mul3A_7, %add3A_617 : vector<16xi32>
        %gather3A_619 = tpu.vector_load_idx %arg5[%add3A_618] : memref<10240xi32, #tpu.memory_space<vmem>>[vector<16xi32>], vector<16xi32>,
        %swap3A_620 = arith.constant 1 : i32
        %swap3A_621 = arith.index_cast %swap3A_620 : i32 to index
        %swap3A_622 = arith.constant 48 : index
        %swap3A_623 = tpu.vector_load %arg7[%swap3A_621, %swap3A_622] {strides = array<i32>} : memref<4x128xi32, #tpu.memory_space<vmem>>, vector<16xi32>,
        tpu.vector_store %arg7[%swap3A_621, %swap3A_622], %gather3A_619 {strides = array<i32>} : memref<4x128xi32, #tpu.memory_space<vmem>>, vector<16xi32>,
        %add3A_624 = arith.constant 3840 : i32
        %add3A_625 = arith.addi %add3A_624, %add3A_515 : i32
        %add3A_626 = vector.broadcast %add3A_625 : i32 to vector<16xi32>
        %add3A_627 = arith.addi %mul3A_7, %add3A_626 : vector<16xi32>
        %gather3A_628 = tpu.vector_load_idx %arg5[%add3A_627] : memref<10240xi32, #tpu.memory_space<vmem>>[vector<16xi32>], vector<16xi32>,
        %swap3A_629 = arith.constant 1 : i32
        %swap3A_630 = arith.index_cast %swap3A_629 : i32 to index
        %swap3A_631 = arith.constant 64 : index
        %swap3A_632 = tpu.vector_load %arg7[%swap3A_630, %swap3A_631] {strides = array<i32>} : memref<4x128xi32, #tpu.memory_space<vmem>>, vector<16xi32>,
        tpu.vector_store %arg7[%swap3A_630, %swap3A_631], %gather3A_628 {strides = array<i32>} : memref<4x128xi32, #tpu.memory_space<vmem>>, vector<16xi32>,
        %add3A_633 = arith.constant 4160 : i32
        %add3A_634 = arith.addi %add3A_633, %add3A_515 : i32
        %add3A_635 = vector.broadcast %add3A_634 : i32 to vector<16xi32>
        %add3A_636 = arith.addi %mul3A_7, %add3A_635 : vector<16xi32>
        %gather3A_637 = tpu.vector_load_idx %arg5[%add3A_636] : memref<10240xi32, #tpu.memory_space<vmem>>[vector<16xi32>], vector<16xi32>,
        %swap3A_638 = arith.constant 1 : i32
        %swap3A_639 = arith.index_cast %swap3A_638 : i32 to index
        %swap3A_640 = arith.constant 80 : index
        %swap3A_641 = tpu.vector_load %arg7[%swap3A_639, %swap3A_640] {strides = array<i32>} : memref<4x128xi32, #tpu.memory_space<vmem>>, vector<16xi32>,
        tpu.vector_store %arg7[%swap3A_639, %swap3A_640], %gather3A_637 {strides = array<i32>} : memref<4x128xi32, #tpu.memory_space<vmem>>, vector<16xi32>,
        %add3A_642 = arith.constant 4480 : i32
        %add3A_643 = arith.addi %add3A_642, %add3A_515 : i32
        %add3A_644 = vector.broadcast %add3A_643 : i32 to vector<16xi32>
        %add3A_645 = arith.addi %mul3A_7, %add3A_644 : vector<16xi32>
        %gather3A_646 = tpu.vector_load_idx %arg5[%add3A_645] : memref<10240xi32, #tpu.memory_space<vmem>>[vector<16xi32>], vector<16xi32>,
        %swap3A_647 = arith.constant 1 : i32
        %swap3A_648 = arith.index_cast %swap3A_647 : i32 to index
        %swap3A_649 = arith.constant 96 : index
        %swap3A_650 = tpu.vector_load %arg7[%swap3A_648, %swap3A_649] {strides = array<i32>} : memref<4x128xi32, #tpu.memory_space<vmem>>, vector<16xi32>,
        tpu.vector_store %arg7[%swap3A_648, %swap3A_649], %gather3A_646 {strides = array<i32>} : memref<4x128xi32, #tpu.memory_space<vmem>>, vector<16xi32>,
        %add3A_651 = arith.constant 4800 : i32
        %add3A_652 = arith.addi %add3A_651, %add3A_515 : i32
        %add3A_653 = vector.broadcast %add3A_652 : i32 to vector<16xi32>
        %add3A_654 = arith.addi %mul3A_7, %add3A_653 : vector<16xi32>
        %gather3A_655 = tpu.vector_load_idx %arg5[%add3A_654] : memref<10240xi32, #tpu.memory_space<vmem>>[vector<16xi32>], vector<16xi32>,
        %swap3A_656 = arith.constant 1 : i32
        %swap3A_657 = arith.index_cast %swap3A_656 : i32 to index
        %swap3A_658 = arith.constant 112 : index
        %swap3A_659 = tpu.vector_load %arg7[%swap3A_657, %swap3A_658] {strides = array<i32>} : memref<4x128xi32, #tpu.memory_space<vmem>>, vector<16xi32>,
        tpu.vector_store %arg7[%swap3A_657, %swap3A_658], %gather3A_655 {strides = array<i32>} : memref<4x128xi32, #tpu.memory_space<vmem>>, vector<16xi32>,
        %add3A_660 = arith.constant 5120 : i32
        %add3A_661 = arith.addi %add3A_660, %add3A_515 : i32
        %add3A_662 = vector.broadcast %add3A_661 : i32 to vector<16xi32>
        %add3A_663 = arith.addi %mul3A_7, %add3A_662 : vector<16xi32>
        %gather3A_664 = tpu.vector_load_idx %arg5[%add3A_663] : memref<10240xi32, #tpu.memory_space<vmem>>[vector<16xi32>], vector<16xi32>,
        %swap3A_665 = arith.constant 2 : i32
        %swap3A_666 = arith.index_cast %swap3A_665 : i32 to index
        %swap3A_667 = arith.constant 0 : index
        %swap3A_668 = tpu.vector_load %arg7[%swap3A_666, %swap3A_667] {strides = array<i32>} : memref<4x128xi32, #tpu.memory_space<vmem>>, vector<16xi32>,
        tpu.vector_store %arg7[%swap3A_666, %swap3A_667], %gather3A_664 {strides = array<i32>} : memref<4x128xi32, #tpu.memory_space<vmem>>, vector<16xi32>,
        %add3A_669 = arith.constant 5440 : i32
        %add3A_670 = arith.addi %add3A_669, %add3A_515 : i32
        %add3A_671 = vector.broadcast %add3A_670 : i32 to vector<16xi32>
        %add3A_672 = arith.addi %mul3A_7, %add3A_671 : vector<16xi32>
        %gather3A_673 = tpu.vector_load_idx %arg5[%add3A_672] : memref<10240xi32, #tpu.memory_space<vmem>>[vector<16xi32>], vector<16xi32>,
        %swap3A_674 = arith.constant 2 : i32
        %swap3A_675 = arith.index_cast %swap3A_674 : i32 to index
        %swap3A_676 = arith.constant 16 : index
        %swap3A_677 = tpu.vector_load %arg7[%swap3A_675, %swap3A_676] {strides = array<i32>} : memref<4x128xi32, #tpu.memory_space<vmem>>, vector<16xi32>,
        tpu.vector_store %arg7[%swap3A_675, %swap3A_676], %gather3A_673 {strides = array<i32>} : memref<4x128xi32, #tpu.memory_space<vmem>>, vector<16xi32>,
        %add3A_678 = arith.constant 5760 : i32
        %add3A_679 = arith.addi %add3A_678, %add3A_515 : i32
        %add3A_680 = vector.broadcast %add3A_679 : i32 to vector<16xi32>
        %add3A_681 = arith.addi %mul3A_7, %add3A_680 : vector<16xi32>
        %gather3A_682 = tpu.vector_load_idx %arg5[%add3A_681] : memref<10240xi32, #tpu.memory_space<vmem>>[vector<16xi32>], vector<16xi32>,
        %swap3A_683 = arith.constant 2 : i32
        %swap3A_684 = arith.index_cast %swap3A_683 : i32 to index
        %swap3A_685 = arith.constant 32 : index
        %swap3A_686 = tpu.vector_load %arg7[%swap3A_684, %swap3A_685] {strides = array<i32>} : memref<4x128xi32, #tpu.memory_space<vmem>>, vector<16xi32>,
        tpu.vector_store %arg7[%swap3A_684, %swap3A_685], %gather3A_682 {strides = array<i32>} : memref<4x128xi32, #tpu.memory_space<vmem>>, vector<16xi32>,
        %add3A_687 = arith.constant 6080 : i32
        %add3A_688 = arith.addi %add3A_687, %add3A_515 : i32
        %add3A_689 = vector.broadcast %add3A_688 : i32 to vector<16xi32>
        %add3A_690 = arith.addi %mul3A_7, %add3A_689 : vector<16xi32>
        %gather3A_691 = tpu.vector_load_idx %arg5[%add3A_690] : memref<10240xi32, #tpu.memory_space<vmem>>[vector<16xi32>], vector<16xi32>,
        %swap3A_692 = arith.constant 2 : i32
        %swap3A_693 = arith.index_cast %swap3A_692 : i32 to index
        %swap3A_694 = arith.constant 48 : index
        %swap3A_695 = tpu.vector_load %arg7[%swap3A_693, %swap3A_694] {strides = array<i32>} : memref<4x128xi32, #tpu.memory_space<vmem>>, vector<16xi32>,
        tpu.vector_store %arg7[%swap3A_693, %swap3A_694], %gather3A_691 {strides = array<i32>} : memref<4x128xi32, #tpu.memory_space<vmem>>, vector<16xi32>,
        %add3A_696 = arith.constant 6400 : i32
        %add3A_697 = arith.addi %add3A_696, %add3A_515 : i32
        %add3A_698 = vector.broadcast %add3A_697 : i32 to vector<16xi32>
        %add3A_699 = arith.addi %mul3A_7, %add3A_698 : vector<16xi32>
        %gather3A_700 = tpu.vector_load_idx %arg5[%add3A_699] : memref<10240xi32, #tpu.memory_space<vmem>>[vector<16xi32>], vector<16xi32>,
        %swap3A_701 = arith.constant 2 : i32
        %swap3A_702 = arith.index_cast %swap3A_701 : i32 to index
        %swap3A_703 = arith.constant 64 : index
        %swap3A_704 = tpu.vector_load %arg7[%swap3A_702, %swap3A_703] {strides = array<i32>} : memref<4x128xi32, #tpu.memory_space<vmem>>, vector<16xi32>,
        tpu.vector_store %arg7[%swap3A_702, %swap3A_703], %gather3A_700 {strides = array<i32>} : memref<4x128xi32, #tpu.memory_space<vmem>>, vector<16xi32>,
        %add3A_705 = arith.constant 6720 : i32
        %add3A_706 = arith.addi %add3A_705, %add3A_515 : i32
        %add3A_707 = vector.broadcast %add3A_706 : i32 to vector<16xi32>
        %add3A_708 = arith.addi %mul3A_7, %add3A_707 : vector<16xi32>
        %gather3A_709 = tpu.vector_load_idx %arg5[%add3A_708] : memref<10240xi32, #tpu.memory_space<vmem>>[vector<16xi32>], vector<16xi32>,
        %swap3A_710 = arith.constant 2 : i32
        %swap3A_711 = arith.index_cast %swap3A_710 : i32 to index
        %swap3A_712 = arith.constant 80 : index
        %swap3A_713 = tpu.vector_load %arg7[%swap3A_711, %swap3A_712] {strides = array<i32>} : memref<4x128xi32, #tpu.memory_space<vmem>>, vector<16xi32>,
        tpu.vector_store %arg7[%swap3A_711, %swap3A_712], %gather3A_709 {strides = array<i32>} : memref<4x128xi32, #tpu.memory_space<vmem>>, vector<16xi32>,
        %add3A_714 = arith.constant 7040 : i32
        %add3A_715 = arith.addi %add3A_714, %add3A_515 : i32
        %add3A_716 = vector.broadcast %add3A_715 : i32 to vector<16xi32>
        %add3A_717 = arith.addi %mul3A_7, %add3A_716 : vector<16xi32>
        %gather3A_718 = tpu.vector_load_idx %arg5[%add3A_717] : memref<10240xi32, #tpu.memory_space<vmem>>[vector<16xi32>], vector<16xi32>,
        %swap3A_719 = arith.constant 2 : i32
        %swap3A_720 = arith.index_cast %swap3A_719 : i32 to index
        %swap3A_721 = arith.constant 96 : index
        %swap3A_722 = tpu.vector_load %arg7[%swap3A_720, %swap3A_721] {strides = array<i32>} : memref<4x128xi32, #tpu.memory_space<vmem>>, vector<16xi32>,
        tpu.vector_store %arg7[%swap3A_720, %swap3A_721], %gather3A_718 {strides = array<i32>} : memref<4x128xi32, #tpu.memory_space<vmem>>, vector<16xi32>,
        %add3A_723 = arith.constant 7360 : i32
        %add3A_724 = arith.addi %add3A_723, %add3A_515 : i32
        %add3A_725 = vector.broadcast %add3A_724 : i32 to vector<16xi32>
        %add3A_726 = arith.addi %mul3A_7, %add3A_725 : vector<16xi32>
        %gather3A_727 = tpu.vector_load_idx %arg5[%add3A_726] : memref<10240xi32, #tpu.memory_space<vmem>>[vector<16xi32>], vector<16xi32>,
        %swap3A_728 = arith.constant 2 : i32
        %swap3A_729 = arith.index_cast %swap3A_728 : i32 to index
        %swap3A_730 = arith.constant 112 : index
        %swap3A_731 = tpu.vector_load %arg7[%swap3A_729, %swap3A_730] {strides = array<i32>} : memref<4x128xi32, #tpu.memory_space<vmem>>, vector<16xi32>,
        tpu.vector_store %arg7[%swap3A_729, %swap3A_730], %gather3A_727 {strides = array<i32>} : memref<4x128xi32, #tpu.memory_space<vmem>>, vector<16xi32>,
        %add3A_732 = arith.constant 7680 : i32
        %add3A_733 = arith.addi %add3A_732, %add3A_515 : i32
        %add3A_734 = vector.broadcast %add3A_733 : i32 to vector<16xi32>
        %add3A_735 = arith.addi %mul3A_7, %add3A_734 : vector<16xi32>
        %gather3A_736 = tpu.vector_load_idx %arg5[%add3A_735] : memref<10240xi32, #tpu.memory_space<vmem>>[vector<16xi32>], vector<16xi32>,
        %swap3A_737 = arith.constant 3 : i32
        %swap3A_738 = arith.index_cast %swap3A_737 : i32 to index
        %swap3A_739 = arith.constant 0 : index
        %swap3A_740 = tpu.vector_load %arg7[%swap3A_738, %swap3A_739] {strides = array<i32>} : memref<4x128xi32, #tpu.memory_space<vmem>>, vector<16xi32>,
        tpu.vector_store %arg7[%swap3A_738, %swap3A_739], %gather3A_736 {strides = array<i32>} : memref<4x128xi32, #tpu.memory_space<vmem>>, vector<16xi32>,
        %add3A_741 = arith.constant 8000 : i32
        %add3A_742 = arith.addi %add3A_741, %add3A_515 : i32
        %add3A_743 = vector.broadcast %add3A_742 : i32 to vector<16xi32>
        %add3A_744 = arith.addi %mul3A_7, %add3A_743 : vector<16xi32>
        %gather3A_745 = tpu.vector_load_idx %arg5[%add3A_744] : memref<10240xi32, #tpu.memory_space<vmem>>[vector<16xi32>], vector<16xi32>,
        %swap3A_746 = arith.constant 3 : i32
        %swap3A_747 = arith.index_cast %swap3A_746 : i32 to index
        %swap3A_748 = arith.constant 16 : index
        %swap3A_749 = tpu.vector_load %arg7[%swap3A_747, %swap3A_748] {strides = array<i32>} : memref<4x128xi32, #tpu.memory_space<vmem>>, vector<16xi32>,
        tpu.vector_store %arg7[%swap3A_747, %swap3A_748], %gather3A_745 {strides = array<i32>} : memref<4x128xi32, #tpu.memory_space<vmem>>, vector<16xi32>,
        %add3A_750 = arith.constant 8320 : i32
        %add3A_751 = arith.addi %add3A_750, %add3A_515 : i32
        %add3A_752 = vector.broadcast %add3A_751 : i32 to vector<16xi32>
        %add3A_753 = arith.addi %mul3A_7, %add3A_752 : vector<16xi32>
        %gather3A_754 = tpu.vector_load_idx %arg5[%add3A_753] : memref<10240xi32, #tpu.memory_space<vmem>>[vector<16xi32>], vector<16xi32>,
        %swap3A_755 = arith.constant 3 : i32
        %swap3A_756 = arith.index_cast %swap3A_755 : i32 to index
        %swap3A_757 = arith.constant 32 : index
        %swap3A_758 = tpu.vector_load %arg7[%swap3A_756, %swap3A_757] {strides = array<i32>} : memref<4x128xi32, #tpu.memory_space<vmem>>, vector<16xi32>,
        tpu.vector_store %arg7[%swap3A_756, %swap3A_757], %gather3A_754 {strides = array<i32>} : memref<4x128xi32, #tpu.memory_space<vmem>>, vector<16xi32>,
        %add3A_759 = arith.constant 8640 : i32
        %add3A_760 = arith.addi %add3A_759, %add3A_515 : i32
        %add3A_761 = vector.broadcast %add3A_760 : i32 to vector<16xi32>
        %add3A_762 = arith.addi %mul3A_7, %add3A_761 : vector<16xi32>
        %gather3A_763 = tpu.vector_load_idx %arg5[%add3A_762] : memref<10240xi32, #tpu.memory_space<vmem>>[vector<16xi32>], vector<16xi32>,
        %swap3A_764 = arith.constant 3 : i32
        %swap3A_765 = arith.index_cast %swap3A_764 : i32 to index
        %swap3A_766 = arith.constant 48 : index
        %swap3A_767 = tpu.vector_load %arg7[%swap3A_765, %swap3A_766] {strides = array<i32>} : memref<4x128xi32, #tpu.memory_space<vmem>>, vector<16xi32>,
        tpu.vector_store %arg7[%swap3A_765, %swap3A_766], %gather3A_763 {strides = array<i32>} : memref<4x128xi32, #tpu.memory_space<vmem>>, vector<16xi32>,
        %add3A_768 = arith.constant 8960 : i32
        %add3A_769 = arith.addi %add3A_768, %add3A_515 : i32
        %add3A_770 = vector.broadcast %add3A_769 : i32 to vector<16xi32>
        %add3A_771 = arith.addi %mul3A_7, %add3A_770 : vector<16xi32>
        %gather3A_772 = tpu.vector_load_idx %arg5[%add3A_771] : memref<10240xi32, #tpu.memory_space<vmem>>[vector<16xi32>], vector<16xi32>,
        %swap3A_773 = arith.constant 3 : i32
        %swap3A_774 = arith.index_cast %swap3A_773 : i32 to index
        %swap3A_775 = arith.constant 64 : index
        %swap3A_776 = tpu.vector_load %arg7[%swap3A_774, %swap3A_775] {strides = array<i32>} : memref<4x128xi32, #tpu.memory_space<vmem>>, vector<16xi32>,
        tpu.vector_store %arg7[%swap3A_774, %swap3A_775], %gather3A_772 {strides = array<i32>} : memref<4x128xi32, #tpu.memory_space<vmem>>, vector<16xi32>,
        %add3A_777 = arith.constant 9280 : i32
        %add3A_778 = arith.addi %add3A_777, %add3A_515 : i32
        %add3A_779 = vector.broadcast %add3A_778 : i32 to vector<16xi32>
        %add3A_780 = arith.addi %mul3A_7, %add3A_779 : vector<16xi32>
        %gather3A_781 = tpu.vector_load_idx %arg5[%add3A_780] : memref<10240xi32, #tpu.memory_space<vmem>>[vector<16xi32>], vector<16xi32>,
        %swap3A_782 = arith.constant 3 : i32
        %swap3A_783 = arith.index_cast %swap3A_782 : i32 to index
        %swap3A_784 = arith.constant 80 : index
        %swap3A_785 = tpu.vector_load %arg7[%swap3A_783, %swap3A_784] {strides = array<i32>} : memref<4x128xi32, #tpu.memory_space<vmem>>, vector<16xi32>,
        tpu.vector_store %arg7[%swap3A_783, %swap3A_784], %gather3A_781 {strides = array<i32>} : memref<4x128xi32, #tpu.memory_space<vmem>>, vector<16xi32>,
        %add3A_786 = arith.constant 9600 : i32
        %add3A_787 = arith.addi %add3A_786, %add3A_515 : i32
        %add3A_788 = vector.broadcast %add3A_787 : i32 to vector<16xi32>
        %add3A_789 = arith.addi %mul3A_7, %add3A_788 : vector<16xi32>
        %gather3A_790 = tpu.vector_load_idx %arg5[%add3A_789] : memref<10240xi32, #tpu.memory_space<vmem>>[vector<16xi32>], vector<16xi32>,
        %swap3A_791 = arith.constant 3 : i32
        %swap3A_792 = arith.index_cast %swap3A_791 : i32 to index
        %swap3A_793 = arith.constant 96 : index
        %swap3A_794 = tpu.vector_load %arg7[%swap3A_792, %swap3A_793] {strides = array<i32>} : memref<4x128xi32, #tpu.memory_space<vmem>>, vector<16xi32>,
        tpu.vector_store %arg7[%swap3A_792, %swap3A_793], %gather3A_790 {strides = array<i32>} : memref<4x128xi32, #tpu.memory_space<vmem>>, vector<16xi32>,
        %add3A_795 = arith.constant 9920 : i32
        %add3A_796 = arith.addi %add3A_795, %add3A_515 : i32
        %add3A_797 = vector.broadcast %add3A_796 : i32 to vector<16xi32>
        %add3A_798 = arith.addi %mul3A_7, %add3A_797 : vector<16xi32>
        %gather3A_799 = tpu.vector_load_idx %arg5[%add3A_798] : memref<10240xi32, #tpu.memory_space<vmem>>[vector<16xi32>], vector<16xi32>,
        %swap3A_800 = arith.constant 3 : i32
        %swap3A_801 = arith.index_cast %swap3A_800 : i32 to index
        %swap3A_802 = arith.constant 112 : index
        %swap3A_803 = tpu.vector_load %arg7[%swap3A_801, %swap3A_802] {strides = array<i32>} : memref<4x128xi32, #tpu.memory_space<vmem>>, vector<16xi32>,
        tpu.vector_store %arg7[%swap3A_801, %swap3A_802], %gather3A_799 {strides = array<i32>} : memref<4x128xi32, #tpu.memory_space<vmem>>, vector<16xi32>,
        %dma_start3A_804 = arith.constant 0 : i32
        %dma_start3A_805 = arith.constant 0 : i32
        %dma_start3A_806 = arith.constant 0 : i32
        %dma_start3A_807 = tpu.memref_slice %arg9[%dma_start3A_805, %dma_start3A_806] : memref<512x32xf32, #tpu.memory_space<vmem>> -> memref<128x32xf32, #tpu.memory_space<vmem>>
        %dma_start3A_808 = arith.constant 0 : i32
        %dma_start3A_809 = tpu.memref_slice %arg7[%dma_start3A_804, %dma_start3A_808] : memref<4x128xi32, #tpu.memory_space<vmem>> -> memref<1x128xi32, #tpu.memory_space<vmem>>
        %dma_start3A_810 = tpu.memref_squeeze %dma_start3A_809 : memref<1x128xi32, #tpu.memory_space<vmem>> -> memref<128xi32, #tpu.memory_space<vmem>>
        %dma_start3A_811 = arith.constant 0 : i32
        %dma_start3A_812 = arith.constant 0 : i32
        %dma_start3A_813 = tpu.memref_slice %arg3[%dma_start3A_811, %dma_start3A_812] : memref<1000000x32xf32, #tpu.memory_space<hbm>> -> memref<1000000x32xf32, #tpu.memory_space<hbm>>
        tpu.enqueue_indirect_dma source(%dma_start3A_813 : memref<1000000x32xf32, #tpu.memory_space<hbm>>) target(%dma_start3A_807 : memref<128x32xf32, #tpu.memory_space<vmem>>) offsets(%dma_start3A_810 : memref<128xi32, #tpu.memory_space<vmem>>) semaphore(%arg12 : memref<!tpu.dma_semaphore, #tpu.memory_space<semaphore_mem>>)
        %dma_start3A_814 = arith.constant 1 : i32
        %dma_start3A_815 = arith.constant 128 : i32
        %dma_start3A_816 = arith.constant 0 : i32
        %dma_start3A_817 = tpu.memref_slice %arg9[%dma_start3A_815, %dma_start3A_816] : memref<512x32xf32, #tpu.memory_space<vmem>> -> memref<128x32xf32, #tpu.memory_space<vmem>>
        %dma_start3A_818 = arith.constant 0 : i32
        %dma_start3A_819 = tpu.memref_slice %arg7[%dma_start3A_814, %dma_start3A_818] : memref<4x128xi32, #tpu.memory_space<vmem>> -> memref<1x128xi32, #tpu.memory_space<vmem>>
        %dma_start3A_820 = tpu.memref_squeeze %dma_start3A_819 : memref<1x128xi32, #tpu.memory_space<vmem>> -> memref<128xi32, #tpu.memory_space<vmem>>
        %dma_start3A_821 = arith.constant 0 : i32
        %dma_start3A_822 = arith.constant 0 : i32
        %dma_start3A_823 = tpu.memref_slice %arg3[%dma_start3A_821, %dma_start3A_822] : memref<1000000x32xf32, #tpu.memory_space<hbm>> -> memref<1000000x32xf32, #tpu.memory_space<hbm>>
        tpu.enqueue_indirect_dma source(%dma_start3A_823 : memref<1000000x32xf32, #tpu.memory_space<hbm>>) target(%dma_start3A_817 : memref<128x32xf32, #tpu.memory_space<vmem>>) offsets(%dma_start3A_820 : memref<128xi32, #tpu.memory_space<vmem>>) semaphore(%arg12 : memref<!tpu.dma_semaphore, #tpu.memory_space<semaphore_mem>>)
        %dma_start3A_824 = arith.constant 2 : i32
        %dma_start3A_825 = arith.constant 256 : i32
        %dma_start3A_826 = arith.constant 0 : i32
        %dma_start3A_827 = tpu.memref_slice %arg9[%dma_start3A_825, %dma_start3A_826] : memref<512x32xf32, #tpu.memory_space<vmem>> -> memref<128x32xf32, #tpu.memory_space<vmem>>
        %dma_start3A_828 = arith.constant 0 : i32
        %dma_start3A_829 = tpu.memref_slice %arg7[%dma_start3A_824, %dma_start3A_828] : memref<4x128xi32, #tpu.memory_space<vmem>> -> memref<1x128xi32, #tpu.memory_space<vmem>>
        %dma_start3A_830 = tpu.memref_squeeze %dma_start3A_829 : memref<1x128xi32, #tpu.memory_space<vmem>> -> memref<128xi32, #tpu.memory_space<vmem>>
        %dma_start3A_831 = arith.constant 0 : i32
        %dma_start3A_832 = arith.constant 0 : i32
        %dma_start3A_833 = tpu.memref_slice %arg3[%dma_start3A_831, %dma_start3A_832] : memref<1000000x32xf32, #tpu.memory_space<hbm>> -> memref<1000000x32xf32, #tpu.memory_space<hbm>>
        tpu.enqueue_indirect_dma source(%dma_start3A_833 : memref<1000000x32xf32, #tpu.memory_space<hbm>>) target(%dma_start3A_827 : memref<128x32xf32, #tpu.memory_space<vmem>>) offsets(%dma_start3A_830 : memref<128xi32, #tpu.memory_space<vmem>>) semaphore(%arg12 : memref<!tpu.dma_semaphore, #tpu.memory_space<semaphore_mem>>)
        %dma_start3A_834 = arith.constant 3 : i32
        %dma_start3A_835 = arith.constant 384 : i32
        %dma_start3A_836 = arith.constant 0 : i32
        %dma_start3A_837 = tpu.memref_slice %arg9[%dma_start3A_835, %dma_start3A_836] : memref<512x32xf32, #tpu.memory_space<vmem>> -> memref<128x32xf32, #tpu.memory_space<vmem>>
        %dma_start3A_838 = arith.constant 0 : i32
        %dma_start3A_839 = tpu.memref_slice %arg7[%dma_start3A_834, %dma_start3A_838] : memref<4x128xi32, #tpu.memory_space<vmem>> -> memref<1x128xi32, #tpu.memory_space<vmem>>
        %dma_start3A_840 = tpu.memref_squeeze %dma_start3A_839 : memref<1x128xi32, #tpu.memory_space<vmem>> -> memref<128xi32, #tpu.memory_space<vmem>>
        %dma_start3A_841 = arith.constant 0 : i32
        %dma_start3A_842 = arith.constant 0 : i32
        %dma_start3A_843 = tpu.memref_slice %arg3[%dma_start3A_841, %dma_start3A_842] : memref<1000000x32xf32, #tpu.memory_space<hbm>> -> memref<1000000x32xf32, #tpu.memory_space<hbm>>
        tpu.enqueue_indirect_dma source(%dma_start3A_843 : memref<1000000x32xf32, #tpu.memory_space<hbm>>) target(%dma_start3A_837 : memref<128x32xf32, #tpu.memory_space<vmem>>) offsets(%dma_start3A_840 : memref<128xi32, #tpu.memory_space<vmem>>) semaphore(%arg12 : memref<!tpu.dma_semaphore, #tpu.memory_space<semaphore_mem>>)
      } else {
      }
      %dma_wait3A = arith.constant 0 : i32
      %dma_wait3A_412 = arith.constant 0 : i32
      %dma_wait3A_413 = arith.constant 0 : i32
      %dma_wait3A_414 = tpu.memref_slice %arg8[%dma_wait3A_412, %dma_wait3A_413] : memref<512x32xf32, #tpu.memory_space<vmem>> -> memref<128x32xf32, #tpu.memory_space<vmem>>
      %dma_wait3A_415 = arith.constant 0 : i32
      %dma_wait3A_416 = tpu.memref_slice %arg6[%dma_wait3A, %dma_wait3A_415] : memref<4x128xi32, #tpu.memory_space<vmem>> -> memref<1x128xi32, #tpu.memory_space<vmem>>
      %dma_wait3A_417 = tpu.memref_squeeze %dma_wait3A_416 : memref<1x128xi32, #tpu.memory_space<vmem>> -> memref<128xi32, #tpu.memory_space<vmem>>
      %dma_wait3A_418 = arith.constant 0 : i32
      %dma_wait3A_419 = arith.constant 0 : i32
      %dma_wait3A_420 = tpu.memref_slice %arg3[%dma_wait3A_418, %dma_wait3A_419] : memref<1000000x32xf32, #tpu.memory_space<hbm>> -> memref<1000000x32xf32, #tpu.memory_space<hbm>>
      tpu.wait_indirect_dma semaphore(%arg11 : memref<!tpu.dma_semaphore, #tpu.memory_space<semaphore_mem>>) src(%dma_wait3A_420 : memref<1000000x32xf32, #tpu.memory_space<hbm>>) dst(%dma_wait3A_414 : memref<128x32xf32, #tpu.memory_space<vmem>>)
      %dma_wait3A_421 = arith.constant 1 : i32
      %dma_wait3A_422 = arith.constant 128 : i32
      %dma_wait3A_423 = arith.constant 0 : i32
      %dma_wait3A_424 = tpu.memref_slice %arg8[%dma_wait3A_422, %dma_wait3A_423] : memref<512x32xf32, #tpu.memory_space<vmem>> -> memref<128x32xf32, #tpu.memory_space<vmem>>
      %dma_wait3A_425 = arith.constant 0 : i32
      %dma_wait3A_426 = tpu.memref_slice %arg6[%dma_wait3A_421, %dma_wait3A_425] : memref<4x128xi32, #tpu.memory_space<vmem>> -> memref<1x128xi32, #tpu.memory_space<vmem>>
      %dma_wait3A_427 = tpu.memref_squeeze %dma_wait3A_426 : memref<1x128xi32, #tpu.memory_space<vmem>> -> memref<128xi32, #tpu.memory_space<vmem>>
      %dma_wait3A_428 = arith.constant 0 : i32
      %dma_wait3A_429 = arith.constant 0 : i32
      %dma_wait3A_430 = tpu.memref_slice %arg3[%dma_wait3A_428, %dma_wait3A_429] : memref<1000000x32xf32, #tpu.memory_space<hbm>> -> memref<1000000x32xf32, #tpu.memory_space<hbm>>
      tpu.wait_indirect_dma semaphore(%arg11 : memref<!tpu.dma_semaphore, #tpu.memory_space<semaphore_mem>>) src(%dma_wait3A_430 : memref<1000000x32xf32, #tpu.memory_space<hbm>>) dst(%dma_wait3A_424 : memref<128x32xf32, #tpu.memory_space<vmem>>)
      %dma_wait3A_431 = arith.constant 2 : i32
      %dma_wait3A_432 = arith.constant 256 : i32
      %dma_wait3A_433 = arith.constant 0 : i32
      %dma_wait3A_434 = tpu.memref_slice %arg8[%dma_wait3A_432, %dma_wait3A_433] : memref<512x32xf32, #tpu.memory_space<vmem>> -> memref<128x32xf32, #tpu.memory_space<vmem>>
      %dma_wait3A_435 = arith.constant 0 : i32
      %dma_wait3A_436 = tpu.memref_slice %arg6[%dma_wait3A_431, %dma_wait3A_435] : memref<4x128xi32, #tpu.memory_space<vmem>> -> memref<1x128xi32, #tpu.memory_space<vmem>>
      %dma_wait3A_437 = tpu.memref_squeeze %dma_wait3A_436 : memref<1x128xi32, #tpu.memory_space<vmem>> -> memref<128xi32, #tpu.memory_space<vmem>>
      %dma_wait3A_438 = arith.constant 0 : i32
      %dma_wait3A_439 = arith.constant 0 : i32
      %dma_wait3A_440 = tpu.memref_slice %arg3[%dma_wait3A_438, %dma_wait3A_439] : memref<1000000x32xf32, #tpu.memory_space<hbm>> -> memref<1000000x32xf32, #tpu.memory_space<hbm>>
      tpu.wait_indirect_dma semaphore(%arg11 : memref<!tpu.dma_semaphore, #tpu.memory_space<semaphore_mem>>) src(%dma_wait3A_440 : memref<1000000x32xf32, #tpu.memory_space<hbm>>) dst(%dma_wait3A_434 : memref<128x32xf32, #tpu.memory_space<vmem>>)
      %dma_wait3A_441 = arith.constant 3 : i32
      %dma_wait3A_442 = arith.constant 384 : i32
      %dma_wait3A_443 = arith.constant 0 : i32
      %dma_wait3A_444 = tpu.memref_slice %arg8[%dma_wait3A_442, %dma_wait3A_443] : memref<512x32xf32, #tpu.memory_space<vmem>> -> memref<128x32xf32, #tpu.memory_space<vmem>>
      %dma_wait3A_445 = arith.constant 0 : i32
      %dma_wait3A_446 = tpu.memref_slice %arg6[%dma_wait3A_441, %dma_wait3A_445] : memref<4x128xi32, #tpu.memory_space<vmem>> -> memref<1x128xi32, #tpu.memory_space<vmem>>
      %dma_wait3A_447 = tpu.memref_squeeze %dma_wait3A_446 : memref<1x128xi32, #tpu.memory_space<vmem>> -> memref<128xi32, #tpu.memory_space<vmem>>
      %dma_wait3A_448 = arith.constant 0 : i32
      %dma_wait3A_449 = arith.constant 0 : i32
      %dma_wait3A_450 = tpu.memref_slice %arg3[%dma_wait3A_448, %dma_wait3A_449] : memref<1000000x32xf32, #tpu.memory_space<hbm>> -> memref<1000000x32xf32, #tpu.memory_space<hbm>>
      tpu.wait_indirect_dma semaphore(%arg11 : memref<!tpu.dma_semaphore, #tpu.memory_space<semaphore_mem>>) src(%dma_wait3A_450 : memref<1000000x32xf32, #tpu.memory_space<hbm>>) dst(%dma_wait3A_444 : memref<128x32xf32, #tpu.memory_space<vmem>>)
      %scan3A_451 = arith.constant 0 : i32
      %scan3A_452 = arith.constant 32 : i32
      %scan3A_453 = arith.addi %scan3A_451, %scan3A_452 : i32
      %scan3A_454 = arith.constant 1 : i32
      scf.for %scan3A_514 = %scan3A_451 to %scan3A_453 step %scan3A_454  : i32 {
        %mul3A_515 = arith.constant 1 : i32
        %mul3A_516 = arith.muli %scan3A_514, %mul3A_515 : i32
        %add3A_517 = arith.constant 0 : i32
        %add3A_518 = arith.addi %add3A_517, %mul3A_516 : i32
        %broadcast_in_dim3A = vector.broadcast %add3A_518 : i32 to vector<16xi32>
        %gather3A_519 = tpu.vector_load_idx %arg8[%add3A_13, %broadcast_in_dim3A] : memref<512x32xf32, #tpu.memory_space<vmem>>[vector<16xi32>, vector<16xi32>], vector<16xf32>,
        %add3A_520 = arith.constant 1 : i32
        %add3A_521 = vector.broadcast %add3A_520 : i32 to vector<16xi32>
        %add3A_522 = arith.addi %add3A_13, %add3A_521 : vector<16xi32>
        %gather3A_523 = tpu.vector_load_idx %arg8[%add3A_522, %broadcast_in_dim3A] : memref<512x32xf32, #tpu.memory_space<vmem>>[vector<16xi32>, vector<16xi32>], vector<16xf32>,
        %pack3A = tpu.pack_subelements %gather3A_519, %gather3A_523 {pack_format = #tpu.pack_format<interleaved>, positions = array<i32: 0, 1>} : vector<16xf32>, vector<16xf32> -> vector<32xbf16>
        %swap3A_524 = arith.index_cast %add3A_518 : i32 to index
        %swap3A_525 = arith.constant 0 : index
        %swap3A_526 = tpu.vector_load %arg10[%swap3A_524, %swap3A_525] {strides = array<i32>} : memref<32x512xbf16, #tpu.memory_space<vmem>>, vector<32xbf16>,
        tpu.vector_store %arg10[%swap3A_524, %swap3A_525], %pack3A {strides = array<i32>} : memref<32x512xbf16, #tpu.memory_space<vmem>>, vector<32xbf16>,
        %gather3A_527 = tpu.vector_load_idx %arg8[%add3A_19, %broadcast_in_dim3A] : memref<512x32xf32, #tpu.memory_space<vmem>>[vector<16xi32>, vector<16xi32>], vector<16xf32>,
        %add3A_528 = arith.constant 1 : i32
        %add3A_529 = vector.broadcast %add3A_528 : i32 to vector<16xi32>
        %add3A_530 = arith.addi %add3A_19, %add3A_529 : vector<16xi32>
        %gather3A_531 = tpu.vector_load_idx %arg8[%add3A_530, %broadcast_in_dim3A] : memref<512x32xf32, #tpu.memory_space<vmem>>[vector<16xi32>, vector<16xi32>], vector<16xf32>,
        %pack3A_532 = tpu.pack_subelements %gather3A_527, %gather3A_531 {pack_format = #tpu.pack_format<interleaved>, positions = array<i32: 0, 1>} : vector<16xf32>, vector<16xf32> -> vector<32xbf16>
        %swap3A_533 = arith.index_cast %add3A_518 : i32 to index
        %swap3A_534 = arith.constant 32 : index
        %swap3A_535 = tpu.vector_load %arg10[%swap3A_533, %swap3A_534] {strides = array<i32>} : memref<32x512xbf16, #tpu.memory_space<vmem>>, vector<32xbf16>,
        tpu.vector_store %arg10[%swap3A_533, %swap3A_534], %pack3A_532 {strides = array<i32>} : memref<32x512xbf16, #tpu.memory_space<vmem>>, vector<32xbf16>,
        %gather3A_536 = tpu.vector_load_idx %arg8[%add3A_25, %broadcast_in_dim3A] : memref<512x32xf32, #tpu.memory_space<vmem>>[vector<16xi32>, vector<16xi32>], vector<16xf32>,
        %add3A_537 = arith.constant 1 : i32
        %add3A_538 = vector.broadcast %add3A_537 : i32 to vector<16xi32>
        %add3A_539 = arith.addi %add3A_25, %add3A_538 : vector<16xi32>
        %gather3A_540 = tpu.vector_load_idx %arg8[%add3A_539, %broadcast_in_dim3A] : memref<512x32xf32, #tpu.memory_space<vmem>>[vector<16xi32>, vector<16xi32>], vector<16xf32>,
        %pack3A_541 = tpu.pack_subelements %gather3A_536, %gather3A_540 {pack_format = #tpu.pack_format<interleaved>, positions = array<i32: 0, 1>} : vector<16xf32>, vector<16xf32> -> vector<32xbf16>
        %swap3A_542 = arith.index_cast %add3A_518 : i32 to index
        %swap3A_543 = arith.constant 64 : index
        %swap3A_544 = tpu.vector_load %arg10[%swap3A_542, %swap3A_543] {strides = array<i32>} : memref<32x512xbf16, #tpu.memory_space<vmem>>, vector<32xbf16>,
        tpu.vector_store %arg10[%swap3A_542, %swap3A_543], %pack3A_541 {strides = array<i32>} : memref<32x512xbf16, #tpu.memory_space<vmem>>, vector<32xbf16>,
        %gather3A_545 = tpu.vector_load_idx %arg8[%add3A_31, %broadcast_in_dim3A] : memref<512x32xf32, #tpu.memory_space<vmem>>[vector<16xi32>, vector<16xi32>], vector<16xf32>,
        %add3A_546 = arith.constant 1 : i32
        %add3A_547 = vector.broadcast %add3A_546 : i32 to vector<16xi32>
        %add3A_548 = arith.addi %add3A_31, %add3A_547 : vector<16xi32>
        %gather3A_549 = tpu.vector_load_idx %arg8[%add3A_548, %broadcast_in_dim3A] : memref<512x32xf32, #tpu.memory_space<vmem>>[vector<16xi32>, vector<16xi32>], vector<16xf32>,
        %pack3A_550 = tpu.pack_subelements %gather3A_545, %gather3A_549 {pack_format = #tpu.pack_format<interleaved>, positions = array<i32: 0, 1>} : vector<16xf32>, vector<16xf32> -> vector<32xbf16>
        %swap3A_551 = arith.index_cast %add3A_518 : i32 to index
        %swap3A_552 = arith.constant 96 : index
        %swap3A_553 = tpu.vector_load %arg10[%swap3A_551, %swap3A_552] {strides = array<i32>} : memref<32x512xbf16, #tpu.memory_space<vmem>>, vector<32xbf16>,
        tpu.vector_store %arg10[%swap3A_551, %swap3A_552], %pack3A_550 {strides = array<i32>} : memref<32x512xbf16, #tpu.memory_space<vmem>>, vector<32xbf16>,
        %gather3A_554 = tpu.vector_load_idx %arg8[%add3A_37, %broadcast_in_dim3A] : memref<512x32xf32, #tpu.memory_space<vmem>>[vector<16xi32>, vector<16xi32>], vector<16xf32>,
        %add3A_555 = arith.constant 1 : i32
        %add3A_556 = vector.broadcast %add3A_555 : i32 to vector<16xi32>
        %add3A_557 = arith.addi %add3A_37, %add3A_556 : vector<16xi32>
        %gather3A_558 = tpu.vector_load_idx %arg8[%add3A_557, %broadcast_in_dim3A] : memref<512x32xf32, #tpu.memory_space<vmem>>[vector<16xi32>, vector<16xi32>], vector<16xf32>,
        %pack3A_559 = tpu.pack_subelements %gather3A_554, %gather3A_558 {pack_format = #tpu.pack_format<interleaved>, positions = array<i32: 0, 1>} : vector<16xf32>, vector<16xf32> -> vector<32xbf16>
        %swap3A_560 = arith.index_cast %add3A_518 : i32 to index
        %swap3A_561 = arith.constant 128 : index
        %swap3A_562 = tpu.vector_load %arg10[%swap3A_560, %swap3A_561] {strides = array<i32>} : memref<32x512xbf16, #tpu.memory_space<vmem>>, vector<32xbf16>,
        tpu.vector_store %arg10[%swap3A_560, %swap3A_561], %pack3A_559 {strides = array<i32>} : memref<32x512xbf16, #tpu.memory_space<vmem>>, vector<32xbf16>,
        %gather3A_563 = tpu.vector_load_idx %arg8[%add3A_43, %broadcast_in_dim3A] : memref<512x32xf32, #tpu.memory_space<vmem>>[vector<16xi32>, vector<16xi32>], vector<16xf32>,
        %add3A_564 = arith.constant 1 : i32
        %add3A_565 = vector.broadcast %add3A_564 : i32 to vector<16xi32>
        %add3A_566 = arith.addi %add3A_43, %add3A_565 : vector<16xi32>
        %gather3A_567 = tpu.vector_load_idx %arg8[%add3A_566, %broadcast_in_dim3A] : memref<512x32xf32, #tpu.memory_space<vmem>>[vector<16xi32>, vector<16xi32>], vector<16xf32>,
        %pack3A_568 = tpu.pack_subelements %gather3A_563, %gather3A_567 {pack_format = #tpu.pack_format<interleaved>, positions = array<i32: 0, 1>} : vector<16xf32>, vector<16xf32> -> vector<32xbf16>
        %swap3A_569 = arith.index_cast %add3A_518 : i32 to index
        %swap3A_570 = arith.constant 160 : index
        %swap3A_571 = tpu.vector_load %arg10[%swap3A_569, %swap3A_570] {strides = array<i32>} : memref<32x512xbf16, #tpu.memory_space<vmem>>, vector<32xbf16>,
        tpu.vector_store %arg10[%swap3A_569, %swap3A_570], %pack3A_568 {strides = array<i32>} : memref<32x512xbf16, #tpu.memory_space<vmem>>, vector<32xbf16>,
        %gather3A_572 = tpu.vector_load_idx %arg8[%add3A_49, %broadcast_in_dim3A] : memref<512x32xf32, #tpu.memory_space<vmem>>[vector<16xi32>, vector<16xi32>], vector<16xf32>,
        %add3A_573 = arith.constant 1 : i32
        %add3A_574 = vector.broadcast %add3A_573 : i32 to vector<16xi32>
        %add3A_575 = arith.addi %add3A_49, %add3A_574 : vector<16xi32>
        %gather3A_576 = tpu.vector_load_idx %arg8[%add3A_575, %broadcast_in_dim3A] : memref<512x32xf32, #tpu.memory_space<vmem>>[vector<16xi32>, vector<16xi32>], vector<16xf32>,
        %pack3A_577 = tpu.pack_subelements %gather3A_572, %gather3A_576 {pack_format = #tpu.pack_format<interleaved>, positions = array<i32: 0, 1>} : vector<16xf32>, vector<16xf32> -> vector<32xbf16>
        %swap3A_578 = arith.index_cast %add3A_518 : i32 to index
        %swap3A_579 = arith.constant 192 : index
        %swap3A_580 = tpu.vector_load %arg10[%swap3A_578, %swap3A_579] {strides = array<i32>} : memref<32x512xbf16, #tpu.memory_space<vmem>>, vector<32xbf16>,
        tpu.vector_store %arg10[%swap3A_578, %swap3A_579], %pack3A_577 {strides = array<i32>} : memref<32x512xbf16, #tpu.memory_space<vmem>>, vector<32xbf16>,
        %gather3A_581 = tpu.vector_load_idx %arg8[%add3A_55, %broadcast_in_dim3A] : memref<512x32xf32, #tpu.memory_space<vmem>>[vector<16xi32>, vector<16xi32>], vector<16xf32>,
        %add3A_582 = arith.constant 1 : i32
        %add3A_583 = vector.broadcast %add3A_582 : i32 to vector<16xi32>
        %add3A_584 = arith.addi %add3A_55, %add3A_583 : vector<16xi32>
        %gather3A_585 = tpu.vector_load_idx %arg8[%add3A_584, %broadcast_in_dim3A] : memref<512x32xf32, #tpu.memory_space<vmem>>[vector<16xi32>, vector<16xi32>], vector<16xf32>,
        %pack3A_586 = tpu.pack_subelements %gather3A_581, %gather3A_585 {pack_format = #tpu.pack_format<interleaved>, positions = array<i32: 0, 1>} : vector<16xf32>, vector<16xf32> -> vector<32xbf16>
        %swap3A_587 = arith.index_cast %add3A_518 : i32 to index
        %swap3A_588 = arith.constant 224 : index
        %swap3A_589 = tpu.vector_load %arg10[%swap3A_587, %swap3A_588] {strides = array<i32>} : memref<32x512xbf16, #tpu.memory_space<vmem>>, vector<32xbf16>,
        tpu.vector_store %arg10[%swap3A_587, %swap3A_588], %pack3A_586 {strides = array<i32>} : memref<32x512xbf16, #tpu.memory_space<vmem>>, vector<32xbf16>,
        %gather3A_590 = tpu.vector_load_idx %arg8[%add3A_61, %broadcast_in_dim3A] : memref<512x32xf32, #tpu.memory_space<vmem>>[vector<16xi32>, vector<16xi32>], vector<16xf32>,
        %add3A_591 = arith.constant 1 : i32
        %add3A_592 = vector.broadcast %add3A_591 : i32 to vector<16xi32>
        %add3A_593 = arith.addi %add3A_61, %add3A_592 : vector<16xi32>
        %gather3A_594 = tpu.vector_load_idx %arg8[%add3A_593, %broadcast_in_dim3A] : memref<512x32xf32, #tpu.memory_space<vmem>>[vector<16xi32>, vector<16xi32>], vector<16xf32>,
        %pack3A_595 = tpu.pack_subelements %gather3A_590, %gather3A_594 {pack_format = #tpu.pack_format<interleaved>, positions = array<i32: 0, 1>} : vector<16xf32>, vector<16xf32> -> vector<32xbf16>
        %swap3A_596 = arith.index_cast %add3A_518 : i32 to index
        %swap3A_597 = arith.constant 256 : index
        %swap3A_598 = tpu.vector_load %arg10[%swap3A_596, %swap3A_597] {strides = array<i32>} : memref<32x512xbf16, #tpu.memory_space<vmem>>, vector<32xbf16>,
        tpu.vector_store %arg10[%swap3A_596, %swap3A_597], %pack3A_595 {strides = array<i32>} : memref<32x512xbf16, #tpu.memory_space<vmem>>, vector<32xbf16>,
        %gather3A_599 = tpu.vector_load_idx %arg8[%add3A_67, %broadcast_in_dim3A] : memref<512x32xf32, #tpu.memory_space<vmem>>[vector<16xi32>, vector<16xi32>], vector<16xf32>,
        %add3A_600 = arith.constant 1 : i32
        %add3A_601 = vector.broadcast %add3A_600 : i32 to vector<16xi32>
        %add3A_602 = arith.addi %add3A_67, %add3A_601 : vector<16xi32>
        %gather3A_603 = tpu.vector_load_idx %arg8[%add3A_602, %broadcast_in_dim3A] : memref<512x32xf32, #tpu.memory_space<vmem>>[vector<16xi32>, vector<16xi32>], vector<16xf32>,
        %pack3A_604 = tpu.pack_subelements %gather3A_599, %gather3A_603 {pack_format = #tpu.pack_format<interleaved>, positions = array<i32: 0, 1>} : vector<16xf32>, vector<16xf32> -> vector<32xbf16>
        %swap3A_605 = arith.index_cast %add3A_518 : i32 to index
        %swap3A_606 = arith.constant 288 : index
        %swap3A_607 = tpu.vector_load %arg10[%swap3A_605, %swap3A_606] {strides = array<i32>} : memref<32x512xbf16, #tpu.memory_space<vmem>>, vector<32xbf16>,
        tpu.vector_store %arg10[%swap3A_605, %swap3A_606], %pack3A_604 {strides = array<i32>} : memref<32x512xbf16, #tpu.memory_space<vmem>>, vector<32xbf16>,
        %gather3A_608 = tpu.vector_load_idx %arg8[%add3A_73, %broadcast_in_dim3A] : memref<512x32xf32, #tpu.memory_space<vmem>>[vector<16xi32>, vector<16xi32>], vector<16xf32>,
        %add3A_609 = arith.constant 1 : i32
        %add3A_610 = vector.broadcast %add3A_609 : i32 to vector<16xi32>
        %add3A_611 = arith.addi %add3A_73, %add3A_610 : vector<16xi32>
        %gather3A_612 = tpu.vector_load_idx %arg8[%add3A_611, %broadcast_in_dim3A] : memref<512x32xf32, #tpu.memory_space<vmem>>[vector<16xi32>, vector<16xi32>], vector<16xf32>,
        %pack3A_613 = tpu.pack_subelements %gather3A_608, %gather3A_612 {pack_format = #tpu.pack_format<interleaved>, positions = array<i32: 0, 1>} : vector<16xf32>, vector<16xf32> -> vector<32xbf16>
        %swap3A_614 = arith.index_cast %add3A_518 : i32 to index
        %swap3A_615 = arith.constant 320 : index
        %swap3A_616 = tpu.vector_load %arg10[%swap3A_614, %swap3A_615] {strides = array<i32>} : memref<32x512xbf16, #tpu.memory_space<vmem>>, vector<32xbf16>,
        tpu.vector_store %arg10[%swap3A_614, %swap3A_615], %pack3A_613 {strides = array<i32>} : memref<32x512xbf16, #tpu.memory_space<vmem>>, vector<32xbf16>,
        %gather3A_617 = tpu.vector_load_idx %arg8[%add3A_79, %broadcast_in_dim3A] : memref<512x32xf32, #tpu.memory_space<vmem>>[vector<16xi32>, vector<16xi32>], vector<16xf32>,
        %add3A_618 = arith.constant 1 : i32
        %add3A_619 = vector.broadcast %add3A_618 : i32 to vector<16xi32>
        %add3A_620 = arith.addi %add3A_79, %add3A_619 : vector<16xi32>
        %gather3A_621 = tpu.vector_load_idx %arg8[%add3A_620, %broadcast_in_dim3A] : memref<512x32xf32, #tpu.memory_space<vmem>>[vector<16xi32>, vector<16xi32>], vector<16xf32>,
        %pack3A_622 = tpu.pack_subelements %gather3A_617, %gather3A_621 {pack_format = #tpu.pack_format<interleaved>, positions = array<i32: 0, 1>} : vector<16xf32>, vector<16xf32> -> vector<32xbf16>
        %swap3A_623 = arith.index_cast %add3A_518 : i32 to index
        %swap3A_624 = arith.constant 352 : index
        %swap3A_625 = tpu.vector_load %arg10[%swap3A_623, %swap3A_624] {strides = array<i32>} : memref<32x512xbf16, #tpu.memory_space<vmem>>, vector<32xbf16>,
        tpu.vector_store %arg10[%swap3A_623, %swap3A_624], %pack3A_622 {strides = array<i32>} : memref<32x512xbf16, #tpu.memory_space<vmem>>, vector<32xbf16>,
        %gather3A_626 = tpu.vector_load_idx %arg8[%add3A_85, %broadcast_in_dim3A] : memref<512x32xf32, #tpu.memory_space<vmem>>[vector<16xi32>, vector<16xi32>], vector<16xf32>,
        %add3A_627 = arith.constant 1 : i32
        %add3A_628 = vector.broadcast %add3A_627 : i32 to vector<16xi32>
        %add3A_629 = arith.addi %add3A_85, %add3A_628 : vector<16xi32>
        %gather3A_630 = tpu.vector_load_idx %arg8[%add3A_629, %broadcast_in_dim3A] : memref<512x32xf32, #tpu.memory_space<vmem>>[vector<16xi32>, vector<16xi32>], vector<16xf32>,
        %pack3A_631 = tpu.pack_subelements %gather3A_626, %gather3A_630 {pack_format = #tpu.pack_format<interleaved>, positions = array<i32: 0, 1>} : vector<16xf32>, vector<16xf32> -> vector<32xbf16>
        %swap3A_632 = arith.index_cast %add3A_518 : i32 to index
        %swap3A_633 = arith.constant 384 : index
        %swap3A_634 = tpu.vector_load %arg10[%swap3A_632, %swap3A_633] {strides = array<i32>} : memref<32x512xbf16, #tpu.memory_space<vmem>>, vector<32xbf16>,
        tpu.vector_store %arg10[%swap3A_632, %swap3A_633], %pack3A_631 {strides = array<i32>} : memref<32x512xbf16, #tpu.memory_space<vmem>>, vector<32xbf16>,
        %gather3A_635 = tpu.vector_load_idx %arg8[%add3A_91, %broadcast_in_dim3A] : memref<512x32xf32, #tpu.memory_space<vmem>>[vector<16xi32>, vector<16xi32>], vector<16xf32>,
        %add3A_636 = arith.constant 1 : i32
        %add3A_637 = vector.broadcast %add3A_636 : i32 to vector<16xi32>
        %add3A_638 = arith.addi %add3A_91, %add3A_637 : vector<16xi32>
        %gather3A_639 = tpu.vector_load_idx %arg8[%add3A_638, %broadcast_in_dim3A] : memref<512x32xf32, #tpu.memory_space<vmem>>[vector<16xi32>, vector<16xi32>], vector<16xf32>,
        %pack3A_640 = tpu.pack_subelements %gather3A_635, %gather3A_639 {pack_format = #tpu.pack_format<interleaved>, positions = array<i32: 0, 1>} : vector<16xf32>, vector<16xf32> -> vector<32xbf16>
        %swap3A_641 = arith.index_cast %add3A_518 : i32 to index
        %swap3A_642 = arith.constant 416 : index
        %swap3A_643 = tpu.vector_load %arg10[%swap3A_641, %swap3A_642] {strides = array<i32>} : memref<32x512xbf16, #tpu.memory_space<vmem>>, vector<32xbf16>,
        tpu.vector_store %arg10[%swap3A_641, %swap3A_642], %pack3A_640 {strides = array<i32>} : memref<32x512xbf16, #tpu.memory_space<vmem>>, vector<32xbf16>,
        %gather3A_644 = tpu.vector_load_idx %arg8[%add3A_97, %broadcast_in_dim3A] : memref<512x32xf32, #tpu.memory_space<vmem>>[vector<16xi32>, vector<16xi32>], vector<16xf32>,
        %add3A_645 = arith.constant 1 : i32
        %add3A_646 = vector.broadcast %add3A_645 : i32 to vector<16xi32>
        %add3A_647 = arith.addi %add3A_97, %add3A_646 : vector<16xi32>
        %gather3A_648 = tpu.vector_load_idx %arg8[%add3A_647, %broadcast_in_dim3A] : memref<512x32xf32, #tpu.memory_space<vmem>>[vector<16xi32>, vector<16xi32>], vector<16xf32>,
        %pack3A_649 = tpu.pack_subelements %gather3A_644, %gather3A_648 {pack_format = #tpu.pack_format<interleaved>, positions = array<i32: 0, 1>} : vector<16xf32>, vector<16xf32> -> vector<32xbf16>
        %swap3A_650 = arith.index_cast %add3A_518 : i32 to index
        %swap3A_651 = arith.constant 448 : index
        %swap3A_652 = tpu.vector_load %arg10[%swap3A_650, %swap3A_651] {strides = array<i32>} : memref<32x512xbf16, #tpu.memory_space<vmem>>, vector<32xbf16>,
        tpu.vector_store %arg10[%swap3A_650, %swap3A_651], %pack3A_649 {strides = array<i32>} : memref<32x512xbf16, #tpu.memory_space<vmem>>, vector<32xbf16>,
        %gather3A_653 = tpu.vector_load_idx %arg8[%add3A_103, %broadcast_in_dim3A] : memref<512x32xf32, #tpu.memory_space<vmem>>[vector<16xi32>, vector<16xi32>], vector<16xf32>,
        %add3A_654 = arith.constant 1 : i32
        %add3A_655 = vector.broadcast %add3A_654 : i32 to vector<16xi32>
        %add3A_656 = arith.addi %add3A_103, %add3A_655 : vector<16xi32>
        %gather3A_657 = tpu.vector_load_idx %arg8[%add3A_656, %broadcast_in_dim3A] : memref<512x32xf32, #tpu.memory_space<vmem>>[vector<16xi32>, vector<16xi32>], vector<16xf32>,
        %pack3A_658 = tpu.pack_subelements %gather3A_653, %gather3A_657 {pack_format = #tpu.pack_format<interleaved>, positions = array<i32: 0, 1>} : vector<16xf32>, vector<16xf32> -> vector<32xbf16>
        %swap3A_659 = arith.index_cast %add3A_518 : i32 to index
        %swap3A_660 = arith.constant 480 : index
        %swap3A_661 = tpu.vector_load %arg10[%swap3A_659, %swap3A_660] {strides = array<i32>} : memref<32x512xbf16, #tpu.memory_space<vmem>>, vector<32xbf16>,
        tpu.vector_store %arg10[%swap3A_659, %swap3A_660], %pack3A_658 {strides = array<i32>} : memref<32x512xbf16, #tpu.memory_space<vmem>>, vector<32xbf16>,
      }
      %scan3A_455 = arith.constant 32 : i32
      %mul3A_456 = arith.constant 32 : i32
      %mul3A_457 = arith.muli %add3A_407, %mul3A_456 : i32
      "tpu.region"() ({
        %run_scoped3A = tpu.sem_alloc : memref<!tpu.dma_semaphore, #tpu.memory_space<semaphore_mem>>
        %dma_start3A_514 = tpu.memref_slice %arg4[%mul3A_457, %mul3A_2] : memref<640x16384xbf16, #tpu.memory_space<hbm>> -> memref<32x512xbf16, #tpu.memory_space<hbm>>
        %dma_start3A_515 = tpu.memref_slice %arg4[%mul3A_457, %mul3A_2] : memref<640x16384xbf16, #tpu.memory_space<hbm>> -> memref<32x512xbf16, #tpu.memory_space<hbm>>
        tpu.enqueue_dma source(%arg10 : memref<32x512xbf16, #tpu.memory_space<vmem>>) target(%dma_start3A_515 : memref<32x512xbf16, #tpu.memory_space<hbm>>) target_semaphore(%run_scoped3A : memref<!tpu.dma_semaphore, #tpu.memory_space<semaphore_mem>>)
        %dma_wait3A_516 = tpu.memref_slice %arg4[%mul3A_457, %mul3A_2] : memref<640x16384xbf16, #tpu.memory_space<hbm>> -> memref<32x512xbf16, #tpu.memory_space<hbm>>
        %dma_wait3A_517 = tpu.memref_slice %arg4[%mul3A_457, %mul3A_2] : memref<640x16384xbf16, #tpu.memory_space<hbm>> -> memref<32x512xbf16, #tpu.memory_space<hbm>>
        tpu.wait_dma2 semaphore(%run_scoped3A : memref<!tpu.dma_semaphore, #tpu.memory_space<semaphore_mem>>) src(%arg10 : memref<32x512xbf16, #tpu.memory_space<vmem>>) dst(%dma_wait3A_517 : memref<32x512xbf16, #tpu.memory_space<hbm>>)
        tpu.yield
      }) : () -> ()
      %add3A_458 = arith.constant 1 : i32
      %add3A_459 = arith.addi %add3A_405, %add3A_458 : i32
      %add3A_460 = arith.constant 1 : i32
      %add3A_461 = arith.addi %add3A_459, %add3A_460 : i32
      %lt3A_462 = arith.constant 20 : i32
      %lt3A_463 = arith.cmpi slt, %add3A_461, %lt3A_462 : i32
      %convert_element_type3A_464 = arith.extui %lt3A_463 : i1 to i32
      %cond3A_465 = arith.constant 0 : i32
      %cond3A_466 = arith.cmpi ne, %convert_element_type3A_464, %cond3A_465 : i32
      scf.if %cond3A_466 {
        %add3A_514 = arith.constant 1 : i32
        %add3A_515 = arith.addi %add3A_459, %add3A_514 : i32
        %add3A_516 = arith.constant 0 : i32
        %add3A_517 = arith.addi %add3A_516, %add3A_515 : i32
        %add3A_518 = vector.broadcast %add3A_517 : i32 to vector<16xi32>
        %add3A_519 = arith.addi %mul3A_7, %add3A_518 : vector<16xi32>
        %gather3A_520 = tpu.vector_load_idx %arg5[%add3A_519] : memref<10240xi32, #tpu.memory_space<vmem>>[vector<16xi32>], vector<16xi32>,
        %swap3A_521 = arith.constant 0 : i32
        %swap3A_522 = arith.index_cast %swap3A_521 : i32 to index
        %swap3A_523 = arith.constant 0 : index
        %swap3A_524 = tpu.vector_load %arg6[%swap3A_522, %swap3A_523] {strides = array<i32>} : memref<4x128xi32, #tpu.memory_space<vmem>>, vector<16xi32>,
        tpu.vector_store %arg6[%swap3A_522, %swap3A_523], %gather3A_520 {strides = array<i32>} : memref<4x128xi32, #tpu.memory_space<vmem>>, vector<16xi32>,
        %add3A_525 = arith.constant 320 : i32
        %add3A_526 = arith.addi %add3A_525, %add3A_515 : i32
        %add3A_527 = vector.broadcast %add3A_526 : i32 to vector<16xi32>
        %add3A_528 = arith.addi %mul3A_7, %add3A_527 : vector<16xi32>
        %gather3A_529 = tpu.vector_load_idx %arg5[%add3A_528] : memref<10240xi32, #tpu.memory_space<vmem>>[vector<16xi32>], vector<16xi32>,
        %swap3A_530 = arith.constant 0 : i32
        %swap3A_531 = arith.index_cast %swap3A_530 : i32 to index
        %swap3A_532 = arith.constant 16 : index
        %swap3A_533 = tpu.vector_load %arg6[%swap3A_531, %swap3A_532] {strides = array<i32>} : memref<4x128xi32, #tpu.memory_space<vmem>>, vector<16xi32>,
        tpu.vector_store %arg6[%swap3A_531, %swap3A_532], %gather3A_529 {strides = array<i32>} : memref<4x128xi32, #tpu.memory_space<vmem>>, vector<16xi32>,
        %add3A_534 = arith.constant 640 : i32
        %add3A_535 = arith.addi %add3A_534, %add3A_515 : i32
        %add3A_536 = vector.broadcast %add3A_535 : i32 to vector<16xi32>
        %add3A_537 = arith.addi %mul3A_7, %add3A_536 : vector<16xi32>
        %gather3A_538 = tpu.vector_load_idx %arg5[%add3A_537] : memref<10240xi32, #tpu.memory_space<vmem>>[vector<16xi32>], vector<16xi32>,
        %swap3A_539 = arith.constant 0 : i32
        %swap3A_540 = arith.index_cast %swap3A_539 : i32 to index
        %swap3A_541 = arith.constant 32 : index
        %swap3A_542 = tpu.vector_load %arg6[%swap3A_540, %swap3A_541] {strides = array<i32>} : memref<4x128xi32, #tpu.memory_space<vmem>>, vector<16xi32>,
        tpu.vector_store %arg6[%swap3A_540, %swap3A_541], %gather3A_538 {strides = array<i32>} : memref<4x128xi32, #tpu.memory_space<vmem>>, vector<16xi32>,
        %add3A_543 = arith.constant 960 : i32
        %add3A_544 = arith.addi %add3A_543, %add3A_515 : i32
        %add3A_545 = vector.broadcast %add3A_544 : i32 to vector<16xi32>
        %add3A_546 = arith.addi %mul3A_7, %add3A_545 : vector<16xi32>
        %gather3A_547 = tpu.vector_load_idx %arg5[%add3A_546] : memref<10240xi32, #tpu.memory_space<vmem>>[vector<16xi32>], vector<16xi32>,
        %swap3A_548 = arith.constant 0 : i32
        %swap3A_549 = arith.index_cast %swap3A_548 : i32 to index
        %swap3A_550 = arith.constant 48 : index
        %swap3A_551 = tpu.vector_load %arg6[%swap3A_549, %swap3A_550] {strides = array<i32>} : memref<4x128xi32, #tpu.memory_space<vmem>>, vector<16xi32>,
        tpu.vector_store %arg6[%swap3A_549, %swap3A_550], %gather3A_547 {strides = array<i32>} : memref<4x128xi32, #tpu.memory_space<vmem>>, vector<16xi32>,
        %add3A_552 = arith.constant 1280 : i32
        %add3A_553 = arith.addi %add3A_552, %add3A_515 : i32
        %add3A_554 = vector.broadcast %add3A_553 : i32 to vector<16xi32>
        %add3A_555 = arith.addi %mul3A_7, %add3A_554 : vector<16xi32>
        %gather3A_556 = tpu.vector_load_idx %arg5[%add3A_555] : memref<10240xi32, #tpu.memory_space<vmem>>[vector<16xi32>], vector<16xi32>,
        %swap3A_557 = arith.constant 0 : i32
        %swap3A_558 = arith.index_cast %swap3A_557 : i32 to index
        %swap3A_559 = arith.constant 64 : index
        %swap3A_560 = tpu.vector_load %arg6[%swap3A_558, %swap3A_559] {strides = array<i32>} : memref<4x128xi32, #tpu.memory_space<vmem>>, vector<16xi32>,
        tpu.vector_store %arg6[%swap3A_558, %swap3A_559], %gather3A_556 {strides = array<i32>} : memref<4x128xi32, #tpu.memory_space<vmem>>, vector<16xi32>,
        %add3A_561 = arith.constant 1600 : i32
        %add3A_562 = arith.addi %add3A_561, %add3A_515 : i32
        %add3A_563 = vector.broadcast %add3A_562 : i32 to vector<16xi32>
        %add3A_564 = arith.addi %mul3A_7, %add3A_563 : vector<16xi32>
        %gather3A_565 = tpu.vector_load_idx %arg5[%add3A_564] : memref<10240xi32, #tpu.memory_space<vmem>>[vector<16xi32>], vector<16xi32>,
        %swap3A_566 = arith.constant 0 : i32
        %swap3A_567 = arith.index_cast %swap3A_566 : i32 to index
        %swap3A_568 = arith.constant 80 : index
        %swap3A_569 = tpu.vector_load %arg6[%swap3A_567, %swap3A_568] {strides = array<i32>} : memref<4x128xi32, #tpu.memory_space<vmem>>, vector<16xi32>,
        tpu.vector_store %arg6[%swap3A_567, %swap3A_568], %gather3A_565 {strides = array<i32>} : memref<4x128xi32, #tpu.memory_space<vmem>>, vector<16xi32>,
        %add3A_570 = arith.constant 1920 : i32
        %add3A_571 = arith.addi %add3A_570, %add3A_515 : i32
        %add3A_572 = vector.broadcast %add3A_571 : i32 to vector<16xi32>
        %add3A_573 = arith.addi %mul3A_7, %add3A_572 : vector<16xi32>
        %gather3A_574 = tpu.vector_load_idx %arg5[%add3A_573] : memref<10240xi32, #tpu.memory_space<vmem>>[vector<16xi32>], vector<16xi32>,
        %swap3A_575 = arith.constant 0 : i32
        %swap3A_576 = arith.index_cast %swap3A_575 : i32 to index
        %swap3A_577 = arith.constant 96 : index
        %swap3A_578 = tpu.vector_load %arg6[%swap3A_576, %swap3A_577] {strides = array<i32>} : memref<4x128xi32, #tpu.memory_space<vmem>>, vector<16xi32>,
        tpu.vector_store %arg6[%swap3A_576, %swap3A_577], %gather3A_574 {strides = array<i32>} : memref<4x128xi32, #tpu.memory_space<vmem>>, vector<16xi32>,
        %add3A_579 = arith.constant 2240 : i32
        %add3A_580 = arith.addi %add3A_579, %add3A_515 : i32
        %add3A_581 = vector.broadcast %add3A_580 : i32 to vector<16xi32>
        %add3A_582 = arith.addi %mul3A_7, %add3A_581 : vector<16xi32>
        %gather3A_583 = tpu.vector_load_idx %arg5[%add3A_582] : memref<10240xi32, #tpu.memory_space<vmem>>[vector<16xi32>], vector<16xi32>,
        %swap3A_584 = arith.constant 0 : i32
        %swap3A_585 = arith.index_cast %swap3A_584 : i32 to index
        %swap3A_586 = arith.constant 112 : index
        %swap3A_587 = tpu.vector_load %arg6[%swap3A_585, %swap3A_586] {strides = array<i32>} : memref<4x128xi32, #tpu.memory_space<vmem>>, vector<16xi32>,
        tpu.vector_store %arg6[%swap3A_585, %swap3A_586], %gather3A_583 {strides = array<i32>} : memref<4x128xi32, #tpu.memory_space<vmem>>, vector<16xi32>,
        %add3A_588 = arith.constant 2560 : i32
        %add3A_589 = arith.addi %add3A_588, %add3A_515 : i32
        %add3A_590 = vector.broadcast %add3A_589 : i32 to vector<16xi32>
        %add3A_591 = arith.addi %mul3A_7, %add3A_590 : vector<16xi32>
        %gather3A_592 = tpu.vector_load_idx %arg5[%add3A_591] : memref<10240xi32, #tpu.memory_space<vmem>>[vector<16xi32>], vector<16xi32>,
        %swap3A_593 = arith.constant 1 : i32
        %swap3A_594 = arith.index_cast %swap3A_593 : i32 to index
        %swap3A_595 = arith.constant 0 : index
        %swap3A_596 = tpu.vector_load %arg6[%swap3A_594, %swap3A_595] {strides = array<i32>} : memref<4x128xi32, #tpu.memory_space<vmem>>, vector<16xi32>,
        tpu.vector_store %arg6[%swap3A_594, %swap3A_595], %gather3A_592 {strides = array<i32>} : memref<4x128xi32, #tpu.memory_space<vmem>>, vector<16xi32>,
        %add3A_597 = arith.constant 2880 : i32
        %add3A_598 = arith.addi %add3A_597, %add3A_515 : i32
        %add3A_599 = vector.broadcast %add3A_598 : i32 to vector<16xi32>
        %add3A_600 = arith.addi %mul3A_7, %add3A_599 : vector<16xi32>
        %gather3A_601 = tpu.vector_load_idx %arg5[%add3A_600] : memref<10240xi32, #tpu.memory_space<vmem>>[vector<16xi32>], vector<16xi32>,
        %swap3A_602 = arith.constant 1 : i32
        %swap3A_603 = arith.index_cast %swap3A_602 : i32 to index
        %swap3A_604 = arith.constant 16 : index
        %swap3A_605 = tpu.vector_load %arg6[%swap3A_603, %swap3A_604] {strides = array<i32>} : memref<4x128xi32, #tpu.memory_space<vmem>>, vector<16xi32>,
        tpu.vector_store %arg6[%swap3A_603, %swap3A_604], %gather3A_601 {strides = array<i32>} : memref<4x128xi32, #tpu.memory_space<vmem>>, vector<16xi32>,
        %add3A_606 = arith.constant 3200 : i32
        %add3A_607 = arith.addi %add3A_606, %add3A_515 : i32
        %add3A_608 = vector.broadcast %add3A_607 : i32 to vector<16xi32>
        %add3A_609 = arith.addi %mul3A_7, %add3A_608 : vector<16xi32>
        %gather3A_610 = tpu.vector_load_idx %arg5[%add3A_609] : memref<10240xi32, #tpu.memory_space<vmem>>[vector<16xi32>], vector<16xi32>,
        %swap3A_611 = arith.constant 1 : i32
        %swap3A_612 = arith.index_cast %swap3A_611 : i32 to index
        %swap3A_613 = arith.constant 32 : index
        %swap3A_614 = tpu.vector_load %arg6[%swap3A_612, %swap3A_613] {strides = array<i32>} : memref<4x128xi32, #tpu.memory_space<vmem>>, vector<16xi32>,
        tpu.vector_store %arg6[%swap3A_612, %swap3A_613], %gather3A_610 {strides = array<i32>} : memref<4x128xi32, #tpu.memory_space<vmem>>, vector<16xi32>,
        %add3A_615 = arith.constant 3520 : i32
        %add3A_616 = arith.addi %add3A_615, %add3A_515 : i32
        %add3A_617 = vector.broadcast %add3A_616 : i32 to vector<16xi32>
        %add3A_618 = arith.addi %mul3A_7, %add3A_617 : vector<16xi32>
        %gather3A_619 = tpu.vector_load_idx %arg5[%add3A_618] : memref<10240xi32, #tpu.memory_space<vmem>>[vector<16xi32>], vector<16xi32>,
        %swap3A_620 = arith.constant 1 : i32
        %swap3A_621 = arith.index_cast %swap3A_620 : i32 to index
        %swap3A_622 = arith.constant 48 : index
        %swap3A_623 = tpu.vector_load %arg6[%swap3A_621, %swap3A_622] {strides = array<i32>} : memref<4x128xi32, #tpu.memory_space<vmem>>, vector<16xi32>,
        tpu.vector_store %arg6[%swap3A_621, %swap3A_622], %gather3A_619 {strides = array<i32>} : memref<4x128xi32, #tpu.memory_space<vmem>>, vector<16xi32>,
        %add3A_624 = arith.constant 3840 : i32
        %add3A_625 = arith.addi %add3A_624, %add3A_515 : i32
        %add3A_626 = vector.broadcast %add3A_625 : i32 to vector<16xi32>
        %add3A_627 = arith.addi %mul3A_7, %add3A_626 : vector<16xi32>
        %gather3A_628 = tpu.vector_load_idx %arg5[%add3A_627] : memref<10240xi32, #tpu.memory_space<vmem>>[vector<16xi32>], vector<16xi32>,
        %swap3A_629 = arith.constant 1 : i32
        %swap3A_630 = arith.index_cast %swap3A_629 : i32 to index
        %swap3A_631 = arith.constant 64 : index
        %swap3A_632 = tpu.vector_load %arg6[%swap3A_630, %swap3A_631] {strides = array<i32>} : memref<4x128xi32, #tpu.memory_space<vmem>>, vector<16xi32>,
        tpu.vector_store %arg6[%swap3A_630, %swap3A_631], %gather3A_628 {strides = array<i32>} : memref<4x128xi32, #tpu.memory_space<vmem>>, vector<16xi32>,
        %add3A_633 = arith.constant 4160 : i32
        %add3A_634 = arith.addi %add3A_633, %add3A_515 : i32
        %add3A_635 = vector.broadcast %add3A_634 : i32 to vector<16xi32>
        %add3A_636 = arith.addi %mul3A_7, %add3A_635 : vector<16xi32>
        %gather3A_637 = tpu.vector_load_idx %arg5[%add3A_636] : memref<10240xi32, #tpu.memory_space<vmem>>[vector<16xi32>], vector<16xi32>,
        %swap3A_638 = arith.constant 1 : i32
        %swap3A_639 = arith.index_cast %swap3A_638 : i32 to index
        %swap3A_640 = arith.constant 80 : index
        %swap3A_641 = tpu.vector_load %arg6[%swap3A_639, %swap3A_640] {strides = array<i32>} : memref<4x128xi32, #tpu.memory_space<vmem>>, vector<16xi32>,
        tpu.vector_store %arg6[%swap3A_639, %swap3A_640], %gather3A_637 {strides = array<i32>} : memref<4x128xi32, #tpu.memory_space<vmem>>, vector<16xi32>,
        %add3A_642 = arith.constant 4480 : i32
        %add3A_643 = arith.addi %add3A_642, %add3A_515 : i32
        %add3A_644 = vector.broadcast %add3A_643 : i32 to vector<16xi32>
        %add3A_645 = arith.addi %mul3A_7, %add3A_644 : vector<16xi32>
        %gather3A_646 = tpu.vector_load_idx %arg5[%add3A_645] : memref<10240xi32, #tpu.memory_space<vmem>>[vector<16xi32>], vector<16xi32>,
        %swap3A_647 = arith.constant 1 : i32
        %swap3A_648 = arith.index_cast %swap3A_647 : i32 to index
        %swap3A_649 = arith.constant 96 : index
        %swap3A_650 = tpu.vector_load %arg6[%swap3A_648, %swap3A_649] {strides = array<i32>} : memref<4x128xi32, #tpu.memory_space<vmem>>, vector<16xi32>,
        tpu.vector_store %arg6[%swap3A_648, %swap3A_649], %gather3A_646 {strides = array<i32>} : memref<4x128xi32, #tpu.memory_space<vmem>>, vector<16xi32>,
        %add3A_651 = arith.constant 4800 : i32
        %add3A_652 = arith.addi %add3A_651, %add3A_515 : i32
        %add3A_653 = vector.broadcast %add3A_652 : i32 to vector<16xi32>
        %add3A_654 = arith.addi %mul3A_7, %add3A_653 : vector<16xi32>
        %gather3A_655 = tpu.vector_load_idx %arg5[%add3A_654] : memref<10240xi32, #tpu.memory_space<vmem>>[vector<16xi32>], vector<16xi32>,
        %swap3A_656 = arith.constant 1 : i32
        %swap3A_657 = arith.index_cast %swap3A_656 : i32 to index
        %swap3A_658 = arith.constant 112 : index
        %swap3A_659 = tpu.vector_load %arg6[%swap3A_657, %swap3A_658] {strides = array<i32>} : memref<4x128xi32, #tpu.memory_space<vmem>>, vector<16xi32>,
        tpu.vector_store %arg6[%swap3A_657, %swap3A_658], %gather3A_655 {strides = array<i32>} : memref<4x128xi32, #tpu.memory_space<vmem>>, vector<16xi32>,
        %add3A_660 = arith.constant 5120 : i32
        %add3A_661 = arith.addi %add3A_660, %add3A_515 : i32
        %add3A_662 = vector.broadcast %add3A_661 : i32 to vector<16xi32>
        %add3A_663 = arith.addi %mul3A_7, %add3A_662 : vector<16xi32>
        %gather3A_664 = tpu.vector_load_idx %arg5[%add3A_663] : memref<10240xi32, #tpu.memory_space<vmem>>[vector<16xi32>], vector<16xi32>,
        %swap3A_665 = arith.constant 2 : i32
        %swap3A_666 = arith.index_cast %swap3A_665 : i32 to index
        %swap3A_667 = arith.constant 0 : index
        %swap3A_668 = tpu.vector_load %arg6[%swap3A_666, %swap3A_667] {strides = array<i32>} : memref<4x128xi32, #tpu.memory_space<vmem>>, vector<16xi32>,
        tpu.vector_store %arg6[%swap3A_666, %swap3A_667], %gather3A_664 {strides = array<i32>} : memref<4x128xi32, #tpu.memory_space<vmem>>, vector<16xi32>,
        %add3A_669 = arith.constant 5440 : i32
        %add3A_670 = arith.addi %add3A_669, %add3A_515 : i32
        %add3A_671 = vector.broadcast %add3A_670 : i32 to vector<16xi32>
        %add3A_672 = arith.addi %mul3A_7, %add3A_671 : vector<16xi32>
        %gather3A_673 = tpu.vector_load_idx %arg5[%add3A_672] : memref<10240xi32, #tpu.memory_space<vmem>>[vector<16xi32>], vector<16xi32>,
        %swap3A_674 = arith.constant 2 : i32
        %swap3A_675 = arith.index_cast %swap3A_674 : i32 to index
        %swap3A_676 = arith.constant 16 : index
        %swap3A_677 = tpu.vector_load %arg6[%swap3A_675, %swap3A_676] {strides = array<i32>} : memref<4x128xi32, #tpu.memory_space<vmem>>, vector<16xi32>,
        tpu.vector_store %arg6[%swap3A_675, %swap3A_676], %gather3A_673 {strides = array<i32>} : memref<4x128xi32, #tpu.memory_space<vmem>>, vector<16xi32>,
        %add3A_678 = arith.constant 5760 : i32
        %add3A_679 = arith.addi %add3A_678, %add3A_515 : i32
        %add3A_680 = vector.broadcast %add3A_679 : i32 to vector<16xi32>
        %add3A_681 = arith.addi %mul3A_7, %add3A_680 : vector<16xi32>
        %gather3A_682 = tpu.vector_load_idx %arg5[%add3A_681] : memref<10240xi32, #tpu.memory_space<vmem>>[vector<16xi32>], vector<16xi32>,
        %swap3A_683 = arith.constant 2 : i32
        %swap3A_684 = arith.index_cast %swap3A_683 : i32 to index
        %swap3A_685 = arith.constant 32 : index
        %swap3A_686 = tpu.vector_load %arg6[%swap3A_684, %swap3A_685] {strides = array<i32>} : memref<4x128xi32, #tpu.memory_space<vmem>>, vector<16xi32>,
        tpu.vector_store %arg6[%swap3A_684, %swap3A_685], %gather3A_682 {strides = array<i32>} : memref<4x128xi32, #tpu.memory_space<vmem>>, vector<16xi32>,
        %add3A_687 = arith.constant 6080 : i32
        %add3A_688 = arith.addi %add3A_687, %add3A_515 : i32
        %add3A_689 = vector.broadcast %add3A_688 : i32 to vector<16xi32>
        %add3A_690 = arith.addi %mul3A_7, %add3A_689 : vector<16xi32>
        %gather3A_691 = tpu.vector_load_idx %arg5[%add3A_690] : memref<10240xi32, #tpu.memory_space<vmem>>[vector<16xi32>], vector<16xi32>,
        %swap3A_692 = arith.constant 2 : i32
        %swap3A_693 = arith.index_cast %swap3A_692 : i32 to index
        %swap3A_694 = arith.constant 48 : index
        %swap3A_695 = tpu.vector_load %arg6[%swap3A_693, %swap3A_694] {strides = array<i32>} : memref<4x128xi32, #tpu.memory_space<vmem>>, vector<16xi32>,
        tpu.vector_store %arg6[%swap3A_693, %swap3A_694], %gather3A_691 {strides = array<i32>} : memref<4x128xi32, #tpu.memory_space<vmem>>, vector<16xi32>,
        %add3A_696 = arith.constant 6400 : i32
        %add3A_697 = arith.addi %add3A_696, %add3A_515 : i32
        %add3A_698 = vector.broadcast %add3A_697 : i32 to vector<16xi32>
        %add3A_699 = arith.addi %mul3A_7, %add3A_698 : vector<16xi32>
        %gather3A_700 = tpu.vector_load_idx %arg5[%add3A_699] : memref<10240xi32, #tpu.memory_space<vmem>>[vector<16xi32>], vector<16xi32>,
        %swap3A_701 = arith.constant 2 : i32
        %swap3A_702 = arith.index_cast %swap3A_701 : i32 to index
        %swap3A_703 = arith.constant 64 : index
        %swap3A_704 = tpu.vector_load %arg6[%swap3A_702, %swap3A_703] {strides = array<i32>} : memref<4x128xi32, #tpu.memory_space<vmem>>, vector<16xi32>,
        tpu.vector_store %arg6[%swap3A_702, %swap3A_703], %gather3A_700 {strides = array<i32>} : memref<4x128xi32, #tpu.memory_space<vmem>>, vector<16xi32>,
        %add3A_705 = arith.constant 6720 : i32
        %add3A_706 = arith.addi %add3A_705, %add3A_515 : i32
        %add3A_707 = vector.broadcast %add3A_706 : i32 to vector<16xi32>
        %add3A_708 = arith.addi %mul3A_7, %add3A_707 : vector<16xi32>
        %gather3A_709 = tpu.vector_load_idx %arg5[%add3A_708] : memref<10240xi32, #tpu.memory_space<vmem>>[vector<16xi32>], vector<16xi32>,
        %swap3A_710 = arith.constant 2 : i32
        %swap3A_711 = arith.index_cast %swap3A_710 : i32 to index
        %swap3A_712 = arith.constant 80 : index
        %swap3A_713 = tpu.vector_load %arg6[%swap3A_711, %swap3A_712] {strides = array<i32>} : memref<4x128xi32, #tpu.memory_space<vmem>>, vector<16xi32>,
        tpu.vector_store %arg6[%swap3A_711, %swap3A_712], %gather3A_709 {strides = array<i32>} : memref<4x128xi32, #tpu.memory_space<vmem>>, vector<16xi32>,
        %add3A_714 = arith.constant 7040 : i32
        %add3A_715 = arith.addi %add3A_714, %add3A_515 : i32
        %add3A_716 = vector.broadcast %add3A_715 : i32 to vector<16xi32>
        %add3A_717 = arith.addi %mul3A_7, %add3A_716 : vector<16xi32>
        %gather3A_718 = tpu.vector_load_idx %arg5[%add3A_717] : memref<10240xi32, #tpu.memory_space<vmem>>[vector<16xi32>], vector<16xi32>,
        %swap3A_719 = arith.constant 2 : i32
        %swap3A_720 = arith.index_cast %swap3A_719 : i32 to index
        %swap3A_721 = arith.constant 96 : index
        %swap3A_722 = tpu.vector_load %arg6[%swap3A_720, %swap3A_721] {strides = array<i32>} : memref<4x128xi32, #tpu.memory_space<vmem>>, vector<16xi32>,
        tpu.vector_store %arg6[%swap3A_720, %swap3A_721], %gather3A_718 {strides = array<i32>} : memref<4x128xi32, #tpu.memory_space<vmem>>, vector<16xi32>,
        %add3A_723 = arith.constant 7360 : i32
        %add3A_724 = arith.addi %add3A_723, %add3A_515 : i32
        %add3A_725 = vector.broadcast %add3A_724 : i32 to vector<16xi32>
        %add3A_726 = arith.addi %mul3A_7, %add3A_725 : vector<16xi32>
        %gather3A_727 = tpu.vector_load_idx %arg5[%add3A_726] : memref<10240xi32, #tpu.memory_space<vmem>>[vector<16xi32>], vector<16xi32>,
        %swap3A_728 = arith.constant 2 : i32
        %swap3A_729 = arith.index_cast %swap3A_728 : i32 to index
        %swap3A_730 = arith.constant 112 : index
        %swap3A_731 = tpu.vector_load %arg6[%swap3A_729, %swap3A_730] {strides = array<i32>} : memref<4x128xi32, #tpu.memory_space<vmem>>, vector<16xi32>,
        tpu.vector_store %arg6[%swap3A_729, %swap3A_730], %gather3A_727 {strides = array<i32>} : memref<4x128xi32, #tpu.memory_space<vmem>>, vector<16xi32>,
        %add3A_732 = arith.constant 7680 : i32
        %add3A_733 = arith.addi %add3A_732, %add3A_515 : i32
        %add3A_734 = vector.broadcast %add3A_733 : i32 to vector<16xi32>
        %add3A_735 = arith.addi %mul3A_7, %add3A_734 : vector<16xi32>
        %gather3A_736 = tpu.vector_load_idx %arg5[%add3A_735] : memref<10240xi32, #tpu.memory_space<vmem>>[vector<16xi32>], vector<16xi32>,
        %swap3A_737 = arith.constant 3 : i32
        %swap3A_738 = arith.index_cast %swap3A_737 : i32 to index
        %swap3A_739 = arith.constant 0 : index
        %swap3A_740 = tpu.vector_load %arg6[%swap3A_738, %swap3A_739] {strides = array<i32>} : memref<4x128xi32, #tpu.memory_space<vmem>>, vector<16xi32>,
        tpu.vector_store %arg6[%swap3A_738, %swap3A_739], %gather3A_736 {strides = array<i32>} : memref<4x128xi32, #tpu.memory_space<vmem>>, vector<16xi32>,
        %add3A_741 = arith.constant 8000 : i32
        %add3A_742 = arith.addi %add3A_741, %add3A_515 : i32
        %add3A_743 = vector.broadcast %add3A_742 : i32 to vector<16xi32>
        %add3A_744 = arith.addi %mul3A_7, %add3A_743 : vector<16xi32>
        %gather3A_745 = tpu.vector_load_idx %arg5[%add3A_744] : memref<10240xi32, #tpu.memory_space<vmem>>[vector<16xi32>], vector<16xi32>,
        %swap3A_746 = arith.constant 3 : i32
        %swap3A_747 = arith.index_cast %swap3A_746 : i32 to index
        %swap3A_748 = arith.constant 16 : index
        %swap3A_749 = tpu.vector_load %arg6[%swap3A_747, %swap3A_748] {strides = array<i32>} : memref<4x128xi32, #tpu.memory_space<vmem>>, vector<16xi32>,
        tpu.vector_store %arg6[%swap3A_747, %swap3A_748], %gather3A_745 {strides = array<i32>} : memref<4x128xi32, #tpu.memory_space<vmem>>, vector<16xi32>,
        %add3A_750 = arith.constant 8320 : i32
        %add3A_751 = arith.addi %add3A_750, %add3A_515 : i32
        %add3A_752 = vector.broadcast %add3A_751 : i32 to vector<16xi32>
        %add3A_753 = arith.addi %mul3A_7, %add3A_752 : vector<16xi32>
        %gather3A_754 = tpu.vector_load_idx %arg5[%add3A_753] : memref<10240xi32, #tpu.memory_space<vmem>>[vector<16xi32>], vector<16xi32>,
        %swap3A_755 = arith.constant 3 : i32
        %swap3A_756 = arith.index_cast %swap3A_755 : i32 to index
        %swap3A_757 = arith.constant 32 : index
        %swap3A_758 = tpu.vector_load %arg6[%swap3A_756, %swap3A_757] {strides = array<i32>} : memref<4x128xi32, #tpu.memory_space<vmem>>, vector<16xi32>,
        tpu.vector_store %arg6[%swap3A_756, %swap3A_757], %gather3A_754 {strides = array<i32>} : memref<4x128xi32, #tpu.memory_space<vmem>>, vector<16xi32>,
        %add3A_759 = arith.constant 8640 : i32
        %add3A_760 = arith.addi %add3A_759, %add3A_515 : i32
        %add3A_761 = vector.broadcast %add3A_760 : i32 to vector<16xi32>
        %add3A_762 = arith.addi %mul3A_7, %add3A_761 : vector<16xi32>
        %gather3A_763 = tpu.vector_load_idx %arg5[%add3A_762] : memref<10240xi32, #tpu.memory_space<vmem>>[vector<16xi32>], vector<16xi32>,
        %swap3A_764 = arith.constant 3 : i32
        %swap3A_765 = arith.index_cast %swap3A_764 : i32 to index
        %swap3A_766 = arith.constant 48 : index
        %swap3A_767 = tpu.vector_load %arg6[%swap3A_765, %swap3A_766] {strides = array<i32>} : memref<4x128xi32, #tpu.memory_space<vmem>>, vector<16xi32>,
        tpu.vector_store %arg6[%swap3A_765, %swap3A_766], %gather3A_763 {strides = array<i32>} : memref<4x128xi32, #tpu.memory_space<vmem>>, vector<16xi32>,
        %add3A_768 = arith.constant 8960 : i32
        %add3A_769 = arith.addi %add3A_768, %add3A_515 : i32
        %add3A_770 = vector.broadcast %add3A_769 : i32 to vector<16xi32>
        %add3A_771 = arith.addi %mul3A_7, %add3A_770 : vector<16xi32>
        %gather3A_772 = tpu.vector_load_idx %arg5[%add3A_771] : memref<10240xi32, #tpu.memory_space<vmem>>[vector<16xi32>], vector<16xi32>,
        %swap3A_773 = arith.constant 3 : i32
        %swap3A_774 = arith.index_cast %swap3A_773 : i32 to index
        %swap3A_775 = arith.constant 64 : index
        %swap3A_776 = tpu.vector_load %arg6[%swap3A_774, %swap3A_775] {strides = array<i32>} : memref<4x128xi32, #tpu.memory_space<vmem>>, vector<16xi32>,
        tpu.vector_store %arg6[%swap3A_774, %swap3A_775], %gather3A_772 {strides = array<i32>} : memref<4x128xi32, #tpu.memory_space<vmem>>, vector<16xi32>,
        %add3A_777 = arith.constant 9280 : i32
        %add3A_778 = arith.addi %add3A_777, %add3A_515 : i32
        %add3A_779 = vector.broadcast %add3A_778 : i32 to vector<16xi32>
        %add3A_780 = arith.addi %mul3A_7, %add3A_779 : vector<16xi32>
        %gather3A_781 = tpu.vector_load_idx %arg5[%add3A_780] : memref<10240xi32, #tpu.memory_space<vmem>>[vector<16xi32>], vector<16xi32>,
        %swap3A_782 = arith.constant 3 : i32
        %swap3A_783 = arith.index_cast %swap3A_782 : i32 to index
        %swap3A_784 = arith.constant 80 : index
        %swap3A_785 = tpu.vector_load %arg6[%swap3A_783, %swap3A_784] {strides = array<i32>} : memref<4x128xi32, #tpu.memory_space<vmem>>, vector<16xi32>,
        tpu.vector_store %arg6[%swap3A_783, %swap3A_784], %gather3A_781 {strides = array<i32>} : memref<4x128xi32, #tpu.memory_space<vmem>>, vector<16xi32>,
        %add3A_786 = arith.constant 9600 : i32
        %add3A_787 = arith.addi %add3A_786, %add3A_515 : i32
        %add3A_788 = vector.broadcast %add3A_787 : i32 to vector<16xi32>
        %add3A_789 = arith.addi %mul3A_7, %add3A_788 : vector<16xi32>
        %gather3A_790 = tpu.vector_load_idx %arg5[%add3A_789] : memref<10240xi32, #tpu.memory_space<vmem>>[vector<16xi32>], vector<16xi32>,
        %swap3A_791 = arith.constant 3 : i32
        %swap3A_792 = arith.index_cast %swap3A_791 : i32 to index
        %swap3A_793 = arith.constant 96 : index
        %swap3A_794 = tpu.vector_load %arg6[%swap3A_792, %swap3A_793] {strides = array<i32>} : memref<4x128xi32, #tpu.memory_space<vmem>>, vector<16xi32>,
        tpu.vector_store %arg6[%swap3A_792, %swap3A_793], %gather3A_790 {strides = array<i32>} : memref<4x128xi32, #tpu.memory_space<vmem>>, vector<16xi32>,
        %add3A_795 = arith.constant 9920 : i32
        %add3A_796 = arith.addi %add3A_795, %add3A_515 : i32
        %add3A_797 = vector.broadcast %add3A_796 : i32 to vector<16xi32>
        %add3A_798 = arith.addi %mul3A_7, %add3A_797 : vector<16xi32>
        %gather3A_799 = tpu.vector_load_idx %arg5[%add3A_798] : memref<10240xi32, #tpu.memory_space<vmem>>[vector<16xi32>], vector<16xi32>,
        %swap3A_800 = arith.constant 3 : i32
        %swap3A_801 = arith.index_cast %swap3A_800 : i32 to index
        %swap3A_802 = arith.constant 112 : index
        %swap3A_803 = tpu.vector_load %arg6[%swap3A_801, %swap3A_802] {strides = array<i32>} : memref<4x128xi32, #tpu.memory_space<vmem>>, vector<16xi32>,
        tpu.vector_store %arg6[%swap3A_801, %swap3A_802], %gather3A_799 {strides = array<i32>} : memref<4x128xi32, #tpu.memory_space<vmem>>, vector<16xi32>,
        %dma_start3A_804 = arith.constant 0 : i32
        %dma_start3A_805 = arith.constant 0 : i32
        %dma_start3A_806 = arith.constant 0 : i32
        %dma_start3A_807 = tpu.memref_slice %arg8[%dma_start3A_805, %dma_start3A_806] : memref<512x32xf32, #tpu.memory_space<vmem>> -> memref<128x32xf32, #tpu.memory_space<vmem>>
        %dma_start3A_808 = arith.constant 0 : i32
        %dma_start3A_809 = tpu.memref_slice %arg6[%dma_start3A_804, %dma_start3A_808] : memref<4x128xi32, #tpu.memory_space<vmem>> -> memref<1x128xi32, #tpu.memory_space<vmem>>
        %dma_start3A_810 = tpu.memref_squeeze %dma_start3A_809 : memref<1x128xi32, #tpu.memory_space<vmem>> -> memref<128xi32, #tpu.memory_space<vmem>>
        %dma_start3A_811 = arith.constant 0 : i32
        %dma_start3A_812 = arith.constant 0 : i32
        %dma_start3A_813 = tpu.memref_slice %arg3[%dma_start3A_811, %dma_start3A_812] : memref<1000000x32xf32, #tpu.memory_space<hbm>> -> memref<1000000x32xf32, #tpu.memory_space<hbm>>
        tpu.enqueue_indirect_dma source(%dma_start3A_813 : memref<1000000x32xf32, #tpu.memory_space<hbm>>) target(%dma_start3A_807 : memref<128x32xf32, #tpu.memory_space<vmem>>) offsets(%dma_start3A_810 : memref<128xi32, #tpu.memory_space<vmem>>) semaphore(%arg11 : memref<!tpu.dma_semaphore, #tpu.memory_space<semaphore_mem>>)
        %dma_start3A_814 = arith.constant 1 : i32
        %dma_start3A_815 = arith.constant 128 : i32
        %dma_start3A_816 = arith.constant 0 : i32
        %dma_start3A_817 = tpu.memref_slice %arg8[%dma_start3A_815, %dma_start3A_816] : memref<512x32xf32, #tpu.memory_space<vmem>> -> memref<128x32xf32, #tpu.memory_space<vmem>>
        %dma_start3A_818 = arith.constant 0 : i32
        %dma_start3A_819 = tpu.memref_slice %arg6[%dma_start3A_814, %dma_start3A_818] : memref<4x128xi32, #tpu.memory_space<vmem>> -> memref<1x128xi32, #tpu.memory_space<vmem>>
        %dma_start3A_820 = tpu.memref_squeeze %dma_start3A_819 : memref<1x128xi32, #tpu.memory_space<vmem>> -> memref<128xi32, #tpu.memory_space<vmem>>
        %dma_start3A_821 = arith.constant 0 : i32
        %dma_start3A_822 = arith.constant 0 : i32
        %dma_start3A_823 = tpu.memref_slice %arg3[%dma_start3A_821, %dma_start3A_822] : memref<1000000x32xf32, #tpu.memory_space<hbm>> -> memref<1000000x32xf32, #tpu.memory_space<hbm>>
        tpu.enqueue_indirect_dma source(%dma_start3A_823 : memref<1000000x32xf32, #tpu.memory_space<hbm>>) target(%dma_start3A_817 : memref<128x32xf32, #tpu.memory_space<vmem>>) offsets(%dma_start3A_820 : memref<128xi32, #tpu.memory_space<vmem>>) semaphore(%arg11 : memref<!tpu.dma_semaphore, #tpu.memory_space<semaphore_mem>>)
        %dma_start3A_824 = arith.constant 2 : i32
        %dma_start3A_825 = arith.constant 256 : i32
        %dma_start3A_826 = arith.constant 0 : i32
        %dma_start3A_827 = tpu.memref_slice %arg8[%dma_start3A_825, %dma_start3A_826] : memref<512x32xf32, #tpu.memory_space<vmem>> -> memref<128x32xf32, #tpu.memory_space<vmem>>
        %dma_start3A_828 = arith.constant 0 : i32
        %dma_start3A_829 = tpu.memref_slice %arg6[%dma_start3A_824, %dma_start3A_828] : memref<4x128xi32, #tpu.memory_space<vmem>> -> memref<1x128xi32, #tpu.memory_space<vmem>>
        %dma_start3A_830 = tpu.memref_squeeze %dma_start3A_829 : memref<1x128xi32, #tpu.memory_space<vmem>> -> memref<128xi32, #tpu.memory_space<vmem>>
        %dma_start3A_831 = arith.constant 0 : i32
        %dma_start3A_832 = arith.constant 0 : i32
        %dma_start3A_833 = tpu.memref_slice %arg3[%dma_start3A_831, %dma_start3A_832] : memref<1000000x32xf32, #tpu.memory_space<hbm>> -> memref<1000000x32xf32, #tpu.memory_space<hbm>>
        tpu.enqueue_indirect_dma source(%dma_start3A_833 : memref<1000000x32xf32, #tpu.memory_space<hbm>>) target(%dma_start3A_827 : memref<128x32xf32, #tpu.memory_space<vmem>>) offsets(%dma_start3A_830 : memref<128xi32, #tpu.memory_space<vmem>>) semaphore(%arg11 : memref<!tpu.dma_semaphore, #tpu.memory_space<semaphore_mem>>)
        %dma_start3A_834 = arith.constant 3 : i32
        %dma_start3A_835 = arith.constant 384 : i32
        %dma_start3A_836 = arith.constant 0 : i32
        %dma_start3A_837 = tpu.memref_slice %arg8[%dma_start3A_835, %dma_start3A_836] : memref<512x32xf32, #tpu.memory_space<vmem>> -> memref<128x32xf32, #tpu.memory_space<vmem>>
        %dma_start3A_838 = arith.constant 0 : i32
        %dma_start3A_839 = tpu.memref_slice %arg6[%dma_start3A_834, %dma_start3A_838] : memref<4x128xi32, #tpu.memory_space<vmem>> -> memref<1x128xi32, #tpu.memory_space<vmem>>
        %dma_start3A_840 = tpu.memref_squeeze %dma_start3A_839 : memref<1x128xi32, #tpu.memory_space<vmem>> -> memref<128xi32, #tpu.memory_space<vmem>>
        %dma_start3A_841 = arith.constant 0 : i32
        %dma_start3A_842 = arith.constant 0 : i32
        %dma_start3A_843 = tpu.memref_slice %arg3[%dma_start3A_841, %dma_start3A_842] : memref<1000000x32xf32, #tpu.memory_space<hbm>> -> memref<1000000x32xf32, #tpu.memory_space<hbm>>
        tpu.enqueue_indirect_dma source(%dma_start3A_843 : memref<1000000x32xf32, #tpu.memory_space<hbm>>) target(%dma_start3A_837 : memref<128x32xf32, #tpu.memory_space<vmem>>) offsets(%dma_start3A_840 : memref<128xi32, #tpu.memory_space<vmem>>) semaphore(%arg11 : memref<!tpu.dma_semaphore, #tpu.memory_space<semaphore_mem>>)
      } else {
      }
      %dma_wait3A_467 = arith.constant 0 : i32
      %dma_wait3A_468 = arith.constant 0 : i32
      %dma_wait3A_469 = arith.constant 0 : i32
      %dma_wait3A_470 = tpu.memref_slice %arg9[%dma_wait3A_468, %dma_wait3A_469] : memref<512x32xf32, #tpu.memory_space<vmem>> -> memref<128x32xf32, #tpu.memory_space<vmem>>
      %dma_wait3A_471 = arith.constant 0 : i32
      %dma_wait3A_472 = tpu.memref_slice %arg7[%dma_wait3A_467, %dma_wait3A_471] : memref<4x128xi32, #tpu.memory_space<vmem>> -> memref<1x128xi32, #tpu.memory_space<vmem>>
      %dma_wait3A_473 = tpu.memref_squeeze %dma_wait3A_472 : memref<1x128xi32, #tpu.memory_space<vmem>> -> memref<128xi32, #tpu.memory_space<vmem>>
      %dma_wait3A_474 = arith.constant 0 : i32
      %dma_wait3A_475 = arith.constant 0 : i32
      %dma_wait3A_476 = tpu.memref_slice %arg3[%dma_wait3A_474, %dma_wait3A_475] : memref<1000000x32xf32, #tpu.memory_space<hbm>> -> memref<1000000x32xf32, #tpu.memory_space<hbm>>
      tpu.wait_indirect_dma semaphore(%arg12 : memref<!tpu.dma_semaphore, #tpu.memory_space<semaphore_mem>>) src(%dma_wait3A_476 : memref<1000000x32xf32, #tpu.memory_space<hbm>>) dst(%dma_wait3A_470 : memref<128x32xf32, #tpu.memory_space<vmem>>)
      %dma_wait3A_477 = arith.constant 1 : i32
      %dma_wait3A_478 = arith.constant 128 : i32
      %dma_wait3A_479 = arith.constant 0 : i32
      %dma_wait3A_480 = tpu.memref_slice %arg9[%dma_wait3A_478, %dma_wait3A_479] : memref<512x32xf32, #tpu.memory_space<vmem>> -> memref<128x32xf32, #tpu.memory_space<vmem>>
      %dma_wait3A_481 = arith.constant 0 : i32
      %dma_wait3A_482 = tpu.memref_slice %arg7[%dma_wait3A_477, %dma_wait3A_481] : memref<4x128xi32, #tpu.memory_space<vmem>> -> memref<1x128xi32, #tpu.memory_space<vmem>>
      %dma_wait3A_483 = tpu.memref_squeeze %dma_wait3A_482 : memref<1x128xi32, #tpu.memory_space<vmem>> -> memref<128xi32, #tpu.memory_space<vmem>>
      %dma_wait3A_484 = arith.constant 0 : i32
      %dma_wait3A_485 = arith.constant 0 : i32
      %dma_wait3A_486 = tpu.memref_slice %arg3[%dma_wait3A_484, %dma_wait3A_485] : memref<1000000x32xf32, #tpu.memory_space<hbm>> -> memref<1000000x32xf32, #tpu.memory_space<hbm>>
      tpu.wait_indirect_dma semaphore(%arg12 : memref<!tpu.dma_semaphore, #tpu.memory_space<semaphore_mem>>) src(%dma_wait3A_486 : memref<1000000x32xf32, #tpu.memory_space<hbm>>) dst(%dma_wait3A_480 : memref<128x32xf32, #tpu.memory_space<vmem>>)
      %dma_wait3A_487 = arith.constant 2 : i32
      %dma_wait3A_488 = arith.constant 256 : i32
      %dma_wait3A_489 = arith.constant 0 : i32
      %dma_wait3A_490 = tpu.memref_slice %arg9[%dma_wait3A_488, %dma_wait3A_489] : memref<512x32xf32, #tpu.memory_space<vmem>> -> memref<128x32xf32, #tpu.memory_space<vmem>>
      %dma_wait3A_491 = arith.constant 0 : i32
      %dma_wait3A_492 = tpu.memref_slice %arg7[%dma_wait3A_487, %dma_wait3A_491] : memref<4x128xi32, #tpu.memory_space<vmem>> -> memref<1x128xi32, #tpu.memory_space<vmem>>
      %dma_wait3A_493 = tpu.memref_squeeze %dma_wait3A_492 : memref<1x128xi32, #tpu.memory_space<vmem>> -> memref<128xi32, #tpu.memory_space<vmem>>
      %dma_wait3A_494 = arith.constant 0 : i32
      %dma_wait3A_495 = arith.constant 0 : i32
      %dma_wait3A_496 = tpu.memref_slice %arg3[%dma_wait3A_494, %dma_wait3A_495] : memref<1000000x32xf32, #tpu.memory_space<hbm>> -> memref<1000000x32xf32, #tpu.memory_space<hbm>>
      tpu.wait_indirect_dma semaphore(%arg12 : memref<!tpu.dma_semaphore, #tpu.memory_space<semaphore_mem>>) src(%dma_wait3A_496 : memref<1000000x32xf32, #tpu.memory_space<hbm>>) dst(%dma_wait3A_490 : memref<128x32xf32, #tpu.memory_space<vmem>>)
      %dma_wait3A_497 = arith.constant 3 : i32
      %dma_wait3A_498 = arith.constant 384 : i32
      %dma_wait3A_499 = arith.constant 0 : i32
      %dma_wait3A_500 = tpu.memref_slice %arg9[%dma_wait3A_498, %dma_wait3A_499] : memref<512x32xf32, #tpu.memory_space<vmem>> -> memref<128x32xf32, #tpu.memory_space<vmem>>
      %dma_wait3A_501 = arith.constant 0 : i32
      %dma_wait3A_502 = tpu.memref_slice %arg7[%dma_wait3A_497, %dma_wait3A_501] : memref<4x128xi32, #tpu.memory_space<vmem>> -> memref<1x128xi32, #tpu.memory_space<vmem>>
      %dma_wait3A_503 = tpu.memref_squeeze %dma_wait3A_502 : memref<1x128xi32, #tpu.memory_space<vmem>> -> memref<128xi32, #tpu.memory_space<vmem>>
      %dma_wait3A_504 = arith.constant 0 : i32
      %dma_wait3A_505 = arith.constant 0 : i32
      %dma_wait3A_506 = tpu.memref_slice %arg3[%dma_wait3A_504, %dma_wait3A_505] : memref<1000000x32xf32, #tpu.memory_space<hbm>> -> memref<1000000x32xf32, #tpu.memory_space<hbm>>
      tpu.wait_indirect_dma semaphore(%arg12 : memref<!tpu.dma_semaphore, #tpu.memory_space<semaphore_mem>>) src(%dma_wait3A_506 : memref<1000000x32xf32, #tpu.memory_space<hbm>>) dst(%dma_wait3A_500 : memref<128x32xf32, #tpu.memory_space<vmem>>)
      %scan3A_507 = arith.constant 0 : i32
      %scan3A_508 = arith.constant 32 : i32
      %scan3A_509 = arith.addi %scan3A_507, %scan3A_508 : i32
      %scan3A_510 = arith.constant 1 : i32
      scf.for %scan3A_514 = %scan3A_507 to %scan3A_509 step %scan3A_510  : i32 {
        %mul3A_515 = arith.constant 1 : i32
        %mul3A_516 = arith.muli %scan3A_514, %mul3A_515 : i32
        %add3A_517 = arith.constant 0 : i32
        %add3A_518 = arith.addi %add3A_517, %mul3A_516 : i32
        %broadcast_in_dim3A = vector.broadcast %add3A_518 : i32 to vector<16xi32>
        %gather3A_519 = tpu.vector_load_idx %arg9[%add3A_13, %broadcast_in_dim3A] : memref<512x32xf32, #tpu.memory_space<vmem>>[vector<16xi32>, vector<16xi32>], vector<16xf32>,
        %add3A_520 = arith.constant 1 : i32
        %add3A_521 = vector.broadcast %add3A_520 : i32 to vector<16xi32>
        %add3A_522 = arith.addi %add3A_13, %add3A_521 : vector<16xi32>
        %gather3A_523 = tpu.vector_load_idx %arg9[%add3A_522, %broadcast_in_dim3A] : memref<512x32xf32, #tpu.memory_space<vmem>>[vector<16xi32>, vector<16xi32>], vector<16xf32>,
        %pack3A = tpu.pack_subelements %gather3A_519, %gather3A_523 {pack_format = #tpu.pack_format<interleaved>, positions = array<i32: 0, 1>} : vector<16xf32>, vector<16xf32> -> vector<32xbf16>
        %swap3A_524 = arith.index_cast %add3A_518 : i32 to index
        %swap3A_525 = arith.constant 0 : index
        %swap3A_526 = tpu.vector_load %arg10[%swap3A_524, %swap3A_525] {strides = array<i32>} : memref<32x512xbf16, #tpu.memory_space<vmem>>, vector<32xbf16>,
        tpu.vector_store %arg10[%swap3A_524, %swap3A_525], %pack3A {strides = array<i32>} : memref<32x512xbf16, #tpu.memory_space<vmem>>, vector<32xbf16>,
        %gather3A_527 = tpu.vector_load_idx %arg9[%add3A_19, %broadcast_in_dim3A] : memref<512x32xf32, #tpu.memory_space<vmem>>[vector<16xi32>, vector<16xi32>], vector<16xf32>,
        %add3A_528 = arith.constant 1 : i32
        %add3A_529 = vector.broadcast %add3A_528 : i32 to vector<16xi32>
        %add3A_530 = arith.addi %add3A_19, %add3A_529 : vector<16xi32>
        %gather3A_531 = tpu.vector_load_idx %arg9[%add3A_530, %broadcast_in_dim3A] : memref<512x32xf32, #tpu.memory_space<vmem>>[vector<16xi32>, vector<16xi32>], vector<16xf32>,
        %pack3A_532 = tpu.pack_subelements %gather3A_527, %gather3A_531 {pack_format = #tpu.pack_format<interleaved>, positions = array<i32: 0, 1>} : vector<16xf32>, vector<16xf32> -> vector<32xbf16>
        %swap3A_533 = arith.index_cast %add3A_518 : i32 to index
        %swap3A_534 = arith.constant 32 : index
        %swap3A_535 = tpu.vector_load %arg10[%swap3A_533, %swap3A_534] {strides = array<i32>} : memref<32x512xbf16, #tpu.memory_space<vmem>>, vector<32xbf16>,
        tpu.vector_store %arg10[%swap3A_533, %swap3A_534], %pack3A_532 {strides = array<i32>} : memref<32x512xbf16, #tpu.memory_space<vmem>>, vector<32xbf16>,
        %gather3A_536 = tpu.vector_load_idx %arg9[%add3A_25, %broadcast_in_dim3A] : memref<512x32xf32, #tpu.memory_space<vmem>>[vector<16xi32>, vector<16xi32>], vector<16xf32>,
        %add3A_537 = arith.constant 1 : i32
        %add3A_538 = vector.broadcast %add3A_537 : i32 to vector<16xi32>
        %add3A_539 = arith.addi %add3A_25, %add3A_538 : vector<16xi32>
        %gather3A_540 = tpu.vector_load_idx %arg9[%add3A_539, %broadcast_in_dim3A] : memref<512x32xf32, #tpu.memory_space<vmem>>[vector<16xi32>, vector<16xi32>], vector<16xf32>,
        %pack3A_541 = tpu.pack_subelements %gather3A_536, %gather3A_540 {pack_format = #tpu.pack_format<interleaved>, positions = array<i32: 0, 1>} : vector<16xf32>, vector<16xf32> -> vector<32xbf16>
        %swap3A_542 = arith.index_cast %add3A_518 : i32 to index
        %swap3A_543 = arith.constant 64 : index
        %swap3A_544 = tpu.vector_load %arg10[%swap3A_542, %swap3A_543] {strides = array<i32>} : memref<32x512xbf16, #tpu.memory_space<vmem>>, vector<32xbf16>,
        tpu.vector_store %arg10[%swap3A_542, %swap3A_543], %pack3A_541 {strides = array<i32>} : memref<32x512xbf16, #tpu.memory_space<vmem>>, vector<32xbf16>,
        %gather3A_545 = tpu.vector_load_idx %arg9[%add3A_31, %broadcast_in_dim3A] : memref<512x32xf32, #tpu.memory_space<vmem>>[vector<16xi32>, vector<16xi32>], vector<16xf32>,
        %add3A_546 = arith.constant 1 : i32
        %add3A_547 = vector.broadcast %add3A_546 : i32 to vector<16xi32>
        %add3A_548 = arith.addi %add3A_31, %add3A_547 : vector<16xi32>
        %gather3A_549 = tpu.vector_load_idx %arg9[%add3A_548, %broadcast_in_dim3A] : memref<512x32xf32, #tpu.memory_space<vmem>>[vector<16xi32>, vector<16xi32>], vector<16xf32>,
        %pack3A_550 = tpu.pack_subelements %gather3A_545, %gather3A_549 {pack_format = #tpu.pack_format<interleaved>, positions = array<i32: 0, 1>} : vector<16xf32>, vector<16xf32> -> vector<32xbf16>
        %swap3A_551 = arith.index_cast %add3A_518 : i32 to index
        %swap3A_552 = arith.constant 96 : index
        %swap3A_553 = tpu.vector_load %arg10[%swap3A_551, %swap3A_552] {strides = array<i32>} : memref<32x512xbf16, #tpu.memory_space<vmem>>, vector<32xbf16>,
        tpu.vector_store %arg10[%swap3A_551, %swap3A_552], %pack3A_550 {strides = array<i32>} : memref<32x512xbf16, #tpu.memory_space<vmem>>, vector<32xbf16>,
        %gather3A_554 = tpu.vector_load_idx %arg9[%add3A_37, %broadcast_in_dim3A] : memref<512x32xf32, #tpu.memory_space<vmem>>[vector<16xi32>, vector<16xi32>], vector<16xf32>,
        %add3A_555 = arith.constant 1 : i32
        %add3A_556 = vector.broadcast %add3A_555 : i32 to vector<16xi32>
        %add3A_557 = arith.addi %add3A_37, %add3A_556 : vector<16xi32>
        %gather3A_558 = tpu.vector_load_idx %arg9[%add3A_557, %broadcast_in_dim3A] : memref<512x32xf32, #tpu.memory_space<vmem>>[vector<16xi32>, vector<16xi32>], vector<16xf32>,
        %pack3A_559 = tpu.pack_subelements %gather3A_554, %gather3A_558 {pack_format = #tpu.pack_format<interleaved>, positions = array<i32: 0, 1>} : vector<16xf32>, vector<16xf32> -> vector<32xbf16>
        %swap3A_560 = arith.index_cast %add3A_518 : i32 to index
        %swap3A_561 = arith.constant 128 : index
        %swap3A_562 = tpu.vector_load %arg10[%swap3A_560, %swap3A_561] {strides = array<i32>} : memref<32x512xbf16, #tpu.memory_space<vmem>>, vector<32xbf16>,
        tpu.vector_store %arg10[%swap3A_560, %swap3A_561], %pack3A_559 {strides = array<i32>} : memref<32x512xbf16, #tpu.memory_space<vmem>>, vector<32xbf16>,
        %gather3A_563 = tpu.vector_load_idx %arg9[%add3A_43, %broadcast_in_dim3A] : memref<512x32xf32, #tpu.memory_space<vmem>>[vector<16xi32>, vector<16xi32>], vector<16xf32>,
        %add3A_564 = arith.constant 1 : i32
        %add3A_565 = vector.broadcast %add3A_564 : i32 to vector<16xi32>
        %add3A_566 = arith.addi %add3A_43, %add3A_565 : vector<16xi32>
        %gather3A_567 = tpu.vector_load_idx %arg9[%add3A_566, %broadcast_in_dim3A] : memref<512x32xf32, #tpu.memory_space<vmem>>[vector<16xi32>, vector<16xi32>], vector<16xf32>,
        %pack3A_568 = tpu.pack_subelements %gather3A_563, %gather3A_567 {pack_format = #tpu.pack_format<interleaved>, positions = array<i32: 0, 1>} : vector<16xf32>, vector<16xf32> -> vector<32xbf16>
        %swap3A_569 = arith.index_cast %add3A_518 : i32 to index
        %swap3A_570 = arith.constant 160 : index
        %swap3A_571 = tpu.vector_load %arg10[%swap3A_569, %swap3A_570] {strides = array<i32>} : memref<32x512xbf16, #tpu.memory_space<vmem>>, vector<32xbf16>,
        tpu.vector_store %arg10[%swap3A_569, %swap3A_570], %pack3A_568 {strides = array<i32>} : memref<32x512xbf16, #tpu.memory_space<vmem>>, vector<32xbf16>,
        %gather3A_572 = tpu.vector_load_idx %arg9[%add3A_49, %broadcast_in_dim3A] : memref<512x32xf32, #tpu.memory_space<vmem>>[vector<16xi32>, vector<16xi32>], vector<16xf32>,
        %add3A_573 = arith.constant 1 : i32
        %add3A_574 = vector.broadcast %add3A_573 : i32 to vector<16xi32>
        %add3A_575 = arith.addi %add3A_49, %add3A_574 : vector<16xi32>
        %gather3A_576 = tpu.vector_load_idx %arg9[%add3A_575, %broadcast_in_dim3A] : memref<512x32xf32, #tpu.memory_space<vmem>>[vector<16xi32>, vector<16xi32>], vector<16xf32>,
        %pack3A_577 = tpu.pack_subelements %gather3A_572, %gather3A_576 {pack_format = #tpu.pack_format<interleaved>, positions = array<i32: 0, 1>} : vector<16xf32>, vector<16xf32> -> vector<32xbf16>
        %swap3A_578 = arith.index_cast %add3A_518 : i32 to index
        %swap3A_579 = arith.constant 192 : index
        %swap3A_580 = tpu.vector_load %arg10[%swap3A_578, %swap3A_579] {strides = array<i32>} : memref<32x512xbf16, #tpu.memory_space<vmem>>, vector<32xbf16>,
        tpu.vector_store %arg10[%swap3A_578, %swap3A_579], %pack3A_577 {strides = array<i32>} : memref<32x512xbf16, #tpu.memory_space<vmem>>, vector<32xbf16>,
        %gather3A_581 = tpu.vector_load_idx %arg9[%add3A_55, %broadcast_in_dim3A] : memref<512x32xf32, #tpu.memory_space<vmem>>[vector<16xi32>, vector<16xi32>], vector<16xf32>,
        %add3A_582 = arith.constant 1 : i32
        %add3A_583 = vector.broadcast %add3A_582 : i32 to vector<16xi32>
        %add3A_584 = arith.addi %add3A_55, %add3A_583 : vector<16xi32>
        %gather3A_585 = tpu.vector_load_idx %arg9[%add3A_584, %broadcast_in_dim3A] : memref<512x32xf32, #tpu.memory_space<vmem>>[vector<16xi32>, vector<16xi32>], vector<16xf32>,
        %pack3A_586 = tpu.pack_subelements %gather3A_581, %gather3A_585 {pack_format = #tpu.pack_format<interleaved>, positions = array<i32: 0, 1>} : vector<16xf32>, vector<16xf32> -> vector<32xbf16>
        %swap3A_587 = arith.index_cast %add3A_518 : i32 to index
        %swap3A_588 = arith.constant 224 : index
        %swap3A_589 = tpu.vector_load %arg10[%swap3A_587, %swap3A_588] {strides = array<i32>} : memref<32x512xbf16, #tpu.memory_space<vmem>>, vector<32xbf16>,
        tpu.vector_store %arg10[%swap3A_587, %swap3A_588], %pack3A_586 {strides = array<i32>} : memref<32x512xbf16, #tpu.memory_space<vmem>>, vector<32xbf16>,
        %gather3A_590 = tpu.vector_load_idx %arg9[%add3A_61, %broadcast_in_dim3A] : memref<512x32xf32, #tpu.memory_space<vmem>>[vector<16xi32>, vector<16xi32>], vector<16xf32>,
        %add3A_591 = arith.constant 1 : i32
        %add3A_592 = vector.broadcast %add3A_591 : i32 to vector<16xi32>
        %add3A_593 = arith.addi %add3A_61, %add3A_592 : vector<16xi32>
        %gather3A_594 = tpu.vector_load_idx %arg9[%add3A_593, %broadcast_in_dim3A] : memref<512x32xf32, #tpu.memory_space<vmem>>[vector<16xi32>, vector<16xi32>], vector<16xf32>,
        %pack3A_595 = tpu.pack_subelements %gather3A_590, %gather3A_594 {pack_format = #tpu.pack_format<interleaved>, positions = array<i32: 0, 1>} : vector<16xf32>, vector<16xf32> -> vector<32xbf16>
        %swap3A_596 = arith.index_cast %add3A_518 : i32 to index
        %swap3A_597 = arith.constant 256 : index
        %swap3A_598 = tpu.vector_load %arg10[%swap3A_596, %swap3A_597] {strides = array<i32>} : memref<32x512xbf16, #tpu.memory_space<vmem>>, vector<32xbf16>,
        tpu.vector_store %arg10[%swap3A_596, %swap3A_597], %pack3A_595 {strides = array<i32>} : memref<32x512xbf16, #tpu.memory_space<vmem>>, vector<32xbf16>,
        %gather3A_599 = tpu.vector_load_idx %arg9[%add3A_67, %broadcast_in_dim3A] : memref<512x32xf32, #tpu.memory_space<vmem>>[vector<16xi32>, vector<16xi32>], vector<16xf32>,
        %add3A_600 = arith.constant 1 : i32
        %add3A_601 = vector.broadcast %add3A_600 : i32 to vector<16xi32>
        %add3A_602 = arith.addi %add3A_67, %add3A_601 : vector<16xi32>
        %gather3A_603 = tpu.vector_load_idx %arg9[%add3A_602, %broadcast_in_dim3A] : memref<512x32xf32, #tpu.memory_space<vmem>>[vector<16xi32>, vector<16xi32>], vector<16xf32>,
        %pack3A_604 = tpu.pack_subelements %gather3A_599, %gather3A_603 {pack_format = #tpu.pack_format<interleaved>, positions = array<i32: 0, 1>} : vector<16xf32>, vector<16xf32> -> vector<32xbf16>
        %swap3A_605 = arith.index_cast %add3A_518 : i32 to index
        %swap3A_606 = arith.constant 288 : index
        %swap3A_607 = tpu.vector_load %arg10[%swap3A_605, %swap3A_606] {strides = array<i32>} : memref<32x512xbf16, #tpu.memory_space<vmem>>, vector<32xbf16>,
        tpu.vector_store %arg10[%swap3A_605, %swap3A_606], %pack3A_604 {strides = array<i32>} : memref<32x512xbf16, #tpu.memory_space<vmem>>, vector<32xbf16>,
        %gather3A_608 = tpu.vector_load_idx %arg9[%add3A_73, %broadcast_in_dim3A] : memref<512x32xf32, #tpu.memory_space<vmem>>[vector<16xi32>, vector<16xi32>], vector<16xf32>,
        %add3A_609 = arith.constant 1 : i32
        %add3A_610 = vector.broadcast %add3A_609 : i32 to vector<16xi32>
        %add3A_611 = arith.addi %add3A_73, %add3A_610 : vector<16xi32>
        %gather3A_612 = tpu.vector_load_idx %arg9[%add3A_611, %broadcast_in_dim3A] : memref<512x32xf32, #tpu.memory_space<vmem>>[vector<16xi32>, vector<16xi32>], vector<16xf32>,
        %pack3A_613 = tpu.pack_subelements %gather3A_608, %gather3A_612 {pack_format = #tpu.pack_format<interleaved>, positions = array<i32: 0, 1>} : vector<16xf32>, vector<16xf32> -> vector<32xbf16>
        %swap3A_614 = arith.index_cast %add3A_518 : i32 to index
        %swap3A_615 = arith.constant 320 : index
        %swap3A_616 = tpu.vector_load %arg10[%swap3A_614, %swap3A_615] {strides = array<i32>} : memref<32x512xbf16, #tpu.memory_space<vmem>>, vector<32xbf16>,
        tpu.vector_store %arg10[%swap3A_614, %swap3A_615], %pack3A_613 {strides = array<i32>} : memref<32x512xbf16, #tpu.memory_space<vmem>>, vector<32xbf16>,
        %gather3A_617 = tpu.vector_load_idx %arg9[%add3A_79, %broadcast_in_dim3A] : memref<512x32xf32, #tpu.memory_space<vmem>>[vector<16xi32>, vector<16xi32>], vector<16xf32>,
        %add3A_618 = arith.constant 1 : i32
        %add3A_619 = vector.broadcast %add3A_618 : i32 to vector<16xi32>
        %add3A_620 = arith.addi %add3A_79, %add3A_619 : vector<16xi32>
        %gather3A_621 = tpu.vector_load_idx %arg9[%add3A_620, %broadcast_in_dim3A] : memref<512x32xf32, #tpu.memory_space<vmem>>[vector<16xi32>, vector<16xi32>], vector<16xf32>,
        %pack3A_622 = tpu.pack_subelements %gather3A_617, %gather3A_621 {pack_format = #tpu.pack_format<interleaved>, positions = array<i32: 0, 1>} : vector<16xf32>, vector<16xf32> -> vector<32xbf16>
        %swap3A_623 = arith.index_cast %add3A_518 : i32 to index
        %swap3A_624 = arith.constant 352 : index
        %swap3A_625 = tpu.vector_load %arg10[%swap3A_623, %swap3A_624] {strides = array<i32>} : memref<32x512xbf16, #tpu.memory_space<vmem>>, vector<32xbf16>,
        tpu.vector_store %arg10[%swap3A_623, %swap3A_624], %pack3A_622 {strides = array<i32>} : memref<32x512xbf16, #tpu.memory_space<vmem>>, vector<32xbf16>,
        %gather3A_626 = tpu.vector_load_idx %arg9[%add3A_85, %broadcast_in_dim3A] : memref<512x32xf32, #tpu.memory_space<vmem>>[vector<16xi32>, vector<16xi32>], vector<16xf32>,
        %add3A_627 = arith.constant 1 : i32
        %add3A_628 = vector.broadcast %add3A_627 : i32 to vector<16xi32>
        %add3A_629 = arith.addi %add3A_85, %add3A_628 : vector<16xi32>
        %gather3A_630 = tpu.vector_load_idx %arg9[%add3A_629, %broadcast_in_dim3A] : memref<512x32xf32, #tpu.memory_space<vmem>>[vector<16xi32>, vector<16xi32>], vector<16xf32>,
        %pack3A_631 = tpu.pack_subelements %gather3A_626, %gather3A_630 {pack_format = #tpu.pack_format<interleaved>, positions = array<i32: 0, 1>} : vector<16xf32>, vector<16xf32> -> vector<32xbf16>
        %swap3A_632 = arith.index_cast %add3A_518 : i32 to index
        %swap3A_633 = arith.constant 384 : index
        %swap3A_634 = tpu.vector_load %arg10[%swap3A_632, %swap3A_633] {strides = array<i32>} : memref<32x512xbf16, #tpu.memory_space<vmem>>, vector<32xbf16>,
        tpu.vector_store %arg10[%swap3A_632, %swap3A_633], %pack3A_631 {strides = array<i32>} : memref<32x512xbf16, #tpu.memory_space<vmem>>, vector<32xbf16>,
        %gather3A_635 = tpu.vector_load_idx %arg9[%add3A_91, %broadcast_in_dim3A] : memref<512x32xf32, #tpu.memory_space<vmem>>[vector<16xi32>, vector<16xi32>], vector<16xf32>,
        %add3A_636 = arith.constant 1 : i32
        %add3A_637 = vector.broadcast %add3A_636 : i32 to vector<16xi32>
        %add3A_638 = arith.addi %add3A_91, %add3A_637 : vector<16xi32>
        %gather3A_639 = tpu.vector_load_idx %arg9[%add3A_638, %broadcast_in_dim3A] : memref<512x32xf32, #tpu.memory_space<vmem>>[vector<16xi32>, vector<16xi32>], vector<16xf32>,
        %pack3A_640 = tpu.pack_subelements %gather3A_635, %gather3A_639 {pack_format = #tpu.pack_format<interleaved>, positions = array<i32: 0, 1>} : vector<16xf32>, vector<16xf32> -> vector<32xbf16>
        %swap3A_641 = arith.index_cast %add3A_518 : i32 to index
        %swap3A_642 = arith.constant 416 : index
        %swap3A_643 = tpu.vector_load %arg10[%swap3A_641, %swap3A_642] {strides = array<i32>} : memref<32x512xbf16, #tpu.memory_space<vmem>>, vector<32xbf16>,
        tpu.vector_store %arg10[%swap3A_641, %swap3A_642], %pack3A_640 {strides = array<i32>} : memref<32x512xbf16, #tpu.memory_space<vmem>>, vector<32xbf16>,
        %gather3A_644 = tpu.vector_load_idx %arg9[%add3A_97, %broadcast_in_dim3A] : memref<512x32xf32, #tpu.memory_space<vmem>>[vector<16xi32>, vector<16xi32>], vector<16xf32>,
        %add3A_645 = arith.constant 1 : i32
        %add3A_646 = vector.broadcast %add3A_645 : i32 to vector<16xi32>
        %add3A_647 = arith.addi %add3A_97, %add3A_646 : vector<16xi32>
        %gather3A_648 = tpu.vector_load_idx %arg9[%add3A_647, %broadcast_in_dim3A] : memref<512x32xf32, #tpu.memory_space<vmem>>[vector<16xi32>, vector<16xi32>], vector<16xf32>,
        %pack3A_649 = tpu.pack_subelements %gather3A_644, %gather3A_648 {pack_format = #tpu.pack_format<interleaved>, positions = array<i32: 0, 1>} : vector<16xf32>, vector<16xf32> -> vector<32xbf16>
        %swap3A_650 = arith.index_cast %add3A_518 : i32 to index
        %swap3A_651 = arith.constant 448 : index
        %swap3A_652 = tpu.vector_load %arg10[%swap3A_650, %swap3A_651] {strides = array<i32>} : memref<32x512xbf16, #tpu.memory_space<vmem>>, vector<32xbf16>,
        tpu.vector_store %arg10[%swap3A_650, %swap3A_651], %pack3A_649 {strides = array<i32>} : memref<32x512xbf16, #tpu.memory_space<vmem>>, vector<32xbf16>,
        %gather3A_653 = tpu.vector_load_idx %arg9[%add3A_103, %broadcast_in_dim3A] : memref<512x32xf32, #tpu.memory_space<vmem>>[vector<16xi32>, vector<16xi32>], vector<16xf32>,
        %add3A_654 = arith.constant 1 : i32
        %add3A_655 = vector.broadcast %add3A_654 : i32 to vector<16xi32>
        %add3A_656 = arith.addi %add3A_103, %add3A_655 : vector<16xi32>
        %gather3A_657 = tpu.vector_load_idx %arg9[%add3A_656, %broadcast_in_dim3A] : memref<512x32xf32, #tpu.memory_space<vmem>>[vector<16xi32>, vector<16xi32>], vector<16xf32>,
        %pack3A_658 = tpu.pack_subelements %gather3A_653, %gather3A_657 {pack_format = #tpu.pack_format<interleaved>, positions = array<i32: 0, 1>} : vector<16xf32>, vector<16xf32> -> vector<32xbf16>
        %swap3A_659 = arith.index_cast %add3A_518 : i32 to index
        %swap3A_660 = arith.constant 480 : index
        %swap3A_661 = tpu.vector_load %arg10[%swap3A_659, %swap3A_660] {strides = array<i32>} : memref<32x512xbf16, #tpu.memory_space<vmem>>, vector<32xbf16>,
        tpu.vector_store %arg10[%swap3A_659, %swap3A_660], %pack3A_658 {strides = array<i32>} : memref<32x512xbf16, #tpu.memory_space<vmem>>, vector<32xbf16>,
      }
      %scan3A_511 = arith.constant 32 : i32
      %mul3A_512 = arith.constant 32 : i32
      %mul3A_513 = arith.muli %add3A_459, %mul3A_512 : i32
      "tpu.region"() ({
        %run_scoped3A = tpu.sem_alloc : memref<!tpu.dma_semaphore, #tpu.memory_space<semaphore_mem>>
        %dma_start3A_514 = tpu.memref_slice %arg4[%mul3A_513, %mul3A_2] : memref<640x16384xbf16, #tpu.memory_space<hbm>> -> memref<32x512xbf16, #tpu.memory_space<hbm>>
        %dma_start3A_515 = tpu.memref_slice %arg4[%mul3A_513, %mul3A_2] : memref<640x16384xbf16, #tpu.memory_space<hbm>> -> memref<32x512xbf16, #tpu.memory_space<hbm>>
        tpu.enqueue_dma source(%arg10 : memref<32x512xbf16, #tpu.memory_space<vmem>>) target(%dma_start3A_515 : memref<32x512xbf16, #tpu.memory_space<hbm>>) target_semaphore(%run_scoped3A : memref<!tpu.dma_semaphore, #tpu.memory_space<semaphore_mem>>)
        %dma_wait3A_516 = tpu.memref_slice %arg4[%mul3A_513, %mul3A_2] : memref<640x16384xbf16, #tpu.memory_space<hbm>> -> memref<32x512xbf16, #tpu.memory_space<hbm>>
        %dma_wait3A_517 = tpu.memref_slice %arg4[%mul3A_513, %mul3A_2] : memref<640x16384xbf16, #tpu.memory_space<hbm>> -> memref<32x512xbf16, #tpu.memory_space<hbm>>
        tpu.wait_dma2 semaphore(%run_scoped3A : memref<!tpu.dma_semaphore, #tpu.memory_space<semaphore_mem>>) src(%arg10 : memref<32x512xbf16, #tpu.memory_space<vmem>>) dst(%dma_wait3A_517 : memref<32x512xbf16, #tpu.memory_space<hbm>>)
        tpu.yield
      }) : () -> ()
    }
    %scan3A_400 = arith.constant 10 : i32
    return
  }
}

#map = affine_map<(d0, d1) -> (0)>
#map1 = affine_map<(d0, d1) -> (0, 0)>
module attributes {stable_mosaic.version = 14 : i64} {
  func.func @grab(%arg0: i32, %arg1: i32, %arg2: memref<327680xi32, #tpu.memory_space<hbm>>, %arg3: memref<1000000x32xf32, #tpu.memory_space<hbm>>, %arg4: memref<640x16384xbf16, #tpu.memory_space<hbm>>, %arg5: memref<10240xi32, #tpu.memory_space<vmem>>, %arg6: memref<4x128xi32, #tpu.memory_space<vmem>>, %arg7: memref<4x128xi32, #tpu.memory_space<vmem>>, %arg8: memref<512x32xf32, #tpu.memory_space<vmem>>, %arg9: memref<512x32xf32, #tpu.memory_space<vmem>>, %arg10: memref<32x512xbf16, #tpu.memory_space<vmem>>, %arg11: memref<!tpu.dma_semaphore, #tpu.memory_space<semaphore_mem>>, %arg12: memref<!tpu.dma_semaphore, #tpu.memory_space<semaphore_mem>>) attributes {dimension_semantics = [#tpu.dimension_semantics<core_parallel>, #tpu.dimension_semantics<subcore_parallel>], iteration_bounds = array<i64: 2, 16>, scalar_prefetch = 0 : i64, scratch_operands = 8 : i64, tpu.core_type = #tpu.core_type<sc_vector_subcore>, window_params = [{transform_indices = #map}, {transform_indices = #map1}, {transform_indices = #map1}]} {
    %mul3A = arith.constant 2 : i32
    %mul3A_0 = arith.muli %arg1, %mul3A : i32
    %add3A = arith.addi %mul3A_0, %arg0 : i32
    %mul3A_1 = arith.constant 512 : i32
    %mul3A_2 = arith.muli %add3A, %mul3A_1 : i32
    %mul3A_3 = arith.constant 20 : i32
    %mul3A_4 = arith.muli %mul3A_2, %mul3A_3 : i32
    "tpu.region"() ({
      %run_scoped3A = tpu.sem_alloc : memref<!tpu.dma_semaphore, #tpu.memory_space<semaphore_mem>>
      %dma_start3A_401 = tpu.memref_slice %arg2[%mul3A_4] : memref<327680xi32, #tpu.memory_space<hbm>> -> memref<10240xi32, #tpu.memory_space<hbm>>
      %dma_start3A_402 = tpu.memref_slice %arg2[%mul3A_4] : memref<327680xi32, #tpu.memory_space<hbm>> -> memref<10240xi32, #tpu.memory_space<hbm>>
      tpu.enqueue_dma source(%dma_start3A_402 : memref<10240xi32, #tpu.memory_space<hbm>>) target(%arg5 : memref<10240xi32, #tpu.memory_space<vmem>>) target_semaphore(%run_scoped3A : memref<!tpu.dma_semaphore, #tpu.memory_space<semaphore_mem>>)
      %dma_wait3A = tpu.memref_slice %arg2[%mul3A_4] : memref<327680xi32, #tpu.memory_space<hbm>> -> memref<10240xi32, #tpu.memory_space<hbm>>
      %dma_wait3A_403 = tpu.memref_slice %arg2[%mul3A_4] : memref<327680xi32, #tpu.memory_space<hbm>> -> memref<10240xi32, #tpu.memory_space<hbm>>
      tpu.wait_dma2 semaphore(%run_scoped3A : memref<!tpu.dma_semaphore, #tpu.memory_space<semaphore_mem>>) src(%dma_wait3A_403 : memref<10240xi32, #tpu.memory_space<hbm>>) dst(%arg5 : memref<10240xi32, #tpu.memory_space<vmem>>)
      tpu.yield
    }) : () -> ()
    %iota3A = tpu.iota {dimensions = array<i32: 0>} : vector<16xi32>
    %mul3A_5 = arith.constant 20 : i32
    %mul3A_6 = vector.broadcast %mul3A_5 : i32 to vector<16xi32>
    %mul3A_7 = arith.muli %iota3A, %mul3A_6 : vector<16xi32>
    %mul3A_8 = arith.constant 2 : i32
    %mul3A_9 = vector.broadcast %mul3A_8 : i32 to vector<16xi32>
    %mul3A_10 = arith.muli %iota3A, %mul3A_9 : vector<16xi32>
    %add3A_11 = arith.constant 0 : i32
    %add3A_12 = vector.broadcast %add3A_11 : i32 to vector<16xi32>
    %add3A_13 = arith.addi %mul3A_10, %add3A_12 : vector<16xi32>
    %mul3A_14 = arith.constant 2 : i32
    %mul3A_15 = vector.broadcast %mul3A_14 : i32 to vector<16xi32>
    %mul3A_16 = arith.muli %iota3A, %mul3A_15 : vector<16xi32>
    %add3A_17 = arith.constant 32 : i32
    %add3A_18 = vector.broadcast %add3A_17 : i32 to vector<16xi32>
    %add3A_19 = arith.addi %mul3A_16, %add3A_18 : vector<16xi32>
    %mul3A_20 = arith.constant 2 : i32
    %mul3A_21 = vector.broadcast %mul3A_20 : i32 to vector<16xi32>
    %mul3A_22 = arith.muli %iota3A, %mul3A_21 : vector<16xi32>
    %add3A_23 = arith.constant 64 : i32
    %add3A_24 = vector.broadcast %add3A_23 : i32 to vector<16xi32>
    %add3A_25 = arith.addi %mul3A_22, %add3A_24 : vector<16xi32>
    %mul3A_26 = arith.constant 2 : i32
    %mul3A_27 = vector.broadcast %mul3A_26 : i32 to vector<16xi32>
    %mul3A_28 = arith.muli %iota3A, %mul3A_27 : vector<16xi32>
    %add3A_29 = arith.constant 96 : i32
    %add3A_30 = vector.broadcast %add3A_29 : i32 to vector<16xi32>
    %add3A_31 = arith.addi %mul3A_28, %add3A_30 : vector<16xi32>
    %mul3A_32 = arith.constant 2 : i32
    %mul3A_33 = vector.broadcast %mul3A_32 : i32 to vector<16xi32>
    %mul3A_34 = arith.muli %iota3A, %mul3A_33 : vector<16xi32>
    %add3A_35 = arith.constant 128 : i32
    %add3A_36 = vector.broadcast %add3A_35 : i32 to vector<16xi32>
    %add3A_37 = arith.addi %mul3A_34, %add3A_36 : vector<16xi32>
    %mul3A_38 = arith.constant 2 : i32
    %mul3A_39 = vector.broadcast %mul3A_38 : i32 to vector<16xi32>
    %mul3A_40 = arith.muli %iota3A, %mul3A_39 : vector<16xi32>
    %add3A_41 = arith.constant 160 : i32
    %add3A_42 = vector.broadcast %add3A_41 : i32 to vector<16xi32>
    %add3A_43 = arith.addi %mul3A_40, %add3A_42 : vector<16xi32>
    %mul3A_44 = arith.constant 2 : i32
    %mul3A_45 = vector.broadcast %mul3A_44 : i32 to vector<16xi32>
    %mul3A_46 = arith.muli %iota3A, %mul3A_45 : vector<16xi32>
    %add3A_47 = arith.constant 192 : i32
    %add3A_48 = vector.broadcast %add3A_47 : i32 to vector<16xi32>
    %add3A_49 = arith.addi %mul3A_46, %add3A_48 : vector<16xi32>
    %mul3A_50 = arith.constant 2 : i32
    %mul3A_51 = vector.broadcast %mul3A_50 : i32 to vector<16xi32>
    %mul3A_52 = arith.muli %iota3A, %mul3A_51 : vector<16xi32>
    %add3A_53 = arith.constant 224 : i32
    %add3A_54 = vector.broadcast %add3A_53 : i32 to vector<16xi32>
    %add3A_55 = arith.addi %mul3A_52, %add3A_54 : vector<16xi32>
    %mul3A_56 = arith.constant 2 : i32
    %mul3A_57 = vector.broadcast %mul3A_56 : i32 to vector<16xi32>
    %mul3A_58 = arith.muli %iota3A, %mul3A_57 : vector<16xi32>
    %add3A_59 = arith.constant 256 : i32
    %add3A_60 = vector.broadcast %add3A_59 : i32 to vector<16xi32>
    %add3A_61 = arith.addi %mul3A_58, %add3A_60 : vector<16xi32>
    %mul3A_62 = arith.constant 2 : i32
    %mul3A_63 = vector.broadcast %mul3A_62 : i32 to vector<16xi32>
    %mul3A_64 = arith.muli %iota3A, %mul3A_63 : vector<16xi32>
    %add3A_65 = arith.constant 288 : i32
    %add3A_66 = vector.broadcast %add3A_65 : i32 to vector<16xi32>
    %add3A_67 = arith.addi %mul3A_64, %add3A_66 : vector<16xi32>
    %mul3A_68 = arith.constant 2 : i32
    %mul3A_69 = vector.broadcast %mul3A_68 : i32 to vector<16xi32>
    %mul3A_70 = arith.muli %iota3A, %mul3A_69 : vector<16xi32>
    %add3A_71 = arith.constant 320 : i32
    %add3A_72 = vector.broadcast %add3A_71 : i32 to vector<16xi32>
    %add3A_73 = arith.addi %mul3A_70, %add3A_72 : vector<16xi32>
    %mul3A_74 = arith.constant 2 : i32
    %mul3A_75 = vector.broadcast %mul3A_74 : i32 to vector<16xi32>
    %mul3A_76 = arith.muli %iota3A, %mul3A_75 : vector<16xi32>
    %add3A_77 = arith.constant 352 : i32
    %add3A_78 = vector.broadcast %add3A_77 : i32 to vector<16xi32>
    %add3A_79 = arith.addi %mul3A_76, %add3A_78 : vector<16xi32>
    %mul3A_80 = arith.constant 2 : i32
    %mul3A_81 = vector.broadcast %mul3A_80 : i32 to vector<16xi32>
    %mul3A_82 = arith.muli %iota3A, %mul3A_81 : vector<16xi32>
    %add3A_83 = arith.constant 384 : i32
    %add3A_84 = vector.broadcast %add3A_83 : i32 to vector<16xi32>
    %add3A_85 = arith.addi %mul3A_82, %add3A_84 : vector<16xi32>
    %mul3A_86 = arith.constant 2 : i32
    %mul3A_87 = vector.broadcast %mul3A_86 : i32 to vector<16xi32>
    %mul3A_88 = arith.muli %iota3A, %mul3A_87 : vector<16xi32>
    %add3A_89 = arith.constant 416 : i32
    %add3A_90 = vector.broadcast %add3A_89 : i32 to vector<16xi32>
    %add3A_91 = arith.addi %mul3A_88, %add3A_90 : vector<16xi32>
    %mul3A_92 = arith.constant 2 : i32
    %mul3A_93 = vector.broadcast %mul3A_92 : i32 to vector<16xi32>
    %mul3A_94 = arith.muli %iota3A, %mul3A_93 : vector<16xi32>
    %add3A_95 = arith.constant 448 : i32
    %add3A_96 = vector.broadcast %add3A_95 : i32 to vector<16xi32>
    %add3A_97 = arith.addi %mul3A_94, %add3A_96 : vector<16xi32>
    %mul3A_98 = arith.constant 2 : i32
    %mul3A_99 = vector.broadcast %mul3A_98 : i32 to vector<16xi32>
    %mul3A_100 = arith.muli %iota3A, %mul3A_99 : vector<16xi32>
    %add3A_101 = arith.constant 480 : i32
    %add3A_102 = vector.broadcast %add3A_101 : i32 to vector<16xi32>
    %add3A_103 = arith.addi %mul3A_100, %add3A_102 : vector<16xi32>
    %add3A_104 = arith.constant 0 : i32
    %add3A_105 = vector.broadcast %add3A_104 : i32 to vector<16xi32>
    %add3A_106 = arith.addi %mul3A_7, %add3A_105 : vector<16xi32>
    %gather3A = tpu.vector_load_idx %arg5[%add3A_106] : memref<10240xi32, #tpu.memory_space<vmem>>[vector<16xi32>], vector<16xi32>,
    %swap3A = arith.constant 0 : i32
    %swap3A_107 = arith.index_cast %swap3A : i32 to index
    %swap3A_108 = arith.constant 0 : index
    %swap3A_109 = tpu.vector_load %arg6[%swap3A_107, %swap3A_108] {strides = array<i32>} : memref<4x128xi32, #tpu.memory_space<vmem>>, vector<16xi32>,
    tpu.vector_store %arg6[%swap3A_107, %swap3A_108], %gather3A {strides = array<i32>} : memref<4x128xi32, #tpu.memory_space<vmem>>, vector<16xi32>,
    %add3A_110 = arith.constant 320 : i32
    %add3A_111 = vector.broadcast %add3A_110 : i32 to vector<16xi32>
    %add3A_112 = arith.addi %mul3A_7, %add3A_111 : vector<16xi32>
    %gather3A_113 = tpu.vector_load_idx %arg5[%add3A_112] : memref<10240xi32, #tpu.memory_space<vmem>>[vector<16xi32>], vector<16xi32>,
    %swap3A_114 = arith.constant 0 : i32
    %swap3A_115 = arith.index_cast %swap3A_114 : i32 to index
    %swap3A_116 = arith.constant 16 : index
    %swap3A_117 = tpu.vector_load %arg6[%swap3A_115, %swap3A_116] {strides = array<i32>} : memref<4x128xi32, #tpu.memory_space<vmem>>, vector<16xi32>,
    tpu.vector_store %arg6[%swap3A_115, %swap3A_116], %gather3A_113 {strides = array<i32>} : memref<4x128xi32, #tpu.memory_space<vmem>>, vector<16xi32>,
    %add3A_118 = arith.constant 640 : i32
    %add3A_119 = vector.broadcast %add3A_118 : i32 to vector<16xi32>
    %add3A_120 = arith.addi %mul3A_7, %add3A_119 : vector<16xi32>
    %gather3A_121 = tpu.vector_load_idx %arg5[%add3A_120] : memref<10240xi32, #tpu.memory_space<vmem>>[vector<16xi32>], vector<16xi32>,
    %swap3A_122 = arith.constant 0 : i32
    %swap3A_123 = arith.index_cast %swap3A_122 : i32 to index
    %swap3A_124 = arith.constant 32 : index
    %swap3A_125 = tpu.vector_load %arg6[%swap3A_123, %swap3A_124] {strides = array<i32>} : memref<4x128xi32, #tpu.memory_space<vmem>>, vector<16xi32>,
    tpu.vector_store %arg6[%swap3A_123, %swap3A_124], %gather3A_121 {strides = array<i32>} : memref<4x128xi32, #tpu.memory_space<vmem>>, vector<16xi32>,
    %add3A_126 = arith.constant 960 : i32
    %add3A_127 = vector.broadcast %add3A_126 : i32 to vector<16xi32>
    %add3A_128 = arith.addi %mul3A_7, %add3A_127 : vector<16xi32>
    %gather3A_129 = tpu.vector_load_idx %arg5[%add3A_128] : memref<10240xi32, #tpu.memory_space<vmem>>[vector<16xi32>], vector<16xi32>,
    %swap3A_130 = arith.constant 0 : i32
    %swap3A_131 = arith.index_cast %swap3A_130 : i32 to index
    %swap3A_132 = arith.constant 48 : index
    %swap3A_133 = tpu.vector_load %arg6[%swap3A_131, %swap3A_132] {strides = array<i32>} : memref<4x128xi32, #tpu.memory_space<vmem>>, vector<16xi32>,
    tpu.vector_store %arg6[%swap3A_131, %swap3A_132], %gather3A_129 {strides = array<i32>} : memref<4x128xi32, #tpu.memory_space<vmem>>, vector<16xi32>,
    %add3A_134 = arith.constant 1280 : i32
    %add3A_135 = vector.broadcast %add3A_134 : i32 to vector<16xi32>
    %add3A_136 = arith.addi %mul3A_7, %add3A_135 : vector<16xi32>
    %gather3A_137 = tpu.vector_load_idx %arg5[%add3A_136] : memref<10240xi32, #tpu.memory_space<vmem>>[vector<16xi32>], vector<16xi32>,
    %swap3A_138 = arith.constant 0 : i32
    %swap3A_139 = arith.index_cast %swap3A_138 : i32 to index
    %swap3A_140 = arith.constant 64 : index
    %swap3A_141 = tpu.vector_load %arg6[%swap3A_139, %swap3A_140] {strides = array<i32>} : memref<4x128xi32, #tpu.memory_space<vmem>>, vector<16xi32>,
    tpu.vector_store %arg6[%swap3A_139, %swap3A_140], %gather3A_137 {strides = array<i32>} : memref<4x128xi32, #tpu.memory_space<vmem>>, vector<16xi32>,
    %add3A_142 = arith.constant 1600 : i32
    %add3A_143 = vector.broadcast %add3A_142 : i32 to vector<16xi32>
    %add3A_144 = arith.addi %mul3A_7, %add3A_143 : vector<16xi32>
    %gather3A_145 = tpu.vector_load_idx %arg5[%add3A_144] : memref<10240xi32, #tpu.memory_space<vmem>>[vector<16xi32>], vector<16xi32>,
    %swap3A_146 = arith.constant 0 : i32
    %swap3A_147 = arith.index_cast %swap3A_146 : i32 to index
    %swap3A_148 = arith.constant 80 : index
    %swap3A_149 = tpu.vector_load %arg6[%swap3A_147, %swap3A_148] {strides = array<i32>} : memref<4x128xi32, #tpu.memory_space<vmem>>, vector<16xi32>,
    tpu.vector_store %arg6[%swap3A_147, %swap3A_148], %gather3A_145 {strides = array<i32>} : memref<4x128xi32, #tpu.memory_space<vmem>>, vector<16xi32>,
    %add3A_150 = arith.constant 1920 : i32
    %add3A_151 = vector.broadcast %add3A_150 : i32 to vector<16xi32>
    %add3A_152 = arith.addi %mul3A_7, %add3A_151 : vector<16xi32>
    %gather3A_153 = tpu.vector_load_idx %arg5[%add3A_152] : memref<10240xi32, #tpu.memory_space<vmem>>[vector<16xi32>], vector<16xi32>,
    %swap3A_154 = arith.constant 0 : i32
    %swap3A_155 = arith.index_cast %swap3A_154 : i32 to index
    %swap3A_156 = arith.constant 96 : index
    %swap3A_157 = tpu.vector_load %arg6[%swap3A_155, %swap3A_156] {strides = array<i32>} : memref<4x128xi32, #tpu.memory_space<vmem>>, vector<16xi32>,
    tpu.vector_store %arg6[%swap3A_155, %swap3A_156], %gather3A_153 {strides = array<i32>} : memref<4x128xi32, #tpu.memory_space<vmem>>, vector<16xi32>,
    %add3A_158 = arith.constant 2240 : i32
    %add3A_159 = vector.broadcast %add3A_158 : i32 to vector<16xi32>
    %add3A_160 = arith.addi %mul3A_7, %add3A_159 : vector<16xi32>
    %gather3A_161 = tpu.vector_load_idx %arg5[%add3A_160] : memref<10240xi32, #tpu.memory_space<vmem>>[vector<16xi32>], vector<16xi32>,
    %swap3A_162 = arith.constant 0 : i32
    %swap3A_163 = arith.index_cast %swap3A_162 : i32 to index
    %swap3A_164 = arith.constant 112 : index
    %swap3A_165 = tpu.vector_load %arg6[%swap3A_163, %swap3A_164] {strides = array<i32>} : memref<4x128xi32, #tpu.memory_space<vmem>>, vector<16xi32>,
    tpu.vector_store %arg6[%swap3A_163, %swap3A_164], %gather3A_161 {strides = array<i32>} : memref<4x128xi32, #tpu.memory_space<vmem>>, vector<16xi32>,
    %add3A_166 = arith.constant 2560 : i32
    %add3A_167 = vector.broadcast %add3A_166 : i32 to vector<16xi32>
    %add3A_168 = arith.addi %mul3A_7, %add3A_167 : vector<16xi32>
    %gather3A_169 = tpu.vector_load_idx %arg5[%add3A_168] : memref<10240xi32, #tpu.memory_space<vmem>>[vector<16xi32>], vector<16xi32>,
    %swap3A_170 = arith.constant 1 : i32
    %swap3A_171 = arith.index_cast %swap3A_170 : i32 to index
    %swap3A_172 = arith.constant 0 : index
    %swap3A_173 = tpu.vector_load %arg6[%swap3A_171, %swap3A_172] {strides = array<i32>} : memref<4x128xi32, #tpu.memory_space<vmem>>, vector<16xi32>,
    tpu.vector_store %arg6[%swap3A_171, %swap3A_172], %gather3A_169 {strides = array<i32>} : memref<4x128xi32, #tpu.memory_space<vmem>>, vector<16xi32>,
    %add3A_174 = arith.constant 2880 : i32
    %add3A_175 = vector.broadcast %add3A_174 : i32 to vector<16xi32>
    %add3A_176 = arith.addi %mul3A_7, %add3A_175 : vector<16xi32>
    %gather3A_177 = tpu.vector_load_idx %arg5[%add3A_176] : memref<10240xi32, #tpu.memory_space<vmem>>[vector<16xi32>], vector<16xi32>,
    %swap3A_178 = arith.constant 1 : i32
    %swap3A_179 = arith.index_cast %swap3A_178 : i32 to index
    %swap3A_180 = arith.constant 16 : index
    %swap3A_181 = tpu.vector_load %arg6[%swap3A_179, %swap3A_180] {strides = array<i32>} : memref<4x128xi32, #tpu.memory_space<vmem>>, vector<16xi32>,
    tpu.vector_store %arg6[%swap3A_179, %swap3A_180], %gather3A_177 {strides = array<i32>} : memref<4x128xi32, #tpu.memory_space<vmem>>, vector<16xi32>,
    %add3A_182 = arith.constant 3200 : i32
    %add3A_183 = vector.broadcast %add3A_182 : i32 to vector<16xi32>
    %add3A_184 = arith.addi %mul3A_7, %add3A_183 : vector<16xi32>
    %gather3A_185 = tpu.vector_load_idx %arg5[%add3A_184] : memref<10240xi32, #tpu.memory_space<vmem>>[vector<16xi32>], vector<16xi32>,
    %swap3A_186 = arith.constant 1 : i32
    %swap3A_187 = arith.index_cast %swap3A_186 : i32 to index
    %swap3A_188 = arith.constant 32 : index
    %swap3A_189 = tpu.vector_load %arg6[%swap3A_187, %swap3A_188] {strides = array<i32>} : memref<4x128xi32, #tpu.memory_space<vmem>>, vector<16xi32>,
    tpu.vector_store %arg6[%swap3A_187, %swap3A_188], %gather3A_185 {strides = array<i32>} : memref<4x128xi32, #tpu.memory_space<vmem>>, vector<16xi32>,
    %add3A_190 = arith.constant 3520 : i32
    %add3A_191 = vector.broadcast %add3A_190 : i32 to vector<16xi32>
    %add3A_192 = arith.addi %mul3A_7, %add3A_191 : vector<16xi32>
    %gather3A_193 = tpu.vector_load_idx %arg5[%add3A_192] : memref<10240xi32, #tpu.memory_space<vmem>>[vector<16xi32>], vector<16xi32>,
    %swap3A_194 = arith.constant 1 : i32
    %swap3A_195 = arith.index_cast %swap3A_194 : i32 to index
    %swap3A_196 = arith.constant 48 : index
    %swap3A_197 = tpu.vector_load %arg6[%swap3A_195, %swap3A_196] {strides = array<i32>} : memref<4x128xi32, #tpu.memory_space<vmem>>, vector<16xi32>,
    tpu.vector_store %arg6[%swap3A_195, %swap3A_196], %gather3A_193 {strides = array<i32>} : memref<4x128xi32, #tpu.memory_space<vmem>>, vector<16xi32>,
    %add3A_198 = arith.constant 3840 : i32
    %add3A_199 = vector.broadcast %add3A_198 : i32 to vector<16xi32>
    %add3A_200 = arith.addi %mul3A_7, %add3A_199 : vector<16xi32>
    %gather3A_201 = tpu.vector_load_idx %arg5[%add3A_200] : memref<10240xi32, #tpu.memory_space<vmem>>[vector<16xi32>], vector<16xi32>,
    %swap3A_202 = arith.constant 1 : i32
    %swap3A_203 = arith.index_cast %swap3A_202 : i32 to index
    %swap3A_204 = arith.constant 64 : index
    %swap3A_205 = tpu.vector_load %arg6[%swap3A_203, %swap3A_204] {strides = array<i32>} : memref<4x128xi32, #tpu.memory_space<vmem>>, vector<16xi32>,
    tpu.vector_store %arg6[%swap3A_203, %swap3A_204], %gather3A_201 {strides = array<i32>} : memref<4x128xi32, #tpu.memory_space<vmem>>, vector<16xi32>,
    %add3A_206 = arith.constant 4160 : i32
    %add3A_207 = vector.broadcast %add3A_206 : i32 to vector<16xi32>
    %add3A_208 = arith.addi %mul3A_7, %add3A_207 : vector<16xi32>
    %gather3A_209 = tpu.vector_load_idx %arg5[%add3A_208] : memref<10240xi32, #tpu.memory_space<vmem>>[vector<16xi32>], vector<16xi32>,
    %swap3A_210 = arith.constant 1 : i32
    %swap3A_211 = arith.index_cast %swap3A_210 : i32 to index
    %swap3A_212 = arith.constant 80 : index
    %swap3A_213 = tpu.vector_load %arg6[%swap3A_211, %swap3A_212] {strides = array<i32>} : memref<4x128xi32, #tpu.memory_space<vmem>>, vector<16xi32>,
    tpu.vector_store %arg6[%swap3A_211, %swap3A_212], %gather3A_209 {strides = array<i32>} : memref<4x128xi32, #tpu.memory_space<vmem>>, vector<16xi32>,
    %add3A_214 = arith.constant 4480 : i32
    %add3A_215 = vector.broadcast %add3A_214 : i32 to vector<16xi32>
    %add3A_216 = arith.addi %mul3A_7, %add3A_215 : vector<16xi32>
    %gather3A_217 = tpu.vector_load_idx %arg5[%add3A_216] : memref<10240xi32, #tpu.memory_space<vmem>>[vector<16xi32>], vector<16xi32>,
    %swap3A_218 = arith.constant 1 : i32
    %swap3A_219 = arith.index_cast %swap3A_218 : i32 to index
    %swap3A_220 = arith.constant 96 : index
    %swap3A_221 = tpu.vector_load %arg6[%swap3A_219, %swap3A_220] {strides = array<i32>} : memref<4x128xi32, #tpu.memory_space<vmem>>, vector<16xi32>,
    tpu.vector_store %arg6[%swap3A_219, %swap3A_220], %gather3A_217 {strides = array<i32>} : memref<4x128xi32, #tpu.memory_space<vmem>>, vector<16xi32>,
    %add3A_222 = arith.constant 4800 : i32
    %add3A_223 = vector.broadcast %add3A_222 : i32 to vector<16xi32>
    %add3A_224 = arith.addi %mul3A_7, %add3A_223 : vector<16xi32>
    %gather3A_225 = tpu.vector_load_idx %arg5[%add3A_224] : memref<10240xi32, #tpu.memory_space<vmem>>[vector<16xi32>], vector<16xi32>,
    %swap3A_226 = arith.constant 1 : i32
    %swap3A_227 = arith.index_cast %swap3A_226 : i32 to index
    %swap3A_228 = arith.constant 112 : index
    %swap3A_229 = tpu.vector_load %arg6[%swap3A_227, %swap3A_228] {strides = array<i32>} : memref<4x128xi32, #tpu.memory_space<vmem>>, vector<16xi32>,
    tpu.vector_store %arg6[%swap3A_227, %swap3A_228], %gather3A_225 {strides = array<i32>} : memref<4x128xi32, #tpu.memory_space<vmem>>, vector<16xi32>,
    %add3A_230 = arith.constant 5120 : i32
    %add3A_231 = vector.broadcast %add3A_230 : i32 to vector<16xi32>
    %add3A_232 = arith.addi %mul3A_7, %add3A_231 : vector<16xi32>
    %gather3A_233 = tpu.vector_load_idx %arg5[%add3A_232] : memref<10240xi32, #tpu.memory_space<vmem>>[vector<16xi32>], vector<16xi32>,
    %swap3A_234 = arith.constant 2 : i32
    %swap3A_235 = arith.index_cast %swap3A_234 : i32 to index
    %swap3A_236 = arith.constant 0 : index
    %swap3A_237 = tpu.vector_load %arg6[%swap3A_235, %swap3A_236] {strides = array<i32>} : memref<4x128xi32, #tpu.memory_space<vmem>>, vector<16xi32>,
    tpu.vector_store %arg6[%swap3A_235, %swap3A_236], %gather3A_233 {strides = array<i32>} : memref<4x128xi32, #tpu.memory_space<vmem>>, vector<16xi32>,
    %add3A_238 = arith.constant 5440 : i32
    %add3A_239 = vector.broadcast %add3A_238 : i32 to vector<16xi32>
    %add3A_240 = arith.addi %mul3A_7, %add3A_239 : vector<16xi32>
    %gather3A_241 = tpu.vector_load_idx %arg5[%add3A_240] : memref<10240xi32, #tpu.memory_space<vmem>>[vector<16xi32>], vector<16xi32>,
    %swap3A_242 = arith.constant 2 : i32
    %swap3A_243 = arith.index_cast %swap3A_242 : i32 to index
    %swap3A_244 = arith.constant 16 : index
    %swap3A_245 = tpu.vector_load %arg6[%swap3A_243, %swap3A_244] {strides = array<i32>} : memref<4x128xi32, #tpu.memory_space<vmem>>, vector<16xi32>,
    tpu.vector_store %arg6[%swap3A_243, %swap3A_244], %gather3A_241 {strides = array<i32>} : memref<4x128xi32, #tpu.memory_space<vmem>>, vector<16xi32>,
    %add3A_246 = arith.constant 5760 : i32
    %add3A_247 = vector.broadcast %add3A_246 : i32 to vector<16xi32>
    %add3A_248 = arith.addi %mul3A_7, %add3A_247 : vector<16xi32>
    %gather3A_249 = tpu.vector_load_idx %arg5[%add3A_248] : memref<10240xi32, #tpu.memory_space<vmem>>[vector<16xi32>], vector<16xi32>,
    %swap3A_250 = arith.constant 2 : i32
    %swap3A_251 = arith.index_cast %swap3A_250 : i32 to index
    %swap3A_252 = arith.constant 32 : index
    %swap3A_253 = tpu.vector_load %arg6[%swap3A_251, %swap3A_252] {strides = array<i32>} : memref<4x128xi32, #tpu.memory_space<vmem>>, vector<16xi32>,
    tpu.vector_store %arg6[%swap3A_251, %swap3A_252], %gather3A_249 {strides = array<i32>} : memref<4x128xi32, #tpu.memory_space<vmem>>, vector<16xi32>,
    %add3A_254 = arith.constant 6080 : i32
    %add3A_255 = vector.broadcast %add3A_254 : i32 to vector<16xi32>
    %add3A_256 = arith.addi %mul3A_7, %add3A_255 : vector<16xi32>
    %gather3A_257 = tpu.vector_load_idx %arg5[%add3A_256] : memref<10240xi32, #tpu.memory_space<vmem>>[vector<16xi32>], vector<16xi32>,
    %swap3A_258 = arith.constant 2 : i32
    %swap3A_259 = arith.index_cast %swap3A_258 : i32 to index
    %swap3A_260 = arith.constant 48 : index
    %swap3A_261 = tpu.vector_load %arg6[%swap3A_259, %swap3A_260] {strides = array<i32>} : memref<4x128xi32, #tpu.memory_space<vmem>>, vector<16xi32>,
    tpu.vector_store %arg6[%swap3A_259, %swap3A_260], %gather3A_257 {strides = array<i32>} : memref<4x128xi32, #tpu.memory_space<vmem>>, vector<16xi32>,
    %add3A_262 = arith.constant 6400 : i32
    %add3A_263 = vector.broadcast %add3A_262 : i32 to vector<16xi32>
    %add3A_264 = arith.addi %mul3A_7, %add3A_263 : vector<16xi32>
    %gather3A_265 = tpu.vector_load_idx %arg5[%add3A_264] : memref<10240xi32, #tpu.memory_space<vmem>>[vector<16xi32>], vector<16xi32>,
    %swap3A_266 = arith.constant 2 : i32
    %swap3A_267 = arith.index_cast %swap3A_266 : i32 to index
    %swap3A_268 = arith.constant 64 : index
    %swap3A_269 = tpu.vector_load %arg6[%swap3A_267, %swap3A_268] {strides = array<i32>} : memref<4x128xi32, #tpu.memory_space<vmem>>, vector<16xi32>,
    tpu.vector_store %arg6[%swap3A_267, %swap3A_268], %gather3A_265 {strides = array<i32>} : memref<4x128xi32, #tpu.memory_space<vmem>>, vector<16xi32>,
    %add3A_270 = arith.constant 6720 : i32
    %add3A_271 = vector.broadcast %add3A_270 : i32 to vector<16xi32>
    %add3A_272 = arith.addi %mul3A_7, %add3A_271 : vector<16xi32>
    %gather3A_273 = tpu.vector_load_idx %arg5[%add3A_272] : memref<10240xi32, #tpu.memory_space<vmem>>[vector<16xi32>], vector<16xi32>,
    %swap3A_274 = arith.constant 2 : i32
    %swap3A_275 = arith.index_cast %swap3A_274 : i32 to index
    %swap3A_276 = arith.constant 80 : index
    %swap3A_277 = tpu.vector_load %arg6[%swap3A_275, %swap3A_276] {strides = array<i32>} : memref<4x128xi32, #tpu.memory_space<vmem>>, vector<16xi32>,
    tpu.vector_store %arg6[%swap3A_275, %swap3A_276], %gather3A_273 {strides = array<i32>} : memref<4x128xi32, #tpu.memory_space<vmem>>, vector<16xi32>,
    %add3A_278 = arith.constant 7040 : i32
    %add3A_279 = vector.broadcast %add3A_278 : i32 to vector<16xi32>
    %add3A_280 = arith.addi %mul3A_7, %add3A_279 : vector<16xi32>
    %gather3A_281 = tpu.vector_load_idx %arg5[%add3A_280] : memref<10240xi32, #tpu.memory_space<vmem>>[vector<16xi32>], vector<16xi32>,
    %swap3A_282 = arith.constant 2 : i32
    %swap3A_283 = arith.index_cast %swap3A_282 : i32 to index
    %swap3A_284 = arith.constant 96 : index
    %swap3A_285 = tpu.vector_load %arg6[%swap3A_283, %swap3A_284] {strides = array<i32>} : memref<4x128xi32, #tpu.memory_space<vmem>>, vector<16xi32>,
    tpu.vector_store %arg6[%swap3A_283, %swap3A_284], %gather3A_281 {strides = array<i32>} : memref<4x128xi32, #tpu.memory_space<vmem>>, vector<16xi32>,
    %add3A_286 = arith.constant 7360 : i32
    %add3A_287 = vector.broadcast %add3A_286 : i32 to vector<16xi32>
    %add3A_288 = arith.addi %mul3A_7, %add3A_287 : vector<16xi32>
    %gather3A_289 = tpu.vector_load_idx %arg5[%add3A_288] : memref<10240xi32, #tpu.memory_space<vmem>>[vector<16xi32>], vector<16xi32>,
    %swap3A_290 = arith.constant 2 : i32
    %swap3A_291 = arith.index_cast %swap3A_290 : i32 to index
    %swap3A_292 = arith.constant 112 : index
    %swap3A_293 = tpu.vector_load %arg6[%swap3A_291, %swap3A_292] {strides = array<i32>} : memref<4x128xi32, #tpu.memory_space<vmem>>, vector<16xi32>,
    tpu.vector_store %arg6[%swap3A_291, %swap3A_292], %gather3A_289 {strides = array<i32>} : memref<4x128xi32, #tpu.memory_space<vmem>>, vector<16xi32>,
    %add3A_294 = arith.constant 7680 : i32
    %add3A_295 = vector.broadcast %add3A_294 : i32 to vector<16xi32>
    %add3A_296 = arith.addi %mul3A_7, %add3A_295 : vector<16xi32>
    %gather3A_297 = tpu.vector_load_idx %arg5[%add3A_296] : memref<10240xi32, #tpu.memory_space<vmem>>[vector<16xi32>], vector<16xi32>,
    %swap3A_298 = arith.constant 3 : i32
    %swap3A_299 = arith.index_cast %swap3A_298 : i32 to index
    %swap3A_300 = arith.constant 0 : index
    %swap3A_301 = tpu.vector_load %arg6[%swap3A_299, %swap3A_300] {strides = array<i32>} : memref<4x128xi32, #tpu.memory_space<vmem>>, vector<16xi32>,
    tpu.vector_store %arg6[%swap3A_299, %swap3A_300], %gather3A_297 {strides = array<i32>} : memref<4x128xi32, #tpu.memory_space<vmem>>, vector<16xi32>,
    %add3A_302 = arith.constant 8000 : i32
    %add3A_303 = vector.broadcast %add3A_302 : i32 to vector<16xi32>
    %add3A_304 = arith.addi %mul3A_7, %add3A_303 : vector<16xi32>
    %gather3A_305 = tpu.vector_load_idx %arg5[%add3A_304] : memref<10240xi32, #tpu.memory_space<vmem>>[vector<16xi32>], vector<16xi32>,
    %swap3A_306 = arith.constant 3 : i32
    %swap3A_307 = arith.index_cast %swap3A_306 : i32 to index
    %swap3A_308 = arith.constant 16 : index
    %swap3A_309 = tpu.vector_load %arg6[%swap3A_307, %swap3A_308] {strides = array<i32>} : memref<4x128xi32, #tpu.memory_space<vmem>>, vector<16xi32>,
    tpu.vector_store %arg6[%swap3A_307, %swap3A_308], %gather3A_305 {strides = array<i32>} : memref<4x128xi32, #tpu.memory_space<vmem>>, vector<16xi32>,
    %add3A_310 = arith.constant 8320 : i32
    %add3A_311 = vector.broadcast %add3A_310 : i32 to vector<16xi32>
    %add3A_312 = arith.addi %mul3A_7, %add3A_311 : vector<16xi32>
    %gather3A_313 = tpu.vector_load_idx %arg5[%add3A_312] : memref<10240xi32, #tpu.memory_space<vmem>>[vector<16xi32>], vector<16xi32>,
    %swap3A_314 = arith.constant 3 : i32
    %swap3A_315 = arith.index_cast %swap3A_314 : i32 to index
    %swap3A_316 = arith.constant 32 : index
    %swap3A_317 = tpu.vector_load %arg6[%swap3A_315, %swap3A_316] {strides = array<i32>} : memref<4x128xi32, #tpu.memory_space<vmem>>, vector<16xi32>,
    tpu.vector_store %arg6[%swap3A_315, %swap3A_316], %gather3A_313 {strides = array<i32>} : memref<4x128xi32, #tpu.memory_space<vmem>>, vector<16xi32>,
    %add3A_318 = arith.constant 8640 : i32
    %add3A_319 = vector.broadcast %add3A_318 : i32 to vector<16xi32>
    %add3A_320 = arith.addi %mul3A_7, %add3A_319 : vector<16xi32>
    %gather3A_321 = tpu.vector_load_idx %arg5[%add3A_320] : memref<10240xi32, #tpu.memory_space<vmem>>[vector<16xi32>], vector<16xi32>,
    %swap3A_322 = arith.constant 3 : i32
    %swap3A_323 = arith.index_cast %swap3A_322 : i32 to index
    %swap3A_324 = arith.constant 48 : index
    %swap3A_325 = tpu.vector_load %arg6[%swap3A_323, %swap3A_324] {strides = array<i32>} : memref<4x128xi32, #tpu.memory_space<vmem>>, vector<16xi32>,
    tpu.vector_store %arg6[%swap3A_323, %swap3A_324], %gather3A_321 {strides = array<i32>} : memref<4x128xi32, #tpu.memory_space<vmem>>, vector<16xi32>,
    %add3A_326 = arith.constant 8960 : i32
    %add3A_327 = vector.broadcast %add3A_326 : i32 to vector<16xi32>
    %add3A_328 = arith.addi %mul3A_7, %add3A_327 : vector<16xi32>
    %gather3A_329 = tpu.vector_load_idx %arg5[%add3A_328] : memref<10240xi32, #tpu.memory_space<vmem>>[vector<16xi32>], vector<16xi32>,
    %swap3A_330 = arith.constant 3 : i32
    %swap3A_331 = arith.index_cast %swap3A_330 : i32 to index
    %swap3A_332 = arith.constant 64 : index
    %swap3A_333 = tpu.vector_load %arg6[%swap3A_331, %swap3A_332] {strides = array<i32>} : memref<4x128xi32, #tpu.memory_space<vmem>>, vector<16xi32>,
    tpu.vector_store %arg6[%swap3A_331, %swap3A_332], %gather3A_329 {strides = array<i32>} : memref<4x128xi32, #tpu.memory_space<vmem>>, vector<16xi32>,
    %add3A_334 = arith.constant 9280 : i32
    %add3A_335 = vector.broadcast %add3A_334 : i32 to vector<16xi32>
    %add3A_336 = arith.addi %mul3A_7, %add3A_335 : vector<16xi32>
    %gather3A_337 = tpu.vector_load_idx %arg5[%add3A_336] : memref<10240xi32, #tpu.memory_space<vmem>>[vector<16xi32>], vector<16xi32>,
    %swap3A_338 = arith.constant 3 : i32
    %swap3A_339 = arith.index_cast %swap3A_338 : i32 to index
    %swap3A_340 = arith.constant 80 : index
    %swap3A_341 = tpu.vector_load %arg6[%swap3A_339, %swap3A_340] {strides = array<i32>} : memref<4x128xi32, #tpu.memory_space<vmem>>, vector<16xi32>,
    tpu.vector_store %arg6[%swap3A_339, %swap3A_340], %gather3A_337 {strides = array<i32>} : memref<4x128xi32, #tpu.memory_space<vmem>>, vector<16xi32>,
    %add3A_342 = arith.constant 9600 : i32
    %add3A_343 = vector.broadcast %add3A_342 : i32 to vector<16xi32>
    %add3A_344 = arith.addi %mul3A_7, %add3A_343 : vector<16xi32>
    %gather3A_345 = tpu.vector_load_idx %arg5[%add3A_344] : memref<10240xi32, #tpu.memory_space<vmem>>[vector<16xi32>], vector<16xi32>,
    %swap3A_346 = arith.constant 3 : i32
    %swap3A_347 = arith.index_cast %swap3A_346 : i32 to index
    %swap3A_348 = arith.constant 96 : index
    %swap3A_349 = tpu.vector_load %arg6[%swap3A_347, %swap3A_348] {strides = array<i32>} : memref<4x128xi32, #tpu.memory_space<vmem>>, vector<16xi32>,
    tpu.vector_store %arg6[%swap3A_347, %swap3A_348], %gather3A_345 {strides = array<i32>} : memref<4x128xi32, #tpu.memory_space<vmem>>, vector<16xi32>,
    %add3A_350 = arith.constant 9920 : i32
    %add3A_351 = vector.broadcast %add3A_350 : i32 to vector<16xi32>
    %add3A_352 = arith.addi %mul3A_7, %add3A_351 : vector<16xi32>
    %gather3A_353 = tpu.vector_load_idx %arg5[%add3A_352] : memref<10240xi32, #tpu.memory_space<vmem>>[vector<16xi32>], vector<16xi32>,
    %swap3A_354 = arith.constant 3 : i32
    %swap3A_355 = arith.index_cast %swap3A_354 : i32 to index
    %swap3A_356 = arith.constant 112 : index
    %swap3A_357 = tpu.vector_load %arg6[%swap3A_355, %swap3A_356] {strides = array<i32>} : memref<4x128xi32, #tpu.memory_space<vmem>>, vector<16xi32>,
    tpu.vector_store %arg6[%swap3A_355, %swap3A_356], %gather3A_353 {strides = array<i32>} : memref<4x128xi32, #tpu.memory_space<vmem>>, vector<16xi32>,
    %dma_start3A = arith.constant 0 : i32
    %dma_start3A_358 = arith.constant 0 : i32
    %dma_start3A_359 = arith.constant 0 : i32
    %dma_start3A_360 = tpu.memref_slice %arg8[%dma_start3A_358, %dma_start3A_359] : memref<512x32xf32, #tpu.memory_space<vmem>> -> memref<128x32xf32, #tpu.memory_space<vmem>>
    %dma_start3A_361 = arith.constant 0 : i32
    %dma_start3A_362 = tpu.memref_slice %arg6[%dma_start3A, %dma_start3A_361] : memref<4x128xi32, #tpu.memory_space<vmem>> -> memref<1x128xi32, #tpu.memory_space<vmem>>
    %dma_start3A_363 = tpu.memref_squeeze %dma_start3A_362 : memref<1x128xi32, #tpu.memory_space<vmem>> -> memref<128xi32, #tpu.memory_space<vmem>>
    %dma_start3A_364 = arith.constant 0 : i32
    %dma_start3A_365 = arith.constant 0 : i32
    %dma_start3A_366 = tpu.memref_slice %arg3[%dma_start3A_364, %dma_start3A_365] : memref<1000000x32xf32, #tpu.memory_space<hbm>> -> memref<1000000x32xf32, #tpu.memory_space<hbm>>
    tpu.enqueue_indirect_dma source(%dma_start3A_366 : memref<1000000x32xf32, #tpu.memory_space<hbm>>) target(%dma_start3A_360 : memref<128x32xf32, #tpu.memory_space<vmem>>) offsets(%dma_start3A_363 : memref<128xi32, #tpu.memory_space<vmem>>) semaphore(%arg11 : memref<!tpu.dma_semaphore, #tpu.memory_space<semaphore_mem>>)
    %dma_start3A_367 = arith.constant 1 : i32
    %dma_start3A_368 = arith.constant 128 : i32
    %dma_start3A_369 = arith.constant 0 : i32
    %dma_start3A_370 = tpu.memref_slice %arg8[%dma_start3A_368, %dma_start3A_369] : memref<512x32xf32, #tpu.memory_space<vmem>> -> memref<128x32xf32, #tpu.memory_space<vmem>>
    %dma_start3A_371 = arith.constant 0 : i32
    %dma_start3A_372 = tpu.memref_slice %arg6[%dma_start3A_367, %dma_start3A_371] : memref<4x128xi32, #tpu.memory_space<vmem>> -> memref<1x128xi32, #tpu.memory_space<vmem>>
    %dma_start3A_373 = tpu.memref_squeeze %dma_start3A_372 : memref<1x128xi32, #tpu.memory_space<vmem>> -> memref<128xi32, #tpu.memory_space<vmem>>
    %dma_start3A_374 = arith.constant 0 : i32
    %dma_start3A_375 = arith.constant 0 : i32
    %dma_start3A_376 = tpu.memref_slice %arg3[%dma_start3A_374, %dma_start3A_375] : memref<1000000x32xf32, #tpu.memory_space<hbm>> -> memref<1000000x32xf32, #tpu.memory_space<hbm>>
    tpu.enqueue_indirect_dma source(%dma_start3A_376 : memref<1000000x32xf32, #tpu.memory_space<hbm>>) target(%dma_start3A_370 : memref<128x32xf32, #tpu.memory_space<vmem>>) offsets(%dma_start3A_373 : memref<128xi32, #tpu.memory_space<vmem>>) semaphore(%arg11 : memref<!tpu.dma_semaphore, #tpu.memory_space<semaphore_mem>>)
    %dma_start3A_377 = arith.constant 2 : i32
    %dma_start3A_378 = arith.constant 256 : i32
    %dma_start3A_379 = arith.constant 0 : i32
    %dma_start3A_380 = tpu.memref_slice %arg8[%dma_start3A_378, %dma_start3A_379] : memref<512x32xf32, #tpu.memory_space<vmem>> -> memref<128x32xf32, #tpu.memory_space<vmem>>
    %dma_start3A_381 = arith.constant 0 : i32
    %dma_start3A_382 = tpu.memref_slice %arg6[%dma_start3A_377, %dma_start3A_381] : memref<4x128xi32, #tpu.memory_space<vmem>> -> memref<1x128xi32, #tpu.memory_space<vmem>>
    %dma_start3A_383 = tpu.memref_squeeze %dma_start3A_382 : memref<1x128xi32, #tpu.memory_space<vmem>> -> memref<128xi32, #tpu.memory_space<vmem>>
    %dma_start3A_384 = arith.constant 0 : i32
    %dma_start3A_385 = arith.constant 0 : i32
    %dma_start3A_386 = tpu.memref_slice %arg3[%dma_start3A_384, %dma_start3A_385] : memref<1000000x32xf32, #tpu.memory_space<hbm>> -> memref<1000000x32xf32, #tpu.memory_space<hbm>>
    tpu.enqueue_indirect_dma source(%dma_start3A_386 : memref<1000000x32xf32, #tpu.memory_space<hbm>>) target(%dma_start3A_380 : memref<128x32xf32, #tpu.memory_space<vmem>>) offsets(%dma_start3A_383 : memref<128xi32, #tpu.memory_space<vmem>>) semaphore(%arg11 : memref<!tpu.dma_semaphore, #tpu.memory_space<semaphore_mem>>)
    %dma_start3A_387 = arith.constant 3 : i32
    %dma_start3A_388 = arith.constant 384 : i32
    %dma_start3A_389 = arith.constant 0 : i32
    %dma_start3A_390 = tpu.memref_slice %arg8[%dma_start3A_388, %dma_start3A_389] : memref<512x32xf32, #tpu.memory_space<vmem>> -> memref<128x32xf32, #tpu.memory_space<vmem>>
    %dma_start3A_391 = arith.constant 0 : i32
    %dma_start3A_392 = tpu.memref_slice %arg6[%dma_start3A_387, %dma_start3A_391] : memref<4x128xi32, #tpu.memory_space<vmem>> -> memref<1x128xi32, #tpu.memory_space<vmem>>
    %dma_start3A_393 = tpu.memref_squeeze %dma_start3A_392 : memref<1x128xi32, #tpu.memory_space<vmem>> -> memref<128xi32, #tpu.memory_space<vmem>>
    %dma_start3A_394 = arith.constant 0 : i32
    %dma_start3A_395 = arith.constant 0 : i32
    %dma_start3A_396 = tpu.memref_slice %arg3[%dma_start3A_394, %dma_start3A_395] : memref<1000000x32xf32, #tpu.memory_space<hbm>> -> memref<1000000x32xf32, #tpu.memory_space<hbm>>
    tpu.enqueue_indirect_dma source(%dma_start3A_396 : memref<1000000x32xf32, #tpu.memory_space<hbm>>) target(%dma_start3A_390 : memref<128x32xf32, #tpu.memory_space<vmem>>) offsets(%dma_start3A_393 : memref<128xi32, #tpu.memory_space<vmem>>) semaphore(%arg11 : memref<!tpu.dma_semaphore, #tpu.memory_space<semaphore_mem>>)
    %scan3A = arith.constant 0 : i32
    %scan3A_397 = arith.constant 10 : i32
    %scan3A_398 = arith.addi %scan3A, %scan3A_397 : i32
    %scan3A_399 = arith.constant 1 : i32
    scf.for %scan3A_401 = %scan3A to %scan3A_398 step %scan3A_399  : i32 {
      %mul3A_402 = arith.constant 2 : i32
      %mul3A_403 = arith.muli %scan3A_401, %mul3A_402 : i32
      %add3A_404 = arith.constant 0 : i32
      %add3A_405 = arith.addi %add3A_404, %mul3A_403 : i32
      %add3A_406 = arith.constant 0 : i32
      %add3A_407 = arith.addi %add3A_405, %add3A_406 : i32
      %add3A_408 = arith.constant 1 : i32
      %add3A_409 = arith.addi %add3A_407, %add3A_408 : i32
      %lt3A = arith.constant 20 : i32
      %lt3A_410 = arith.cmpi slt, %add3A_409, %lt3A : i32
      %convert_element_type3A = arith.extui %lt3A_410 : i1 to i32
      %cond3A = arith.constant 0 : i32
      %cond3A_411 = arith.cmpi ne, %convert_element_type3A, %cond3A : i32
      scf.if %cond3A_411 {
        %add3A_514 = arith.constant 1 : i32
        %add3A_515 = arith.addi %add3A_407, %add3A_514 : i32
        %add3A_516 = arith.constant 0 : i32
        %add3A_517 = arith.addi %add3A_516, %add3A_515 : i32
        %add3A_518 = vector.broadcast %add3A_517 : i32 to vector<16xi32>
        %add3A_519 = arith.addi %mul3A_7, %add3A_518 : vector<16xi32>
        %gather3A_520 = tpu.vector_load_idx %arg5[%add3A_519] : memref<10240xi32, #tpu.memory_space<vmem>>[vector<16xi32>], vector<16xi32>,
        %swap3A_521 = arith.constant 0 : i32
        %swap3A_522 = arith.index_cast %swap3A_521 : i32 to index
        %swap3A_523 = arith.constant 0 : index
        %swap3A_524 = tpu.vector_load %arg7[%swap3A_522, %swap3A_523] {strides = array<i32>} : memref<4x128xi32, #tpu.memory_space<vmem>>, vector<16xi32>,
        tpu.vector_store %arg7[%swap3A_522, %swap3A_523], %gather3A_520 {strides = array<i32>} : memref<4x128xi32, #tpu.memory_space<vmem>>, vector<16xi32>,
        %add3A_525 = arith.constant 320 : i32
        %add3A_526 = arith.addi %add3A_525, %add3A_515 : i32
        %add3A_527 = vector.broadcast %add3A_526 : i32 to vector<16xi32>
        %add3A_528 = arith.addi %mul3A_7, %add3A_527 : vector<16xi32>
        %gather3A_529 = tpu.vector_load_idx %arg5[%add3A_528] : memref<10240xi32, #tpu.memory_space<vmem>>[vector<16xi32>], vector<16xi32>,
        %swap3A_530 = arith.constant 0 : i32
        %swap3A_531 = arith.index_cast %swap3A_530 : i32 to index
        %swap3A_532 = arith.constant 16 : index
        %swap3A_533 = tpu.vector_load %arg7[%swap3A_531, %swap3A_532] {strides = array<i32>} : memref<4x128xi32, #tpu.memory_space<vmem>>, vector<16xi32>,
        tpu.vector_store %arg7[%swap3A_531, %swap3A_532], %gather3A_529 {strides = array<i32>} : memref<4x128xi32, #tpu.memory_space<vmem>>, vector<16xi32>,
        %add3A_534 = arith.constant 640 : i32
        %add3A_535 = arith.addi %add3A_534, %add3A_515 : i32
        %add3A_536 = vector.broadcast %add3A_535 : i32 to vector<16xi32>
        %add3A_537 = arith.addi %mul3A_7, %add3A_536 : vector<16xi32>
        %gather3A_538 = tpu.vector_load_idx %arg5[%add3A_537] : memref<10240xi32, #tpu.memory_space<vmem>>[vector<16xi32>], vector<16xi32>,
        %swap3A_539 = arith.constant 0 : i32
        %swap3A_540 = arith.index_cast %swap3A_539 : i32 to index
        %swap3A_541 = arith.constant 32 : index
        %swap3A_542 = tpu.vector_load %arg7[%swap3A_540, %swap3A_541] {strides = array<i32>} : memref<4x128xi32, #tpu.memory_space<vmem>>, vector<16xi32>,
        tpu.vector_store %arg7[%swap3A_540, %swap3A_541], %gather3A_538 {strides = array<i32>} : memref<4x128xi32, #tpu.memory_space<vmem>>, vector<16xi32>,
        %add3A_543 = arith.constant 960 : i32
        %add3A_544 = arith.addi %add3A_543, %add3A_515 : i32
        %add3A_545 = vector.broadcast %add3A_544 : i32 to vector<16xi32>
        %add3A_546 = arith.addi %mul3A_7, %add3A_545 : vector<16xi32>
        %gather3A_547 = tpu.vector_load_idx %arg5[%add3A_546] : memref<10240xi32, #tpu.memory_space<vmem>>[vector<16xi32>], vector<16xi32>,
        %swap3A_548 = arith.constant 0 : i32
        %swap3A_549 = arith.index_cast %swap3A_548 : i32 to index
        %swap3A_550 = arith.constant 48 : index
        %swap3A_551 = tpu.vector_load %arg7[%swap3A_549, %swap3A_550] {strides = array<i32>} : memref<4x128xi32, #tpu.memory_space<vmem>>, vector<16xi32>,
        tpu.vector_store %arg7[%swap3A_549, %swap3A_550], %gather3A_547 {strides = array<i32>} : memref<4x128xi32, #tpu.memory_space<vmem>>, vector<16xi32>,
        %add3A_552 = arith.constant 1280 : i32
        %add3A_553 = arith.addi %add3A_552, %add3A_515 : i32
        %add3A_554 = vector.broadcast %add3A_553 : i32 to vector<16xi32>
        %add3A_555 = arith.addi %mul3A_7, %add3A_554 : vector<16xi32>
        %gather3A_556 = tpu.vector_load_idx %arg5[%add3A_555] : memref<10240xi32, #tpu.memory_space<vmem>>[vector<16xi32>], vector<16xi32>,
        %swap3A_557 = arith.constant 0 : i32
        %swap3A_558 = arith.index_cast %swap3A_557 : i32 to index
        %swap3A_559 = arith.constant 64 : index
        %swap3A_560 = tpu.vector_load %arg7[%swap3A_558, %swap3A_559] {strides = array<i32>} : memref<4x128xi32, #tpu.memory_space<vmem>>, vector<16xi32>,
        tpu.vector_store %arg7[%swap3A_558, %swap3A_559], %gather3A_556 {strides = array<i32>} : memref<4x128xi32, #tpu.memory_space<vmem>>, vector<16xi32>,
        %add3A_561 = arith.constant 1600 : i32
        %add3A_562 = arith.addi %add3A_561, %add3A_515 : i32
        %add3A_563 = vector.broadcast %add3A_562 : i32 to vector<16xi32>
        %add3A_564 = arith.addi %mul3A_7, %add3A_563 : vector<16xi32>
        %gather3A_565 = tpu.vector_load_idx %arg5[%add3A_564] : memref<10240xi32, #tpu.memory_space<vmem>>[vector<16xi32>], vector<16xi32>,
        %swap3A_566 = arith.constant 0 : i32
        %swap3A_567 = arith.index_cast %swap3A_566 : i32 to index
        %swap3A_568 = arith.constant 80 : index
        %swap3A_569 = tpu.vector_load %arg7[%swap3A_567, %swap3A_568] {strides = array<i32>} : memref<4x128xi32, #tpu.memory_space<vmem>>, vector<16xi32>,
        tpu.vector_store %arg7[%swap3A_567, %swap3A_568], %gather3A_565 {strides = array<i32>} : memref<4x128xi32, #tpu.memory_space<vmem>>, vector<16xi32>,
        %add3A_570 = arith.constant 1920 : i32
        %add3A_571 = arith.addi %add3A_570, %add3A_515 : i32
        %add3A_572 = vector.broadcast %add3A_571 : i32 to vector<16xi32>
        %add3A_573 = arith.addi %mul3A_7, %add3A_572 : vector<16xi32>
        %gather3A_574 = tpu.vector_load_idx %arg5[%add3A_573] : memref<10240xi32, #tpu.memory_space<vmem>>[vector<16xi32>], vector<16xi32>,
        %swap3A_575 = arith.constant 0 : i32
        %swap3A_576 = arith.index_cast %swap3A_575 : i32 to index
        %swap3A_577 = arith.constant 96 : index
        %swap3A_578 = tpu.vector_load %arg7[%swap3A_576, %swap3A_577] {strides = array<i32>} : memref<4x128xi32, #tpu.memory_space<vmem>>, vector<16xi32>,
        tpu.vector_store %arg7[%swap3A_576, %swap3A_577], %gather3A_574 {strides = array<i32>} : memref<4x128xi32, #tpu.memory_space<vmem>>, vector<16xi32>,
        %add3A_579 = arith.constant 2240 : i32
        %add3A_580 = arith.addi %add3A_579, %add3A_515 : i32
        %add3A_581 = vector.broadcast %add3A_580 : i32 to vector<16xi32>
        %add3A_582 = arith.addi %mul3A_7, %add3A_581 : vector<16xi32>
        %gather3A_583 = tpu.vector_load_idx %arg5[%add3A_582] : memref<10240xi32, #tpu.memory_space<vmem>>[vector<16xi32>], vector<16xi32>,
        %swap3A_584 = arith.constant 0 : i32
        %swap3A_585 = arith.index_cast %swap3A_584 : i32 to index
        %swap3A_586 = arith.constant 112 : index
        %swap3A_587 = tpu.vector_load %arg7[%swap3A_585, %swap3A_586] {strides = array<i32>} : memref<4x128xi32, #tpu.memory_space<vmem>>, vector<16xi32>,
        tpu.vector_store %arg7[%swap3A_585, %swap3A_586], %gather3A_583 {strides = array<i32>} : memref<4x128xi32, #tpu.memory_space<vmem>>, vector<16xi32>,
        %add3A_588 = arith.constant 2560 : i32
        %add3A_589 = arith.addi %add3A_588, %add3A_515 : i32
        %add3A_590 = vector.broadcast %add3A_589 : i32 to vector<16xi32>
        %add3A_591 = arith.addi %mul3A_7, %add3A_590 : vector<16xi32>
        %gather3A_592 = tpu.vector_load_idx %arg5[%add3A_591] : memref<10240xi32, #tpu.memory_space<vmem>>[vector<16xi32>], vector<16xi32>,
        %swap3A_593 = arith.constant 1 : i32
        %swap3A_594 = arith.index_cast %swap3A_593 : i32 to index
        %swap3A_595 = arith.constant 0 : index
        %swap3A_596 = tpu.vector_load %arg7[%swap3A_594, %swap3A_595] {strides = array<i32>} : memref<4x128xi32, #tpu.memory_space<vmem>>, vector<16xi32>,
        tpu.vector_store %arg7[%swap3A_594, %swap3A_595], %gather3A_592 {strides = array<i32>} : memref<4x128xi32, #tpu.memory_space<vmem>>, vector<16xi32>,
        %add3A_597 = arith.constant 2880 : i32
        %add3A_598 = arith.addi %add3A_597, %add3A_515 : i32
        %add3A_599 = vector.broadcast %add3A_598 : i32 to vector<16xi32>
        %add3A_600 = arith.addi %mul3A_7, %add3A_599 : vector<16xi32>
        %gather3A_601 = tpu.vector_load_idx %arg5[%add3A_600] : memref<10240xi32, #tpu.memory_space<vmem>>[vector<16xi32>], vector<16xi32>,
        %swap3A_602 = arith.constant 1 : i32
        %swap3A_603 = arith.index_cast %swap3A_602 : i32 to index
        %swap3A_604 = arith.constant 16 : index
        %swap3A_605 = tpu.vector_load %arg7[%swap3A_603, %swap3A_604] {strides = array<i32>} : memref<4x128xi32, #tpu.memory_space<vmem>>, vector<16xi32>,
        tpu.vector_store %arg7[%swap3A_603, %swap3A_604], %gather3A_601 {strides = array<i32>} : memref<4x128xi32, #tpu.memory_space<vmem>>, vector<16xi32>,
        %add3A_606 = arith.constant 3200 : i32
        %add3A_607 = arith.addi %add3A_606, %add3A_515 : i32
        %add3A_608 = vector.broadcast %add3A_607 : i32 to vector<16xi32>
        %add3A_609 = arith.addi %mul3A_7, %add3A_608 : vector<16xi32>
        %gather3A_610 = tpu.vector_load_idx %arg5[%add3A_609] : memref<10240xi32, #tpu.memory_space<vmem>>[vector<16xi32>], vector<16xi32>,
        %swap3A_611 = arith.constant 1 : i32
        %swap3A_612 = arith.index_cast %swap3A_611 : i32 to index
        %swap3A_613 = arith.constant 32 : index
        %swap3A_614 = tpu.vector_load %arg7[%swap3A_612, %swap3A_613] {strides = array<i32>} : memref<4x128xi32, #tpu.memory_space<vmem>>, vector<16xi32>,
        tpu.vector_store %arg7[%swap3A_612, %swap3A_613], %gather3A_610 {strides = array<i32>} : memref<4x128xi32, #tpu.memory_space<vmem>>, vector<16xi32>,
        %add3A_615 = arith.constant 3520 : i32
        %add3A_616 = arith.addi %add3A_615, %add3A_515 : i32
        %add3A_617 = vector.broadcast %add3A_616 : i32 to vector<16xi32>
        %add3A_618 = arith.addi %mul3A_7, %add3A_617 : vector<16xi32>
        %gather3A_619 = tpu.vector_load_idx %arg5[%add3A_618] : memref<10240xi32, #tpu.memory_space<vmem>>[vector<16xi32>], vector<16xi32>,
        %swap3A_620 = arith.constant 1 : i32
        %swap3A_621 = arith.index_cast %swap3A_620 : i32 to index
        %swap3A_622 = arith.constant 48 : index
        %swap3A_623 = tpu.vector_load %arg7[%swap3A_621, %swap3A_622] {strides = array<i32>} : memref<4x128xi32, #tpu.memory_space<vmem>>, vector<16xi32>,
        tpu.vector_store %arg7[%swap3A_621, %swap3A_622], %gather3A_619 {strides = array<i32>} : memref<4x128xi32, #tpu.memory_space<vmem>>, vector<16xi32>,
        %add3A_624 = arith.constant 3840 : i32
        %add3A_625 = arith.addi %add3A_624, %add3A_515 : i32
        %add3A_626 = vector.broadcast %add3A_625 : i32 to vector<16xi32>
        %add3A_627 = arith.addi %mul3A_7, %add3A_626 : vector<16xi32>
        %gather3A_628 = tpu.vector_load_idx %arg5[%add3A_627] : memref<10240xi32, #tpu.memory_space<vmem>>[vector<16xi32>], vector<16xi32>,
        %swap3A_629 = arith.constant 1 : i32
        %swap3A_630 = arith.index_cast %swap3A_629 : i32 to index
        %swap3A_631 = arith.constant 64 : index
        %swap3A_632 = tpu.vector_load %arg7[%swap3A_630, %swap3A_631] {strides = array<i32>} : memref<4x128xi32, #tpu.memory_space<vmem>>, vector<16xi32>,
        tpu.vector_store %arg7[%swap3A_630, %swap3A_631], %gather3A_628 {strides = array<i32>} : memref<4x128xi32, #tpu.memory_space<vmem>>, vector<16xi32>,
        %add3A_633 = arith.constant 4160 : i32
        %add3A_634 = arith.addi %add3A_633, %add3A_515 : i32
        %add3A_635 = vector.broadcast %add3A_634 : i32 to vector<16xi32>
        %add3A_636 = arith.addi %mul3A_7, %add3A_635 : vector<16xi32>
        %gather3A_637 = tpu.vector_load_idx %arg5[%add3A_636] : memref<10240xi32, #tpu.memory_space<vmem>>[vector<16xi32>], vector<16xi32>,
        %swap3A_638 = arith.constant 1 : i32
        %swap3A_639 = arith.index_cast %swap3A_638 : i32 to index
        %swap3A_640 = arith.constant 80 : index
        %swap3A_641 = tpu.vector_load %arg7[%swap3A_639, %swap3A_640] {strides = array<i32>} : memref<4x128xi32, #tpu.memory_space<vmem>>, vector<16xi32>,
        tpu.vector_store %arg7[%swap3A_639, %swap3A_640], %gather3A_637 {strides = array<i32>} : memref<4x128xi32, #tpu.memory_space<vmem>>, vector<16xi32>,
        %add3A_642 = arith.constant 4480 : i32
        %add3A_643 = arith.addi %add3A_642, %add3A_515 : i32
        %add3A_644 = vector.broadcast %add3A_643 : i32 to vector<16xi32>
        %add3A_645 = arith.addi %mul3A_7, %add3A_644 : vector<16xi32>
        %gather3A_646 = tpu.vector_load_idx %arg5[%add3A_645] : memref<10240xi32, #tpu.memory_space<vmem>>[vector<16xi32>], vector<16xi32>,
        %swap3A_647 = arith.constant 1 : i32
        %swap3A_648 = arith.index_cast %swap3A_647 : i32 to index
        %swap3A_649 = arith.constant 96 : index
        %swap3A_650 = tpu.vector_load %arg7[%swap3A_648, %swap3A_649] {strides = array<i32>} : memref<4x128xi32, #tpu.memory_space<vmem>>, vector<16xi32>,
        tpu.vector_store %arg7[%swap3A_648, %swap3A_649], %gather3A_646 {strides = array<i32>} : memref<4x128xi32, #tpu.memory_space<vmem>>, vector<16xi32>,
        %add3A_651 = arith.constant 4800 : i32
        %add3A_652 = arith.addi %add3A_651, %add3A_515 : i32
        %add3A_653 = vector.broadcast %add3A_652 : i32 to vector<16xi32>
        %add3A_654 = arith.addi %mul3A_7, %add3A_653 : vector<16xi32>
        %gather3A_655 = tpu.vector_load_idx %arg5[%add3A_654] : memref<10240xi32, #tpu.memory_space<vmem>>[vector<16xi32>], vector<16xi32>,
        %swap3A_656 = arith.constant 1 : i32
        %swap3A_657 = arith.index_cast %swap3A_656 : i32 to index
        %swap3A_658 = arith.constant 112 : index
        %swap3A_659 = tpu.vector_load %arg7[%swap3A_657, %swap3A_658] {strides = array<i32>} : memref<4x128xi32, #tpu.memory_space<vmem>>, vector<16xi32>,
        tpu.vector_store %arg7[%swap3A_657, %swap3A_658], %gather3A_655 {strides = array<i32>} : memref<4x128xi32, #tpu.memory_space<vmem>>, vector<16xi32>,
        %add3A_660 = arith.constant 5120 : i32
        %add3A_661 = arith.addi %add3A_660, %add3A_515 : i32
        %add3A_662 = vector.broadcast %add3A_661 : i32 to vector<16xi32>
        %add3A_663 = arith.addi %mul3A_7, %add3A_662 : vector<16xi32>
        %gather3A_664 = tpu.vector_load_idx %arg5[%add3A_663] : memref<10240xi32, #tpu.memory_space<vmem>>[vector<16xi32>], vector<16xi32>,
        %swap3A_665 = arith.constant 2 : i32
        %swap3A_666 = arith.index_cast %swap3A_665 : i32 to index
        %swap3A_667 = arith.constant 0 : index
        %swap3A_668 = tpu.vector_load %arg7[%swap3A_666, %swap3A_667] {strides = array<i32>} : memref<4x128xi32, #tpu.memory_space<vmem>>, vector<16xi32>,
        tpu.vector_store %arg7[%swap3A_666, %swap3A_667], %gather3A_664 {strides = array<i32>} : memref<4x128xi32, #tpu.memory_space<vmem>>, vector<16xi32>,
        %add3A_669 = arith.constant 5440 : i32
        %add3A_670 = arith.addi %add3A_669, %add3A_515 : i32
        %add3A_671 = vector.broadcast %add3A_670 : i32 to vector<16xi32>
        %add3A_672 = arith.addi %mul3A_7, %add3A_671 : vector<16xi32>
        %gather3A_673 = tpu.vector_load_idx %arg5[%add3A_672] : memref<10240xi32, #tpu.memory_space<vmem>>[vector<16xi32>], vector<16xi32>,
        %swap3A_674 = arith.constant 2 : i32
        %swap3A_675 = arith.index_cast %swap3A_674 : i32 to index
        %swap3A_676 = arith.constant 16 : index
        %swap3A_677 = tpu.vector_load %arg7[%swap3A_675, %swap3A_676] {strides = array<i32>} : memref<4x128xi32, #tpu.memory_space<vmem>>, vector<16xi32>,
        tpu.vector_store %arg7[%swap3A_675, %swap3A_676], %gather3A_673 {strides = array<i32>} : memref<4x128xi32, #tpu.memory_space<vmem>>, vector<16xi32>,
        %add3A_678 = arith.constant 5760 : i32
        %add3A_679 = arith.addi %add3A_678, %add3A_515 : i32
        %add3A_680 = vector.broadcast %add3A_679 : i32 to vector<16xi32>
        %add3A_681 = arith.addi %mul3A_7, %add3A_680 : vector<16xi32>
        %gather3A_682 = tpu.vector_load_idx %arg5[%add3A_681] : memref<10240xi32, #tpu.memory_space<vmem>>[vector<16xi32>], vector<16xi32>,
        %swap3A_683 = arith.constant 2 : i32
        %swap3A_684 = arith.index_cast %swap3A_683 : i32 to index
        %swap3A_685 = arith.constant 32 : index
        %swap3A_686 = tpu.vector_load %arg7[%swap3A_684, %swap3A_685] {strides = array<i32>} : memref<4x128xi32, #tpu.memory_space<vmem>>, vector<16xi32>,
        tpu.vector_store %arg7[%swap3A_684, %swap3A_685], %gather3A_682 {strides = array<i32>} : memref<4x128xi32, #tpu.memory_space<vmem>>, vector<16xi32>,
        %add3A_687 = arith.constant 6080 : i32
        %add3A_688 = arith.addi %add3A_687, %add3A_515 : i32
        %add3A_689 = vector.broadcast %add3A_688 : i32 to vector<16xi32>
        %add3A_690 = arith.addi %mul3A_7, %add3A_689 : vector<16xi32>
        %gather3A_691 = tpu.vector_load_idx %arg5[%add3A_690] : memref<10240xi32, #tpu.memory_space<vmem>>[vector<16xi32>], vector<16xi32>,
        %swap3A_692 = arith.constant 2 : i32
        %swap3A_693 = arith.index_cast %swap3A_692 : i32 to index
        %swap3A_694 = arith.constant 48 : index
        %swap3A_695 = tpu.vector_load %arg7[%swap3A_693, %swap3A_694] {strides = array<i32>} : memref<4x128xi32, #tpu.memory_space<vmem>>, vector<16xi32>,
        tpu.vector_store %arg7[%swap3A_693, %swap3A_694], %gather3A_691 {strides = array<i32>} : memref<4x128xi32, #tpu.memory_space<vmem>>, vector<16xi32>,
        %add3A_696 = arith.constant 6400 : i32
        %add3A_697 = arith.addi %add3A_696, %add3A_515 : i32
        %add3A_698 = vector.broadcast %add3A_697 : i32 to vector<16xi32>
        %add3A_699 = arith.addi %mul3A_7, %add3A_698 : vector<16xi32>
        %gather3A_700 = tpu.vector_load_idx %arg5[%add3A_699] : memref<10240xi32, #tpu.memory_space<vmem>>[vector<16xi32>], vector<16xi32>,
        %swap3A_701 = arith.constant 2 : i32
        %swap3A_702 = arith.index_cast %swap3A_701 : i32 to index
        %swap3A_703 = arith.constant 64 : index
        %swap3A_704 = tpu.vector_load %arg7[%swap3A_702, %swap3A_703] {strides = array<i32>} : memref<4x128xi32, #tpu.memory_space<vmem>>, vector<16xi32>,
        tpu.vector_store %arg7[%swap3A_702, %swap3A_703], %gather3A_700 {strides = array<i32>} : memref<4x128xi32, #tpu.memory_space<vmem>>, vector<16xi32>,
        %add3A_705 = arith.constant 6720 : i32
        %add3A_706 = arith.addi %add3A_705, %add3A_515 : i32
        %add3A_707 = vector.broadcast %add3A_706 : i32 to vector<16xi32>
        %add3A_708 = arith.addi %mul3A_7, %add3A_707 : vector<16xi32>
        %gather3A_709 = tpu.vector_load_idx %arg5[%add3A_708] : memref<10240xi32, #tpu.memory_space<vmem>>[vector<16xi32>], vector<16xi32>,
        %swap3A_710 = arith.constant 2 : i32
        %swap3A_711 = arith.index_cast %swap3A_710 : i32 to index
        %swap3A_712 = arith.constant 80 : index
        %swap3A_713 = tpu.vector_load %arg7[%swap3A_711, %swap3A_712] {strides = array<i32>} : memref<4x128xi32, #tpu.memory_space<vmem>>, vector<16xi32>,
        tpu.vector_store %arg7[%swap3A_711, %swap3A_712], %gather3A_709 {strides = array<i32>} : memref<4x128xi32, #tpu.memory_space<vmem>>, vector<16xi32>,
        %add3A_714 = arith.constant 7040 : i32
        %add3A_715 = arith.addi %add3A_714, %add3A_515 : i32
        %add3A_716 = vector.broadcast %add3A_715 : i32 to vector<16xi32>
        %add3A_717 = arith.addi %mul3A_7, %add3A_716 : vector<16xi32>
        %gather3A_718 = tpu.vector_load_idx %arg5[%add3A_717] : memref<10240xi32, #tpu.memory_space<vmem>>[vector<16xi32>], vector<16xi32>,
        %swap3A_719 = arith.constant 2 : i32
        %swap3A_720 = arith.index_cast %swap3A_719 : i32 to index
        %swap3A_721 = arith.constant 96 : index
        %swap3A_722 = tpu.vector_load %arg7[%swap3A_720, %swap3A_721] {strides = array<i32>} : memref<4x128xi32, #tpu.memory_space<vmem>>, vector<16xi32>,
        tpu.vector_store %arg7[%swap3A_720, %swap3A_721], %gather3A_718 {strides = array<i32>} : memref<4x128xi32, #tpu.memory_space<vmem>>, vector<16xi32>,
        %add3A_723 = arith.constant 7360 : i32
        %add3A_724 = arith.addi %add3A_723, %add3A_515 : i32
        %add3A_725 = vector.broadcast %add3A_724 : i32 to vector<16xi32>
        %add3A_726 = arith.addi %mul3A_7, %add3A_725 : vector<16xi32>
        %gather3A_727 = tpu.vector_load_idx %arg5[%add3A_726] : memref<10240xi32, #tpu.memory_space<vmem>>[vector<16xi32>], vector<16xi32>,
        %swap3A_728 = arith.constant 2 : i32
        %swap3A_729 = arith.index_cast %swap3A_728 : i32 to index
        %swap3A_730 = arith.constant 112 : index
        %swap3A_731 = tpu.vector_load %arg7[%swap3A_729, %swap3A_730] {strides = array<i32>} : memref<4x128xi32, #tpu.memory_space<vmem>>, vector<16xi32>,
        tpu.vector_store %arg7[%swap3A_729, %swap3A_730], %gather3A_727 {strides = array<i32>} : memref<4x128xi32, #tpu.memory_space<vmem>>, vector<16xi32>,
        %add3A_732 = arith.constant 7680 : i32
        %add3A_733 = arith.addi %add3A_732, %add3A_515 : i32
        %add3A_734 = vector.broadcast %add3A_733 : i32 to vector<16xi32>
        %add3A_735 = arith.addi %mul3A_7, %add3A_734 : vector<16xi32>
        %gather3A_736 = tpu.vector_load_idx %arg5[%add3A_735] : memref<10240xi32, #tpu.memory_space<vmem>>[vector<16xi32>], vector<16xi32>,
        %swap3A_737 = arith.constant 3 : i32
        %swap3A_738 = arith.index_cast %swap3A_737 : i32 to index
        %swap3A_739 = arith.constant 0 : index
        %swap3A_740 = tpu.vector_load %arg7[%swap3A_738, %swap3A_739] {strides = array<i32>} : memref<4x128xi32, #tpu.memory_space<vmem>>, vector<16xi32>,
        tpu.vector_store %arg7[%swap3A_738, %swap3A_739], %gather3A_736 {strides = array<i32>} : memref<4x128xi32, #tpu.memory_space<vmem>>, vector<16xi32>,
        %add3A_741 = arith.constant 8000 : i32
        %add3A_742 = arith.addi %add3A_741, %add3A_515 : i32
        %add3A_743 = vector.broadcast %add3A_742 : i32 to vector<16xi32>
        %add3A_744 = arith.addi %mul3A_7, %add3A_743 : vector<16xi32>
        %gather3A_745 = tpu.vector_load_idx %arg5[%add3A_744] : memref<10240xi32, #tpu.memory_space<vmem>>[vector<16xi32>], vector<16xi32>,
        %swap3A_746 = arith.constant 3 : i32
        %swap3A_747 = arith.index_cast %swap3A_746 : i32 to index
        %swap3A_748 = arith.constant 16 : index
        %swap3A_749 = tpu.vector_load %arg7[%swap3A_747, %swap3A_748] {strides = array<i32>} : memref<4x128xi32, #tpu.memory_space<vmem>>, vector<16xi32>,
        tpu.vector_store %arg7[%swap3A_747, %swap3A_748], %gather3A_745 {strides = array<i32>} : memref<4x128xi32, #tpu.memory_space<vmem>>, vector<16xi32>,
        %add3A_750 = arith.constant 8320 : i32
        %add3A_751 = arith.addi %add3A_750, %add3A_515 : i32
        %add3A_752 = vector.broadcast %add3A_751 : i32 to vector<16xi32>
        %add3A_753 = arith.addi %mul3A_7, %add3A_752 : vector<16xi32>
        %gather3A_754 = tpu.vector_load_idx %arg5[%add3A_753] : memref<10240xi32, #tpu.memory_space<vmem>>[vector<16xi32>], vector<16xi32>,
        %swap3A_755 = arith.constant 3 : i32
        %swap3A_756 = arith.index_cast %swap3A_755 : i32 to index
        %swap3A_757 = arith.constant 32 : index
        %swap3A_758 = tpu.vector_load %arg7[%swap3A_756, %swap3A_757] {strides = array<i32>} : memref<4x128xi32, #tpu.memory_space<vmem>>, vector<16xi32>,
        tpu.vector_store %arg7[%swap3A_756, %swap3A_757], %gather3A_754 {strides = array<i32>} : memref<4x128xi32, #tpu.memory_space<vmem>>, vector<16xi32>,
        %add3A_759 = arith.constant 8640 : i32
        %add3A_760 = arith.addi %add3A_759, %add3A_515 : i32
        %add3A_761 = vector.broadcast %add3A_760 : i32 to vector<16xi32>
        %add3A_762 = arith.addi %mul3A_7, %add3A_761 : vector<16xi32>
        %gather3A_763 = tpu.vector_load_idx %arg5[%add3A_762] : memref<10240xi32, #tpu.memory_space<vmem>>[vector<16xi32>], vector<16xi32>,
        %swap3A_764 = arith.constant 3 : i32
        %swap3A_765 = arith.index_cast %swap3A_764 : i32 to index
        %swap3A_766 = arith.constant 48 : index
        %swap3A_767 = tpu.vector_load %arg7[%swap3A_765, %swap3A_766] {strides = array<i32>} : memref<4x128xi32, #tpu.memory_space<vmem>>, vector<16xi32>,
        tpu.vector_store %arg7[%swap3A_765, %swap3A_766], %gather3A_763 {strides = array<i32>} : memref<4x128xi32, #tpu.memory_space<vmem>>, vector<16xi32>,
        %add3A_768 = arith.constant 8960 : i32
        %add3A_769 = arith.addi %add3A_768, %add3A_515 : i32
        %add3A_770 = vector.broadcast %add3A_769 : i32 to vector<16xi32>
        %add3A_771 = arith.addi %mul3A_7, %add3A_770 : vector<16xi32>
        %gather3A_772 = tpu.vector_load_idx %arg5[%add3A_771] : memref<10240xi32, #tpu.memory_space<vmem>>[vector<16xi32>], vector<16xi32>,
        %swap3A_773 = arith.constant 3 : i32
        %swap3A_774 = arith.index_cast %swap3A_773 : i32 to index
        %swap3A_775 = arith.constant 64 : index
        %swap3A_776 = tpu.vector_load %arg7[%swap3A_774, %swap3A_775] {strides = array<i32>} : memref<4x128xi32, #tpu.memory_space<vmem>>, vector<16xi32>,
        tpu.vector_store %arg7[%swap3A_774, %swap3A_775], %gather3A_772 {strides = array<i32>} : memref<4x128xi32, #tpu.memory_space<vmem>>, vector<16xi32>,
        %add3A_777 = arith.constant 9280 : i32
        %add3A_778 = arith.addi %add3A_777, %add3A_515 : i32
        %add3A_779 = vector.broadcast %add3A_778 : i32 to vector<16xi32>
        %add3A_780 = arith.addi %mul3A_7, %add3A_779 : vector<16xi32>
        %gather3A_781 = tpu.vector_load_idx %arg5[%add3A_780] : memref<10240xi32, #tpu.memory_space<vmem>>[vector<16xi32>], vector<16xi32>,
        %swap3A_782 = arith.constant 3 : i32
        %swap3A_783 = arith.index_cast %swap3A_782 : i32 to index
        %swap3A_784 = arith.constant 80 : index
        %swap3A_785 = tpu.vector_load %arg7[%swap3A_783, %swap3A_784] {strides = array<i32>} : memref<4x128xi32, #tpu.memory_space<vmem>>, vector<16xi32>,
        tpu.vector_store %arg7[%swap3A_783, %swap3A_784], %gather3A_781 {strides = array<i32>} : memref<4x128xi32, #tpu.memory_space<vmem>>, vector<16xi32>,
        %add3A_786 = arith.constant 9600 : i32
        %add3A_787 = arith.addi %add3A_786, %add3A_515 : i32
        %add3A_788 = vector.broadcast %add3A_787 : i32 to vector<16xi32>
        %add3A_789 = arith.addi %mul3A_7, %add3A_788 : vector<16xi32>
        %gather3A_790 = tpu.vector_load_idx %arg5[%add3A_789] : memref<10240xi32, #tpu.memory_space<vmem>>[vector<16xi32>], vector<16xi32>,
        %swap3A_791 = arith.constant 3 : i32
        %swap3A_792 = arith.index_cast %swap3A_791 : i32 to index
        %swap3A_793 = arith.constant 96 : index
        %swap3A_794 = tpu.vector_load %arg7[%swap3A_792, %swap3A_793] {strides = array<i32>} : memref<4x128xi32, #tpu.memory_space<vmem>>, vector<16xi32>,
        tpu.vector_store %arg7[%swap3A_792, %swap3A_793], %gather3A_790 {strides = array<i32>} : memref<4x128xi32, #tpu.memory_space<vmem>>, vector<16xi32>,
        %add3A_795 = arith.constant 9920 : i32
        %add3A_796 = arith.addi %add3A_795, %add3A_515 : i32
        %add3A_797 = vector.broadcast %add3A_796 : i32 to vector<16xi32>
        %add3A_798 = arith.addi %mul3A_7, %add3A_797 : vector<16xi32>
        %gather3A_799 = tpu.vector_load_idx %arg5[%add3A_798] : memref<10240xi32, #tpu.memory_space<vmem>>[vector<16xi32>], vector<16xi32>,
        %swap3A_800 = arith.constant 3 : i32
        %swap3A_801 = arith.index_cast %swap3A_800 : i32 to index
        %swap3A_802 = arith.constant 112 : index
        %swap3A_803 = tpu.vector_load %arg7[%swap3A_801, %swap3A_802] {strides = array<i32>} : memref<4x128xi32, #tpu.memory_space<vmem>>, vector<16xi32>,
        tpu.vector_store %arg7[%swap3A_801, %swap3A_802], %gather3A_799 {strides = array<i32>} : memref<4x128xi32, #tpu.memory_space<vmem>>, vector<16xi32>,
        %dma_start3A_804 = arith.constant 0 : i32
        %dma_start3A_805 = arith.constant 0 : i32
        %dma_start3A_806 = arith.constant 0 : i32
        %dma_start3A_807 = tpu.memref_slice %arg9[%dma_start3A_805, %dma_start3A_806] : memref<512x32xf32, #tpu.memory_space<vmem>> -> memref<128x32xf32, #tpu.memory_space<vmem>>
        %dma_start3A_808 = arith.constant 0 : i32
        %dma_start3A_809 = tpu.memref_slice %arg7[%dma_start3A_804, %dma_start3A_808] : memref<4x128xi32, #tpu.memory_space<vmem>> -> memref<1x128xi32, #tpu.memory_space<vmem>>
        %dma_start3A_810 = tpu.memref_squeeze %dma_start3A_809 : memref<1x128xi32, #tpu.memory_space<vmem>> -> memref<128xi32, #tpu.memory_space<vmem>>
        %dma_start3A_811 = arith.constant 0 : i32
        %dma_start3A_812 = arith.constant 0 : i32
        %dma_start3A_813 = tpu.memref_slice %arg3[%dma_start3A_811, %dma_start3A_812] : memref<1000000x32xf32, #tpu.memory_space<hbm>> -> memref<1000000x32xf32, #tpu.memory_space<hbm>>
        tpu.enqueue_indirect_dma source(%dma_start3A_813 : memref<1000000x32xf32, #tpu.memory_space<hbm>>) target(%dma_start3A_807 : memref<128x32xf32, #tpu.memory_space<vmem>>) offsets(%dma_start3A_810 : memref<128xi32, #tpu.memory_space<vmem>>) semaphore(%arg12 : memref<!tpu.dma_semaphore, #tpu.memory_space<semaphore_mem>>)
        %dma_start3A_814 = arith.constant 1 : i32
        %dma_start3A_815 = arith.constant 128 : i32
        %dma_start3A_816 = arith.constant 0 : i32
        %dma_start3A_817 = tpu.memref_slice %arg9[%dma_start3A_815, %dma_start3A_816] : memref<512x32xf32, #tpu.memory_space<vmem>> -> memref<128x32xf32, #tpu.memory_space<vmem>>
        %dma_start3A_818 = arith.constant 0 : i32
        %dma_start3A_819 = tpu.memref_slice %arg7[%dma_start3A_814, %dma_start3A_818] : memref<4x128xi32, #tpu.memory_space<vmem>> -> memref<1x128xi32, #tpu.memory_space<vmem>>
        %dma_start3A_820 = tpu.memref_squeeze %dma_start3A_819 : memref<1x128xi32, #tpu.memory_space<vmem>> -> memref<128xi32, #tpu.memory_space<vmem>>
        %dma_start3A_821 = arith.constant 0 : i32
        %dma_start3A_822 = arith.constant 0 : i32
        %dma_start3A_823 = tpu.memref_slice %arg3[%dma_start3A_821, %dma_start3A_822] : memref<1000000x32xf32, #tpu.memory_space<hbm>> -> memref<1000000x32xf32, #tpu.memory_space<hbm>>
        tpu.enqueue_indirect_dma source(%dma_start3A_823 : memref<1000000x32xf32, #tpu.memory_space<hbm>>) target(%dma_start3A_817 : memref<128x32xf32, #tpu.memory_space<vmem>>) offsets(%dma_start3A_820 : memref<128xi32, #tpu.memory_space<vmem>>) semaphore(%arg12 : memref<!tpu.dma_semaphore, #tpu.memory_space<semaphore_mem>>)
        %dma_start3A_824 = arith.constant 2 : i32
        %dma_start3A_825 = arith.constant 256 : i32
        %dma_start3A_826 = arith.constant 0 : i32
        %dma_start3A_827 = tpu.memref_slice %arg9[%dma_start3A_825, %dma_start3A_826] : memref<512x32xf32, #tpu.memory_space<vmem>> -> memref<128x32xf32, #tpu.memory_space<vmem>>
        %dma_start3A_828 = arith.constant 0 : i32
        %dma_start3A_829 = tpu.memref_slice %arg7[%dma_start3A_824, %dma_start3A_828] : memref<4x128xi32, #tpu.memory_space<vmem>> -> memref<1x128xi32, #tpu.memory_space<vmem>>
        %dma_start3A_830 = tpu.memref_squeeze %dma_start3A_829 : memref<1x128xi32, #tpu.memory_space<vmem>> -> memref<128xi32, #tpu.memory_space<vmem>>
        %dma_start3A_831 = arith.constant 0 : i32
        %dma_start3A_832 = arith.constant 0 : i32
        %dma_start3A_833 = tpu.memref_slice %arg3[%dma_start3A_831, %dma_start3A_832] : memref<1000000x32xf32, #tpu.memory_space<hbm>> -> memref<1000000x32xf32, #tpu.memory_space<hbm>>
        tpu.enqueue_indirect_dma source(%dma_start3A_833 : memref<1000000x32xf32, #tpu.memory_space<hbm>>) target(%dma_start3A_827 : memref<128x32xf32, #tpu.memory_space<vmem>>) offsets(%dma_start3A_830 : memref<128xi32, #tpu.memory_space<vmem>>) semaphore(%arg12 : memref<!tpu.dma_semaphore, #tpu.memory_space<semaphore_mem>>)
        %dma_start3A_834 = arith.constant 3 : i32
        %dma_start3A_835 = arith.constant 384 : i32
        %dma_start3A_836 = arith.constant 0 : i32
        %dma_start3A_837 = tpu.memref_slice %arg9[%dma_start3A_835, %dma_start3A_836] : memref<512x32xf32, #tpu.memory_space<vmem>> -> memref<128x32xf32, #tpu.memory_space<vmem>>
        %dma_start3A_838 = arith.constant 0 : i32
        %dma_start3A_839 = tpu.memref_slice %arg7[%dma_start3A_834, %dma_start3A_838] : memref<4x128xi32, #tpu.memory_space<vmem>> -> memref<1x128xi32, #tpu.memory_space<vmem>>
        %dma_start3A_840 = tpu.memref_squeeze %dma_start3A_839 : memref<1x128xi32, #tpu.memory_space<vmem>> -> memref<128xi32, #tpu.memory_space<vmem>>
        %dma_start3A_841 = arith.constant 0 : i32
        %dma_start3A_842 = arith.constant 0 : i32
        %dma_start3A_843 = tpu.memref_slice %arg3[%dma_start3A_841, %dma_start3A_842] : memref<1000000x32xf32, #tpu.memory_space<hbm>> -> memref<1000000x32xf32, #tpu.memory_space<hbm>>
        tpu.enqueue_indirect_dma source(%dma_start3A_843 : memref<1000000x32xf32, #tpu.memory_space<hbm>>) target(%dma_start3A_837 : memref<128x32xf32, #tpu.memory_space<vmem>>) offsets(%dma_start3A_840 : memref<128xi32, #tpu.memory_space<vmem>>) semaphore(%arg12 : memref<!tpu.dma_semaphore, #tpu.memory_space<semaphore_mem>>)
      } else {
      }
      %dma_wait3A = arith.constant 0 : i32
      %dma_wait3A_412 = arith.constant 0 : i32
      %dma_wait3A_413 = arith.constant 0 : i32
      %dma_wait3A_414 = tpu.memref_slice %arg8[%dma_wait3A_412, %dma_wait3A_413] : memref<512x32xf32, #tpu.memory_space<vmem>> -> memref<128x32xf32, #tpu.memory_space<vmem>>
      %dma_wait3A_415 = arith.constant 0 : i32
      %dma_wait3A_416 = tpu.memref_slice %arg6[%dma_wait3A, %dma_wait3A_415] : memref<4x128xi32, #tpu.memory_space<vmem>> -> memref<1x128xi32, #tpu.memory_space<vmem>>
      %dma_wait3A_417 = tpu.memref_squeeze %dma_wait3A_416 : memref<1x128xi32, #tpu.memory_space<vmem>> -> memref<128xi32, #tpu.memory_space<vmem>>
      %dma_wait3A_418 = arith.constant 0 : i32
      %dma_wait3A_419 = arith.constant 0 : i32
      %dma_wait3A_420 = tpu.memref_slice %arg3[%dma_wait3A_418, %dma_wait3A_419] : memref<1000000x32xf32, #tpu.memory_space<hbm>> -> memref<1000000x32xf32, #tpu.memory_space<hbm>>
      tpu.wait_indirect_dma semaphore(%arg11 : memref<!tpu.dma_semaphore, #tpu.memory_space<semaphore_mem>>) src(%dma_wait3A_420 : memref<1000000x32xf32, #tpu.memory_space<hbm>>) dst(%dma_wait3A_414 : memref<128x32xf32, #tpu.memory_space<vmem>>)
      %dma_wait3A_421 = arith.constant 1 : i32
      %dma_wait3A_422 = arith.constant 128 : i32
      %dma_wait3A_423 = arith.constant 0 : i32
      %dma_wait3A_424 = tpu.memref_slice %arg8[%dma_wait3A_422, %dma_wait3A_423] : memref<512x32xf32, #tpu.memory_space<vmem>> -> memref<128x32xf32, #tpu.memory_space<vmem>>
      %dma_wait3A_425 = arith.constant 0 : i32
      %dma_wait3A_426 = tpu.memref_slice %arg6[%dma_wait3A_421, %dma_wait3A_425] : memref<4x128xi32, #tpu.memory_space<vmem>> -> memref<1x128xi32, #tpu.memory_space<vmem>>
      %dma_wait3A_427 = tpu.memref_squeeze %dma_wait3A_426 : memref<1x128xi32, #tpu.memory_space<vmem>> -> memref<128xi32, #tpu.memory_space<vmem>>
      %dma_wait3A_428 = arith.constant 0 : i32
      %dma_wait3A_429 = arith.constant 0 : i32
      %dma_wait3A_430 = tpu.memref_slice %arg3[%dma_wait3A_428, %dma_wait3A_429] : memref<1000000x32xf32, #tpu.memory_space<hbm>> -> memref<1000000x32xf32, #tpu.memory_space<hbm>>
      tpu.wait_indirect_dma semaphore(%arg11 : memref<!tpu.dma_semaphore, #tpu.memory_space<semaphore_mem>>) src(%dma_wait3A_430 : memref<1000000x32xf32, #tpu.memory_space<hbm>>) dst(%dma_wait3A_424 : memref<128x32xf32, #tpu.memory_space<vmem>>)
      %dma_wait3A_431 = arith.constant 2 : i32
      %dma_wait3A_432 = arith.constant 256 : i32
      %dma_wait3A_433 = arith.constant 0 : i32
      %dma_wait3A_434 = tpu.memref_slice %arg8[%dma_wait3A_432, %dma_wait3A_433] : memref<512x32xf32, #tpu.memory_space<vmem>> -> memref<128x32xf32, #tpu.memory_space<vmem>>
      %dma_wait3A_435 = arith.constant 0 : i32
      %dma_wait3A_436 = tpu.memref_slice %arg6[%dma_wait3A_431, %dma_wait3A_435] : memref<4x128xi32, #tpu.memory_space<vmem>> -> memref<1x128xi32, #tpu.memory_space<vmem>>
      %dma_wait3A_437 = tpu.memref_squeeze %dma_wait3A_436 : memref<1x128xi32, #tpu.memory_space<vmem>> -> memref<128xi32, #tpu.memory_space<vmem>>
      %dma_wait3A_438 = arith.constant 0 : i32
      %dma_wait3A_439 = arith.constant 0 : i32
      %dma_wait3A_440 = tpu.memref_slice %arg3[%dma_wait3A_438, %dma_wait3A_439] : memref<1000000x32xf32, #tpu.memory_space<hbm>> -> memref<1000000x32xf32, #tpu.memory_space<hbm>>
      tpu.wait_indirect_dma semaphore(%arg11 : memref<!tpu.dma_semaphore, #tpu.memory_space<semaphore_mem>>) src(%dma_wait3A_440 : memref<1000000x32xf32, #tpu.memory_space<hbm>>) dst(%dma_wait3A_434 : memref<128x32xf32, #tpu.memory_space<vmem>>)
      %dma_wait3A_441 = arith.constant 3 : i32
      %dma_wait3A_442 = arith.constant 384 : i32
      %dma_wait3A_443 = arith.constant 0 : i32
      %dma_wait3A_444 = tpu.memref_slice %arg8[%dma_wait3A_442, %dma_wait3A_443] : memref<512x32xf32, #tpu.memory_space<vmem>> -> memref<128x32xf32, #tpu.memory_space<vmem>>
      %dma_wait3A_445 = arith.constant 0 : i32
      %dma_wait3A_446 = tpu.memref_slice %arg6[%dma_wait3A_441, %dma_wait3A_445] : memref<4x128xi32, #tpu.memory_space<vmem>> -> memref<1x128xi32, #tpu.memory_space<vmem>>
      %dma_wait3A_447 = tpu.memref_squeeze %dma_wait3A_446 : memref<1x128xi32, #tpu.memory_space<vmem>> -> memref<128xi32, #tpu.memory_space<vmem>>
      %dma_wait3A_448 = arith.constant 0 : i32
      %dma_wait3A_449 = arith.constant 0 : i32
      %dma_wait3A_450 = tpu.memref_slice %arg3[%dma_wait3A_448, %dma_wait3A_449] : memref<1000000x32xf32, #tpu.memory_space<hbm>> -> memref<1000000x32xf32, #tpu.memory_space<hbm>>
      tpu.wait_indirect_dma semaphore(%arg11 : memref<!tpu.dma_semaphore, #tpu.memory_space<semaphore_mem>>) src(%dma_wait3A_450 : memref<1000000x32xf32, #tpu.memory_space<hbm>>) dst(%dma_wait3A_444 : memref<128x32xf32, #tpu.memory_space<vmem>>)
      %scan3A_451 = arith.constant 0 : i32
      %scan3A_452 = arith.constant 32 : i32
      %scan3A_453 = arith.addi %scan3A_451, %scan3A_452 : i32
      %scan3A_454 = arith.constant 1 : i32
      scf.for %scan3A_514 = %scan3A_451 to %scan3A_453 step %scan3A_454  : i32 {
        %mul3A_515 = arith.constant 1 : i32
        %mul3A_516 = arith.muli %scan3A_514, %mul3A_515 : i32
        %add3A_517 = arith.constant 0 : i32
        %add3A_518 = arith.addi %add3A_517, %mul3A_516 : i32
        %broadcast_in_dim3A = vector.broadcast %add3A_518 : i32 to vector<16xi32>
        %gather3A_519 = tpu.vector_load_idx %arg8[%add3A_13, %broadcast_in_dim3A] : memref<512x32xf32, #tpu.memory_space<vmem>>[vector<16xi32>, vector<16xi32>], vector<16xf32>,
        %add3A_520 = arith.constant 1 : i32
        %add3A_521 = vector.broadcast %add3A_520 : i32 to vector<16xi32>
        %add3A_522 = arith.addi %add3A_13, %add3A_521 : vector<16xi32>
        %gather3A_523 = tpu.vector_load_idx %arg8[%add3A_522, %broadcast_in_dim3A] : memref<512x32xf32, #tpu.memory_space<vmem>>[vector<16xi32>, vector<16xi32>], vector<16xf32>,
        %pack3A = tpu.pack_subelements %gather3A_519, %gather3A_523 {pack_format = #tpu.pack_format<interleaved>, positions = array<i32: 0, 1>} : vector<16xf32>, vector<16xf32> -> vector<32xbf16>
        %swap3A_524 = arith.index_cast %add3A_518 : i32 to index
        %swap3A_525 = arith.constant 0 : index
        %swap3A_526 = tpu.vector_load %arg10[%swap3A_524, %swap3A_525] {strides = array<i32>} : memref<32x512xbf16, #tpu.memory_space<vmem>>, vector<32xbf16>,
        tpu.vector_store %arg10[%swap3A_524, %swap3A_525], %pack3A {strides = array<i32>} : memref<32x512xbf16, #tpu.memory_space<vmem>>, vector<32xbf16>,
        %gather3A_527 = tpu.vector_load_idx %arg8[%add3A_19, %broadcast_in_dim3A] : memref<512x32xf32, #tpu.memory_space<vmem>>[vector<16xi32>, vector<16xi32>], vector<16xf32>,
        %add3A_528 = arith.constant 1 : i32
        %add3A_529 = vector.broadcast %add3A_528 : i32 to vector<16xi32>
        %add3A_530 = arith.addi %add3A_19, %add3A_529 : vector<16xi32>
        %gather3A_531 = tpu.vector_load_idx %arg8[%add3A_530, %broadcast_in_dim3A] : memref<512x32xf32, #tpu.memory_space<vmem>>[vector<16xi32>, vector<16xi32>], vector<16xf32>,
        %pack3A_532 = tpu.pack_subelements %gather3A_527, %gather3A_531 {pack_format = #tpu.pack_format<interleaved>, positions = array<i32: 0, 1>} : vector<16xf32>, vector<16xf32> -> vector<32xbf16>
        %swap3A_533 = arith.index_cast %add3A_518 : i32 to index
        %swap3A_534 = arith.constant 32 : index
        %swap3A_535 = tpu.vector_load %arg10[%swap3A_533, %swap3A_534] {strides = array<i32>} : memref<32x512xbf16, #tpu.memory_space<vmem>>, vector<32xbf16>,
        tpu.vector_store %arg10[%swap3A_533, %swap3A_534], %pack3A_532 {strides = array<i32>} : memref<32x512xbf16, #tpu.memory_space<vmem>>, vector<32xbf16>,
        %gather3A_536 = tpu.vector_load_idx %arg8[%add3A_25, %broadcast_in_dim3A] : memref<512x32xf32, #tpu.memory_space<vmem>>[vector<16xi32>, vector<16xi32>], vector<16xf32>,
        %add3A_537 = arith.constant 1 : i32
        %add3A_538 = vector.broadcast %add3A_537 : i32 to vector<16xi32>
        %add3A_539 = arith.addi %add3A_25, %add3A_538 : vector<16xi32>
        %gather3A_540 = tpu.vector_load_idx %arg8[%add3A_539, %broadcast_in_dim3A] : memref<512x32xf32, #tpu.memory_space<vmem>>[vector<16xi32>, vector<16xi32>], vector<16xf32>,
        %pack3A_541 = tpu.pack_subelements %gather3A_536, %gather3A_540 {pack_format = #tpu.pack_format<interleaved>, positions = array<i32: 0, 1>} : vector<16xf32>, vector<16xf32> -> vector<32xbf16>
        %swap3A_542 = arith.index_cast %add3A_518 : i32 to index
        %swap3A_543 = arith.constant 64 : index
        %swap3A_544 = tpu.vector_load %arg10[%swap3A_542, %swap3A_543] {strides = array<i32>} : memref<32x512xbf16, #tpu.memory_space<vmem>>, vector<32xbf16>,
        tpu.vector_store %arg10[%swap3A_542, %swap3A_543], %pack3A_541 {strides = array<i32>} : memref<32x512xbf16, #tpu.memory_space<vmem>>, vector<32xbf16>,
        %gather3A_545 = tpu.vector_load_idx %arg8[%add3A_31, %broadcast_in_dim3A] : memref<512x32xf32, #tpu.memory_space<vmem>>[vector<16xi32>, vector<16xi32>], vector<16xf32>,
        %add3A_546 = arith.constant 1 : i32
        %add3A_547 = vector.broadcast %add3A_546 : i32 to vector<16xi32>
        %add3A_548 = arith.addi %add3A_31, %add3A_547 : vector<16xi32>
        %gather3A_549 = tpu.vector_load_idx %arg8[%add3A_548, %broadcast_in_dim3A] : memref<512x32xf32, #tpu.memory_space<vmem>>[vector<16xi32>, vector<16xi32>], vector<16xf32>,
        %pack3A_550 = tpu.pack_subelements %gather3A_545, %gather3A_549 {pack_format = #tpu.pack_format<interleaved>, positions = array<i32: 0, 1>} : vector<16xf32>, vector<16xf32> -> vector<32xbf16>
        %swap3A_551 = arith.index_cast %add3A_518 : i32 to index
        %swap3A_552 = arith.constant 96 : index
        %swap3A_553 = tpu.vector_load %arg10[%swap3A_551, %swap3A_552] {strides = array<i32>} : memref<32x512xbf16, #tpu.memory_space<vmem>>, vector<32xbf16>,
        tpu.vector_store %arg10[%swap3A_551, %swap3A_552], %pack3A_550 {strides = array<i32>} : memref<32x512xbf16, #tpu.memory_space<vmem>>, vector<32xbf16>,
        %gather3A_554 = tpu.vector_load_idx %arg8[%add3A_37, %broadcast_in_dim3A] : memref<512x32xf32, #tpu.memory_space<vmem>>[vector<16xi32>, vector<16xi32>], vector<16xf32>,
        %add3A_555 = arith.constant 1 : i32
        %add3A_556 = vector.broadcast %add3A_555 : i32 to vector<16xi32>
        %add3A_557 = arith.addi %add3A_37, %add3A_556 : vector<16xi32>
        %gather3A_558 = tpu.vector_load_idx %arg8[%add3A_557, %broadcast_in_dim3A] : memref<512x32xf32, #tpu.memory_space<vmem>>[vector<16xi32>, vector<16xi32>], vector<16xf32>,
        %pack3A_559 = tpu.pack_subelements %gather3A_554, %gather3A_558 {pack_format = #tpu.pack_format<interleaved>, positions = array<i32: 0, 1>} : vector<16xf32>, vector<16xf32> -> vector<32xbf16>
        %swap3A_560 = arith.index_cast %add3A_518 : i32 to index
        %swap3A_561 = arith.constant 128 : index
        %swap3A_562 = tpu.vector_load %arg10[%swap3A_560, %swap3A_561] {strides = array<i32>} : memref<32x512xbf16, #tpu.memory_space<vmem>>, vector<32xbf16>,
        tpu.vector_store %arg10[%swap3A_560, %swap3A_561], %pack3A_559 {strides = array<i32>} : memref<32x512xbf16, #tpu.memory_space<vmem>>, vector<32xbf16>,
        %gather3A_563 = tpu.vector_load_idx %arg8[%add3A_43, %broadcast_in_dim3A] : memref<512x32xf32, #tpu.memory_space<vmem>>[vector<16xi32>, vector<16xi32>], vector<16xf32>,
        %add3A_564 = arith.constant 1 : i32
        %add3A_565 = vector.broadcast %add3A_564 : i32 to vector<16xi32>
        %add3A_566 = arith.addi %add3A_43, %add3A_565 : vector<16xi32>
        %gather3A_567 = tpu.vector_load_idx %arg8[%add3A_566, %broadcast_in_dim3A] : memref<512x32xf32, #tpu.memory_space<vmem>>[vector<16xi32>, vector<16xi32>], vector<16xf32>,
        %pack3A_568 = tpu.pack_subelements %gather3A_563, %gather3A_567 {pack_format = #tpu.pack_format<interleaved>, positions = array<i32: 0, 1>} : vector<16xf32>, vector<16xf32> -> vector<32xbf16>
        %swap3A_569 = arith.index_cast %add3A_518 : i32 to index
        %swap3A_570 = arith.constant 160 : index
        %swap3A_571 = tpu.vector_load %arg10[%swap3A_569, %swap3A_570] {strides = array<i32>} : memref<32x512xbf16, #tpu.memory_space<vmem>>, vector<32xbf16>,
        tpu.vector_store %arg10[%swap3A_569, %swap3A_570], %pack3A_568 {strides = array<i32>} : memref<32x512xbf16, #tpu.memory_space<vmem>>, vector<32xbf16>,
        %gather3A_572 = tpu.vector_load_idx %arg8[%add3A_49, %broadcast_in_dim3A] : memref<512x32xf32, #tpu.memory_space<vmem>>[vector<16xi32>, vector<16xi32>], vector<16xf32>,
        %add3A_573 = arith.constant 1 : i32
        %add3A_574 = vector.broadcast %add3A_573 : i32 to vector<16xi32>
        %add3A_575 = arith.addi %add3A_49, %add3A_574 : vector<16xi32>
        %gather3A_576 = tpu.vector_load_idx %arg8[%add3A_575, %broadcast_in_dim3A] : memref<512x32xf32, #tpu.memory_space<vmem>>[vector<16xi32>, vector<16xi32>], vector<16xf32>,
        %pack3A_577 = tpu.pack_subelements %gather3A_572, %gather3A_576 {pack_format = #tpu.pack_format<interleaved>, positions = array<i32: 0, 1>} : vector<16xf32>, vector<16xf32> -> vector<32xbf16>
        %swap3A_578 = arith.index_cast %add3A_518 : i32 to index
        %swap3A_579 = arith.constant 192 : index
        %swap3A_580 = tpu.vector_load %arg10[%swap3A_578, %swap3A_579] {strides = array<i32>} : memref<32x512xbf16, #tpu.memory_space<vmem>>, vector<32xbf16>,
        tpu.vector_store %arg10[%swap3A_578, %swap3A_579], %pack3A_577 {strides = array<i32>} : memref<32x512xbf16, #tpu.memory_space<vmem>>, vector<32xbf16>,
        %gather3A_581 = tpu.vector_load_idx %arg8[%add3A_55, %broadcast_in_dim3A] : memref<512x32xf32, #tpu.memory_space<vmem>>[vector<16xi32>, vector<16xi32>], vector<16xf32>,
        %add3A_582 = arith.constant 1 : i32
        %add3A_583 = vector.broadcast %add3A_582 : i32 to vector<16xi32>
        %add3A_584 = arith.addi %add3A_55, %add3A_583 : vector<16xi32>
        %gather3A_585 = tpu.vector_load_idx %arg8[%add3A_584, %broadcast_in_dim3A] : memref<512x32xf32, #tpu.memory_space<vmem>>[vector<16xi32>, vector<16xi32>], vector<16xf32>,
        %pack3A_586 = tpu.pack_subelements %gather3A_581, %gather3A_585 {pack_format = #tpu.pack_format<interleaved>, positions = array<i32: 0, 1>} : vector<16xf32>, vector<16xf32> -> vector<32xbf16>
        %swap3A_587 = arith.index_cast %add3A_518 : i32 to index
        %swap3A_588 = arith.constant 224 : index
        %swap3A_589 = tpu.vector_load %arg10[%swap3A_587, %swap3A_588] {strides = array<i32>} : memref<32x512xbf16, #tpu.memory_space<vmem>>, vector<32xbf16>,
        tpu.vector_store %arg10[%swap3A_587, %swap3A_588], %pack3A_586 {strides = array<i32>} : memref<32x512xbf16, #tpu.memory_space<vmem>>, vector<32xbf16>,
        %gather3A_590 = tpu.vector_load_idx %arg8[%add3A_61, %broadcast_in_dim3A] : memref<512x32xf32, #tpu.memory_space<vmem>>[vector<16xi32>, vector<16xi32>], vector<16xf32>,
        %add3A_591 = arith.constant 1 : i32
        %add3A_592 = vector.broadcast %add3A_591 : i32 to vector<16xi32>
        %add3A_593 = arith.addi %add3A_61, %add3A_592 : vector<16xi32>
        %gather3A_594 = tpu.vector_load_idx %arg8[%add3A_593, %broadcast_in_dim3A] : memref<512x32xf32, #tpu.memory_space<vmem>>[vector<16xi32>, vector<16xi32>], vector<16xf32>,
        %pack3A_595 = tpu.pack_subelements %gather3A_590, %gather3A_594 {pack_format = #tpu.pack_format<interleaved>, positions = array<i32: 0, 1>} : vector<16xf32>, vector<16xf32> -> vector<32xbf16>
        %swap3A_596 = arith.index_cast %add3A_518 : i32 to index
        %swap3A_597 = arith.constant 256 : index
        %swap3A_598 = tpu.vector_load %arg10[%swap3A_596, %swap3A_597] {strides = array<i32>} : memref<32x512xbf16, #tpu.memory_space<vmem>>, vector<32xbf16>,
        tpu.vector_store %arg10[%swap3A_596, %swap3A_597], %pack3A_595 {strides = array<i32>} : memref<32x512xbf16, #tpu.memory_space<vmem>>, vector<32xbf16>,
        %gather3A_599 = tpu.vector_load_idx %arg8[%add3A_67, %broadcast_in_dim3A] : memref<512x32xf32, #tpu.memory_space<vmem>>[vector<16xi32>, vector<16xi32>], vector<16xf32>,
        %add3A_600 = arith.constant 1 : i32
        %add3A_601 = vector.broadcast %add3A_600 : i32 to vector<16xi32>
        %add3A_602 = arith.addi %add3A_67, %add3A_601 : vector<16xi32>
        %gather3A_603 = tpu.vector_load_idx %arg8[%add3A_602, %broadcast_in_dim3A] : memref<512x32xf32, #tpu.memory_space<vmem>>[vector<16xi32>, vector<16xi32>], vector<16xf32>,
        %pack3A_604 = tpu.pack_subelements %gather3A_599, %gather3A_603 {pack_format = #tpu.pack_format<interleaved>, positions = array<i32: 0, 1>} : vector<16xf32>, vector<16xf32> -> vector<32xbf16>
        %swap3A_605 = arith.index_cast %add3A_518 : i32 to index
        %swap3A_606 = arith.constant 288 : index
        %swap3A_607 = tpu.vector_load %arg10[%swap3A_605, %swap3A_606] {strides = array<i32>} : memref<32x512xbf16, #tpu.memory_space<vmem>>, vector<32xbf16>,
        tpu.vector_store %arg10[%swap3A_605, %swap3A_606], %pack3A_604 {strides = array<i32>} : memref<32x512xbf16, #tpu.memory_space<vmem>>, vector<32xbf16>,
        %gather3A_608 = tpu.vector_load_idx %arg8[%add3A_73, %broadcast_in_dim3A] : memref<512x32xf32, #tpu.memory_space<vmem>>[vector<16xi32>, vector<16xi32>], vector<16xf32>,
        %add3A_609 = arith.constant 1 : i32
        %add3A_610 = vector.broadcast %add3A_609 : i32 to vector<16xi32>
        %add3A_611 = arith.addi %add3A_73, %add3A_610 : vector<16xi32>
        %gather3A_612 = tpu.vector_load_idx %arg8[%add3A_611, %broadcast_in_dim3A] : memref<512x32xf32, #tpu.memory_space<vmem>>[vector<16xi32>, vector<16xi32>], vector<16xf32>,
        %pack3A_613 = tpu.pack_subelements %gather3A_608, %gather3A_612 {pack_format = #tpu.pack_format<interleaved>, positions = array<i32: 0, 1>} : vector<16xf32>, vector<16xf32> -> vector<32xbf16>
        %swap3A_614 = arith.index_cast %add3A_518 : i32 to index
        %swap3A_615 = arith.constant 320 : index
        %swap3A_616 = tpu.vector_load %arg10[%swap3A_614, %swap3A_615] {strides = array<i32>} : memref<32x512xbf16, #tpu.memory_space<vmem>>, vector<32xbf16>,
        tpu.vector_store %arg10[%swap3A_614, %swap3A_615], %pack3A_613 {strides = array<i32>} : memref<32x512xbf16, #tpu.memory_space<vmem>>, vector<32xbf16>,
        %gather3A_617 = tpu.vector_load_idx %arg8[%add3A_79, %broadcast_in_dim3A] : memref<512x32xf32, #tpu.memory_space<vmem>>[vector<16xi32>, vector<16xi32>], vector<16xf32>,
        %add3A_618 = arith.constant 1 : i32
        %add3A_619 = vector.broadcast %add3A_618 : i32 to vector<16xi32>
        %add3A_620 = arith.addi %add3A_79, %add3A_619 : vector<16xi32>
        %gather3A_621 = tpu.vector_load_idx %arg8[%add3A_620, %broadcast_in_dim3A] : memref<512x32xf32, #tpu.memory_space<vmem>>[vector<16xi32>, vector<16xi32>], vector<16xf32>,
        %pack3A_622 = tpu.pack_subelements %gather3A_617, %gather3A_621 {pack_format = #tpu.pack_format<interleaved>, positions = array<i32: 0, 1>} : vector<16xf32>, vector<16xf32> -> vector<32xbf16>
        %swap3A_623 = arith.index_cast %add3A_518 : i32 to index
        %swap3A_624 = arith.constant 352 : index
        %swap3A_625 = tpu.vector_load %arg10[%swap3A_623, %swap3A_624] {strides = array<i32>} : memref<32x512xbf16, #tpu.memory_space<vmem>>, vector<32xbf16>,
        tpu.vector_store %arg10[%swap3A_623, %swap3A_624], %pack3A_622 {strides = array<i32>} : memref<32x512xbf16, #tpu.memory_space<vmem>>, vector<32xbf16>,
        %gather3A_626 = tpu.vector_load_idx %arg8[%add3A_85, %broadcast_in_dim3A] : memref<512x32xf32, #tpu.memory_space<vmem>>[vector<16xi32>, vector<16xi32>], vector<16xf32>,
        %add3A_627 = arith.constant 1 : i32
        %add3A_628 = vector.broadcast %add3A_627 : i32 to vector<16xi32>
        %add3A_629 = arith.addi %add3A_85, %add3A_628 : vector<16xi32>
        %gather3A_630 = tpu.vector_load_idx %arg8[%add3A_629, %broadcast_in_dim3A] : memref<512x32xf32, #tpu.memory_space<vmem>>[vector<16xi32>, vector<16xi32>], vector<16xf32>,
        %pack3A_631 = tpu.pack_subelements %gather3A_626, %gather3A_630 {pack_format = #tpu.pack_format<interleaved>, positions = array<i32: 0, 1>} : vector<16xf32>, vector<16xf32> -> vector<32xbf16>
        %swap3A_632 = arith.index_cast %add3A_518 : i32 to index
        %swap3A_633 = arith.constant 384 : index
        %swap3A_634 = tpu.vector_load %arg10[%swap3A_632, %swap3A_633] {strides = array<i32>} : memref<32x512xbf16, #tpu.memory_space<vmem>>, vector<32xbf16>,
        tpu.vector_store %arg10[%swap3A_632, %swap3A_633], %pack3A_631 {strides = array<i32>} : memref<32x512xbf16, #tpu.memory_space<vmem>>, vector<32xbf16>,
        %gather3A_635 = tpu.vector_load_idx %arg8[%add3A_91, %broadcast_in_dim3A] : memref<512x32xf32, #tpu.memory_space<vmem>>[vector<16xi32>, vector<16xi32>], vector<16xf32>,
        %add3A_636 = arith.constant 1 : i32
        %add3A_637 = vector.broadcast %add3A_636 : i32 to vector<16xi32>
        %add3A_638 = arith.addi %add3A_91, %add3A_637 : vector<16xi32>
        %gather3A_639 = tpu.vector_load_idx %arg8[%add3A_638, %broadcast_in_dim3A] : memref<512x32xf32, #tpu.memory_space<vmem>>[vector<16xi32>, vector<16xi32>], vector<16xf32>,
        %pack3A_640 = tpu.pack_subelements %gather3A_635, %gather3A_639 {pack_format = #tpu.pack_format<interleaved>, positions = array<i32: 0, 1>} : vector<16xf32>, vector<16xf32> -> vector<32xbf16>
        %swap3A_641 = arith.index_cast %add3A_518 : i32 to index
        %swap3A_642 = arith.constant 416 : index
        %swap3A_643 = tpu.vector_load %arg10[%swap3A_641, %swap3A_642] {strides = array<i32>} : memref<32x512xbf16, #tpu.memory_space<vmem>>, vector<32xbf16>,
        tpu.vector_store %arg10[%swap3A_641, %swap3A_642], %pack3A_640 {strides = array<i32>} : memref<32x512xbf16, #tpu.memory_space<vmem>>, vector<32xbf16>,
        %gather3A_644 = tpu.vector_load_idx %arg8[%add3A_97, %broadcast_in_dim3A] : memref<512x32xf32, #tpu.memory_space<vmem>>[vector<16xi32>, vector<16xi32>], vector<16xf32>,
        %add3A_645 = arith.constant 1 : i32
        %add3A_646 = vector.broadcast %add3A_645 : i32 to vector<16xi32>
        %add3A_647 = arith.addi %add3A_97, %add3A_646 : vector<16xi32>
        %gather3A_648 = tpu.vector_load_idx %arg8[%add3A_647, %broadcast_in_dim3A] : memref<512x32xf32, #tpu.memory_space<vmem>>[vector<16xi32>, vector<16xi32>], vector<16xf32>,
        %pack3A_649 = tpu.pack_subelements %gather3A_644, %gather3A_648 {pack_format = #tpu.pack_format<interleaved>, positions = array<i32: 0, 1>} : vector<16xf32>, vector<16xf32> -> vector<32xbf16>
        %swap3A_650 = arith.index_cast %add3A_518 : i32 to index
        %swap3A_651 = arith.constant 448 : index
        %swap3A_652 = tpu.vector_load %arg10[%swap3A_650, %swap3A_651] {strides = array<i32>} : memref<32x512xbf16, #tpu.memory_space<vmem>>, vector<32xbf16>,
        tpu.vector_store %arg10[%swap3A_650, %swap3A_651], %pack3A_649 {strides = array<i32>} : memref<32x512xbf16, #tpu.memory_space<vmem>>, vector<32xbf16>,
        %gather3A_653 = tpu.vector_load_idx %arg8[%add3A_103, %broadcast_in_dim3A] : memref<512x32xf32, #tpu.memory_space<vmem>>[vector<16xi32>, vector<16xi32>], vector<16xf32>,
        %add3A_654 = arith.constant 1 : i32
        %add3A_655 = vector.broadcast %add3A_654 : i32 to vector<16xi32>
        %add3A_656 = arith.addi %add3A_103, %add3A_655 : vector<16xi32>
        %gather3A_657 = tpu.vector_load_idx %arg8[%add3A_656, %broadcast_in_dim3A] : memref<512x32xf32, #tpu.memory_space<vmem>>[vector<16xi32>, vector<16xi32>], vector<16xf32>,
        %pack3A_658 = tpu.pack_subelements %gather3A_653, %gather3A_657 {pack_format = #tpu.pack_format<interleaved>, positions = array<i32: 0, 1>} : vector<16xf32>, vector<16xf32> -> vector<32xbf16>
        %swap3A_659 = arith.index_cast %add3A_518 : i32 to index
        %swap3A_660 = arith.constant 480 : index
        %swap3A_661 = tpu.vector_load %arg10[%swap3A_659, %swap3A_660] {strides = array<i32>} : memref<32x512xbf16, #tpu.memory_space<vmem>>, vector<32xbf16>,
        tpu.vector_store %arg10[%swap3A_659, %swap3A_660], %pack3A_658 {strides = array<i32>} : memref<32x512xbf16, #tpu.memory_space<vmem>>, vector<32xbf16>,
      }
      %scan3A_455 = arith.constant 32 : i32
      %mul3A_456 = arith.constant 32 : i32
      %mul3A_457 = arith.muli %add3A_407, %mul3A_456 : i32
      "tpu.region"() ({
        %run_scoped3A = tpu.sem_alloc : memref<!tpu.dma_semaphore, #tpu.memory_space<semaphore_mem>>
        %dma_start3A_514 = tpu.memref_slice %arg4[%mul3A_457, %mul3A_2] : memref<640x16384xbf16, #tpu.memory_space<hbm>> -> memref<32x512xbf16, #tpu.memory_space<hbm>>
        %dma_start3A_515 = tpu.memref_slice %arg4[%mul3A_457, %mul3A_2] : memref<640x16384xbf16, #tpu.memory_space<hbm>> -> memref<32x512xbf16, #tpu.memory_space<hbm>>
        tpu.enqueue_dma source(%arg10 : memref<32x512xbf16, #tpu.memory_space<vmem>>) target(%dma_start3A_515 : memref<32x512xbf16, #tpu.memory_space<hbm>>) target_semaphore(%run_scoped3A : memref<!tpu.dma_semaphore, #tpu.memory_space<semaphore_mem>>)
        %dma_wait3A_516 = tpu.memref_slice %arg4[%mul3A_457, %mul3A_2] : memref<640x16384xbf16, #tpu.memory_space<hbm>> -> memref<32x512xbf16, #tpu.memory_space<hbm>>
        %dma_wait3A_517 = tpu.memref_slice %arg4[%mul3A_457, %mul3A_2] : memref<640x16384xbf16, #tpu.memory_space<hbm>> -> memref<32x512xbf16, #tpu.memory_space<hbm>>
        tpu.wait_dma2 semaphore(%run_scoped3A : memref<!tpu.dma_semaphore, #tpu.memory_space<semaphore_mem>>) src(%arg10 : memref<32x512xbf16, #tpu.memory_space<vmem>>) dst(%dma_wait3A_517 : memref<32x512xbf16, #tpu.memory_space<hbm>>)
        tpu.yield
      }) : () -> ()
      %add3A_458 = arith.constant 1 : i32
      %add3A_459 = arith.addi %add3A_405, %add3A_458 : i32
      %add3A_460 = arith.constant 1 : i32
      %add3A_461 = arith.addi %add3A_459, %add3A_460 : i32
      %lt3A_462 = arith.constant 20 : i32
      %lt3A_463 = arith.cmpi slt, %add3A_461, %lt3A_462 : i32
      %convert_element_type3A_464 = arith.extui %lt3A_463 : i1 to i32
      %cond3A_465 = arith.constant 0 : i32
      %cond3A_466 = arith.cmpi ne, %convert_element_type3A_464, %cond3A_465 : i32
      scf.if %cond3A_466 {
        %add3A_514 = arith.constant 1 : i32
        %add3A_515 = arith.addi %add3A_459, %add3A_514 : i32
        %add3A_516 = arith.constant 0 : i32
        %add3A_517 = arith.addi %add3A_516, %add3A_515 : i32
        %add3A_518 = vector.broadcast %add3A_517 : i32 to vector<16xi32>
        %add3A_519 = arith.addi %mul3A_7, %add3A_518 : vector<16xi32>
        %gather3A_520 = tpu.vector_load_idx %arg5[%add3A_519] : memref<10240xi32, #tpu.memory_space<vmem>>[vector<16xi32>], vector<16xi32>,
        %swap3A_521 = arith.constant 0 : i32
        %swap3A_522 = arith.index_cast %swap3A_521 : i32 to index
        %swap3A_523 = arith.constant 0 : index
        %swap3A_524 = tpu.vector_load %arg6[%swap3A_522, %swap3A_523] {strides = array<i32>} : memref<4x128xi32, #tpu.memory_space<vmem>>, vector<16xi32>,
        tpu.vector_store %arg6[%swap3A_522, %swap3A_523], %gather3A_520 {strides = array<i32>} : memref<4x128xi32, #tpu.memory_space<vmem>>, vector<16xi32>,
        %add3A_525 = arith.constant 320 : i32
        %add3A_526 = arith.addi %add3A_525, %add3A_515 : i32
        %add3A_527 = vector.broadcast %add3A_526 : i32 to vector<16xi32>
        %add3A_528 = arith.addi %mul3A_7, %add3A_527 : vector<16xi32>
        %gather3A_529 = tpu.vector_load_idx %arg5[%add3A_528] : memref<10240xi32, #tpu.memory_space<vmem>>[vector<16xi32>], vector<16xi32>,
        %swap3A_530 = arith.constant 0 : i32
        %swap3A_531 = arith.index_cast %swap3A_530 : i32 to index
        %swap3A_532 = arith.constant 16 : index
        %swap3A_533 = tpu.vector_load %arg6[%swap3A_531, %swap3A_532] {strides = array<i32>} : memref<4x128xi32, #tpu.memory_space<vmem>>, vector<16xi32>,
        tpu.vector_store %arg6[%swap3A_531, %swap3A_532], %gather3A_529 {strides = array<i32>} : memref<4x128xi32, #tpu.memory_space<vmem>>, vector<16xi32>,
        %add3A_534 = arith.constant 640 : i32
        %add3A_535 = arith.addi %add3A_534, %add3A_515 : i32
        %add3A_536 = vector.broadcast %add3A_535 : i32 to vector<16xi32>
        %add3A_537 = arith.addi %mul3A_7, %add3A_536 : vector<16xi32>
        %gather3A_538 = tpu.vector_load_idx %arg5[%add3A_537] : memref<10240xi32, #tpu.memory_space<vmem>>[vector<16xi32>], vector<16xi32>,
        %swap3A_539 = arith.constant 0 : i32
        %swap3A_540 = arith.index_cast %swap3A_539 : i32 to index
        %swap3A_541 = arith.constant 32 : index
        %swap3A_542 = tpu.vector_load %arg6[%swap3A_540, %swap3A_541] {strides = array<i32>} : memref<4x128xi32, #tpu.memory_space<vmem>>, vector<16xi32>,
        tpu.vector_store %arg6[%swap3A_540, %swap3A_541], %gather3A_538 {strides = array<i32>} : memref<4x128xi32, #tpu.memory_space<vmem>>, vector<16xi32>,
        %add3A_543 = arith.constant 960 : i32
        %add3A_544 = arith.addi %add3A_543, %add3A_515 : i32
        %add3A_545 = vector.broadcast %add3A_544 : i32 to vector<16xi32>
        %add3A_546 = arith.addi %mul3A_7, %add3A_545 : vector<16xi32>
        %gather3A_547 = tpu.vector_load_idx %arg5[%add3A_546] : memref<10240xi32, #tpu.memory_space<vmem>>[vector<16xi32>], vector<16xi32>,
        %swap3A_548 = arith.constant 0 : i32
        %swap3A_549 = arith.index_cast %swap3A_548 : i32 to index
        %swap3A_550 = arith.constant 48 : index
        %swap3A_551 = tpu.vector_load %arg6[%swap3A_549, %swap3A_550] {strides = array<i32>} : memref<4x128xi32, #tpu.memory_space<vmem>>, vector<16xi32>,
        tpu.vector_store %arg6[%swap3A_549, %swap3A_550], %gather3A_547 {strides = array<i32>} : memref<4x128xi32, #tpu.memory_space<vmem>>, vector<16xi32>,
        %add3A_552 = arith.constant 1280 : i32
        %add3A_553 = arith.addi %add3A_552, %add3A_515 : i32
        %add3A_554 = vector.broadcast %add3A_553 : i32 to vector<16xi32>
        %add3A_555 = arith.addi %mul3A_7, %add3A_554 : vector<16xi32>
        %gather3A_556 = tpu.vector_load_idx %arg5[%add3A_555] : memref<10240xi32, #tpu.memory_space<vmem>>[vector<16xi32>], vector<16xi32>,
        %swap3A_557 = arith.constant 0 : i32
        %swap3A_558 = arith.index_cast %swap3A_557 : i32 to index
        %swap3A_559 = arith.constant 64 : index
        %swap3A_560 = tpu.vector_load %arg6[%swap3A_558, %swap3A_559] {strides = array<i32>} : memref<4x128xi32, #tpu.memory_space<vmem>>, vector<16xi32>,
        tpu.vector_store %arg6[%swap3A_558, %swap3A_559], %gather3A_556 {strides = array<i32>} : memref<4x128xi32, #tpu.memory_space<vmem>>, vector<16xi32>,
        %add3A_561 = arith.constant 1600 : i32
        %add3A_562 = arith.addi %add3A_561, %add3A_515 : i32
        %add3A_563 = vector.broadcast %add3A_562 : i32 to vector<16xi32>
        %add3A_564 = arith.addi %mul3A_7, %add3A_563 : vector<16xi32>
        %gather3A_565 = tpu.vector_load_idx %arg5[%add3A_564] : memref<10240xi32, #tpu.memory_space<vmem>>[vector<16xi32>], vector<16xi32>,
        %swap3A_566 = arith.constant 0 : i32
        %swap3A_567 = arith.index_cast %swap3A_566 : i32 to index
        %swap3A_568 = arith.constant 80 : index
        %swap3A_569 = tpu.vector_load %arg6[%swap3A_567, %swap3A_568] {strides = array<i32>} : memref<4x128xi32, #tpu.memory_space<vmem>>, vector<16xi32>,
        tpu.vector_store %arg6[%swap3A_567, %swap3A_568], %gather3A_565 {strides = array<i32>} : memref<4x128xi32, #tpu.memory_space<vmem>>, vector<16xi32>,
        %add3A_570 = arith.constant 1920 : i32
        %add3A_571 = arith.addi %add3A_570, %add3A_515 : i32
        %add3A_572 = vector.broadcast %add3A_571 : i32 to vector<16xi32>
        %add3A_573 = arith.addi %mul3A_7, %add3A_572 : vector<16xi32>
        %gather3A_574 = tpu.vector_load_idx %arg5[%add3A_573] : memref<10240xi32, #tpu.memory_space<vmem>>[vector<16xi32>], vector<16xi32>,
        %swap3A_575 = arith.constant 0 : i32
        %swap3A_576 = arith.index_cast %swap3A_575 : i32 to index
        %swap3A_577 = arith.constant 96 : index
        %swap3A_578 = tpu.vector_load %arg6[%swap3A_576, %swap3A_577] {strides = array<i32>} : memref<4x128xi32, #tpu.memory_space<vmem>>, vector<16xi32>,
        tpu.vector_store %arg6[%swap3A_576, %swap3A_577], %gather3A_574 {strides = array<i32>} : memref<4x128xi32, #tpu.memory_space<vmem>>, vector<16xi32>,
        %add3A_579 = arith.constant 2240 : i32
        %add3A_580 = arith.addi %add3A_579, %add3A_515 : i32
        %add3A_581 = vector.broadcast %add3A_580 : i32 to vector<16xi32>
        %add3A_582 = arith.addi %mul3A_7, %add3A_581 : vector<16xi32>
        %gather3A_583 = tpu.vector_load_idx %arg5[%add3A_582] : memref<10240xi32, #tpu.memory_space<vmem>>[vector<16xi32>], vector<16xi32>,
        %swap3A_584 = arith.constant 0 : i32
        %swap3A_585 = arith.index_cast %swap3A_584 : i32 to index
        %swap3A_586 = arith.constant 112 : index
        %swap3A_587 = tpu.vector_load %arg6[%swap3A_585, %swap3A_586] {strides = array<i32>} : memref<4x128xi32, #tpu.memory_space<vmem>>, vector<16xi32>,
        tpu.vector_store %arg6[%swap3A_585, %swap3A_586], %gather3A_583 {strides = array<i32>} : memref<4x128xi32, #tpu.memory_space<vmem>>, vector<16xi32>,
        %add3A_588 = arith.constant 2560 : i32
        %add3A_589 = arith.addi %add3A_588, %add3A_515 : i32
        %add3A_590 = vector.broadcast %add3A_589 : i32 to vector<16xi32>
        %add3A_591 = arith.addi %mul3A_7, %add3A_590 : vector<16xi32>
        %gather3A_592 = tpu.vector_load_idx %arg5[%add3A_591] : memref<10240xi32, #tpu.memory_space<vmem>>[vector<16xi32>], vector<16xi32>,
        %swap3A_593 = arith.constant 1 : i32
        %swap3A_594 = arith.index_cast %swap3A_593 : i32 to index
        %swap3A_595 = arith.constant 0 : index
        %swap3A_596 = tpu.vector_load %arg6[%swap3A_594, %swap3A_595] {strides = array<i32>} : memref<4x128xi32, #tpu.memory_space<vmem>>, vector<16xi32>,
        tpu.vector_store %arg6[%swap3A_594, %swap3A_595], %gather3A_592 {strides = array<i32>} : memref<4x128xi32, #tpu.memory_space<vmem>>, vector<16xi32>,
        %add3A_597 = arith.constant 2880 : i32
        %add3A_598 = arith.addi %add3A_597, %add3A_515 : i32
        %add3A_599 = vector.broadcast %add3A_598 : i32 to vector<16xi32>
        %add3A_600 = arith.addi %mul3A_7, %add3A_599 : vector<16xi32>
        %gather3A_601 = tpu.vector_load_idx %arg5[%add3A_600] : memref<10240xi32, #tpu.memory_space<vmem>>[vector<16xi32>], vector<16xi32>,
        %swap3A_602 = arith.constant 1 : i32
        %swap3A_603 = arith.index_cast %swap3A_602 : i32 to index
        %swap3A_604 = arith.constant 16 : index
        %swap3A_605 = tpu.vector_load %arg6[%swap3A_603, %swap3A_604] {strides = array<i32>} : memref<4x128xi32, #tpu.memory_space<vmem>>, vector<16xi32>,
        tpu.vector_store %arg6[%swap3A_603, %swap3A_604], %gather3A_601 {strides = array<i32>} : memref<4x128xi32, #tpu.memory_space<vmem>>, vector<16xi32>,
        %add3A_606 = arith.constant 3200 : i32
        %add3A_607 = arith.addi %add3A_606, %add3A_515 : i32
        %add3A_608 = vector.broadcast %add3A_607 : i32 to vector<16xi32>
        %add3A_609 = arith.addi %mul3A_7, %add3A_608 : vector<16xi32>
        %gather3A_610 = tpu.vector_load_idx %arg5[%add3A_609] : memref<10240xi32, #tpu.memory_space<vmem>>[vector<16xi32>], vector<16xi32>,
        %swap3A_611 = arith.constant 1 : i32
        %swap3A_612 = arith.index_cast %swap3A_611 : i32 to index
        %swap3A_613 = arith.constant 32 : index
        %swap3A_614 = tpu.vector_load %arg6[%swap3A_612, %swap3A_613] {strides = array<i32>} : memref<4x128xi32, #tpu.memory_space<vmem>>, vector<16xi32>,
        tpu.vector_store %arg6[%swap3A_612, %swap3A_613], %gather3A_610 {strides = array<i32>} : memref<4x128xi32, #tpu.memory_space<vmem>>, vector<16xi32>,
        %add3A_615 = arith.constant 3520 : i32
        %add3A_616 = arith.addi %add3A_615, %add3A_515 : i32
        %add3A_617 = vector.broadcast %add3A_616 : i32 to vector<16xi32>
        %add3A_618 = arith.addi %mul3A_7, %add3A_617 : vector<16xi32>
        %gather3A_619 = tpu.vector_load_idx %arg5[%add3A_618] : memref<10240xi32, #tpu.memory_space<vmem>>[vector<16xi32>], vector<16xi32>,
        %swap3A_620 = arith.constant 1 : i32
        %swap3A_621 = arith.index_cast %swap3A_620 : i32 to index
        %swap3A_622 = arith.constant 48 : index
        %swap3A_623 = tpu.vector_load %arg6[%swap3A_621, %swap3A_622] {strides = array<i32>} : memref<4x128xi32, #tpu.memory_space<vmem>>, vector<16xi32>,
        tpu.vector_store %arg6[%swap3A_621, %swap3A_622], %gather3A_619 {strides = array<i32>} : memref<4x128xi32, #tpu.memory_space<vmem>>, vector<16xi32>,
        %add3A_624 = arith.constant 3840 : i32
        %add3A_625 = arith.addi %add3A_624, %add3A_515 : i32
        %add3A_626 = vector.broadcast %add3A_625 : i32 to vector<16xi32>
        %add3A_627 = arith.addi %mul3A_7, %add3A_626 : vector<16xi32>
        %gather3A_628 = tpu.vector_load_idx %arg5[%add3A_627] : memref<10240xi32, #tpu.memory_space<vmem>>[vector<16xi32>], vector<16xi32>,
        %swap3A_629 = arith.constant 1 : i32
        %swap3A_630 = arith.index_cast %swap3A_629 : i32 to index
        %swap3A_631 = arith.constant 64 : index
        %swap3A_632 = tpu.vector_load %arg6[%swap3A_630, %swap3A_631] {strides = array<i32>} : memref<4x128xi32, #tpu.memory_space<vmem>>, vector<16xi32>,
        tpu.vector_store %arg6[%swap3A_630, %swap3A_631], %gather3A_628 {strides = array<i32>} : memref<4x128xi32, #tpu.memory_space<vmem>>, vector<16xi32>,
        %add3A_633 = arith.constant 4160 : i32
        %add3A_634 = arith.addi %add3A_633, %add3A_515 : i32
        %add3A_635 = vector.broadcast %add3A_634 : i32 to vector<16xi32>
        %add3A_636 = arith.addi %mul3A_7, %add3A_635 : vector<16xi32>
        %gather3A_637 = tpu.vector_load_idx %arg5[%add3A_636] : memref<10240xi32, #tpu.memory_space<vmem>>[vector<16xi32>], vector<16xi32>,
        %swap3A_638 = arith.constant 1 : i32
        %swap3A_639 = arith.index_cast %swap3A_638 : i32 to index
        %swap3A_640 = arith.constant 80 : index
        %swap3A_641 = tpu.vector_load %arg6[%swap3A_639, %swap3A_640] {strides = array<i32>} : memref<4x128xi32, #tpu.memory_space<vmem>>, vector<16xi32>,
        tpu.vector_store %arg6[%swap3A_639, %swap3A_640], %gather3A_637 {strides = array<i32>} : memref<4x128xi32, #tpu.memory_space<vmem>>, vector<16xi32>,
        %add3A_642 = arith.constant 4480 : i32
        %add3A_643 = arith.addi %add3A_642, %add3A_515 : i32
        %add3A_644 = vector.broadcast %add3A_643 : i32 to vector<16xi32>
        %add3A_645 = arith.addi %mul3A_7, %add3A_644 : vector<16xi32>
        %gather3A_646 = tpu.vector_load_idx %arg5[%add3A_645] : memref<10240xi32, #tpu.memory_space<vmem>>[vector<16xi32>], vector<16xi32>,
        %swap3A_647 = arith.constant 1 : i32
        %swap3A_648 = arith.index_cast %swap3A_647 : i32 to index
        %swap3A_649 = arith.constant 96 : index
        %swap3A_650 = tpu.vector_load %arg6[%swap3A_648, %swap3A_649] {strides = array<i32>} : memref<4x128xi32, #tpu.memory_space<vmem>>, vector<16xi32>,
        tpu.vector_store %arg6[%swap3A_648, %swap3A_649], %gather3A_646 {strides = array<i32>} : memref<4x128xi32, #tpu.memory_space<vmem>>, vector<16xi32>,
        %add3A_651 = arith.constant 4800 : i32
        %add3A_652 = arith.addi %add3A_651, %add3A_515 : i32
        %add3A_653 = vector.broadcast %add3A_652 : i32 to vector<16xi32>
        %add3A_654 = arith.addi %mul3A_7, %add3A_653 : vector<16xi32>
        %gather3A_655 = tpu.vector_load_idx %arg5[%add3A_654] : memref<10240xi32, #tpu.memory_space<vmem>>[vector<16xi32>], vector<16xi32>,
        %swap3A_656 = arith.constant 1 : i32
        %swap3A_657 = arith.index_cast %swap3A_656 : i32 to index
        %swap3A_658 = arith.constant 112 : index
        %swap3A_659 = tpu.vector_load %arg6[%swap3A_657, %swap3A_658] {strides = array<i32>} : memref<4x128xi32, #tpu.memory_space<vmem>>, vector<16xi32>,
        tpu.vector_store %arg6[%swap3A_657, %swap3A_658], %gather3A_655 {strides = array<i32>} : memref<4x128xi32, #tpu.memory_space<vmem>>, vector<16xi32>,
        %add3A_660 = arith.constant 5120 : i32
        %add3A_661 = arith.addi %add3A_660, %add3A_515 : i32
        %add3A_662 = vector.broadcast %add3A_661 : i32 to vector<16xi32>
        %add3A_663 = arith.addi %mul3A_7, %add3A_662 : vector<16xi32>
        %gather3A_664 = tpu.vector_load_idx %arg5[%add3A_663] : memref<10240xi32, #tpu.memory_space<vmem>>[vector<16xi32>], vector<16xi32>,
        %swap3A_665 = arith.constant 2 : i32
        %swap3A_666 = arith.index_cast %swap3A_665 : i32 to index
        %swap3A_667 = arith.constant 0 : index
        %swap3A_668 = tpu.vector_load %arg6[%swap3A_666, %swap3A_667] {strides = array<i32>} : memref<4x128xi32, #tpu.memory_space<vmem>>, vector<16xi32>,
        tpu.vector_store %arg6[%swap3A_666, %swap3A_667], %gather3A_664 {strides = array<i32>} : memref<4x128xi32, #tpu.memory_space<vmem>>, vector<16xi32>,
        %add3A_669 = arith.constant 5440 : i32
        %add3A_670 = arith.addi %add3A_669, %add3A_515 : i32
        %add3A_671 = vector.broadcast %add3A_670 : i32 to vector<16xi32>
        %add3A_672 = arith.addi %mul3A_7, %add3A_671 : vector<16xi32>
        %gather3A_673 = tpu.vector_load_idx %arg5[%add3A_672] : memref<10240xi32, #tpu.memory_space<vmem>>[vector<16xi32>], vector<16xi32>,
        %swap3A_674 = arith.constant 2 : i32
        %swap3A_675 = arith.index_cast %swap3A_674 : i32 to index
        %swap3A_676 = arith.constant 16 : index
        %swap3A_677 = tpu.vector_load %arg6[%swap3A_675, %swap3A_676] {strides = array<i32>} : memref<4x128xi32, #tpu.memory_space<vmem>>, vector<16xi32>,
        tpu.vector_store %arg6[%swap3A_675, %swap3A_676], %gather3A_673 {strides = array<i32>} : memref<4x128xi32, #tpu.memory_space<vmem>>, vector<16xi32>,
        %add3A_678 = arith.constant 5760 : i32
        %add3A_679 = arith.addi %add3A_678, %add3A_515 : i32
        %add3A_680 = vector.broadcast %add3A_679 : i32 to vector<16xi32>
        %add3A_681 = arith.addi %mul3A_7, %add3A_680 : vector<16xi32>
        %gather3A_682 = tpu.vector_load_idx %arg5[%add3A_681] : memref<10240xi32, #tpu.memory_space<vmem>>[vector<16xi32>], vector<16xi32>,
        %swap3A_683 = arith.constant 2 : i32
        %swap3A_684 = arith.index_cast %swap3A_683 : i32 to index
        %swap3A_685 = arith.constant 32 : index
        %swap3A_686 = tpu.vector_load %arg6[%swap3A_684, %swap3A_685] {strides = array<i32>} : memref<4x128xi32, #tpu.memory_space<vmem>>, vector<16xi32>,
        tpu.vector_store %arg6[%swap3A_684, %swap3A_685], %gather3A_682 {strides = array<i32>} : memref<4x128xi32, #tpu.memory_space<vmem>>, vector<16xi32>,
        %add3A_687 = arith.constant 6080 : i32
        %add3A_688 = arith.addi %add3A_687, %add3A_515 : i32
        %add3A_689 = vector.broadcast %add3A_688 : i32 to vector<16xi32>
        %add3A_690 = arith.addi %mul3A_7, %add3A_689 : vector<16xi32>
        %gather3A_691 = tpu.vector_load_idx %arg5[%add3A_690] : memref<10240xi32, #tpu.memory_space<vmem>>[vector<16xi32>], vector<16xi32>,
        %swap3A_692 = arith.constant 2 : i32
        %swap3A_693 = arith.index_cast %swap3A_692 : i32 to index
        %swap3A_694 = arith.constant 48 : index
        %swap3A_695 = tpu.vector_load %arg6[%swap3A_693, %swap3A_694] {strides = array<i32>} : memref<4x128xi32, #tpu.memory_space<vmem>>, vector<16xi32>,
        tpu.vector_store %arg6[%swap3A_693, %swap3A_694], %gather3A_691 {strides = array<i32>} : memref<4x128xi32, #tpu.memory_space<vmem>>, vector<16xi32>,
        %add3A_696 = arith.constant 6400 : i32
        %add3A_697 = arith.addi %add3A_696, %add3A_515 : i32
        %add3A_698 = vector.broadcast %add3A_697 : i32 to vector<16xi32>
        %add3A_699 = arith.addi %mul3A_7, %add3A_698 : vector<16xi32>
        %gather3A_700 = tpu.vector_load_idx %arg5[%add3A_699] : memref<10240xi32, #tpu.memory_space<vmem>>[vector<16xi32>], vector<16xi32>,
        %swap3A_701 = arith.constant 2 : i32
        %swap3A_702 = arith.index_cast %swap3A_701 : i32 to index
        %swap3A_703 = arith.constant 64 : index
        %swap3A_704 = tpu.vector_load %arg6[%swap3A_702, %swap3A_703] {strides = array<i32>} : memref<4x128xi32, #tpu.memory_space<vmem>>, vector<16xi32>,
        tpu.vector_store %arg6[%swap3A_702, %swap3A_703], %gather3A_700 {strides = array<i32>} : memref<4x128xi32, #tpu.memory_space<vmem>>, vector<16xi32>,
        %add3A_705 = arith.constant 6720 : i32
        %add3A_706 = arith.addi %add3A_705, %add3A_515 : i32
        %add3A_707 = vector.broadcast %add3A_706 : i32 to vector<16xi32>
        %add3A_708 = arith.addi %mul3A_7, %add3A_707 : vector<16xi32>
        %gather3A_709 = tpu.vector_load_idx %arg5[%add3A_708] : memref<10240xi32, #tpu.memory_space<vmem>>[vector<16xi32>], vector<16xi32>,
        %swap3A_710 = arith.constant 2 : i32
        %swap3A_711 = arith.index_cast %swap3A_710 : i32 to index
        %swap3A_712 = arith.constant 80 : index
        %swap3A_713 = tpu.vector_load %arg6[%swap3A_711, %swap3A_712] {strides = array<i32>} : memref<4x128xi32, #tpu.memory_space<vmem>>, vector<16xi32>,
        tpu.vector_store %arg6[%swap3A_711, %swap3A_712], %gather3A_709 {strides = array<i32>} : memref<4x128xi32, #tpu.memory_space<vmem>>, vector<16xi32>,
        %add3A_714 = arith.constant 7040 : i32
        %add3A_715 = arith.addi %add3A_714, %add3A_515 : i32
        %add3A_716 = vector.broadcast %add3A_715 : i32 to vector<16xi32>
        %add3A_717 = arith.addi %mul3A_7, %add3A_716 : vector<16xi32>
        %gather3A_718 = tpu.vector_load_idx %arg5[%add3A_717] : memref<10240xi32, #tpu.memory_space<vmem>>[vector<16xi32>], vector<16xi32>,
        %swap3A_719 = arith.constant 2 : i32
        %swap3A_720 = arith.index_cast %swap3A_719 : i32 to index
        %swap3A_721 = arith.constant 96 : index
        %swap3A_722 = tpu.vector_load %arg6[%swap3A_720, %swap3A_721] {strides = array<i32>} : memref<4x128xi32, #tpu.memory_space<vmem>>, vector<16xi32>,
        tpu.vector_store %arg6[%swap3A_720, %swap3A_721], %gather3A_718 {strides = array<i32>} : memref<4x128xi32, #tpu.memory_space<vmem>>, vector<16xi32>,
        %add3A_723 = arith.constant 7360 : i32
        %add3A_724 = arith.addi %add3A_723, %add3A_515 : i32
        %add3A_725 = vector.broadcast %add3A_724 : i32 to vector<16xi32>
        %add3A_726 = arith.addi %mul3A_7, %add3A_725 : vector<16xi32>
        %gather3A_727 = tpu.vector_load_idx %arg5[%add3A_726] : memref<10240xi32, #tpu.memory_space<vmem>>[vector<16xi32>], vector<16xi32>,
        %swap3A_728 = arith.constant 2 : i32
        %swap3A_729 = arith.index_cast %swap3A_728 : i32 to index
        %swap3A_730 = arith.constant 112 : index
        %swap3A_731 = tpu.vector_load %arg6[%swap3A_729, %swap3A_730] {strides = array<i32>} : memref<4x128xi32, #tpu.memory_space<vmem>>, vector<16xi32>,
        tpu.vector_store %arg6[%swap3A_729, %swap3A_730], %gather3A_727 {strides = array<i32>} : memref<4x128xi32, #tpu.memory_space<vmem>>, vector<16xi32>,
        %add3A_732 = arith.constant 7680 : i32
        %add3A_733 = arith.addi %add3A_732, %add3A_515 : i32
        %add3A_734 = vector.broadcast %add3A_733 : i32 to vector<16xi32>
        %add3A_735 = arith.addi %mul3A_7, %add3A_734 : vector<16xi32>
        %gather3A_736 = tpu.vector_load_idx %arg5[%add3A_735] : memref<10240xi32, #tpu.memory_space<vmem>>[vector<16xi32>], vector<16xi32>,
        %swap3A_737 = arith.constant 3 : i32
        %swap3A_738 = arith.index_cast %swap3A_737 : i32 to index
        %swap3A_739 = arith.constant 0 : index
        %swap3A_740 = tpu.vector_load %arg6[%swap3A_738, %swap3A_739] {strides = array<i32>} : memref<4x128xi32, #tpu.memory_space<vmem>>, vector<16xi32>,
        tpu.vector_store %arg6[%swap3A_738, %swap3A_739], %gather3A_736 {strides = array<i32>} : memref<4x128xi32, #tpu.memory_space<vmem>>, vector<16xi32>,
        %add3A_741 = arith.constant 8000 : i32
        %add3A_742 = arith.addi %add3A_741, %add3A_515 : i32
        %add3A_743 = vector.broadcast %add3A_742 : i32 to vector<16xi32>
        %add3A_744 = arith.addi %mul3A_7, %add3A_743 : vector<16xi32>
        %gather3A_745 = tpu.vector_load_idx %arg5[%add3A_744] : memref<10240xi32, #tpu.memory_space<vmem>>[vector<16xi32>], vector<16xi32>,
        %swap3A_746 = arith.constant 3 : i32
        %swap3A_747 = arith.index_cast %swap3A_746 : i32 to index
        %swap3A_748 = arith.constant 16 : index
        %swap3A_749 = tpu.vector_load %arg6[%swap3A_747, %swap3A_748] {strides = array<i32>} : memref<4x128xi32, #tpu.memory_space<vmem>>, vector<16xi32>,
        tpu.vector_store %arg6[%swap3A_747, %swap3A_748], %gather3A_745 {strides = array<i32>} : memref<4x128xi32, #tpu.memory_space<vmem>>, vector<16xi32>,
        %add3A_750 = arith.constant 8320 : i32
        %add3A_751 = arith.addi %add3A_750, %add3A_515 : i32
        %add3A_752 = vector.broadcast %add3A_751 : i32 to vector<16xi32>
        %add3A_753 = arith.addi %mul3A_7, %add3A_752 : vector<16xi32>
        %gather3A_754 = tpu.vector_load_idx %arg5[%add3A_753] : memref<10240xi32, #tpu.memory_space<vmem>>[vector<16xi32>], vector<16xi32>,
        %swap3A_755 = arith.constant 3 : i32
        %swap3A_756 = arith.index_cast %swap3A_755 : i32 to index
        %swap3A_757 = arith.constant 32 : index
        %swap3A_758 = tpu.vector_load %arg6[%swap3A_756, %swap3A_757] {strides = array<i32>} : memref<4x128xi32, #tpu.memory_space<vmem>>, vector<16xi32>,
        tpu.vector_store %arg6[%swap3A_756, %swap3A_757], %gather3A_754 {strides = array<i32>} : memref<4x128xi32, #tpu.memory_space<vmem>>, vector<16xi32>,
        %add3A_759 = arith.constant 8640 : i32
        %add3A_760 = arith.addi %add3A_759, %add3A_515 : i32
        %add3A_761 = vector.broadcast %add3A_760 : i32 to vector<16xi32>
        %add3A_762 = arith.addi %mul3A_7, %add3A_761 : vector<16xi32>
        %gather3A_763 = tpu.vector_load_idx %arg5[%add3A_762] : memref<10240xi32, #tpu.memory_space<vmem>>[vector<16xi32>], vector<16xi32>,
        %swap3A_764 = arith.constant 3 : i32
        %swap3A_765 = arith.index_cast %swap3A_764 : i32 to index
        %swap3A_766 = arith.constant 48 : index
        %swap3A_767 = tpu.vector_load %arg6[%swap3A_765, %swap3A_766] {strides = array<i32>} : memref<4x128xi32, #tpu.memory_space<vmem>>, vector<16xi32>,
        tpu.vector_store %arg6[%swap3A_765, %swap3A_766], %gather3A_763 {strides = array<i32>} : memref<4x128xi32, #tpu.memory_space<vmem>>, vector<16xi32>,
        %add3A_768 = arith.constant 8960 : i32
        %add3A_769 = arith.addi %add3A_768, %add3A_515 : i32
        %add3A_770 = vector.broadcast %add3A_769 : i32 to vector<16xi32>
        %add3A_771 = arith.addi %mul3A_7, %add3A_770 : vector<16xi32>
        %gather3A_772 = tpu.vector_load_idx %arg5[%add3A_771] : memref<10240xi32, #tpu.memory_space<vmem>>[vector<16xi32>], vector<16xi32>,
        %swap3A_773 = arith.constant 3 : i32
        %swap3A_774 = arith.index_cast %swap3A_773 : i32 to index
        %swap3A_775 = arith.constant 64 : index
        %swap3A_776 = tpu.vector_load %arg6[%swap3A_774, %swap3A_775] {strides = array<i32>} : memref<4x128xi32, #tpu.memory_space<vmem>>, vector<16xi32>,
        tpu.vector_store %arg6[%swap3A_774, %swap3A_775], %gather3A_772 {strides = array<i32>} : memref<4x128xi32, #tpu.memory_space<vmem>>, vector<16xi32>,
        %add3A_777 = arith.constant 9280 : i32
        %add3A_778 = arith.addi %add3A_777, %add3A_515 : i32
        %add3A_779 = vector.broadcast %add3A_778 : i32 to vector<16xi32>
        %add3A_780 = arith.addi %mul3A_7, %add3A_779 : vector<16xi32>
        %gather3A_781 = tpu.vector_load_idx %arg5[%add3A_780] : memref<10240xi32, #tpu.memory_space<vmem>>[vector<16xi32>], vector<16xi32>,
        %swap3A_782 = arith.constant 3 : i32
        %swap3A_783 = arith.index_cast %swap3A_782 : i32 to index
        %swap3A_784 = arith.constant 80 : index
        %swap3A_785 = tpu.vector_load %arg6[%swap3A_783, %swap3A_784] {strides = array<i32>} : memref<4x128xi32, #tpu.memory_space<vmem>>, vector<16xi32>,
        tpu.vector_store %arg6[%swap3A_783, %swap3A_784], %gather3A_781 {strides = array<i32>} : memref<4x128xi32, #tpu.memory_space<vmem>>, vector<16xi32>,
        %add3A_786 = arith.constant 9600 : i32
        %add3A_787 = arith.addi %add3A_786, %add3A_515 : i32
        %add3A_788 = vector.broadcast %add3A_787 : i32 to vector<16xi32>
        %add3A_789 = arith.addi %mul3A_7, %add3A_788 : vector<16xi32>
        %gather3A_790 = tpu.vector_load_idx %arg5[%add3A_789] : memref<10240xi32, #tpu.memory_space<vmem>>[vector<16xi32>], vector<16xi32>,
        %swap3A_791 = arith.constant 3 : i32
        %swap3A_792 = arith.index_cast %swap3A_791 : i32 to index
        %swap3A_793 = arith.constant 96 : index
        %swap3A_794 = tpu.vector_load %arg6[%swap3A_792, %swap3A_793] {strides = array<i32>} : memref<4x128xi32, #tpu.memory_space<vmem>>, vector<16xi32>,
        tpu.vector_store %arg6[%swap3A_792, %swap3A_793], %gather3A_790 {strides = array<i32>} : memref<4x128xi32, #tpu.memory_space<vmem>>, vector<16xi32>,
        %add3A_795 = arith.constant 9920 : i32
        %add3A_796 = arith.addi %add3A_795, %add3A_515 : i32
        %add3A_797 = vector.broadcast %add3A_796 : i32 to vector<16xi32>
        %add3A_798 = arith.addi %mul3A_7, %add3A_797 : vector<16xi32>
        %gather3A_799 = tpu.vector_load_idx %arg5[%add3A_798] : memref<10240xi32, #tpu.memory_space<vmem>>[vector<16xi32>], vector<16xi32>,
        %swap3A_800 = arith.constant 3 : i32
        %swap3A_801 = arith.index_cast %swap3A_800 : i32 to index
        %swap3A_802 = arith.constant 112 : index
        %swap3A_803 = tpu.vector_load %arg6[%swap3A_801, %swap3A_802] {strides = array<i32>} : memref<4x128xi32, #tpu.memory_space<vmem>>, vector<16xi32>,
        tpu.vector_store %arg6[%swap3A_801, %swap3A_802], %gather3A_799 {strides = array<i32>} : memref<4x128xi32, #tpu.memory_space<vmem>>, vector<16xi32>,
        %dma_start3A_804 = arith.constant 0 : i32
        %dma_start3A_805 = arith.constant 0 : i32
        %dma_start3A_806 = arith.constant 0 : i32
        %dma_start3A_807 = tpu.memref_slice %arg8[%dma_start3A_805, %dma_start3A_806] : memref<512x32xf32, #tpu.memory_space<vmem>> -> memref<128x32xf32, #tpu.memory_space<vmem>>
        %dma_start3A_808 = arith.constant 0 : i32
        %dma_start3A_809 = tpu.memref_slice %arg6[%dma_start3A_804, %dma_start3A_808] : memref<4x128xi32, #tpu.memory_space<vmem>> -> memref<1x128xi32, #tpu.memory_space<vmem>>
        %dma_start3A_810 = tpu.memref_squeeze %dma_start3A_809 : memref<1x128xi32, #tpu.memory_space<vmem>> -> memref<128xi32, #tpu.memory_space<vmem>>
        %dma_start3A_811 = arith.constant 0 : i32
        %dma_start3A_812 = arith.constant 0 : i32
        %dma_start3A_813 = tpu.memref_slice %arg3[%dma_start3A_811, %dma_start3A_812] : memref<1000000x32xf32, #tpu.memory_space<hbm>> -> memref<1000000x32xf32, #tpu.memory_space<hbm>>
        tpu.enqueue_indirect_dma source(%dma_start3A_813 : memref<1000000x32xf32, #tpu.memory_space<hbm>>) target(%dma_start3A_807 : memref<128x32xf32, #tpu.memory_space<vmem>>) offsets(%dma_start3A_810 : memref<128xi32, #tpu.memory_space<vmem>>) semaphore(%arg11 : memref<!tpu.dma_semaphore, #tpu.memory_space<semaphore_mem>>)
        %dma_start3A_814 = arith.constant 1 : i32
        %dma_start3A_815 = arith.constant 128 : i32
        %dma_start3A_816 = arith.constant 0 : i32
        %dma_start3A_817 = tpu.memref_slice %arg8[%dma_start3A_815, %dma_start3A_816] : memref<512x32xf32, #tpu.memory_space<vmem>> -> memref<128x32xf32, #tpu.memory_space<vmem>>
        %dma_start3A_818 = arith.constant 0 : i32
        %dma_start3A_819 = tpu.memref_slice %arg6[%dma_start3A_814, %dma_start3A_818] : memref<4x128xi32, #tpu.memory_space<vmem>> -> memref<1x128xi32, #tpu.memory_space<vmem>>
        %dma_start3A_820 = tpu.memref_squeeze %dma_start3A_819 : memref<1x128xi32, #tpu.memory_space<vmem>> -> memref<128xi32, #tpu.memory_space<vmem>>
        %dma_start3A_821 = arith.constant 0 : i32
        %dma_start3A_822 = arith.constant 0 : i32
        %dma_start3A_823 = tpu.memref_slice %arg3[%dma_start3A_821, %dma_start3A_822] : memref<1000000x32xf32, #tpu.memory_space<hbm>> -> memref<1000000x32xf32, #tpu.memory_space<hbm>>
        tpu.enqueue_indirect_dma source(%dma_start3A_823 : memref<1000000x32xf32, #tpu.memory_space<hbm>>) target(%dma_start3A_817 : memref<128x32xf32, #tpu.memory_space<vmem>>) offsets(%dma_start3A_820 : memref<128xi32, #tpu.memory_space<vmem>>) semaphore(%arg11 : memref<!tpu.dma_semaphore, #tpu.memory_space<semaphore_mem>>)
        %dma_start3A_824 = arith.constant 2 : i32
        %dma_start3A_825 = arith.constant 256 : i32
        %dma_start3A_826 = arith.constant 0 : i32
        %dma_start3A_827 = tpu.memref_slice %arg8[%dma_start3A_825, %dma_start3A_826] : memref<512x32xf32, #tpu.memory_space<vmem>> -> memref<128x32xf32, #tpu.memory_space<vmem>>
        %dma_start3A_828 = arith.constant 0 : i32
        %dma_start3A_829 = tpu.memref_slice %arg6[%dma_start3A_824, %dma_start3A_828] : memref<4x128xi32, #tpu.memory_space<vmem>> -> memref<1x128xi32, #tpu.memory_space<vmem>>
        %dma_start3A_830 = tpu.memref_squeeze %dma_start3A_829 : memref<1x128xi32, #tpu.memory_space<vmem>> -> memref<128xi32, #tpu.memory_space<vmem>>
        %dma_start3A_831 = arith.constant 0 : i32
        %dma_start3A_832 = arith.constant 0 : i32
        %dma_start3A_833 = tpu.memref_slice %arg3[%dma_start3A_831, %dma_start3A_832] : memref<1000000x32xf32, #tpu.memory_space<hbm>> -> memref<1000000x32xf32, #tpu.memory_space<hbm>>
        tpu.enqueue_indirect_dma source(%dma_start3A_833 : memref<1000000x32xf32, #tpu.memory_space<hbm>>) target(%dma_start3A_827 : memref<128x32xf32, #tpu.memory_space<vmem>>) offsets(%dma_start3A_830 : memref<128xi32, #tpu.memory_space<vmem>>) semaphore(%arg11 : memref<!tpu.dma_semaphore, #tpu.memory_space<semaphore_mem>>)
        %dma_start3A_834 = arith.constant 3 : i32
        %dma_start3A_835 = arith.constant 384 : i32
        %dma_start3A_836 = arith.constant 0 : i32
        %dma_start3A_837 = tpu.memref_slice %arg8[%dma_start3A_835, %dma_start3A_836] : memref<512x32xf32, #tpu.memory_space<vmem>> -> memref<128x32xf32, #tpu.memory_space<vmem>>
        %dma_start3A_838 = arith.constant 0 : i32
        %dma_start3A_839 = tpu.memref_slice %arg6[%dma_start3A_834, %dma_start3A_838] : memref<4x128xi32, #tpu.memory_space<vmem>> -> memref<1x128xi32, #tpu.memory_space<vmem>>
        %dma_start3A_840 = tpu.memref_squeeze %dma_start3A_839 : memref<1x128xi32, #tpu.memory_space<vmem>> -> memref<128xi32, #tpu.memory_space<vmem>>
        %dma_start3A_841 = arith.constant 0 : i32
        %dma_start3A_842 = arith.constant 0 : i32
        %dma_start3A_843 = tpu.memref_slice %arg3[%dma_start3A_841, %dma_start3A_842] : memref<1000000x32xf32, #tpu.memory_space<hbm>> -> memref<1000000x32xf32, #tpu.memory_space<hbm>>
        tpu.enqueue_indirect_dma source(%dma_start3A_843 : memref<1000000x32xf32, #tpu.memory_space<hbm>>) target(%dma_start3A_837 : memref<128x32xf32, #tpu.memory_space<vmem>>) offsets(%dma_start3A_840 : memref<128xi32, #tpu.memory_space<vmem>>) semaphore(%arg11 : memref<!tpu.dma_semaphore, #tpu.memory_space<semaphore_mem>>)
      } else {
      }
      %dma_wait3A_467 = arith.constant 0 : i32
      %dma_wait3A_468 = arith.constant 0 : i32
      %dma_wait3A_469 = arith.constant 0 : i32
      %dma_wait3A_470 = tpu.memref_slice %arg9[%dma_wait3A_468, %dma_wait3A_469] : memref<512x32xf32, #tpu.memory_space<vmem>> -> memref<128x32xf32, #tpu.memory_space<vmem>>
      %dma_wait3A_471 = arith.constant 0 : i32
      %dma_wait3A_472 = tpu.memref_slice %arg7[%dma_wait3A_467, %dma_wait3A_471] : memref<4x128xi32, #tpu.memory_space<vmem>> -> memref<1x128xi32, #tpu.memory_space<vmem>>
      %dma_wait3A_473 = tpu.memref_squeeze %dma_wait3A_472 : memref<1x128xi32, #tpu.memory_space<vmem>> -> memref<128xi32, #tpu.memory_space<vmem>>
      %dma_wait3A_474 = arith.constant 0 : i32
      %dma_wait3A_475 = arith.constant 0 : i32
      %dma_wait3A_476 = tpu.memref_slice %arg3[%dma_wait3A_474, %dma_wait3A_475] : memref<1000000x32xf32, #tpu.memory_space<hbm>> -> memref<1000000x32xf32, #tpu.memory_space<hbm>>
      tpu.wait_indirect_dma semaphore(%arg12 : memref<!tpu.dma_semaphore, #tpu.memory_space<semaphore_mem>>) src(%dma_wait3A_476 : memref<1000000x32xf32, #tpu.memory_space<hbm>>) dst(%dma_wait3A_470 : memref<128x32xf32, #tpu.memory_space<vmem>>)
      %dma_wait3A_477 = arith.constant 1 : i32
      %dma_wait3A_478 = arith.constant 128 : i32
      %dma_wait3A_479 = arith.constant 0 : i32
      %dma_wait3A_480 = tpu.memref_slice %arg9[%dma_wait3A_478, %dma_wait3A_479] : memref<512x32xf32, #tpu.memory_space<vmem>> -> memref<128x32xf32, #tpu.memory_space<vmem>>
      %dma_wait3A_481 = arith.constant 0 : i32
      %dma_wait3A_482 = tpu.memref_slice %arg7[%dma_wait3A_477, %dma_wait3A_481] : memref<4x128xi32, #tpu.memory_space<vmem>> -> memref<1x128xi32, #tpu.memory_space<vmem>>
      %dma_wait3A_483 = tpu.memref_squeeze %dma_wait3A_482 : memref<1x128xi32, #tpu.memory_space<vmem>> -> memref<128xi32, #tpu.memory_space<vmem>>
      %dma_wait3A_484 = arith.constant 0 : i32
      %dma_wait3A_485 = arith.constant 0 : i32
      %dma_wait3A_486 = tpu.memref_slice %arg3[%dma_wait3A_484, %dma_wait3A_485] : memref<1000000x32xf32, #tpu.memory_space<hbm>> -> memref<1000000x32xf32, #tpu.memory_space<hbm>>
      tpu.wait_indirect_dma semaphore(%arg12 : memref<!tpu.dma_semaphore, #tpu.memory_space<semaphore_mem>>) src(%dma_wait3A_486 : memref<1000000x32xf32, #tpu.memory_space<hbm>>) dst(%dma_wait3A_480 : memref<128x32xf32, #tpu.memory_space<vmem>>)
      %dma_wait3A_487 = arith.constant 2 : i32
      %dma_wait3A_488 = arith.constant 256 : i32
      %dma_wait3A_489 = arith.constant 0 : i32
      %dma_wait3A_490 = tpu.memref_slice %arg9[%dma_wait3A_488, %dma_wait3A_489] : memref<512x32xf32, #tpu.memory_space<vmem>> -> memref<128x32xf32, #tpu.memory_space<vmem>>
      %dma_wait3A_491 = arith.constant 0 : i32
      %dma_wait3A_492 = tpu.memref_slice %arg7[%dma_wait3A_487, %dma_wait3A_491] : memref<4x128xi32, #tpu.memory_space<vmem>> -> memref<1x128xi32, #tpu.memory_space<vmem>>
      %dma_wait3A_493 = tpu.memref_squeeze %dma_wait3A_492 : memref<1x128xi32, #tpu.memory_space<vmem>> -> memref<128xi32, #tpu.memory_space<vmem>>
      %dma_wait3A_494 = arith.constant 0 : i32
      %dma_wait3A_495 = arith.constant 0 : i32
      %dma_wait3A_496 = tpu.memref_slice %arg3[%dma_wait3A_494, %dma_wait3A_495] : memref<1000000x32xf32, #tpu.memory_space<hbm>> -> memref<1000000x32xf32, #tpu.memory_space<hbm>>
      tpu.wait_indirect_dma semaphore(%arg12 : memref<!tpu.dma_semaphore, #tpu.memory_space<semaphore_mem>>) src(%dma_wait3A_496 : memref<1000000x32xf32, #tpu.memory_space<hbm>>) dst(%dma_wait3A_490 : memref<128x32xf32, #tpu.memory_space<vmem>>)
      %dma_wait3A_497 = arith.constant 3 : i32
      %dma_wait3A_498 = arith.constant 384 : i32
      %dma_wait3A_499 = arith.constant 0 : i32
      %dma_wait3A_500 = tpu.memref_slice %arg9[%dma_wait3A_498, %dma_wait3A_499] : memref<512x32xf32, #tpu.memory_space<vmem>> -> memref<128x32xf32, #tpu.memory_space<vmem>>
      %dma_wait3A_501 = arith.constant 0 : i32
      %dma_wait3A_502 = tpu.memref_slice %arg7[%dma_wait3A_497, %dma_wait3A_501] : memref<4x128xi32, #tpu.memory_space<vmem>> -> memref<1x128xi32, #tpu.memory_space<vmem>>
      %dma_wait3A_503 = tpu.memref_squeeze %dma_wait3A_502 : memref<1x128xi32, #tpu.memory_space<vmem>> -> memref<128xi32, #tpu.memory_space<vmem>>
      %dma_wait3A_504 = arith.constant 0 : i32
      %dma_wait3A_505 = arith.constant 0 : i32
      %dma_wait3A_506 = tpu.memref_slice %arg3[%dma_wait3A_504, %dma_wait3A_505] : memref<1000000x32xf32, #tpu.memory_space<hbm>> -> memref<1000000x32xf32, #tpu.memory_space<hbm>>
      tpu.wait_indirect_dma semaphore(%arg12 : memref<!tpu.dma_semaphore, #tpu.memory_space<semaphore_mem>>) src(%dma_wait3A_506 : memref<1000000x32xf32, #tpu.memory_space<hbm>>) dst(%dma_wait3A_500 : memref<128x32xf32, #tpu.memory_space<vmem>>)
      %scan3A_507 = arith.constant 0 : i32
      %scan3A_508 = arith.constant 32 : i32
      %scan3A_509 = arith.addi %scan3A_507, %scan3A_508 : i32
      %scan3A_510 = arith.constant 1 : i32
      scf.for %scan3A_514 = %scan3A_507 to %scan3A_509 step %scan3A_510  : i32 {
        %mul3A_515 = arith.constant 1 : i32
        %mul3A_516 = arith.muli %scan3A_514, %mul3A_515 : i32
        %add3A_517 = arith.constant 0 : i32
        %add3A_518 = arith.addi %add3A_517, %mul3A_516 : i32
        %broadcast_in_dim3A = vector.broadcast %add3A_518 : i32 to vector<16xi32>
        %gather3A_519 = tpu.vector_load_idx %arg9[%add3A_13, %broadcast_in_dim3A] : memref<512x32xf32, #tpu.memory_space<vmem>>[vector<16xi32>, vector<16xi32>], vector<16xf32>,
        %add3A_520 = arith.constant 1 : i32
        %add3A_521 = vector.broadcast %add3A_520 : i32 to vector<16xi32>
        %add3A_522 = arith.addi %add3A_13, %add3A_521 : vector<16xi32>
        %gather3A_523 = tpu.vector_load_idx %arg9[%add3A_522, %broadcast_in_dim3A] : memref<512x32xf32, #tpu.memory_space<vmem>>[vector<16xi32>, vector<16xi32>], vector<16xf32>,
        %pack3A = tpu.pack_subelements %gather3A_519, %gather3A_523 {pack_format = #tpu.pack_format<interleaved>, positions = array<i32: 0, 1>} : vector<16xf32>, vector<16xf32> -> vector<32xbf16>
        %swap3A_524 = arith.index_cast %add3A_518 : i32 to index
        %swap3A_525 = arith.constant 0 : index
        %swap3A_526 = tpu.vector_load %arg10[%swap3A_524, %swap3A_525] {strides = array<i32>} : memref<32x512xbf16, #tpu.memory_space<vmem>>, vector<32xbf16>,
        tpu.vector_store %arg10[%swap3A_524, %swap3A_525], %pack3A {strides = array<i32>} : memref<32x512xbf16, #tpu.memory_space<vmem>>, vector<32xbf16>,
        %gather3A_527 = tpu.vector_load_idx %arg9[%add3A_19, %broadcast_in_dim3A] : memref<512x32xf32, #tpu.memory_space<vmem>>[vector<16xi32>, vector<16xi32>], vector<16xf32>,
        %add3A_528 = arith.constant 1 : i32
        %add3A_529 = vector.broadcast %add3A_528 : i32 to vector<16xi32>
        %add3A_530 = arith.addi %add3A_19, %add3A_529 : vector<16xi32>
        %gather3A_531 = tpu.vector_load_idx %arg9[%add3A_530, %broadcast_in_dim3A] : memref<512x32xf32, #tpu.memory_space<vmem>>[vector<16xi32>, vector<16xi32>], vector<16xf32>,
        %pack3A_532 = tpu.pack_subelements %gather3A_527, %gather3A_531 {pack_format = #tpu.pack_format<interleaved>, positions = array<i32: 0, 1>} : vector<16xf32>, vector<16xf32> -> vector<32xbf16>
        %swap3A_533 = arith.index_cast %add3A_518 : i32 to index
        %swap3A_534 = arith.constant 32 : index
        %swap3A_535 = tpu.vector_load %arg10[%swap3A_533, %swap3A_534] {strides = array<i32>} : memref<32x512xbf16, #tpu.memory_space<vmem>>, vector<32xbf16>,
        tpu.vector_store %arg10[%swap3A_533, %swap3A_534], %pack3A_532 {strides = array<i32>} : memref<32x512xbf16, #tpu.memory_space<vmem>>, vector<32xbf16>,
        %gather3A_536 = tpu.vector_load_idx %arg9[%add3A_25, %broadcast_in_dim3A] : memref<512x32xf32, #tpu.memory_space<vmem>>[vector<16xi32>, vector<16xi32>], vector<16xf32>,
        %add3A_537 = arith.constant 1 : i32
        %add3A_538 = vector.broadcast %add3A_537 : i32 to vector<16xi32>
        %add3A_539 = arith.addi %add3A_25, %add3A_538 : vector<16xi32>
        %gather3A_540 = tpu.vector_load_idx %arg9[%add3A_539, %broadcast_in_dim3A] : memref<512x32xf32, #tpu.memory_space<vmem>>[vector<16xi32>, vector<16xi32>], vector<16xf32>,
        %pack3A_541 = tpu.pack_subelements %gather3A_536, %gather3A_540 {pack_format = #tpu.pack_format<interleaved>, positions = array<i32: 0, 1>} : vector<16xf32>, vector<16xf32> -> vector<32xbf16>
        %swap3A_542 = arith.index_cast %add3A_518 : i32 to index
        %swap3A_543 = arith.constant 64 : index
        %swap3A_544 = tpu.vector_load %arg10[%swap3A_542, %swap3A_543] {strides = array<i32>} : memref<32x512xbf16, #tpu.memory_space<vmem>>, vector<32xbf16>,
        tpu.vector_store %arg10[%swap3A_542, %swap3A_543], %pack3A_541 {strides = array<i32>} : memref<32x512xbf16, #tpu.memory_space<vmem>>, vector<32xbf16>,
        %gather3A_545 = tpu.vector_load_idx %arg9[%add3A_31, %broadcast_in_dim3A] : memref<512x32xf32, #tpu.memory_space<vmem>>[vector<16xi32>, vector<16xi32>], vector<16xf32>,
        %add3A_546 = arith.constant 1 : i32
        %add3A_547 = vector.broadcast %add3A_546 : i32 to vector<16xi32>
        %add3A_548 = arith.addi %add3A_31, %add3A_547 : vector<16xi32>
        %gather3A_549 = tpu.vector_load_idx %arg9[%add3A_548, %broadcast_in_dim3A] : memref<512x32xf32, #tpu.memory_space<vmem>>[vector<16xi32>, vector<16xi32>], vector<16xf32>,
        %pack3A_550 = tpu.pack_subelements %gather3A_545, %gather3A_549 {pack_format = #tpu.pack_format<interleaved>, positions = array<i32: 0, 1>} : vector<16xf32>, vector<16xf32> -> vector<32xbf16>
        %swap3A_551 = arith.index_cast %add3A_518 : i32 to index
        %swap3A_552 = arith.constant 96 : index
        %swap3A_553 = tpu.vector_load %arg10[%swap3A_551, %swap3A_552] {strides = array<i32>} : memref<32x512xbf16, #tpu.memory_space<vmem>>, vector<32xbf16>,
        tpu.vector_store %arg10[%swap3A_551, %swap3A_552], %pack3A_550 {strides = array<i32>} : memref<32x512xbf16, #tpu.memory_space<vmem>>, vector<32xbf16>,
        %gather3A_554 = tpu.vector_load_idx %arg9[%add3A_37, %broadcast_in_dim3A] : memref<512x32xf32, #tpu.memory_space<vmem>>[vector<16xi32>, vector<16xi32>], vector<16xf32>,
        %add3A_555 = arith.constant 1 : i32
        %add3A_556 = vector.broadcast %add3A_555 : i32 to vector<16xi32>
        %add3A_557 = arith.addi %add3A_37, %add3A_556 : vector<16xi32>
        %gather3A_558 = tpu.vector_load_idx %arg9[%add3A_557, %broadcast_in_dim3A] : memref<512x32xf32, #tpu.memory_space<vmem>>[vector<16xi32>, vector<16xi32>], vector<16xf32>,
        %pack3A_559 = tpu.pack_subelements %gather3A_554, %gather3A_558 {pack_format = #tpu.pack_format<interleaved>, positions = array<i32: 0, 1>} : vector<16xf32>, vector<16xf32> -> vector<32xbf16>
        %swap3A_560 = arith.index_cast %add3A_518 : i32 to index
        %swap3A_561 = arith.constant 128 : index
        %swap3A_562 = tpu.vector_load %arg10[%swap3A_560, %swap3A_561] {strides = array<i32>} : memref<32x512xbf16, #tpu.memory_space<vmem>>, vector<32xbf16>,
        tpu.vector_store %arg10[%swap3A_560, %swap3A_561], %pack3A_559 {strides = array<i32>} : memref<32x512xbf16, #tpu.memory_space<vmem>>, vector<32xbf16>,
        %gather3A_563 = tpu.vector_load_idx %arg9[%add3A_43, %broadcast_in_dim3A] : memref<512x32xf32, #tpu.memory_space<vmem>>[vector<16xi32>, vector<16xi32>], vector<16xf32>,
        %add3A_564 = arith.constant 1 : i32
        %add3A_565 = vector.broadcast %add3A_564 : i32 to vector<16xi32>
        %add3A_566 = arith.addi %add3A_43, %add3A_565 : vector<16xi32>
        %gather3A_567 = tpu.vector_load_idx %arg9[%add3A_566, %broadcast_in_dim3A] : memref<512x32xf32, #tpu.memory_space<vmem>>[vector<16xi32>, vector<16xi32>], vector<16xf32>,
        %pack3A_568 = tpu.pack_subelements %gather3A_563, %gather3A_567 {pack_format = #tpu.pack_format<interleaved>, positions = array<i32: 0, 1>} : vector<16xf32>, vector<16xf32> -> vector<32xbf16>
        %swap3A_569 = arith.index_cast %add3A_518 : i32 to index
        %swap3A_570 = arith.constant 160 : index
        %swap3A_571 = tpu.vector_load %arg10[%swap3A_569, %swap3A_570] {strides = array<i32>} : memref<32x512xbf16, #tpu.memory_space<vmem>>, vector<32xbf16>,
        tpu.vector_store %arg10[%swap3A_569, %swap3A_570], %pack3A_568 {strides = array<i32>} : memref<32x512xbf16, #tpu.memory_space<vmem>>, vector<32xbf16>,
        %gather3A_572 = tpu.vector_load_idx %arg9[%add3A_49, %broadcast_in_dim3A] : memref<512x32xf32, #tpu.memory_space<vmem>>[vector<16xi32>, vector<16xi32>], vector<16xf32>,
        %add3A_573 = arith.constant 1 : i32
        %add3A_574 = vector.broadcast %add3A_573 : i32 to vector<16xi32>
        %add3A_575 = arith.addi %add3A_49, %add3A_574 : vector<16xi32>
        %gather3A_576 = tpu.vector_load_idx %arg9[%add3A_575, %broadcast_in_dim3A] : memref<512x32xf32, #tpu.memory_space<vmem>>[vector<16xi32>, vector<16xi32>], vector<16xf32>,
        %pack3A_577 = tpu.pack_subelements %gather3A_572, %gather3A_576 {pack_format = #tpu.pack_format<interleaved>, positions = array<i32: 0, 1>} : vector<16xf32>, vector<16xf32> -> vector<32xbf16>
        %swap3A_578 = arith.index_cast %add3A_518 : i32 to index
        %swap3A_579 = arith.constant 192 : index
        %swap3A_580 = tpu.vector_load %arg10[%swap3A_578, %swap3A_579] {strides = array<i32>} : memref<32x512xbf16, #tpu.memory_space<vmem>>, vector<32xbf16>,
        tpu.vector_store %arg10[%swap3A_578, %swap3A_579], %pack3A_577 {strides = array<i32>} : memref<32x512xbf16, #tpu.memory_space<vmem>>, vector<32xbf16>,
        %gather3A_581 = tpu.vector_load_idx %arg9[%add3A_55, %broadcast_in_dim3A] : memref<512x32xf32, #tpu.memory_space<vmem>>[vector<16xi32>, vector<16xi32>], vector<16xf32>,
        %add3A_582 = arith.constant 1 : i32
        %add3A_583 = vector.broadcast %add3A_582 : i32 to vector<16xi32>
        %add3A_584 = arith.addi %add3A_55, %add3A_583 : vector<16xi32>
        %gather3A_585 = tpu.vector_load_idx %arg9[%add3A_584, %broadcast_in_dim3A] : memref<512x32xf32, #tpu.memory_space<vmem>>[vector<16xi32>, vector<16xi32>], vector<16xf32>,
        %pack3A_586 = tpu.pack_subelements %gather3A_581, %gather3A_585 {pack_format = #tpu.pack_format<interleaved>, positions = array<i32: 0, 1>} : vector<16xf32>, vector<16xf32> -> vector<32xbf16>
        %swap3A_587 = arith.index_cast %add3A_518 : i32 to index
        %swap3A_588 = arith.constant 224 : index
        %swap3A_589 = tpu.vector_load %arg10[%swap3A_587, %swap3A_588] {strides = array<i32>} : memref<32x512xbf16, #tpu.memory_space<vmem>>, vector<32xbf16>,
        tpu.vector_store %arg10[%swap3A_587, %swap3A_588], %pack3A_586 {strides = array<i32>} : memref<32x512xbf16, #tpu.memory_space<vmem>>, vector<32xbf16>,
        %gather3A_590 = tpu.vector_load_idx %arg9[%add3A_61, %broadcast_in_dim3A] : memref<512x32xf32, #tpu.memory_space<vmem>>[vector<16xi32>, vector<16xi32>], vector<16xf32>,
        %add3A_591 = arith.constant 1 : i32
        %add3A_592 = vector.broadcast %add3A_591 : i32 to vector<16xi32>
        %add3A_593 = arith.addi %add3A_61, %add3A_592 : vector<16xi32>
        %gather3A_594 = tpu.vector_load_idx %arg9[%add3A_593, %broadcast_in_dim3A] : memref<512x32xf32, #tpu.memory_space<vmem>>[vector<16xi32>, vector<16xi32>], vector<16xf32>,
        %pack3A_595 = tpu.pack_subelements %gather3A_590, %gather3A_594 {pack_format = #tpu.pack_format<interleaved>, positions = array<i32: 0, 1>} : vector<16xf32>, vector<16xf32> -> vector<32xbf16>
        %swap3A_596 = arith.index_cast %add3A_518 : i32 to index
        %swap3A_597 = arith.constant 256 : index
        %swap3A_598 = tpu.vector_load %arg10[%swap3A_596, %swap3A_597] {strides = array<i32>} : memref<32x512xbf16, #tpu.memory_space<vmem>>, vector<32xbf16>,
        tpu.vector_store %arg10[%swap3A_596, %swap3A_597], %pack3A_595 {strides = array<i32>} : memref<32x512xbf16, #tpu.memory_space<vmem>>, vector<32xbf16>,
        %gather3A_599 = tpu.vector_load_idx %arg9[%add3A_67, %broadcast_in_dim3A] : memref<512x32xf32, #tpu.memory_space<vmem>>[vector<16xi32>, vector<16xi32>], vector<16xf32>,
        %add3A_600 = arith.constant 1 : i32
        %add3A_601 = vector.broadcast %add3A_600 : i32 to vector<16xi32>
        %add3A_602 = arith.addi %add3A_67, %add3A_601 : vector<16xi32>
        %gather3A_603 = tpu.vector_load_idx %arg9[%add3A_602, %broadcast_in_dim3A] : memref<512x32xf32, #tpu.memory_space<vmem>>[vector<16xi32>, vector<16xi32>], vector<16xf32>,
        %pack3A_604 = tpu.pack_subelements %gather3A_599, %gather3A_603 {pack_format = #tpu.pack_format<interleaved>, positions = array<i32: 0, 1>} : vector<16xf32>, vector<16xf32> -> vector<32xbf16>
        %swap3A_605 = arith.index_cast %add3A_518 : i32 to index
        %swap3A_606 = arith.constant 288 : index
        %swap3A_607 = tpu.vector_load %arg10[%swap3A_605, %swap3A_606] {strides = array<i32>} : memref<32x512xbf16, #tpu.memory_space<vmem>>, vector<32xbf16>,
        tpu.vector_store %arg10[%swap3A_605, %swap3A_606], %pack3A_604 {strides = array<i32>} : memref<32x512xbf16, #tpu.memory_space<vmem>>, vector<32xbf16>,
        %gather3A_608 = tpu.vector_load_idx %arg9[%add3A_73, %broadcast_in_dim3A] : memref<512x32xf32, #tpu.memory_space<vmem>>[vector<16xi32>, vector<16xi32>], vector<16xf32>,
        %add3A_609 = arith.constant 1 : i32
        %add3A_610 = vector.broadcast %add3A_609 : i32 to vector<16xi32>
        %add3A_611 = arith.addi %add3A_73, %add3A_610 : vector<16xi32>
        %gather3A_612 = tpu.vector_load_idx %arg9[%add3A_611, %broadcast_in_dim3A] : memref<512x32xf32, #tpu.memory_space<vmem>>[vector<16xi32>, vector<16xi32>], vector<16xf32>,
        %pack3A_613 = tpu.pack_subelements %gather3A_608, %gather3A_612 {pack_format = #tpu.pack_format<interleaved>, positions = array<i32: 0, 1>} : vector<16xf32>, vector<16xf32> -> vector<32xbf16>
        %swap3A_614 = arith.index_cast %add3A_518 : i32 to index
        %swap3A_615 = arith.constant 320 : index
        %swap3A_616 = tpu.vector_load %arg10[%swap3A_614, %swap3A_615] {strides = array<i32>} : memref<32x512xbf16, #tpu.memory_space<vmem>>, vector<32xbf16>,
        tpu.vector_store %arg10[%swap3A_614, %swap3A_615], %pack3A_613 {strides = array<i32>} : memref<32x512xbf16, #tpu.memory_space<vmem>>, vector<32xbf16>,
        %gather3A_617 = tpu.vector_load_idx %arg9[%add3A_79, %broadcast_in_dim3A] : memref<512x32xf32, #tpu.memory_space<vmem>>[vector<16xi32>, vector<16xi32>], vector<16xf32>,
        %add3A_618 = arith.constant 1 : i32
        %add3A_619 = vector.broadcast %add3A_618 : i32 to vector<16xi32>
        %add3A_620 = arith.addi %add3A_79, %add3A_619 : vector<16xi32>
        %gather3A_621 = tpu.vector_load_idx %arg9[%add3A_620, %broadcast_in_dim3A] : memref<512x32xf32, #tpu.memory_space<vmem>>[vector<16xi32>, vector<16xi32>], vector<16xf32>,
        %pack3A_622 = tpu.pack_subelements %gather3A_617, %gather3A_621 {pack_format = #tpu.pack_format<interleaved>, positions = array<i32: 0, 1>} : vector<16xf32>, vector<16xf32> -> vector<32xbf16>
        %swap3A_623 = arith.index_cast %add3A_518 : i32 to index
        %swap3A_624 = arith.constant 352 : index
        %swap3A_625 = tpu.vector_load %arg10[%swap3A_623, %swap3A_624] {strides = array<i32>} : memref<32x512xbf16, #tpu.memory_space<vmem>>, vector<32xbf16>,
        tpu.vector_store %arg10[%swap3A_623, %swap3A_624], %pack3A_622 {strides = array<i32>} : memref<32x512xbf16, #tpu.memory_space<vmem>>, vector<32xbf16>,
        %gather3A_626 = tpu.vector_load_idx %arg9[%add3A_85, %broadcast_in_dim3A] : memref<512x32xf32, #tpu.memory_space<vmem>>[vector<16xi32>, vector<16xi32>], vector<16xf32>,
        %add3A_627 = arith.constant 1 : i32
        %add3A_628 = vector.broadcast %add3A_627 : i32 to vector<16xi32>
        %add3A_629 = arith.addi %add3A_85, %add3A_628 : vector<16xi32>
        %gather3A_630 = tpu.vector_load_idx %arg9[%add3A_629, %broadcast_in_dim3A] : memref<512x32xf32, #tpu.memory_space<vmem>>[vector<16xi32>, vector<16xi32>], vector<16xf32>,
        %pack3A_631 = tpu.pack_subelements %gather3A_626, %gather3A_630 {pack_format = #tpu.pack_format<interleaved>, positions = array<i32: 0, 1>} : vector<16xf32>, vector<16xf32> -> vector<32xbf16>
        %swap3A_632 = arith.index_cast %add3A_518 : i32 to index
        %swap3A_633 = arith.constant 384 : index
        %swap3A_634 = tpu.vector_load %arg10[%swap3A_632, %swap3A_633] {strides = array<i32>} : memref<32x512xbf16, #tpu.memory_space<vmem>>, vector<32xbf16>,
        tpu.vector_store %arg10[%swap3A_632, %swap3A_633], %pack3A_631 {strides = array<i32>} : memref<32x512xbf16, #tpu.memory_space<vmem>>, vector<32xbf16>,
        %gather3A_635 = tpu.vector_load_idx %arg9[%add3A_91, %broadcast_in_dim3A] : memref<512x32xf32, #tpu.memory_space<vmem>>[vector<16xi32>, vector<16xi32>], vector<16xf32>,
        %add3A_636 = arith.constant 1 : i32
        %add3A_637 = vector.broadcast %add3A_636 : i32 to vector<16xi32>
        %add3A_638 = arith.addi %add3A_91, %add3A_637 : vector<16xi32>
        %gather3A_639 = tpu.vector_load_idx %arg9[%add3A_638, %broadcast_in_dim3A] : memref<512x32xf32, #tpu.memory_space<vmem>>[vector<16xi32>, vector<16xi32>], vector<16xf32>,
        %pack3A_640 = tpu.pack_subelements %gather3A_635, %gather3A_639 {pack_format = #tpu.pack_format<interleaved>, positions = array<i32: 0, 1>} : vector<16xf32>, vector<16xf32> -> vector<32xbf16>
        %swap3A_641 = arith.index_cast %add3A_518 : i32 to index
        %swap3A_642 = arith.constant 416 : index
        %swap3A_643 = tpu.vector_load %arg10[%swap3A_641, %swap3A_642] {strides = array<i32>} : memref<32x512xbf16, #tpu.memory_space<vmem>>, vector<32xbf16>,
        tpu.vector_store %arg10[%swap3A_641, %swap3A_642], %pack3A_640 {strides = array<i32>} : memref<32x512xbf16, #tpu.memory_space<vmem>>, vector<32xbf16>,
        %gather3A_644 = tpu.vector_load_idx %arg9[%add3A_97, %broadcast_in_dim3A] : memref<512x32xf32, #tpu.memory_space<vmem>>[vector<16xi32>, vector<16xi32>], vector<16xf32>,
        %add3A_645 = arith.constant 1 : i32
        %add3A_646 = vector.broadcast %add3A_645 : i32 to vector<16xi32>
        %add3A_647 = arith.addi %add3A_97, %add3A_646 : vector<16xi32>
        %gather3A_648 = tpu.vector_load_idx %arg9[%add3A_647, %broadcast_in_dim3A] : memref<512x32xf32, #tpu.memory_space<vmem>>[vector<16xi32>, vector<16xi32>], vector<16xf32>,
        %pack3A_649 = tpu.pack_subelements %gather3A_644, %gather3A_648 {pack_format = #tpu.pack_format<interleaved>, positions = array<i32: 0, 1>} : vector<16xf32>, vector<16xf32> -> vector<32xbf16>
        %swap3A_650 = arith.index_cast %add3A_518 : i32 to index
        %swap3A_651 = arith.constant 448 : index
        %swap3A_652 = tpu.vector_load %arg10[%swap3A_650, %swap3A_651] {strides = array<i32>} : memref<32x512xbf16, #tpu.memory_space<vmem>>, vector<32xbf16>,
        tpu.vector_store %arg10[%swap3A_650, %swap3A_651], %pack3A_649 {strides = array<i32>} : memref<32x512xbf16, #tpu.memory_space<vmem>>, vector<32xbf16>,
        %gather3A_653 = tpu.vector_load_idx %arg9[%add3A_103, %broadcast_in_dim3A] : memref<512x32xf32, #tpu.memory_space<vmem>>[vector<16xi32>, vector<16xi32>], vector<16xf32>,
        %add3A_654 = arith.constant 1 : i32
        %add3A_655 = vector.broadcast %add3A_654 : i32 to vector<16xi32>
        %add3A_656 = arith.addi %add3A_103, %add3A_655 : vector<16xi32>
        %gather3A_657 = tpu.vector_load_idx %arg9[%add3A_656, %broadcast_in_dim3A] : memref<512x32xf32, #tpu.memory_space<vmem>>[vector<16xi32>, vector<16xi32>], vector<16xf32>,
        %pack3A_658 = tpu.pack_subelements %gather3A_653, %gather3A_657 {pack_format = #tpu.pack_format<interleaved>, positions = array<i32: 0, 1>} : vector<16xf32>, vector<16xf32> -> vector<32xbf16>
        %swap3A_659 = arith.index_cast %add3A_518 : i32 to index
        %swap3A_660 = arith.constant 480 : index
        %swap3A_661 = tpu.vector_load %arg10[%swap3A_659, %swap3A_660] {strides = array<i32>} : memref<32x512xbf16, #tpu.memory_space<vmem>>, vector<32xbf16>,
        tpu.vector_store %arg10[%swap3A_659, %swap3A_660], %pack3A_658 {strides = array<i32>} : memref<32x512xbf16, #tpu.memory_space<vmem>>, vector<32xbf16>,
      }
      %scan3A_511 = arith.constant 32 : i32
      %mul3A_512 = arith.constant 32 : i32
      %mul3A_513 = arith.muli %add3A_459, %mul3A_512 : i32
      "tpu.region"() ({
        %run_scoped3A = tpu.sem_alloc : memref<!tpu.dma_semaphore, #tpu.memory_space<semaphore_mem>>
        %dma_start3A_514 = tpu.memref_slice %arg4[%mul3A_513, %mul3A_2] : memref<640x16384xbf16, #tpu.memory_space<hbm>> -> memref<32x512xbf16, #tpu.memory_space<hbm>>
        %dma_start3A_515 = tpu.memref_slice %arg4[%mul3A_513, %mul3A_2] : memref<640x16384xbf16, #tpu.memory_space<hbm>> -> memref<32x512xbf16, #tpu.memory_space<hbm>>
        tpu.enqueue_dma source(%arg10 : memref<32x512xbf16, #tpu.memory_space<vmem>>) target(%dma_start3A_515 : memref<32x512xbf16, #tpu.memory_space<hbm>>) target_semaphore(%run_scoped3A : memref<!tpu.dma_semaphore, #tpu.memory_space<semaphore_mem>>)
        %dma_wait3A_516 = tpu.memref_slice %arg4[%mul3A_513, %mul3A_2] : memref<640x16384xbf16, #tpu.memory_space<hbm>> -> memref<32x512xbf16, #tpu.memory_space<hbm>>
        %dma_wait3A_517 = tpu.memref_slice %arg4[%mul3A_513, %mul3A_2] : memref<640x16384xbf16, #tpu.memory_space<hbm>> -> memref<32x512xbf16, #tpu.memory_space<hbm>>
        tpu.wait_dma2 semaphore(%run_scoped3A : memref<!tpu.dma_semaphore, #tpu.memory_space<semaphore_mem>>) src(%arg10 : memref<32x512xbf16, #tpu.memory_space<vmem>>) dst(%dma_wait3A_517 : memref<32x512xbf16, #tpu.memory_space<hbm>>)
        tpu.yield
      }) : () -> ()
    }
    %scan3A_400 = arith.constant 10 : i32
    return
  }
}

</mosaic_0001>

<sc_bundles>
// kernel: kernel.4.cloned.1.call-start
scs
__scs_entry_jumppad:
0x0: {  	(pc) =	sbr.rel $0x88, $3  }
0x1: {  	(tag) =	ssettag $0x0;
	lr =	simm.s32 $0x1  }
0x2: {  	[smem:$0x3F9E] =	sst lr;
	_ =	strace $0xD0000000  }
0x3: {  	_ = 	snop  }
0x4: {  	_ = 	snop  }
0x5: {  	_ = 	snop  }
0x6: {  	_ = 	snop  }
0x7: {  	_ = 	snop  }
__scs_overlays_trampoline_lowered:
0x8: {  	[smem:$0x3FAD] =	sst s0  }
0x9: {  	[smem:$0x3FAE] =	sst s1  }
0xa: {  	[smem:$0x3FAF] =	sst s2  }
0xb: {  	[smem:$0x3FB0] =	sst s3  }
0xc: {  	[smem:$0x3FB1] =	sst s4  }
0xd: {  	[smem:$0x3FB2] =	sst s5  }
0xe: {  	[smem:$0x3FB3] =	sst s6  }
0xf: {  	[smem:$0x3FB4] =	sst s7  }
0x10: {  	[smem:$0x3FB5] =	sst s8  }
0x11: {  	[smem:$0x3FB6] =	sst s9;
	s0 =	simm.s32 @!p0 $0x0  }
0x12: {  	s1 =	sld [smem:$0x3F9C];
	s0 =	simm.s32 @p0 $0x1  }
0x13: {  	[smem:$0x3FB7] =	sst s0;
	s0 =	simm.s32 @!p1 $0x0  }
0x14: {  	s2 =	sld [smem:$0x3F9B];
	s0 =	simm.s32 @p1 $0x1  }
0x15: {  	[smem:$0x3FB8] =	sst s0;
	s0 =	simm.s32 @!p2 $0x0  }
0x16: {  	s3 =	sld [smem:$0x3FDB];
	s0 =	simm.s32 @p2 $0x1  }
0x17: {  	s4 =	simm.s32 $0x1BF5;
	[smem:$0x3FBA] =	sst s0  }
0x18: {  	s0 =	sld [smem:$0x3F9D];
	_ =	swait.ge [sflag:s4], $0x0  }
0x19: {  	s7 =	sld [smem:$0x3F9E]  }
0x1a: {  	s8 =	sadd.s32 $0xFFFFE003, lr  }
0x1b: {  	s9 =	sadd.s32 $0xFFFFFEF7, lr;
	s5 =	simm.s32 $0xFFFFFFFF;
	p2 =	slt.u32 s8, $0xFFFFF086  }
0x1c: {  	p1 =	slt.u32 s9, $0xF7A;
	s5 =	simm.s32 @!p2 $0x0  }
0x1d: {  	s5 =	simm.s32 @p1 $0x1;
	p0 =	seq.s32 s7, s2  }
0x1e: {  	s7 =	smul.u32 @!p0 $0xF7A, s2;
	p2 =	seq.s32 @!p0 s5, $0x0  }
0x1f: {  	s9 =	smul.u32 $0xF7A, s1;
	s8 =	simm.s32 @!p0 $0x1BF5;
	p2 =	por !p2, p0  }
0x20: {  	[sflag:s8] =	ssyncset.s32 @!p0 $0xFFFFF086;
	s6 =	sadd.s32 @!p0 s3, s7;
	s7 =	simm.s32 @!p0 $0x108  }
0x21: {  	s3 =	sadd.s32 s3, s9;
	s6 =	sadd.s32 @!p0 $0x88, s6;
	s7 =	simm.s32 @p2 $0x1082  }
0x22: {  	[simem:s7], [sflag:s8] =	dma.local @!p0 [hbm:s6], $0xF7A  }
0x23: {  	s9 =	sor.u32 $0xD0000000, s2;
	s6 =	simm.s32 $0x108;
	_ =	swait.ge @!p0 [sflag:s8], $0x0  }
0x24: {  	s3 =	sadd.s32 $0x88, s3;
	s6 =	simm.s32 @!p1 $0x1082;
	[sflag:s4] =	ssyncset.s32 $0xFFFFF086  }
0x25: {  	[simem:s6], [sflag:s4] =	dma.local [hbm:s3], $0xF7A  }
0x26: {  	[smem:$0x3F9E] =	sst s1;
	(tag) =	ssettag s2;
	_ =	strace s9  }
0x27: {  	s1 =	sld [smem:$0x3FAE]  }
0x28: {  	s2 =	sld [smem:$0x3FAF]  }
0x29: {  	s4 =	sld [smem:$0x3FB1]  }
0x2a: {  	p0 =	seq.s32 s5, $0x0;
	s5 =	sld [smem:$0x3FB2]  }
0x2b: {  	s6 =	sld [smem:$0x3FB3]  }
0x2c: {  	s7 =	sld [smem:$0x3FB4]  }
0x2d: {  	s3 =	simm.s32 $0x108;
	s8 =	sld [smem:$0x3FB5]  }
0x2e: {  	s3 =	simm.s32 @!p0 $0x1082;
	s9 =	sld [smem:$0x3FB6]  }
0x2f: {  	lr =	sadd.s32 s0, s3;
	s0 =	sld [smem:$0x3FAD]  }
0x30: {  	s3 =	sld [smem:$0x3FB0]  }
0x31: {  	[smem:$0x3FB9] =	sst s10  }
0x32: {  	s10 =	sld [smem:$0x3FB7];
	_ =	sdelay $0x3  }
0x33: {  	p0 =	seq.s32 s10, $0x1;
	s10 =	sld [smem:$0x3FB9];
	_ =	sdelay $0x3  }
0x34: {  	[smem:$0x3FB9] =	sst s10  }
0x35: {  	s10 =	sld [smem:$0x3FB8];
	_ =	sdelay $0x3  }
0x36: {  	p1 =	seq.s32 s10, $0x1;
	s10 =	sld [smem:$0x3FB9];
	_ =	sdelay $0x3  }
0x37: {  	[smem:$0x3FB9] =	sst s10  }
0x38: {  	s10 =	sld [smem:$0x3FBA]  }
0x39: {  	_ = 	snop;
	(pc) =	sbr.ind lr, $3  }
0x3a: {  	_ = 	snop  }
0x3b: {  	_ = 	snop  }
0x3c: {  	p2 =	seq.s32 s10, $0x1;
	s10 =	sld [smem:$0x3FB9]  }
0x3d: {  	_ =	shalt  }
0x3e: {  	_ =	shalt  }
0x3f: {  	_ =	shalt  }
0x40: {  	_ =	shalt  }
0x41: {  	_ =	shalt  }
0x42: {  	_ =	shalt  }
0x43: {  	_ =	shalt  }
0x44: {  	_ =	shalt  }
0x45: {  	_ =	shalt  }
0x46: {  	_ =	shalt  }
0x47: {  	_ =	shalt  }
0x48: {  	_ =	shalt  }
0x49: {  	_ =	shalt  }
0x4a: {  	_ =	shalt  }
0x4b: {  	_ =	shalt  }
0x4c: {  	_ =	shalt  }
0x4d: {  	_ =	shalt  }
0x4e: {  	_ =	shalt  }
0x4f: {  	_ =	shalt  }
0x50: {  	_ =	shalt  }
0x51: {  	_ =	shalt  }
0x52: {  	_ =	shalt  }
0x53: {  	_ =	shalt  }
0x54: {  	_ =	shalt  }
0x55: {  	_ =	shalt  }
0x56: {  	_ =	shalt  }
0x57: {  	_ =	shalt  }
0x58: {  	_ =	shalt  }
0x59: {  	_ =	shalt  }
0x5a: {  	_ =	shalt  }
0x5b: {  	_ =	shalt  }
0x5c: {  	_ =	shalt  }
0x5d: {  	_ =	shalt  }
0x5e: {  	_ =	shalt  }
0x5f: {  	_ =	shalt  }
0x60: {  	_ =	shalt  }
0x61: {  	_ =	shalt  }
0x62: {  	_ =	shalt  }
0x63: {  	_ =	shalt  }
0x64: {  	_ =	shalt  }
0x65: {  	_ =	shalt  }
0x66: {  	_ =	shalt  }
0x67: {  	_ =	shalt  }
0x68: {  	_ =	shalt  }
0x69: {  	_ =	shalt  }
0x6a: {  	_ =	shalt  }
0x6b: {  	_ =	shalt  }
0x6c: {  	_ =	shalt  }
0x6d: {  	_ =	shalt  }
0x6e: {  	_ =	shalt  }
0x6f: {  	_ =	shalt  }
0x70: {  	_ =	shalt  }
0x71: {  	_ =	shalt  }
0x72: {  	_ =	shalt  }
0x73: {  	_ =	shalt  }
0x74: {  	_ =	shalt  }
0x75: {  	_ =	shalt  }
0x76: {  	_ =	shalt  }
0x77: {  	_ =	shalt  }
0x78: {  	_ =	shalt  }
0x79: {  	_ =	shalt  }
0x7a: {  	_ =	shalt  }
0x7b: {  	_ =	shalt  }
0x7c: {  	_ =	shalt  }
0x7d: {  	_ =	shalt  }
0x7e: {  	_ =	shalt  }
0x7f: {  	_ =	shalt  }
0x80: {  	_ =	shalt  }
0x81: {  	_ =	shalt  }
0x82: {  	_ =	shalt  }
0x83: {  	_ =	shalt  }
0x84: {  	_ =	shalt  }
0x85: {  	_ =	shalt  }
0x86: {  	_ =	shalt  }
0x87: {  	_ =	shalt  }
.Lfunc_end0:
.L_simem_size_0:
called_computation_lowered:
.L_overlay_start_0:
0x88: {  	s2 =	sld [smem:$0x3FD9]  }
0x89: {  	s3 =	sld [smem:$0x3FFE];
	_ =	sdelay $0x1  }
0x8a: {  	s1 =	srdreg.scid  }
0x8b: {  	s0 =	sand.u32 $0x1, s1  }
0x8c: {  	s14 =	sshll.u32 s0, $0xA;
	s2 =	sadd.s32 s3, s2  }
0x8d: {  	s2 =	sadd.s32 s2, s14  }
0x8e: {  	[smem:$0x3FC5] =	sst s2  }
0x8f: {  	_ = 	snop  }
0x90: {  	s2 =	sld [smem:$0x3FD0];
	_ =	sdelay $0x2  }
0x91: {  	s15 =	simm.s32 $0xB;
	s4 =	simm.s32 $0x10  }
0x92: {  	[smem:s4], [sflag:s15] =	dma.local [hbm:s2], $0x1  }
0x93: {  	_ =	swait.eq [sflag:s15], $0x1  }
0x94: {  	[sflag:s15] =	ssyncset.done $0x0  }
0x95: {  	[sflag:s15] =	ssyncadd.s32 $0xFFFFFFFF  }
0x96: {  	s16 =	sld [smem:$0x10];
	(tm) =	ssettm $0x1  }
0x97: {  	s17 =	sld [smem:$0x3FFB];
	_ =	sdelay $0x3  }
0x98: {  	_ =	strace s17  }
0x99: {  	s3 =	sld [smem:$0x3FFC];
	_ =	sdelay $0x3  }
0x9a: {  	_ =	strace s3  }
0x9b: {  	s3 =	sld [smem:$0x3FFD];
	_ =	sdelay $0x3  }
0x9c: {  	_ =	strace s3  }
0x9d: {  	_ =	strace $0x8FFFFFFF  }
0x9e: {  	s18 =	sld [smem:$0x3FDB];
	_ =	sdelay $0x1  }
0x9f: {  	s19 =	simm.s32 $_scs_section_size  }
0xa0: {  	s5 =	simm.s32 $_size__tile_overlayer_lowered;
	s6 =	simm.s32 $_tile_overlayer_lowered  }
0xa1: {  	s22 =	simm.s32 $0x1BFF;
	s21 =	sshll.u32 s6, $0x1;
	s3 =	sadd.s32 s19, s18  }
0xa2: {  	s7 =	simm.s32 $0x0;
	s20 =	sshll.u32 s5, $0x1;
	s5 =	sadd.s32 s21, s3  }
0xa3: {  	[timem:s7], [sflag:s22] =	dma.local [hbm:s5], s20  }
0xa4: {  	_ =	swait.ge [sflag:s22], s20  }
0xa5: {  	s4 =	ssub.s32 $0x0, s20;
	[sflag:s22] =	ssyncset.done $0x0  }
0xa6: {  	[sflag:s22] =	ssyncadd.s32 s4;
	_ =	sdelay $0x1  }
0xa7: {  	s23 =	simm.s32 $0x1B8B  }
0xa8: {  	_ =	swait.ge [sflag:s23], $0x1  }
0xa9: {  	[sflag:s23] =	ssyncset.done $0x0  }
0xaa: {  	s25 =	simm.s32 $0x1B8E;
	s24 =	sld [smem:$0x3FFE];
	[sflag:s23] =	ssyncadd.s32 $0xFFFFFFFF  }
0xab: {  	s26 =	simm.s32 $execute0_lowered;
	[smem:$0x3FD2] =	sst s25  }
0xac: {  	s5 =	sshll.u32 s26, $0x1;
	_ =	strace $0x80000046;
	[dreg:$0x1] =	wrdreg $0xFFFFFFFF  }
0xad: {  	s28 =	simm.s32 $_size_execute0_lowered;
	s3 =	sadd.s32 s3, s5;
	[dreg:$0x0] =	wrdreg $0x0  }
0xae: {  	s5 =	sshll.u32 s28, $0x1;
	[dreg:$0x2] =	wrdreg s3  }
0xaf: {  	[dreg:$0x3] =	wrdreg s5  }
0xb0: {  	[dreg:$0x4] =	wrdreg $0xC0  }
0xb1: {  	_ =	task [dreg:s7], $0x5FFFF  }
0xb2: {  	[dreg:$0x1] =	wrdreg $0xFFFFFFFF  }
0xb3: {  	[dreg:$0x0] =	wrdreg $0x60  }
0xb4: {  	[dreg:$0x2] =	wrdreg s24  }
0xb5: {  	[dreg:$0x3] =	wrdreg s16  }
0xb6: {  	[dreg:$0x4] =	wrdreg $0x9  }
0xb7: {  	_ =	task.clear_ibuf [dreg:s7], $0x5FFFF;
	_ =	strace $0x90000046  }
0xb8: {  	s29 =	simm.s32 $0x9;
	_ =	strace $0x80000048  }
0xb9: {  	_ =	swait.ge [sflag:s29], $0x1  }
0xba: {  	[sflag:s29] =	ssyncadd.s32 $0xFFFFFFFF  }
0xbb: {  	_ =	strace $0x90000048  }
0xbc: {  	_ =	sfence  }
0xbd: {  	s30 =	sld [smem:$0x0];
	_ =	sdelay $0x2  }
0xbe: {  	s31 =	sshll.u32 s1, $0xD;
	s1 =	sshrl.u32 s1, $0x2  }
0xbf: {  	s3 =	sand.u32 $0x4000, s31;
	s1 =	sadd.s32 s1, s30  }
0xc0: {  	s0 =	sor.u32 s3, s0;
	s1 =	sshll.u32 s1, $0x11  }
0xc1: {  	s0 =	sor.u32 s1, s0  }
0xc2: {  	s0 =	sadd.s32 $0x8F2B, s0  }
0xc3: {  	[sflag:s0] =	ssyncadd.remote.s32 $0x1  }
0xc4: {  	_ =	sfence.sel $0xFFFF  }
0xc5: {  	[dreg:$0x0] =	wrdreg $0xFFFFFFFF;
	(pc) =	sbr.abs _section_cstart, $3  }
0xc6: {  	[dreg:$0x1] =	wrdreg $0xFFFFFFFF  }
0xc7: {  	_ =	task.clear_ibuf [dreg:s7], $0x2FFFF;
	_ =	strace $0x9FFFFFFF  }
0xc8: {  	(tm) =	ssettm $0x7FFFFFFF  }
0xc9: {  	_ =	shalt  }
tec
execute0_lowered:
.L_overlay_start_1:
0x0: {  	(tag) =	ssettag $0x1  }
0x1: {  	v1 =	vlaneseq.u32  }
0x2: {  	v0 =	vmul.u32 $0x14, v1;
	_ =	sdelay $0x1  }
0x3: {  	v27 =	vmul.u32 $0x40, v1;
	v2 =	vadd.s32 $0x140, v0;
	v6 =	vadd.s32 $0x780, v0  }
0x4: {  	v7 =	vadd.s32 $0x8C0, v0;
	v8 =	vor.u32 $0xA00, v0;
	v9 =	vadd.s32 $0xB40, v0  }
0x5: {  	v10 =	vadd.s32 $0xC80, v0;
	v11 =	vadd.s32 $0xDC0, v0;
	v12 =	vadd.s32 $0xF00, v0  }
0x6: {  	v13 =	vadd.s32 $0x1040, v0;
	v14 =	vadd.s32 $0x1180, v0;
	v15 =	vadd.s32 $0x12C0, v0  }
0x7: {  	v16 =	vor.u32 $0x1400, v0;
	v17 =	vadd.s32 $0x1540, v0;
	v18 =	vadd.s32 $0x1680, v0  }
0x8: {  	v19 =	vadd.s32 $0x17C0, v0;
	v20 =	vadd.s32 $0x1900, v0;
	v21 =	vadd.s32 $0x1A40, v0  }
0x9: {  	s0 =	rddreg [dreg:$0x0];
	v22 =	vadd.s32 $0x1B80, v0;
	v23 =	vadd.s32 $0x1CC0, v0;
	v24 =	vor.u32 $0x1E00, v0  }
0xa: {  	s1 =	srdreg.scid;
	s3 =	stileid.u32;
	v25 =	vadd.s32 $0x1F40, v0;
	v26 =	vadd.s32 $0x2080, v0;
	v28 =	vadd.s32 $0x21C0, v0  }
0xb: {  	s2 =	rddreg [dreg:$0x1];
	s8 =	simm.s32 $0x3;
	s9 =	simm.s32 $0x80;
	v29 =	vadd.s32 $0x2300, v0;
	v30 =	vadd.s32 $0x2440, v0;
	v31 =	vadd.s32 $0x2580, v0  }
0xc: {  	s11 =	simm.s32 $0x2C00;
	s14 =	simm.s32 $0x2900;
	s15 =	simm.s32 $0x4C00;
	v32 =	vadd.s32 $0x26C0, v0;
	v33 =	vor.u32 $0x20, v27;
	v34 =	vor.u32 $0x400, v27  }
0xd: {  	s16 =	simm.s32 $0x2980;
	s17 =	simm.s32 $0x5C00;
	s18 =	simm.s32 $0x2A00;
	v35 =	vor.u32 $0x420, v27;
	v37 =	vor.u32 $0x820, v27;
	v38 =	vor.u32 $0xC00, v27  }
0xe: {  	s19 =	simm.s32 $0x6C00;
	s20 =	simm.s32 $0x2A80;
	s21 =	simm.s32 $0x7C00;
	v39 =	vor.u32 $0xC20, v27;
	v40 =	vor.u32 $0x1000, v27;
	v41 =	vor.u32 $0x1020, v27  }
0xf: {  	s22 =	simm.s32 $0x2B00;
	s23 =	simm.s32 $0x8C00;
	s24 =	simm.s32 $0x2B80;
	v42 =	vor.u32 $0x1400, v27;
	v43 =	vor.u32 $0x1420, v27;
	v44 =	vor.u32 $0x1800, v27  }
0x10: {  	s28 =	simm.s32 $0x100;
	s1 =	sand.u32 $0x1, s1;
	s4 =	sshll.u32 s3, $0x1;
	v45 =	vor.u32 $0x1820, v27;
	v46 =	vor.u32 $0x1C00, v27;
	v47 =	vor.u32 $0x1C20, v27  }
0x11: {  	s29 =	simm.s32 $0x2000;
	s30 =	simm.s32 $0xAC00;
	s5 =	sor.u32 s1, s4;
	v48 =	vor.u32 $0x2000, v27;
	v49 =	vor.u32 $0x2020, v27;
	[tilespmem:$0x1FFB0] =	vst v2;
	v2 =	vadd.s32 $0x280, v0  }
0x12: {  	s3 =	simm.s32 $0x0;
	s1 =	ssub.s32 $0x2, s1;
	s4 =	smul.u32 $0x500, s5;
	v50 =	vor.u32 $0x2400, v27;
	v51 =	vor.u32 $0x2420, v27;
	[tilespmem:$0x1FFC0] =	vst v2;
	v2 =	vadd.s32 $0x3C0, v0  }
0x13: {  	s31 =	simm.s32 $0x2;
	[smem:$0x7FF] =	sst s3;
	s6 =	sshrl.u32 s1, $0x1;
	v52 =	vor.u32 $0x2800, v27;
	v53 =	vor.u32 $0x2820, v27;
	[tilespmem:$0x1FFD0] =	vst v2;
	v2 =	vadd.s32 $0x500, v0  }
0x14: {  	v54 =	vor.u32 $0x2C00, v27;
	v55 =	vor.u32 $0x2C20, v27;
	s25 =	ssub.s32 s1, s6;
	s6 =	sshll.u32 s5, $0x9;
	s7 =	sadd.s32 s4, s0;
	[tilespmem:$0x1FFE0] =	vst v2;
	v2 =	vadd.s32 $0x640, v0  }
0x15: {  	v36 =	vor.u32 $0x800, v27;
	v56 =	vor.u32 $0x3000, v27;
	v57 =	vor.u32 $0x3020, v27;
	s1 =	simm.s32 $0x0;
	s4 =	sadd.s32 $0xF4CC00, s0;
	s26 =	sadd.s32 $0x800, s7;
	[tilespmem:$0x1FFF0] =	vst v2  }
0x16: {  	v58 =	vor.u32 $0x3400, v27;
	v59 =	vor.u32 $0x3420, v27;
	v60 =	vor.u32 $0x3800, v27;
	s0 =	smax.u32 s25, $0x1;
	_ =	strace $0x80000047;
	[dreg:$0x3] =	wrdreg s26  }
0x17: {  	v61 =	vor.u32 $0x3820, v27;
	v62 =	vor.u32 $0x3C00, v27;
	v63 =	vor.u32 $0x3C20, v27;
	s25 =	simm.s32 $0x9C00;
	[dreg:$0x4] =	wrdreg s0;
	s26 =	simm.s32 $0x1  }
.LBB2_1:
0x18: {  	[dreg:$0x5] =	wrdreg s1  }
0x19: {  	s0 =	rddreg [dreg:$0x3]  }
0x1a: {  	[tilespmem:s3], [sflag:$0x3] =	stream.linear.gather [hbm4b:s0+s3], $0x2800, $0x38;
	[tilespmem:$0xCC00] =	vst v63  }
0x1b: {  	_ =	swait.ge [sflag:s8], $0x2800  }
0x1c: {  	[sflag:s8] =	ssyncset.done $0x0  }
0x1d: {  	[sflag:s8] =	ssyncadd.s32 $0xFFFFD800  }
0x1e: {  	v1 =	vld.idx.msk [tilespmem:v0+s3+$0x0], $0xffff;
	_ =	sdelay $0x4  }
0x1f: {  	[tilespmem:$0x2800] =	vst v1;
	v1 =	vld [tilespmem:$0x1FFB0];
	_ =	sdelay $0x7  }
0x20: {  	v1 =	vld.idx.msk [tilespmem:v1+s3+$0x0], $0xffff;
	_ =	sdelay $0x4  }
0x21: {  	[tilespmem:$0x2810] =	vst v1;
	v1 =	vld [tilespmem:$0x1FFC0];
	_ =	sdelay $0x7  }
0x22: {  	v1 =	vld.idx.msk [tilespmem:v1+s3+$0x0], $0xffff;
	_ =	sdelay $0x4  }
0x23: {  	[tilespmem:$0x2820] =	vst v1;
	v1 =	vld [tilespmem:$0x1FFD0];
	_ =	sdelay $0x7  }
0x24: {  	v1 =	vld.idx.msk [tilespmem:v1+s3+$0x0], $0xffff;
	_ =	sdelay $0x4  }
0x25: {  	[tilespmem:$0x2830] =	vst v1;
	v1 =	vld [tilespmem:$0x1FFE0];
	_ =	sdelay $0x7  }
0x26: {  	v1 =	vld.idx.msk [tilespmem:v1+s3+$0x0], $0xffff;
	_ =	sdelay $0x4  }
0x27: {  	[tilespmem:$0x2840] =	vst v1;
	v1 =	vld [tilespmem:$0x1FFF0];
	_ =	sdelay $0x7  }
0x28: {  	v1 =	vld.idx.msk [tilespmem:v1+s3+$0x0], $0xffff;
	_ =	sdelay $0x4  }
0x29: {  	[tilespmem:$0x2850] =	vst v1  }
0x2a: {  	v1 =	vld.idx.msk [tilespmem:v6+s3+$0x0], $0xffff;
	_ =	sdelay $0x4  }
0x2b: {  	[tilespmem:$0x2860] =	vst v1  }
0x2c: {  	v1 =	vld.idx.msk [tilespmem:v7+s3+$0x0], $0xffff;
	_ =	sdelay $0x4  }
0x2d: {  	[tilespmem:$0x2870] =	vst v1  }
0x2e: {  	v1 =	vld.idx.msk [tilespmem:v8+s3+$0x0], $0xffff;
	_ =	sdelay $0x4  }
0x2f: {  	[tilespmem:$0x2880] =	vst v1  }
0x30: {  	v1 =	vld.idx.msk [tilespmem:v9+s3+$0x0], $0xffff;
	_ =	sdelay $0x4  }
0x31: {  	[tilespmem:$0x2890] =	vst v1  }
0x32: {  	v1 =	vld.idx.msk [tilespmem:v10+s3+$0x0], $0xffff;
	_ =	sdelay $0x4  }
0x33: {  	[tilespmem:$0x28A0] =	vst v1  }
0x34: {  	v1 =	vld.idx.msk [tilespmem:v11+s3+$0x0], $0xffff;
	_ =	sdelay $0x4  }
0x35: {  	[tilespmem:$0x28B0] =	vst v1  }
0x36: {  	v1 =	vld.idx.msk [tilespmem:v12+s3+$0x0], $0xffff;
	_ =	sdelay $0x4  }
0x37: {  	[tilespmem:$0x28C0] =	vst v1  }
0x38: {  	v1 =	vld.idx.msk [tilespmem:v13+s3+$0x0], $0xffff;
	_ =	sdelay $0x4  }
0x39: {  	[tilespmem:$0x28D0] =	vst v1  }
0x3a: {  	v1 =	vld.idx.msk [tilespmem:v14+s3+$0x0], $0xffff;
	_ =	sdelay $0x4  }
0x3b: {  	[tilespmem:$0x28E0] =	vst v1  }
0x3c: {  	v1 =	vld.idx.msk [tilespmem:v15+s3+$0x0], $0xffff;
	_ =	sdelay $0x4  }
0x3d: {  	[tilespmem:$0x28F0] =	vst v1  }
0x3e: {  	v1 =	vld.idx.msk [tilespmem:v16+s3+$0x0], $0xffff;
	_ =	sdelay $0x4  }
0x3f: {  	[tilespmem:$0x2900] =	vst v1  }
0x40: {  	v1 =	vld.idx.msk [tilespmem:v17+s3+$0x0], $0xffff;
	_ =	sdelay $0x4  }
0x41: {  	[tilespmem:$0x2910] =	vst v1  }
0x42: {  	v1 =	vld.idx.msk [tilespmem:v18+s3+$0x0], $0xffff;
	_ =	sdelay $0x4  }
0x43: {  	[tilespmem:$0x2920] =	vst v1  }
0x44: {  	v1 =	vld.idx.msk [tilespmem:v19+s3+$0x0], $0xffff;
	_ =	sdelay $0x4  }
0x45: {  	[tilespmem:$0x2930] =	vst v1  }
0x46: {  	v1 =	vld.idx.msk [tilespmem:v20+s3+$0x0], $0xffff;
	_ =	sdelay $0x4  }
0x47: {  	[tilespmem:$0x2940] =	vst v1  }
0x48: {  	v1 =	vld.idx.msk [tilespmem:v21+s3+$0x0], $0xffff;
	_ =	sdelay $0x4  }
0x49: {  	[tilespmem:$0x2950] =	vst v1  }
0x4a: {  	v1 =	vld.idx.msk [tilespmem:v22+s3+$0x0], $0xffff;
	_ =	sdelay $0x4  }
0x4b: {  	[tilespmem:$0x2960] =	vst v1  }
0x4c: {  	v1 =	vld.idx.msk [tilespmem:v23+s3+$0x0], $0xffff;
	_ =	sdelay $0x4  }
0x4d: {  	[tilespmem:$0x2970] =	vst v1  }
0x4e: {  	v1 =	vld.idx.msk [tilespmem:v24+s3+$0x0], $0xffff;
	_ =	sdelay $0x4  }
0x4f: {  	[tilespmem:$0x2980] =	vst v1  }
0x50: {  	v1 =	vld.idx.msk [tilespmem:v25+s3+$0x0], $0xffff;
	_ =	sdelay $0x4  }
0x51: {  	[tilespmem:$0x2990] =	vst v1  }
0x52: {  	v1 =	vld.idx.msk [tilespmem:v26+s3+$0x0], $0xffff;
	_ =	sdelay $0x4  }
0x53: {  	[tilespmem:$0x29A0] =	vst v1  }
0x54: {  	v1 =	vld.idx.msk [tilespmem:v28+s3+$0x0], $0xffff;
	_ =	sdelay $0x4  }
0x55: {  	[tilespmem:$0x29B0] =	vst v1  }
0x56: {  	v1 =	vld.idx.msk [tilespmem:v29+s3+$0x0], $0xffff;
	_ =	sdelay $0x4  }
0x57: {  	[tilespmem:$0x29C0] =	vst v1  }
0x58: {  	v1 =	vld.idx.msk [tilespmem:v30+s3+$0x0], $0xffff;
	_ =	sdelay $0x4  }
0x59: {  	[tilespmem:$0x29D0] =	vst v1  }
0x5a: {  	v1 =	vld.idx.msk [tilespmem:v31+s3+$0x0], $0xffff;
	_ =	sdelay $0x4  }
0x5b: {  	[tilespmem:$0x29E0] =	vst v1  }
0x5c: {  	v1 =	vld.idx.msk [tilespmem:v32+s3+$0x0], $0xffff;
	_ =	sdelay $0x4  }
0x5d: {  	s10 =	simm.s32 $0x2800;
	[tilespmem:$0x29F0] =	vst v1  }
0x5e: {  	[tilespmem:s11], [sflag:$0x1] =	stream.indirect.gather [hbm4b:s4+s9], $0x20, s10, s9, $0xb8;
	[tilespmem:$0xCC00] =	vst v63  }
0x5f: {  	s12 =	simm.s32 $0x2880;
	s13 =	simm.s32 $0x3C00  }
0x60: {  	[tilespmem:s13], [sflag:$0x1] =	stream.indirect.gather [hbm4b:s4+s9], $0x20, s12, s9, $0xb8;
	[tilespmem:$0xCC00] =	vst v63  }
0x61: {  	_ = 	snop  }
0x62: {  	[tilespmem:s15], [sflag:$0x1] =	stream.indirect.gather [hbm4b:s4+s9], $0x20, s14, s9, $0xb8;
	[tilespmem:$0xCC00] =	vst v63  }
0x63: {  	s0 =	simm.s32 $0x0  }
0x64: {  	[tilespmem:s17], [sflag:$0x1] =	stream.indirect.gather [hbm4b:s4+s9], $0x20, s16, s9, $0xb8;
	[tilespmem:$0xCC00] =	vst v63  }
.LBB2_2:
0x65: {  	s5 =	sshllo.u32 s0, $0x1  }
0x66: {  	v1 =	vadd.s32 s5, v0;
	_ =	sdelay $0x3  }
0x67: {  	s7 =	sshll.u32 s0, $0x1;
	s1 =	simm.s32 $0x0  }
0x68: {  	s10 =	sor.u32 $0x141, s7;
	v1 =	vld.idx.msk [tilespmem:v1+s1+$0x0], $0xffff  }
0x69: {  	v2 =	vadd.s32 s10, v0;
	_ =	sdelay $0x3  }
0x6a: {  	[tilespmem:$0x2A00] =	vst v1  }
0x6b: {  	s12 =	sor.u32 $0x281, s7;
	v1 =	vld.idx.msk [tilespmem:v2+s1+$0x0], $0xffff  }
0x6c: {  	v2 =	vadd.s32 s12, v0;
	_ =	sdelay $0x3  }
0x6d: {  	[tilespmem:$0x2A10] =	vst v1  }
0x6e: {  	s13 =	sor.u32 $0x3C1, s7;
	v1 =	vld.idx.msk [tilespmem:v2+s1+$0x0], $0xffff  }
0x6f: {  	v2 =	vadd.s32 s13, v0;
	_ =	sdelay $0x3  }
0x70: {  	[tilespmem:$0x2A20] =	vst v1  }
0x71: {  	s12 =	sor.u32 $0x501, s7;
	v1 =	vld.idx.msk [tilespmem:v2+s1+$0x0], $0xffff  }
0x72: {  	v2 =	vadd.s32 s12, v0;
	_ =	sdelay $0x3  }
0x73: {  	[tilespmem:$0x2A30] =	vst v1  }
0x74: {  	s13 =	sor.u32 $0x641, s7;
	v1 =	vld.idx.msk [tilespmem:v2+s1+$0x0], $0xffff  }
0x75: {  	v2 =	vadd.s32 s13, v0;
	_ =	sdelay $0x3  }
0x76: {  	[tilespmem:$0x2A40] =	vst v1  }
0x77: {  	s12 =	sor.u32 $0x781, s7;
	v1 =	vld.idx.msk [tilespmem:v2+s1+$0x0], $0xffff  }
0x78: {  	v2 =	vadd.s32 s12, v0;
	_ =	sdelay $0x3  }
0x79: {  	[tilespmem:$0x2A50] =	vst v1  }
0x7a: {  	s13 =	sor.u32 $0x8C1, s7;
	v1 =	vld.idx.msk [tilespmem:v2+s1+$0x0], $0xffff  }
0x7b: {  	v2 =	vadd.s32 s13, v0;
	_ =	sdelay $0x3  }
0x7c: {  	[tilespmem:$0x2A60] =	vst v1  }
0x7d: {  	s12 =	sor.u32 $0xA01, s7;
	v1 =	vld.idx.msk [tilespmem:v2+s1+$0x0], $0xffff  }
0x7e: {  	v2 =	vadd.s32 s12, v0;
	_ =	sdelay $0x3  }
0x7f: {  	[tilespmem:$0x2A70] =	vst v1  }
0x80: {  	s13 =	sor.u32 $0xB41, s7;
	v1 =	vld.idx.msk [tilespmem:v2+s1+$0x0], $0xffff  }
0x81: {  	v2 =	vadd.s32 s13, v0;
	_ =	sdelay $0x3  }
0x82: {  	[tilespmem:$0x2A80] =	vst v1  }
0x83: {  	s12 =	sor.u32 $0xC81, s7;
	v1 =	vld.idx.msk [tilespmem:v2+s1+$0x0], $0xffff  }
0x84: {  	v2 =	vadd.s32 s12, v0;
	_ =	sdelay $0x3  }
0x85: {  	[tilespmem:$0x2A90] =	vst v1  }
0x86: {  	s13 =	sor.u32 $0xDC1, s7;
	v1 =	vld.idx.msk [tilespmem:v2+s1+$0x0], $0xffff  }
0x87: {  	v2 =	vadd.s32 s13, v0;
	_ =	sdelay $0x3  }
0x88: {  	[tilespmem:$0x2AA0] =	vst v1  }
0x89: {  	s12 =	sor.u32 $0xF01, s7;
	v1 =	vld.idx.msk [tilespmem:v2+s1+$0x0], $0xffff  }
0x8a: {  	v2 =	vadd.s32 s12, v0;
	_ =	sdelay $0x3  }
0x8b: {  	[tilespmem:$0x2AB0] =	vst v1  }
0x8c: {  	s13 =	sor.u32 $0x1041, s7;
	v1 =	vld.idx.msk [tilespmem:v2+s1+$0x0], $0xffff  }
0x8d: {  	v2 =	vadd.s32 s13, v0;
	_ =	sdelay $0x3  }
0x8e: {  	[tilespmem:$0x2AC0] =	vst v1  }
0x8f: {  	s12 =	sor.u32 $0x1181, s7;
	v1 =	vld.idx.msk [tilespmem:v2+s1+$0x0], $0xffff  }
0x90: {  	v2 =	vadd.s32 s12, v0;
	_ =	sdelay $0x3  }
0x91: {  	[tilespmem:$0x2AD0] =	vst v1  }
0x92: {  	s13 =	sor.u32 $0x12C1, s7;
	v1 =	vld.idx.msk [tilespmem:v2+s1+$0x0], $0xffff  }
0x93: {  	v2 =	vadd.s32 s13, v0;
	_ =	sdelay $0x3  }
0x94: {  	[tilespmem:$0x2AE0] =	vst v1  }
0x95: {  	s12 =	sor.u32 $0x1401, s7;
	v1 =	vld.idx.msk [tilespmem:v2+s1+$0x0], $0xffff  }
0x96: {  	v2 =	vadd.s32 s12, v0;
	_ =	sdelay $0x3  }
0x97: {  	[tilespmem:$0x2AF0] =	vst v1  }
0x98: {  	s13 =	sor.u32 $0x1541, s7;
	v1 =	vld.idx.msk [tilespmem:v2+s1+$0x0], $0xffff  }
0x99: {  	v2 =	vadd.s32 s13, v0;
	_ =	sdelay $0x3  }
0x9a: {  	[tilespmem:$0x2B00] =	vst v1  }
0x9b: {  	s12 =	sor.u32 $0x1681, s7;
	v1 =	vld.idx.msk [tilespmem:v2+s1+$0x0], $0xffff  }
0x9c: {  	v2 =	vadd.s32 s12, v0;
	_ =	sdelay $0x3  }
0x9d: {  	[tilespmem:$0x2B10] =	vst v1  }
0x9e: {  	s13 =	sor.u32 $0x17C1, s7;
	v1 =	vld.idx.msk [tilespmem:v2+s1+$0x0], $0xffff  }
0x9f: {  	v2 =	vadd.s32 s13, v0;
	_ =	sdelay $0x3  }
0xa0: {  	[tilespmem:$0x2B20] =	vst v1  }
0xa1: {  	s12 =	sor.u32 $0x1901, s7;
	v1 =	vld.idx.msk [tilespmem:v2+s1+$0x0], $0xffff  }
0xa2: {  	v2 =	vadd.s32 s12, v0;
	_ =	sdelay $0x3  }
0xa3: {  	[tilespmem:$0x2B30] =	vst v1  }
0xa4: {  	s13 =	sor.u32 $0x1A41, s7;
	v1 =	vld.idx.msk [tilespmem:v2+s1+$0x0], $0xffff  }
0xa5: {  	v2 =	vadd.s32 s13, v0;
	_ =	sdelay $0x3  }
0xa6: {  	[tilespmem:$0x2B40] =	vst v1  }
0xa7: {  	s12 =	sor.u32 $0x1B81, s7;
	v1 =	vld.idx.msk [tilespmem:v2+s1+$0x0], $0xffff  }
0xa8: {  	v2 =	vadd.s32 s12, v0;
	_ =	sdelay $0x3  }
0xa9: {  	[tilespmem:$0x2B50] =	vst v1  }
0xaa: {  	s13 =	sor.u32 $0x1CC1, s7;
	v1 =	vld.idx.msk [tilespmem:v2+s1+$0x0], $0xffff  }
0xab: {  	v2 =	vadd.s32 s13, v0;
	_ =	sdelay $0x3  }
0xac: {  	[tilespmem:$0x2B60] =	vst v1  }
0xad: {  	s12 =	sor.u32 $0x1E01, s7;
	v1 =	vld.idx.msk [tilespmem:v2+s1+$0x0], $0xffff  }
0xae: {  	v2 =	vadd.s32 s12, v0;
	_ =	sdelay $0x3  }
0xaf: {  	[tilespmem:$0x2B70] =	vst v1  }
0xb0: {  	s13 =	sor.u32 $0x1F41, s7;
	v1 =	vld.idx.msk [tilespmem:v2+s1+$0x0], $0xffff  }
0xb1: {  	v2 =	vadd.s32 s13, v0;
	_ =	sdelay $0x3  }
0xb2: {  	[tilespmem:$0x2B80] =	vst v1  }
0xb3: {  	s12 =	sor.u32 $0x2081, s7;
	v1 =	vld.idx.msk [tilespmem:v2+s1+$0x0], $0xffff  }
0xb4: {  	v2 =	vadd.s32 s12, v0;
	_ =	sdelay $0x3  }
0xb5: {  	[tilespmem:$0x2B90] =	vst v1  }
0xb6: {  	s13 =	sor.u32 $0x21C1, s7;
	v1 =	vld.idx.msk [tilespmem:v2+s1+$0x0], $0xffff  }
0xb7: {  	v2 =	vadd.s32 s13, v0;
	_ =	sdelay $0x3  }
0xb8: {  	[tilespmem:$0x2BA0] =	vst v1  }
0xb9: {  	s12 =	sor.u32 $0x2301, s7;
	v1 =	vld.idx.msk [tilespmem:v2+s1+$0x0], $0xffff  }
0xba: {  	v2 =	vadd.s32 s12, v0;
	_ =	sdelay $0x3  }
0xbb: {  	[tilespmem:$0x2BB0] =	vst v1  }
0xbc: {  	s13 =	sor.u32 $0x2441, s7;
	v1 =	vld.idx.msk [tilespmem:v2+s1+$0x0], $0xffff  }
0xbd: {  	v2 =	vadd.s32 s13, v0;
	_ =	sdelay $0x3  }
0xbe: {  	[tilespmem:$0x2BC0] =	vst v1  }
0xbf: {  	s12 =	sor.u32 $0x2581, s7;
	v1 =	vld.idx.msk [tilespmem:v2+s1+$0x0], $0xffff  }
0xc0: {  	v2 =	vadd.s32 s12, v0;
	_ =	sdelay $0x3  }
0xc1: {  	[tilespmem:$0x2BD0] =	vst v1  }
0xc2: {  	s13 =	sor.u32 $0x26C1, s7;
	v1 =	vld.idx.msk [tilespmem:v2+s1+$0x0], $0xffff  }
0xc3: {  	v2 =	vadd.s32 s13, v0;
	_ =	sdelay $0x3  }
0xc4: {  	[tilespmem:$0x2BE0] =	vst v1  }
0xc5: {  	v1 =	vld.idx.msk [tilespmem:v2+s1+$0x0], $0xffff;
	_ =	sdelay $0x4  }
0xc6: {  	[tilespmem:$0x2BF0] =	vst v1  }
0xc7: {  	[tilespmem:s19], [sflag:$0x2] =	stream.indirect.gather [hbm4b:s4+s9], $0x20, s18, s9, $0xb8;
	[tilespmem:$0xCC00] =	vst v63  }
0xc8: {  	_ = 	snop  }
0xc9: {  	[tilespmem:s21], [sflag:$0x2] =	stream.indirect.gather [hbm4b:s4+s9], $0x20, s20, s9, $0xb8;
	[tilespmem:$0xCC00] =	vst v63  }
0xca: {  	_ = 	snop  }
0xcb: {  	[tilespmem:s23], [sflag:$0x2] =	stream.indirect.gather [hbm4b:s4+s9], $0x20, s22, s9, $0xb8;
	[tilespmem:$0xCC00] =	vst v63  }
0xcc: {  	_ = 	snop  }
0xcd: {  	[tilespmem:s25], [sflag:$0x2] =	stream.indirect.gather [hbm4b:s4+s9], $0x20, s24, s9, $0xb8;
	[tilespmem:$0xCC00] =	vst v63  }
0xce: {  	_ =	swait.ge [sflag:s26], $0x1000  }
0xcf: {  	[sflag:s26] =	ssyncset.done $0x0  }
0xd0: {  	[sflag:s26] =	ssyncadd.s32 $0xFFFFF000  }
0xd1: {  	v1 =	vmov s1;
	_ =	swait.ge [sflag:s26], $0x1000  }
0xd2: {  	v1 =	vand.u32 $0x1F, v1;
	[sflag:s26] =	ssyncset.done $0x0  }
0xd3: {  	v1 =	vbroadcast v1, $0x0;
	[sflag:s26] =	ssyncadd.s32 $0xFFFFF000  }
0xd4: {  	_ =	swait.ge [sflag:s26], $0x1000  }
0xd5: {  	v2 =	vor.u32 v27, v1;
	[sflag:s26] =	ssyncset.done $0x0  }
0xd6: {  	v3 =	vor.u32 v33, v1;
	[sflag:s26] =	ssyncadd.s32 $0xFFFFF000  }
0xd7: {  	_ =	swait.ge [sflag:s26], $0x1000  }
0xd8: {  	[sflag:s26] =	ssyncset.done $0x0  }
0xd9: {  	[sflag:s26] =	ssyncadd.s32 $0xFFFFF000  }
0xda: {  	v2 =	vld.idx.msk [tilespmem:v2+s11+$0x0], $0xffff  }
0xdb: {  	v3 =	vld.idx.msk [tilespmem:v3+s11+$0x0], $0xffff;
	_ =	sdelay $0x1  }
0xdc: {  	v4 =	vor.u32 v34, v1  }
0xdd: {  	v5 =	vor.u32 v35, v1;
	_ =	sdelay $0x1  }
0xde: {  	s1 =	simm.s32 $0xAC80;
	v2 =	vpack.i.f32.bf16 v3, v2  }
0xdf: {  	[tilespmem:s1+$0xFFFFFF80] =	vst v2  }
0xe0: {  	v2 =	vld.idx.msk [tilespmem:v4+s11+$0x0], $0xffff  }
0xe1: {  	v3 =	vld.idx.msk [tilespmem:v5+s11+$0x0], $0xffff;
	_ =	sdelay $0x1  }
0xe2: {  	v4 =	vor.u32 v36, v1  }
0xe3: {  	v5 =	vor.u32 v37, v1;
	_ =	sdelay $0x1  }
0xe4: {  	v2 =	vpack.i.f32.bf16 v3, v2  }
0xe5: {  	[tilespmem:s1+$0xFFFFFF90] =	vst v2  }
0xe6: {  	v2 =	vld.idx.msk [tilespmem:v4+s11+$0x0], $0xffff  }
0xe7: {  	v3 =	vld.idx.msk [tilespmem:v5+s11+$0x0], $0xffff;
	_ =	sdelay $0x1  }
0xe8: {  	v4 =	vor.u32 v38, v1  }
0xe9: {  	v5 =	vor.u32 v39, v1;
	_ =	sdelay $0x1  }
0xea: {  	v2 =	vpack.i.f32.bf16 v3, v2  }
0xeb: {  	[tilespmem:s1+$0xFFFFFFA0] =	vst v2  }
0xec: {  	v2 =	vld.idx.msk [tilespmem:v4+s11+$0x0], $0xffff  }
0xed: {  	v3 =	vld.idx.msk [tilespmem:v5+s11+$0x0], $0xffff;
	_ =	sdelay $0x1  }
0xee: {  	v4 =	vor.u32 v40, v1  }
0xef: {  	v5 =	vor.u32 v41, v1;
	_ =	sdelay $0x1  }
0xf0: {  	v2 =	vpack.i.f32.bf16 v3, v2  }
0xf1: {  	[tilespmem:s1+$0xFFFFFFB0] =	vst v2  }
0xf2: {  	v2 =	vld.idx.msk [tilespmem:v4+s11+$0x0], $0xffff  }
0xf3: {  	v3 =	vld.idx.msk [tilespmem:v5+s11+$0x0], $0xffff;
	_ =	sdelay $0x1  }
0xf4: {  	v4 =	vor.u32 v42, v1  }
0xf5: {  	v5 =	vor.u32 v43, v1;
	_ =	sdelay $0x1  }
0xf6: {  	v2 =	vpack.i.f32.bf16 v3, v2  }
0xf7: {  	[tilespmem:s1+$0xFFFFFFC0] =	vst v2  }
0xf8: {  	v2 =	vld.idx.msk [tilespmem:v4+s11+$0x0], $0xffff  }
0xf9: {  	v3 =	vld.idx.msk [tilespmem:v5+s11+$0x0], $0xffff;
	_ =	sdelay $0x1  }
0xfa: {  	v4 =	vor.u32 v44, v1  }
0xfb: {  	v5 =	vor.u32 v45, v1;
	_ =	sdelay $0x1  }
0xfc: {  	v2 =	vpack.i.f32.bf16 v3, v2  }
0xfd: {  	[tilespmem:s1+$0xFFFFFFD0] =	vst v2  }
0xfe: {  	v2 =	vld.idx.msk [tilespmem:v4+s11+$0x0], $0xffff  }
0xff: {  	v3 =	vld.idx.msk [tilespmem:v5+s11+$0x0], $0xffff;
	_ =	sdelay $0x1  }
0x100: {  	v4 =	vor.u32 v46, v1  }
0x101: {  	v5 =	vor.u32 v47, v1;
	_ =	sdelay $0x1  }
0x102: {  	v2 =	vpack.i.f32.bf16 v3, v2  }
0x103: {  	[tilespmem:s1+$0xFFFFFFE0] =	vst v2  }
0x104: {  	v2 =	vld.idx.msk [tilespmem:v4+s11+$0x0], $0xffff  }
0x105: {  	v3 =	vld.idx.msk [tilespmem:v5+s11+$0x0], $0xffff;
	_ =	sdelay $0x1  }
0x106: {  	v4 =	vor.u32 v48, v1  }
0x107: {  	v5 =	vor.u32 v49, v1;
	_ =	sdelay $0x1  }
0x108: {  	v2 =	vpack.i.f32.bf16 v3, v2  }
0x109: {  	[tilespmem:s1+$0xFFFFFFF0] =	vst v2  }
0x10a: {  	v2 =	vld.idx.msk [tilespmem:v4+s11+$0x0], $0xffff  }
0x10b: {  	v3 =	vld.idx.msk [tilespmem:v5+s11+$0x0], $0xffff;
	_ =	sdelay $0x1  }
0x10c: {  	v4 =	vor.u32 v50, v1  }
0x10d: {  	v5 =	vor.u32 v51, v1;
	_ =	sdelay $0x1  }
0x10e: {  	v2 =	vpack.i.f32.bf16 v3, v2  }
0x10f: {  	[tilespmem:s1+$0x0] =	vst v2  }
0x110: {  	v2 =	vld.idx.msk [tilespmem:v4+s11+$0x0], $0xffff  }
0x111: {  	v3 =	vld.idx.msk [tilespmem:v5+s11+$0x0], $0xffff;
	_ =	sdelay $0x1  }
0x112: {  	v4 =	vor.u32 v52, v1  }
0x113: {  	v5 =	vor.u32 v53, v1;
	_ =	sdelay $0x1  }
0x114: {  	v2 =	vpack.i.f32.bf16 v3, v2  }
0x115: {  	[tilespmem:s1+$0x10] =	vst v2  }
0x116: {  	v2 =	vld.idx.msk [tilespmem:v4+s11+$0x0], $0xffff  }
0x117: {  	v3 =	vld.idx.msk [tilespmem:v5+s11+$0x0], $0xffff;
	_ =	sdelay $0x1  }
0x118: {  	v4 =	vor.u32 v54, v1  }
0x119: {  	v5 =	vor.u32 v55, v1;
	_ =	sdelay $0x1  }
0x11a: {  	v2 =	vpack.i.f32.bf16 v3, v2  }
0x11b: {  	[tilespmem:s1+$0x20] =	vst v2  }
0x11c: {  	v2 =	vld.idx.msk [tilespmem:v4+s11+$0x0], $0xffff  }
0x11d: {  	v3 =	vld.idx.msk [tilespmem:v5+s11+$0x0], $0xffff;
	_ =	sdelay $0x1  }
0x11e: {  	v4 =	vor.u32 v56, v1  }
0x11f: {  	v5 =	vor.u32 v57, v1;
	_ =	sdelay $0x1  }
0x120: {  	v2 =	vpack.i.f32.bf16 v3, v2  }
0x121: {  	[tilespmem:s1+$0x30] =	vst v2  }
0x122: {  	v2 =	vld.idx.msk [tilespmem:v4+s11+$0x0], $0xffff  }
0x123: {  	v3 =	vld.idx.msk [tilespmem:v5+s11+$0x0], $0xffff;
	_ =	sdelay $0x1  }
0x124: {  	v4 =	vor.u32 v58, v1  }
0x125: {  	v5 =	vor.u32 v59, v1;
	_ =	sdelay $0x1  }
0x126: {  	v2 =	vpack.i.f32.bf16 v3, v2  }
0x127: {  	[tilespmem:s1+$0x40] =	vst v2  }
0x128: {  	v2 =	vld.idx.msk [tilespmem:v4+s11+$0x0], $0xffff  }
0x129: {  	v3 =	vld.idx.msk [tilespmem:v5+s11+$0x0], $0xffff;
	_ =	sdelay $0x2  }
0x12a: {  	v4 =	vor.u32 v60, v1;
	_ =	sdelay $0x1  }
0x12b: {  	v2 =	vpack.i.f32.bf16 v3, v2;
	v3 =	vor.u32 v61, v1;
	_ =	sdelay $0x1  }
0x12c: {  	[tilespmem:s1+$0x50] =	vst v2  }
0x12d: {  	s10 =	simm.s32 $0xAC80;
	s12 =	simm.s32 $0x1;
	v2 =	vld.idx.msk [tilespmem:v4+s11+$0x0], $0xffff  }
.LBB2_3:
0x12e: {  	p0 =	sne.s32 s12, $0x1F  }
0x12f: {  	v3 =	vld.idx.msk [tilespmem:v3+s11+$0x0], $0xffff;
	s1 =	sadd.s32 $0x100, s1;
	s13 =	smov.u32 s12;
	s12 =	sadd.s32 $0x1, s12  }
0x130: {  	_ =	sdelay $0x1  }
0x131: {  	v4 =	vor.u32 v62, v1;
	v1 =	vor.u32 v63, v1;
	_ =	sdelay $0x2  }
0x132: {  	v2 =	vpack.i.f32.bf16 v3, v2  }
0x133: {  	[tilespmem:s10+$0x60] =	vst v2  }
0x134: {  	v2 =	vmov s13;
	v3 =	vld.idx.msk [tilespmem:v4+s11+$0x0], $0xffff  }
0x135: {  	v2 =	vand.u32 $0x1F, v2;
	v4 =	vld.idx.msk [tilespmem:v1+s11+$0x0], $0xffff  }
0x136: {  	v1 =	vbroadcast v2, $0x0;
	_ =	sdelay $0x1  }
0x137: {  	v2 =	vor.u32 v27, v1;
	v5 =	vor.u32 v33, v1;
	_ =	sdelay $0x2  }
0x138: {  	v3 =	vpack.i.f32.bf16 v4, v3  }
0x139: {  	[tilespmem:s10+$0x70] =	vst v3;
	s10 =	smov.u32 s1  }
0x13a: {  	v2 =	vld.idx.msk [tilespmem:v2+s11+$0x0], $0xffff  }
0x13b: {  	v3 =	vld.idx.msk [tilespmem:v5+s11+$0x0], $0xffff;
	_ =	sdelay $0x2  }
0x13c: {  	v4 =	vor.u32 v34, v1;
	v5 =	vor.u32 v35, v1;
	_ =	sdelay $0x2  }
0x13d: {  	v2 =	vpack.i.f32.bf16 v3, v2  }
0x13e: {  	[tilespmem:s1+$0xFFFFFF80] =	vst v2  }
0x13f: {  	v2 =	vld.idx.msk [tilespmem:v4+s11+$0x0], $0xffff  }
0x140: {  	v3 =	vld.idx.msk [tilespmem:v5+s11+$0x0], $0xffff;
	_ =	sdelay $0x2  }
0x141: {  	v4 =	vor.u32 v36, v1;
	v5 =	vor.u32 v37, v1;
	_ =	sdelay $0x2  }
0x142: {  	v2 =	vpack.i.f32.bf16 v3, v2  }
0x143: {  	[tilespmem:s1+$0xFFFFFF90] =	vst v2  }
0x144: {  	v2 =	vld.idx.msk [tilespmem:v4+s11+$0x0], $0xffff  }
0x145: {  	v3 =	vld.idx.msk [tilespmem:v5+s11+$0x0], $0xffff;
	_ =	sdelay $0x2  }
0x146: {  	v4 =	vor.u32 v38, v1;
	v5 =	vor.u32 v39, v1;
	_ =	sdelay $0x2  }
0x147: {  	v2 =	vpack.i.f32.bf16 v3, v2  }
0x148: {  	[tilespmem:s1+$0xFFFFFFA0] =	vst v2  }
0x149: {  	v2 =	vld.idx.msk [tilespmem:v4+s11+$0x0], $0xffff  }
0x14a: {  	v3 =	vld.idx.msk [tilespmem:v5+s11+$0x0], $0xffff;
	_ =	sdelay $0x2  }
0x14b: {  	v4 =	vor.u32 v40, v1;
	v5 =	vor.u32 v41, v1;
	_ =	sdelay $0x2  }
0x14c: {  	v2 =	vpack.i.f32.bf16 v3, v2  }
0x14d: {  	[tilespmem:s1+$0xFFFFFFB0] =	vst v2  }
0x14e: {  	v2 =	vld.idx.msk [tilespmem:v4+s11+$0x0], $0xffff  }
0x14f: {  	v3 =	vld.idx.msk [tilespmem:v5+s11+$0x0], $0xffff;
	_ =	sdelay $0x2  }
0x150: {  	v4 =	vor.u32 v42, v1;
	v5 =	vor.u32 v43, v1;
	_ =	sdelay $0x2  }
0x151: {  	v2 =	vpack.i.f32.bf16 v3, v2  }
0x152: {  	[tilespmem:s1+$0xFFFFFFC0] =	vst v2  }
0x153: {  	v2 =	vld.idx.msk [tilespmem:v4+s11+$0x0], $0xffff  }
0x154: {  	v3 =	vld.idx.msk [tilespmem:v5+s11+$0x0], $0xffff;
	_ =	sdelay $0x2  }
0x155: {  	v4 =	vor.u32 v44, v1;
	v5 =	vor.u32 v45, v1;
	_ =	sdelay $0x2  }
0x156: {  	v2 =	vpack.i.f32.bf16 v3, v2  }
0x157: {  	[tilespmem:s1+$0xFFFFFFD0] =	vst v2  }
0x158: {  	v2 =	vld.idx.msk [tilespmem:v4+s11+$0x0], $0xffff  }
0x159: {  	v3 =	vld.idx.msk [tilespmem:v5+s11+$0x0], $0xffff;
	_ =	sdelay $0x2  }
0x15a: {  	v4 =	vor.u32 v46, v1;
	v5 =	vor.u32 v47, v1;
	_ =	sdelay $0x2  }
0x15b: {  	v2 =	vpack.i.f32.bf16 v3, v2  }
0x15c: {  	[tilespmem:s1+$0xFFFFFFE0] =	vst v2  }
0x15d: {  	v2 =	vld.idx.msk [tilespmem:v4+s11+$0x0], $0xffff  }
0x15e: {  	v3 =	vld.idx.msk [tilespmem:v5+s11+$0x0], $0xffff;
	_ =	sdelay $0x2  }
0x15f: {  	v4 =	vor.u32 v48, v1;
	v5 =	vor.u32 v49, v1;
	_ =	sdelay $0x2  }
0x160: {  	v2 =	vpack.i.f32.bf16 v3, v2  }
0x161: {  	[tilespmem:s1+$0xFFFFFFF0] =	vst v2  }
0x162: {  	v2 =	vld.idx.msk [tilespmem:v4+s11+$0x0], $0xffff  }
0x163: {  	v3 =	vld.idx.msk [tilespmem:v5+s11+$0x0], $0xffff;
	_ =	sdelay $0x2  }
0x164: {  	v4 =	vor.u32 v50, v1;
	v5 =	vor.u32 v51, v1;
	_ =	sdelay $0x2  }
0x165: {  	v2 =	vpack.i.f32.bf16 v3, v2  }
0x166: {  	[tilespmem:s1+$0x0] =	vst v2  }
0x167: {  	v2 =	vld.idx.msk [tilespmem:v4+s11+$0x0], $0xffff  }
0x168: {  	v3 =	vld.idx.msk [tilespmem:v5+s11+$0x0], $0xffff;
	_ =	sdelay $0x2  }
0x169: {  	v4 =	vor.u32 v52, v1;
	v5 =	vor.u32 v53, v1;
	_ =	sdelay $0x2  }
0x16a: {  	v2 =	vpack.i.f32.bf16 v3, v2  }
0x16b: {  	[tilespmem:s1+$0x10] =	vst v2  }
0x16c: {  	v2 =	vld.idx.msk [tilespmem:v4+s11+$0x0], $0xffff  }
0x16d: {  	v3 =	vld.idx.msk [tilespmem:v5+s11+$0x0], $0xffff;
	_ =	sdelay $0x2  }
0x16e: {  	v4 =	vor.u32 v54, v1;
	v5 =	vor.u32 v55, v1;
	_ =	sdelay $0x2  }
0x16f: {  	v2 =	vpack.i.f32.bf16 v3, v2  }
0x170: {  	[tilespmem:s1+$0x20] =	vst v2  }
0x171: {  	v2 =	vld.idx.msk [tilespmem:v4+s11+$0x0], $0xffff  }
0x172: {  	v3 =	vld.idx.msk [tilespmem:v5+s11+$0x0], $0xffff;
	_ =	sdelay $0x2  }
0x173: {  	v4 =	vor.u32 v56, v1;
	v5 =	vor.u32 v57, v1;
	_ =	sdelay $0x2  }
0x174: {  	v2 =	vpack.i.f32.bf16 v3, v2  }
0x175: {  	[tilespmem:s1+$0x30] =	vst v2  }
0x176: {  	v2 =	vld.idx.msk [tilespmem:v4+s11+$0x0], $0xffff  }
0x177: {  	v3 =	vld.idx.msk [tilespmem:v5+s11+$0x0], $0xffff;
	_ =	sdelay $0x2  }
0x178: {  	v4 =	vor.u32 v58, v1;
	v5 =	vor.u32 v59, v1;
	_ =	sdelay $0x2  }
0x179: {  	v2 =	vpack.i.f32.bf16 v3, v2  }
0x17a: {  	[tilespmem:s1+$0x40] =	vst v2  }
0x17b: {  	v2 =	vld.idx.msk [tilespmem:v4+s11+$0x0], $0xffff  }
0x17c: {  	v4 =	vld.idx.msk [tilespmem:v5+s11+$0x0], $0xffff;
	_ =	sdelay $0x2  }
0x17d: {  	v3 =	vor.u32 v61, v1;
	v5 =	vor.u32 v60, v1  }
.Ltmp0:
0x17e: {  	(pc) =	sbr.rel @p0 .LBB2_3-.Ltmp0, $4  }
0x17f: {  	_ = 	snop  }
0x180: {  	v2 =	vpack.i.f32.bf16 v4, v2  }
0x181: {  	[tilespmem:s1+$0x50] =	vst v2  }
0x182: {  	v2 =	vld.idx.msk [tilespmem:v5+s11+$0x0], $0xffff  }
0x183: {  	_ =	sdelay $0x3  }
0x184: {  	v3 =	vld.idx.msk [tilespmem:v3+s11+$0x0], $0xffff;
	_ =	sdelay $0x1  }
0x185: {  	v4 =	vor.u32 v62, v1  }
0x186: {  	v1 =	vor.u32 v63, v1;
	_ =	sdelay $0x1  }
0x187: {  	v2 =	vpack.i.f32.bf16 v3, v2  }
0x188: {  	[tilespmem:s10+$0x60] =	vst v2  }
0x189: {  	v2 =	vld.idx.msk [tilespmem:v4+s11+$0x0], $0xffff  }
0x18a: {  	v1 =	vld.idx.msk [tilespmem:v1+s11+$0x0], $0xffff;
	_ =	sdelay $0x2  }
0x18b: {  	s1 =	sshll.u32 s0, $0x14  }
0x18c: {  	s1 =	sor.u32 s6, s1  }
0x18d: {  	p0 =	seq.s32 s0, $0x9;
	s1 =	sshrl.u32 s1, $0x4;
	v1 =	vpack.i.f32.bf16 v1, v2  }
.Ltmp1:
0x18e: {  	s1 =	sadd.s32 s2, s1;
	[tilespmem:s10+$0x70] =	vst v1;
	(pc) =	sbr.rel @p0 .LBB2_6-.Ltmp1, $4  }
0x18f: {  	[hbm4b:s1+s28] =	stream.strided.scatter [tilespmem:s30], [sflag:$0x3], $0x2000, s29, s28, $0x38;
	[tilespmem:$0xCC00] =	vst v63  }
0x190: {  	_ =	swait.ge [sflag:s8], $0x2000  }
0x191: {  	[sflag:s8] =	ssyncset.done $0x0  }
0x192: {  	[sflag:s8] =	ssyncadd.s32 $0xFFFFE000  }
0x193: {  	s1 =	sadd.s32 $0x2, s7  }
0x194: {  	v1 =	vadd.s32 s1, v0;
	_ =	sdelay $0x4  }
0x195: {  	s10 =	sadd.s32 $0x142, s7;
	v1 =	vld.idx.msk [tilespmem:v1+s3+$0x0], $0xffff  }
0x196: {  	v2 =	vadd.s32 s10, v0;
	_ =	sdelay $0x3  }
0x197: {  	[tilespmem:$0x2800] =	vst v1  }
0x198: {  	s12 =	sadd.s32 $0x282, s7;
	v1 =	vld.idx.msk [tilespmem:v2+s3+$0x0], $0xffff  }
0x199: {  	v2 =	vadd.s32 s12, v0;
	_ =	sdelay $0x3  }
0x19a: {  	[tilespmem:$0x2810] =	vst v1  }
0x19b: {  	s13 =	sadd.s32 $0x3C2, s7;
	v1 =	vld.idx.msk [tilespmem:v2+s3+$0x0], $0xffff  }
0x19c: {  	v2 =	vadd.s32 s13, v0;
	_ =	sdelay $0x3  }
0x19d: {  	[tilespmem:$0x2820] =	vst v1  }
0x19e: {  	s10 =	sadd.s32 $0x502, s7;
	v1 =	vld.idx.msk [tilespmem:v2+s3+$0x0], $0xffff  }
0x19f: {  	v2 =	vadd.s32 s10, v0;
	_ =	sdelay $0x3  }
0x1a0: {  	[tilespmem:$0x2830] =	vst v1  }
0x1a1: {  	s12 =	sadd.s32 $0x642, s7;
	v1 =	vld.idx.msk [tilespmem:v2+s3+$0x0], $0xffff  }
0x1a2: {  	v2 =	vadd.s32 s12, v0;
	_ =	sdelay $0x3  }
0x1a3: {  	[tilespmem:$0x2840] =	vst v1  }
0x1a4: {  	s13 =	sadd.s32 $0x782, s7;
	v1 =	vld.idx.msk [tilespmem:v2+s3+$0x0], $0xffff  }
0x1a5: {  	v2 =	vadd.s32 s13, v0;
	_ =	sdelay $0x3  }
0x1a6: {  	[tilespmem:$0x2850] =	vst v1  }
0x1a7: {  	s10 =	sadd.s32 $0x8C2, s7;
	v1 =	vld.idx.msk [tilespmem:v2+s3+$0x0], $0xffff  }
0x1a8: {  	v2 =	vadd.s32 s10, v0;
	_ =	sdelay $0x3  }
0x1a9: {  	[tilespmem:$0x2860] =	vst v1  }
0x1aa: {  	s12 =	sadd.s32 $0xA02, s7;
	v1 =	vld.idx.msk [tilespmem:v2+s3+$0x0], $0xffff  }
0x1ab: {  	v2 =	vadd.s32 s12, v0;
	_ =	sdelay $0x3  }
0x1ac: {  	[tilespmem:$0x2870] =	vst v1  }
0x1ad: {  	s13 =	sadd.s32 $0xB42, s7;
	v1 =	vld.idx.msk [tilespmem:v2+s3+$0x0], $0xffff  }
0x1ae: {  	v2 =	vadd.s32 s13, v0;
	_ =	sdelay $0x3  }
0x1af: {  	[tilespmem:$0x2880] =	vst v1  }
0x1b0: {  	s10 =	sadd.s32 $0xC82, s7;
	v1 =	vld.idx.msk [tilespmem:v2+s3+$0x0], $0xffff  }
0x1b1: {  	v2 =	vadd.s32 s10, v0;
	_ =	sdelay $0x3  }
0x1b2: {  	[tilespmem:$0x2890] =	vst v1  }
0x1b3: {  	s12 =	sadd.s32 $0xDC2, s7;
	v1 =	vld.idx.msk [tilespmem:v2+s3+$0x0], $0xffff  }
0x1b4: {  	v2 =	vadd.s32 s12, v0;
	_ =	sdelay $0x3  }
0x1b5: {  	[tilespmem:$0x28A0] =	vst v1  }
0x1b6: {  	s13 =	sadd.s32 $0xF02, s7;
	v1 =	vld.idx.msk [tilespmem:v2+s3+$0x0], $0xffff  }
0x1b7: {  	v2 =	vadd.s32 s13, v0;
	_ =	sdelay $0x3  }
0x1b8: {  	[tilespmem:$0x28B0] =	vst v1  }
0x1b9: {  	s10 =	sadd.s32 $0x1042, s7;
	v1 =	vld.idx.msk [tilespmem:v2+s3+$0x0], $0xffff  }
0x1ba: {  	v2 =	vadd.s32 s10, v0;
	_ =	sdelay $0x3  }
0x1bb: {  	[tilespmem:$0x28C0] =	vst v1  }
0x1bc: {  	s12 =	sadd.s32 $0x1182, s7;
	v1 =	vld.idx.msk [tilespmem:v2+s3+$0x0], $0xffff  }
0x1bd: {  	v2 =	vadd.s32 s12, v0;
	_ =	sdelay $0x3  }
0x1be: {  	[tilespmem:$0x28D0] =	vst v1  }
0x1bf: {  	s13 =	sadd.s32 $0x12C2, s7;
	v1 =	vld.idx.msk [tilespmem:v2+s3+$0x0], $0xffff  }
0x1c0: {  	v2 =	vadd.s32 s13, v0;
	_ =	sdelay $0x3  }
0x1c1: {  	[tilespmem:$0x28E0] =	vst v1  }
0x1c2: {  	s10 =	sadd.s32 $0x1402, s7;
	v1 =	vld.idx.msk [tilespmem:v2+s3+$0x0], $0xffff  }
0x1c3: {  	v2 =	vadd.s32 s10, v0;
	_ =	sdelay $0x3  }
0x1c4: {  	[tilespmem:$0x28F0] =	vst v1  }
0x1c5: {  	s12 =	sadd.s32 $0x1542, s7;
	v1 =	vld.idx.msk [tilespmem:v2+s3+$0x0], $0xffff  }
0x1c6: {  	v2 =	vadd.s32 s12, v0;
	_ =	sdelay $0x3  }
0x1c7: {  	[tilespmem:$0x2900] =	vst v1  }
0x1c8: {  	s13 =	sadd.s32 $0x1682, s7;
	v1 =	vld.idx.msk [tilespmem:v2+s3+$0x0], $0xffff  }
0x1c9: {  	v2 =	vadd.s32 s13, v0;
	_ =	sdelay $0x3  }
0x1ca: {  	[tilespmem:$0x2910] =	vst v1  }
0x1cb: {  	s10 =	sadd.s32 $0x17C2, s7;
	v1 =	vld.idx.msk [tilespmem:v2+s3+$0x0], $0xffff  }
0x1cc: {  	v2 =	vadd.s32 s10, v0;
	_ =	sdelay $0x3  }
0x1cd: {  	[tilespmem:$0x2920] =	vst v1  }
0x1ce: {  	s12 =	sadd.s32 $0x1902, s7;
	v1 =	vld.idx.msk [tilespmem:v2+s3+$0x0], $0xffff  }
0x1cf: {  	v2 =	vadd.s32 s12, v0;
	_ =	sdelay $0x3  }
0x1d0: {  	[tilespmem:$0x2930] =	vst v1  }
0x1d1: {  	s13 =	sadd.s32 $0x1A42, s7;
	v1 =	vld.idx.msk [tilespmem:v2+s3+$0x0], $0xffff  }
0x1d2: {  	v2 =	vadd.s32 s13, v0;
	_ =	sdelay $0x3  }
0x1d3: {  	[tilespmem:$0x2940] =	vst v1  }
0x1d4: {  	s10 =	sadd.s32 $0x1B82, s7;
	v1 =	vld.idx.msk [tilespmem:v2+s3+$0x0], $0xffff  }
0x1d5: {  	v2 =	vadd.s32 s10, v0;
	_ =	sdelay $0x3  }
0x1d6: {  	[tilespmem:$0x2950] =	vst v1  }
0x1d7: {  	s12 =	sadd.s32 $0x1CC2, s7;
	v1 =	vld.idx.msk [tilespmem:v2+s3+$0x0], $0xffff  }
0x1d8: {  	v2 =	vadd.s32 s12, v0;
	_ =	sdelay $0x3  }
0x1d9: {  	[tilespmem:$0x2960] =	vst v1  }
0x1da: {  	s13 =	sadd.s32 $0x1E02, s7;
	v1 =	vld.idx.msk [tilespmem:v2+s3+$0x0], $0xffff  }
0x1db: {  	v2 =	vadd.s32 s13, v0;
	_ =	sdelay $0x3  }
0x1dc: {  	[tilespmem:$0x2970] =	vst v1  }
0x1dd: {  	s10 =	sadd.s32 $0x1F42, s7;
	v1 =	vld.idx.msk [tilespmem:v2+s3+$0x0], $0xffff  }
0x1de: {  	v2 =	vadd.s32 s10, v0;
	_ =	sdelay $0x3  }
0x1df: {  	[tilespmem:$0x2980] =	vst v1  }
0x1e0: {  	s12 =	sadd.s32 $0x2082, s7;
	v1 =	vld.idx.msk [tilespmem:v2+s3+$0x0], $0xffff  }
0x1e1: {  	v2 =	vadd.s32 s12, v0;
	_ =	sdelay $0x3  }
0x1e2: {  	[tilespmem:$0x2990] =	vst v1  }
0x1e3: {  	s13 =	sadd.s32 $0x21C2, s7;
	v1 =	vld.idx.msk [tilespmem:v2+s3+$0x0], $0xffff  }
0x1e4: {  	v2 =	vadd.s32 s13, v0;
	_ =	sdelay $0x3  }
0x1e5: {  	[tilespmem:$0x29A0] =	vst v1  }
0x1e6: {  	s10 =	sadd.s32 $0x2302, s7;
	v1 =	vld.idx.msk [tilespmem:v2+s3+$0x0], $0xffff  }
0x1e7: {  	v2 =	vadd.s32 s10, v0;
	_ =	sdelay $0x3  }
0x1e8: {  	[tilespmem:$0x29B0] =	vst v1  }
0x1e9: {  	s12 =	sadd.s32 $0x2442, s7;
	v1 =	vld.idx.msk [tilespmem:v2+s3+$0x0], $0xffff  }
0x1ea: {  	v2 =	vadd.s32 s12, v0;
	_ =	sdelay $0x3  }
0x1eb: {  	[tilespmem:$0x29C0] =	vst v1  }
0x1ec: {  	s13 =	sadd.s32 $0x2582, s7;
	v1 =	vld.idx.msk [tilespmem:v2+s3+$0x0], $0xffff  }
0x1ed: {  	v2 =	vadd.s32 s13, v0;
	_ =	sdelay $0x3  }
0x1ee: {  	[tilespmem:$0x29D0] =	vst v1  }
0x1ef: {  	s7 =	sadd.s32 $0x26C2, s7;
	v1 =	vld.idx.msk [tilespmem:v2+s3+$0x0], $0xffff  }
0x1f0: {  	v2 =	vadd.s32 s7, v0;
	_ =	sdelay $0x3  }
0x1f1: {  	[tilespmem:$0x29E0] =	vst v1  }
0x1f2: {  	v1 =	vld.idx.msk [tilespmem:v2+s3+$0x0], $0xffff;
	_ =	sdelay $0x4  }
0x1f3: {  	s10 =	simm.s32 $0x2800;
	[tilespmem:$0x29F0] =	vst v1  }
0x1f4: {  	[tilespmem:s11], [sflag:$0x1] =	stream.indirect.gather [hbm4b:s4+s9], $0x20, s10, s9, $0xb8;
	[tilespmem:$0xCC00] =	vst v63  }
0x1f5: {  	s12 =	simm.s32 $0x2880;
	s13 =	simm.s32 $0x3C00  }
0x1f6: {  	[tilespmem:s13], [sflag:$0x1] =	stream.indirect.gather [hbm4b:s4+s9], $0x20, s12, s9, $0xb8;
	[tilespmem:$0xCC00] =	vst v63  }
0x1f7: {  	_ = 	snop  }
0x1f8: {  	[tilespmem:s15], [sflag:$0x1] =	stream.indirect.gather [hbm4b:s4+s9], $0x20, s14, s9, $0xb8;
	[tilespmem:$0xCC00] =	vst v63  }
0x1f9: {  	_ = 	snop  }
0x1fa: {  	[tilespmem:s17], [sflag:$0x1] =	stream.indirect.gather [hbm4b:s4+s9], $0x20, s16, s9, $0xb8;
	[tilespmem:$0xCC00] =	vst v63  }
.LBB2_6:
0x1fb: {  	_ =	swait.ge [sflag:s31], $0x1000  }
0x1fc: {  	[sflag:s31] =	ssyncset.done $0x0  }
0x1fd: {  	s1 =	simm.s32 $0x0;
	[sflag:s31] =	ssyncadd.s32 $0xFFFFF000  }
0x1fe: {  	v1 =	vmov s1;
	_ =	swait.ge [sflag:s31], $0x1000  }
0x1ff: {  	v1 =	vand.u32 $0x1F, v1;
	[sflag:s31] =	ssyncset.done $0x0  }
0x200: {  	v1 =	vbroadcast v1, $0x0;
	[sflag:s31] =	ssyncadd.s32 $0xFFFFF000  }
0x201: {  	_ =	swait.ge [sflag:s31], $0x1000  }
0x202: {  	v2 =	vor.u32 v27, v1;
	[sflag:s31] =	ssyncset.done $0x0  }
0x203: {  	v3 =	vor.u32 v33, v1;
	[sflag:s31] =	ssyncadd.s32 $0xFFFFF000  }
0x204: {  	_ =	swait.ge [sflag:s31], $0x1000  }
0x205: {  	[sflag:s31] =	ssyncset.done $0x0  }
0x206: {  	[sflag:s31] =	ssyncadd.s32 $0xFFFFF000  }
0x207: {  	v2 =	vld.idx.msk [tilespmem:v2+s19+$0x0], $0xffff  }
0x208: {  	v3 =	vld.idx.msk [tilespmem:v3+s19+$0x0], $0xffff;
	_ =	sdelay $0x1  }
0x209: {  	v4 =	vor.u32 v34, v1  }
0x20a: {  	v5 =	vor.u32 v35, v1;
	_ =	sdelay $0x1  }
0x20b: {  	s1 =	simm.s32 $0xAC80;
	v2 =	vpack.i.f32.bf16 v3, v2  }
0x20c: {  	[tilespmem:s1+$0xFFFFFF80] =	vst v2  }
0x20d: {  	v2 =	vld.idx.msk [tilespmem:v4+s19+$0x0], $0xffff  }
0x20e: {  	v3 =	vld.idx.msk [tilespmem:v5+s19+$0x0], $0xffff;
	_ =	sdelay $0x1  }
0x20f: {  	v4 =	vor.u32 v36, v1  }
0x210: {  	v5 =	vor.u32 v37, v1;
	_ =	sdelay $0x1  }
0x211: {  	v2 =	vpack.i.f32.bf16 v3, v2  }
0x212: {  	[tilespmem:s1+$0xFFFFFF90] =	vst v2  }
0x213: {  	v2 =	vld.idx.msk [tilespmem:v4+s19+$0x0], $0xffff  }
0x214: {  	v3 =	vld.idx.msk [tilespmem:v5+s19+$0x0], $0xffff;
	_ =	sdelay $0x1  }
0x215: {  	v4 =	vor.u32 v38, v1  }
0x216: {  	v5 =	vor.u32 v39, v1;
	_ =	sdelay $0x1  }
0x217: {  	v2 =	vpack.i.f32.bf16 v3, v2  }
0x218: {  	[tilespmem:s1+$0xFFFFFFA0] =	vst v2  }
0x219: {  	v2 =	vld.idx.msk [tilespmem:v4+s19+$0x0], $0xffff  }
0x21a: {  	v3 =	vld.idx.msk [tilespmem:v5+s19+$0x0], $0xffff;
	_ =	sdelay $0x1  }
0x21b: {  	v4 =	vor.u32 v40, v1  }
0x21c: {  	v5 =	vor.u32 v41, v1;
	_ =	sdelay $0x1  }
0x21d: {  	v2 =	vpack.i.f32.bf16 v3, v2  }
0x21e: {  	[tilespmem:s1+$0xFFFFFFB0] =	vst v2  }
0x21f: {  	v2 =	vld.idx.msk [tilespmem:v4+s19+$0x0], $0xffff  }
0x220: {  	v3 =	vld.idx.msk [tilespmem:v5+s19+$0x0], $0xffff;
	_ =	sdelay $0x1  }
0x221: {  	v4 =	vor.u32 v42, v1  }
0x222: {  	v5 =	vor.u32 v43, v1;
	_ =	sdelay $0x1  }
0x223: {  	v2 =	vpack.i.f32.bf16 v3, v2  }
0x224: {  	[tilespmem:s1+$0xFFFFFFC0] =	vst v2  }
0x225: {  	v2 =	vld.idx.msk [tilespmem:v4+s19+$0x0], $0xffff  }
0x226: {  	v3 =	vld.idx.msk [tilespmem:v5+s19+$0x0], $0xffff;
	_ =	sdelay $0x1  }
0x227: {  	v4 =	vor.u32 v44, v1  }
0x228: {  	v5 =	vor.u32 v45, v1;
	_ =	sdelay $0x1  }
0x229: {  	v2 =	vpack.i.f32.bf16 v3, v2  }
0x22a: {  	[tilespmem:s1+$0xFFFFFFD0] =	vst v2  }
0x22b: {  	v2 =	vld.idx.msk [tilespmem:v4+s19+$0x0], $0xffff  }
0x22c: {  	v3 =	vld.idx.msk [tilespmem:v5+s19+$0x0], $0xffff;
	_ =	sdelay $0x1  }
0x22d: {  	v4 =	vor.u32 v46, v1  }
0x22e: {  	v5 =	vor.u32 v47, v1;
	_ =	sdelay $0x1  }
0x22f: {  	v2 =	vpack.i.f32.bf16 v3, v2  }
0x230: {  	[tilespmem:s1+$0xFFFFFFE0] =	vst v2  }
0x231: {  	v2 =	vld.idx.msk [tilespmem:v4+s19+$0x0], $0xffff  }
0x232: {  	v3 =	vld.idx.msk [tilespmem:v5+s19+$0x0], $0xffff;
	_ =	sdelay $0x1  }
0x233: {  	v4 =	vor.u32 v48, v1  }
0x234: {  	v5 =	vor.u32 v49, v1;
	_ =	sdelay $0x1  }
0x235: {  	v2 =	vpack.i.f32.bf16 v3, v2  }
0x236: {  	[tilespmem:s1+$0xFFFFFFF0] =	vst v2  }
0x237: {  	v2 =	vld.idx.msk [tilespmem:v4+s19+$0x0], $0xffff  }
0x238: {  	v3 =	vld.idx.msk [tilespmem:v5+s19+$0x0], $0xffff;
	_ =	sdelay $0x1  }
0x239: {  	v4 =	vor.u32 v50, v1  }
0x23a: {  	v5 =	vor.u32 v51, v1;
	_ =	sdelay $0x1  }
0x23b: {  	v2 =	vpack.i.f32.bf16 v3, v2  }
0x23c: {  	[tilespmem:s1+$0x0] =	vst v2  }
0x23d: {  	v2 =	vld.idx.msk [tilespmem:v4+s19+$0x0], $0xffff  }
0x23e: {  	v3 =	vld.idx.msk [tilespmem:v5+s19+$0x0], $0xffff;
	_ =	sdelay $0x1  }
0x23f: {  	v4 =	vor.u32 v52, v1  }
0x240: {  	v5 =	vor.u32 v53, v1;
	_ =	sdelay $0x1  }
0x241: {  	v2 =	vpack.i.f32.bf16 v3, v2  }
0x242: {  	[tilespmem:s1+$0x10] =	vst v2  }
0x243: {  	v2 =	vld.idx.msk [tilespmem:v4+s19+$0x0], $0xffff  }
0x244: {  	v3 =	vld.idx.msk [tilespmem:v5+s19+$0x0], $0xffff;
	_ =	sdelay $0x1  }
0x245: {  	v4 =	vor.u32 v54, v1  }
0x246: {  	v5 =	vor.u32 v55, v1;
	_ =	sdelay $0x1  }
0x247: {  	v2 =	vpack.i.f32.bf16 v3, v2  }
0x248: {  	[tilespmem:s1+$0x20] =	vst v2  }
0x249: {  	v2 =	vld.idx.msk [tilespmem:v4+s19+$0x0], $0xffff  }
0x24a: {  	v3 =	vld.idx.msk [tilespmem:v5+s19+$0x0], $0xffff;
	_ =	sdelay $0x1  }
0x24b: {  	v4 =	vor.u32 v56, v1  }
0x24c: {  	v5 =	vor.u32 v57, v1;
	_ =	sdelay $0x1  }
0x24d: {  	v2 =	vpack.i.f32.bf16 v3, v2  }
0x24e: {  	[tilespmem:s1+$0x30] =	vst v2  }
0x24f: {  	v2 =	vld.idx.msk [tilespmem:v4+s19+$0x0], $0xffff  }
0x250: {  	v3 =	vld.idx.msk [tilespmem:v5+s19+$0x0], $0xffff;
	_ =	sdelay $0x1  }
0x251: {  	v4 =	vor.u32 v58, v1  }
0x252: {  	v5 =	vor.u32 v59, v1;
	_ =	sdelay $0x1  }
0x253: {  	v2 =	vpack.i.f32.bf16 v3, v2  }
0x254: {  	[tilespmem:s1+$0x40] =	vst v2  }
0x255: {  	v2 =	vld.idx.msk [tilespmem:v4+s19+$0x0], $0xffff  }
0x256: {  	v3 =	vld.idx.msk [tilespmem:v5+s19+$0x0], $0xffff;
	_ =	sdelay $0x2  }
0x257: {  	v4 =	vor.u32 v60, v1;
	_ =	sdelay $0x1  }
0x258: {  	v2 =	vpack.i.f32.bf16 v3, v2;
	v3 =	vor.u32 v61, v1;
	_ =	sdelay $0x1  }
0x259: {  	[tilespmem:s1+$0x50] =	vst v2  }
0x25a: {  	s10 =	simm.s32 $0x1;
	s7 =	simm.s32 $0xAC80;
	v2 =	vld.idx.msk [tilespmem:v4+s19+$0x0], $0xffff  }
.LBB2_7:
0x25b: {  	p0 =	sne.s32 s10, $0x1F  }
0x25c: {  	v3 =	vld.idx.msk [tilespmem:v3+s19+$0x0], $0xffff;
	s1 =	sadd.s32 $0x100, s1;
	s12 =	smov.u32 s10;
	s10 =	sadd.s32 $0x1, s10  }
0x25d: {  	_ =	sdelay $0x1  }
0x25e: {  	v4 =	vor.u32 v62, v1;
	v1 =	vor.u32 v63, v1;
	_ =	sdelay $0x2  }
0x25f: {  	v2 =	vpack.i.f32.bf16 v3, v2  }
0x260: {  	[tilespmem:s7+$0x60] =	vst v2  }
0x261: {  	v2 =	vmov s12;
	v3 =	vld.idx.msk [tilespmem:v4+s19+$0x0], $0xffff  }
0x262: {  	v2 =	vand.u32 $0x1F, v2;
	v4 =	vld.idx.msk [tilespmem:v1+s19+$0x0], $0xffff  }
0x263: {  	v1 =	vbroadcast v2, $0x0;
	_ =	sdelay $0x1  }
0x264: {  	v2 =	vor.u32 v27, v1;
	v5 =	vor.u32 v33, v1;
	_ =	sdelay $0x2  }
0x265: {  	v3 =	vpack.i.f32.bf16 v4, v3  }
0x266: {  	[tilespmem:s7+$0x70] =	vst v3;
	s7 =	smov.u32 s1  }
0x267: {  	v2 =	vld.idx.msk [tilespmem:v2+s19+$0x0], $0xffff  }
0x268: {  	v3 =	vld.idx.msk [tilespmem:v5+s19+$0x0], $0xffff;
	_ =	sdelay $0x2  }
0x269: {  	v4 =	vor.u32 v34, v1;
	v5 =	vor.u32 v35, v1;
	_ =	sdelay $0x2  }
0x26a: {  	v2 =	vpack.i.f32.bf16 v3, v2  }
0x26b: {  	[tilespmem:s1+$0xFFFFFF80] =	vst v2  }
0x26c: {  	v2 =	vld.idx.msk [tilespmem:v4+s19+$0x0], $0xffff  }
0x26d: {  	v3 =	vld.idx.msk [tilespmem:v5+s19+$0x0], $0xffff;
	_ =	sdelay $0x2  }
0x26e: {  	v4 =	vor.u32 v36, v1;
	v5 =	vor.u32 v37, v1;
	_ =	sdelay $0x2  }
0x26f: {  	v2 =	vpack.i.f32.bf16 v3, v2  }
0x270: {  	[tilespmem:s1+$0xFFFFFF90] =	vst v2  }
0x271: {  	v2 =	vld.idx.msk [tilespmem:v4+s19+$0x0], $0xffff  }
0x272: {  	v3 =	vld.idx.msk [tilespmem:v5+s19+$0x0], $0xffff;
	_ =	sdelay $0x2  }
0x273: {  	v4 =	vor.u32 v38, v1;
	v5 =	vor.u32 v39, v1;
	_ =	sdelay $0x2  }
0x274: {  	v2 =	vpack.i.f32.bf16 v3, v2  }
0x275: {  	[tilespmem:s1+$0xFFFFFFA0] =	vst v2  }
0x276: {  	v2 =	vld.idx.msk [tilespmem:v4+s19+$0x0], $0xffff  }
0x277: {  	v3 =	vld.idx.msk [tilespmem:v5+s19+$0x0], $0xffff;
	_ =	sdelay $0x2  }
0x278: {  	v4 =	vor.u32 v40, v1;
	v5 =	vor.u32 v41, v1;
	_ =	sdelay $0x2  }
0x279: {  	v2 =	vpack.i.f32.bf16 v3, v2  }
0x27a: {  	[tilespmem:s1+$0xFFFFFFB0] =	vst v2  }
0x27b: {  	v2 =	vld.idx.msk [tilespmem:v4+s19+$0x0], $0xffff  }
0x27c: {  	v3 =	vld.idx.msk [tilespmem:v5+s19+$0x0], $0xffff;
	_ =	sdelay $0x2  }
0x27d: {  	v4 =	vor.u32 v42, v1;
	v5 =	vor.u32 v43, v1;
	_ =	sdelay $0x2  }
0x27e: {  	v2 =	vpack.i.f32.bf16 v3, v2  }
0x27f: {  	[tilespmem:s1+$0xFFFFFFC0] =	vst v2  }
0x280: {  	v2 =	vld.idx.msk [tilespmem:v4+s19+$0x0], $0xffff  }
0x281: {  	v3 =	vld.idx.msk [tilespmem:v5+s19+$0x0], $0xffff;
	_ =	sdelay $0x2  }
0x282: {  	v4 =	vor.u32 v44, v1;
	v5 =	vor.u32 v45, v1;
	_ =	sdelay $0x2  }
0x283: {  	v2 =	vpack.i.f32.bf16 v3, v2  }
0x284: {  	[tilespmem:s1+$0xFFFFFFD0] =	vst v2  }
0x285: {  	v2 =	vld.idx.msk [tilespmem:v4+s19+$0x0], $0xffff  }
0x286: {  	v3 =	vld.idx.msk [tilespmem:v5+s19+$0x0], $0xffff;
	_ =	sdelay $0x2  }
0x287: {  	v4 =	vor.u32 v46, v1;
	v5 =	vor.u32 v47, v1;
	_ =	sdelay $0x2  }
0x288: {  	v2 =	vpack.i.f32.bf16 v3, v2  }
0x289: {  	[tilespmem:s1+$0xFFFFFFE0] =	vst v2  }
0x28a: {  	v2 =	vld.idx.msk [tilespmem:v4+s19+$0x0], $0xffff  }
0x28b: {  	v3 =	vld.idx.msk [tilespmem:v5+s19+$0x0], $0xffff;
	_ =	sdelay $0x2  }
0x28c: {  	v4 =	vor.u32 v48, v1;
	v5 =	vor.u32 v49, v1;
	_ =	sdelay $0x2  }
0x28d: {  	v2 =	vpack.i.f32.bf16 v3, v2  }
0x28e: {  	[tilespmem:s1+$0xFFFFFFF0] =	vst v2  }
0x28f: {  	v2 =	vld.idx.msk [tilespmem:v4+s19+$0x0], $0xffff  }
0x290: {  	v3 =	vld.idx.msk [tilespmem:v5+s19+$0x0], $0xffff;
	_ =	sdelay $0x2  }
0x291: {  	v4 =	vor.u32 v50, v1;
	v5 =	vor.u32 v51, v1;
	_ =	sdelay $0x2  }
0x292: {  	v2 =	vpack.i.f32.bf16 v3, v2  }
0x293: {  	[tilespmem:s1+$0x0] =	vst v2  }
0x294: {  	v2 =	vld.idx.msk [tilespmem:v4+s19+$0x0], $0xffff  }
0x295: {  	v3 =	vld.idx.msk [tilespmem:v5+s19+$0x0], $0xffff;
	_ =	sdelay $0x2  }
0x296: {  	v4 =	vor.u32 v52, v1;
	v5 =	vor.u32 v53, v1;
	_ =	sdelay $0x2  }
0x297: {  	v2 =	vpack.i.f32.bf16 v3, v2  }
0x298: {  	[tilespmem:s1+$0x10] =	vst v2  }
0x299: {  	v2 =	vld.idx.msk [tilespmem:v4+s19+$0x0], $0xffff  }
0x29a: {  	v3 =	vld.idx.msk [tilespmem:v5+s19+$0x0], $0xffff;
	_ =	sdelay $0x2  }
0x29b: {  	v4 =	vor.u32 v54, v1;
	v5 =	vor.u32 v55, v1;
	_ =	sdelay $0x2  }
0x29c: {  	v2 =	vpack.i.f32.bf16 v3, v2  }
0x29d: {  	[tilespmem:s1+$0x20] =	vst v2  }
0x29e: {  	v2 =	vld.idx.msk [tilespmem:v4+s19+$0x0], $0xffff  }
0x29f: {  	v3 =	vld.idx.msk [tilespmem:v5+s19+$0x0], $0xffff;
	_ =	sdelay $0x2  }
0x2a0: {  	v4 =	vor.u32 v56, v1;
	v5 =	vor.u32 v57, v1;
	_ =	sdelay $0x2  }
0x2a1: {  	v2 =	vpack.i.f32.bf16 v3, v2  }
0x2a2: {  	[tilespmem:s1+$0x30] =	vst v2  }
0x2a3: {  	v2 =	vld.idx.msk [tilespmem:v4+s19+$0x0], $0xffff  }
0x2a4: {  	v3 =	vld.idx.msk [tilespmem:v5+s19+$0x0], $0xffff;
	_ =	sdelay $0x2  }
0x2a5: {  	v4 =	vor.u32 v58, v1;
	v5 =	vor.u32 v59, v1;
	_ =	sdelay $0x2  }
0x2a6: {  	v2 =	vpack.i.f32.bf16 v3, v2  }
0x2a7: {  	[tilespmem:s1+$0x40] =	vst v2  }
0x2a8: {  	v2 =	vld.idx.msk [tilespmem:v4+s19+$0x0], $0xffff  }
0x2a9: {  	v4 =	vld.idx.msk [tilespmem:v5+s19+$0x0], $0xffff;
	_ =	sdelay $0x2  }
0x2aa: {  	v3 =	vor.u32 v61, v1;
	v5 =	vor.u32 v60, v1  }
.Ltmp2:
0x2ab: {  	(pc) =	sbr.rel @p0 .LBB2_7-.Ltmp2, $4  }
0x2ac: {  	_ = 	snop  }
0x2ad: {  	v2 =	vpack.i.f32.bf16 v4, v2  }
0x2ae: {  	[tilespmem:s1+$0x50] =	vst v2  }
0x2af: {  	v2 =	vld.idx.msk [tilespmem:v5+s19+$0x0], $0xffff  }
0x2b0: {  	_ =	sdelay $0x3  }
0x2b1: {  	v3 =	vld.idx.msk [tilespmem:v3+s19+$0x0], $0xffff;
	_ =	sdelay $0x1  }
0x2b2: {  	v4 =	vor.u32 v62, v1  }
0x2b3: {  	v1 =	vor.u32 v63, v1;
	_ =	sdelay $0x1  }
0x2b4: {  	v2 =	vpack.i.f32.bf16 v3, v2  }
0x2b5: {  	[tilespmem:s7+$0x60] =	vst v2  }
0x2b6: {  	v2 =	vld.idx.msk [tilespmem:v4+s19+$0x0], $0xffff  }
0x2b7: {  	v1 =	vld.idx.msk [tilespmem:v1+s19+$0x0], $0xffff;
	_ =	sdelay $0x2  }
0x2b8: {  	s1 =	sshll.u32 s5, $0x13  }
0x2b9: {  	s0 =	sadd.s32 $0x1, s0;
	s1 =	sor.u32 s6, s1  }
0x2ba: {  	p0 =	sne.s32 s0, $0xA;
	s1 =	sshrl.u32 s1, $0x4;
	v1 =	vpack.i.f32.bf16 v1, v2  }
.Ltmp3:
0x2bb: {  	s1 =	sadd.s32 s2, s1;
	[tilespmem:s7+$0x70] =	vst v1;
	(pc) =	sbr.rel @p0 .LBB2_2-.Ltmp3, $4  }
0x2bc: {  	[hbm4b:s1+s28] =	stream.strided.scatter [tilespmem:s30], [sflag:$0x3], $0x2000, s29, s28, $0x38;
	[tilespmem:$0xCC00] =	vst v63  }
0x2bd: {  	_ =	swait.ge [sflag:s8], $0x2000  }
0x2be: {  	[sflag:s8] =	ssyncset.done $0x0  }
0x2bf: {  	[sflag:s8] =	ssyncadd.s32 $0xFFFFE000  }
0x2c0: {  	s1 =	rddreg [dreg:$0x5]  }
0x2c1: {  	s0 =	rddreg [dreg:$0x4];
	s1 =	sadd.s32 $0x1, s1  }
0x2c2: {  	p0 =	sne.s32 s1, s0  }
.Ltmp4:
0x2c3: {  	_ = 	snop;
	(pc) =	sbr.rel @p0 .LBB2_1-.Ltmp4, $1  }
0x2c4: {  	_ =	sdelay $0x3  }
0x2c5: {  	_ =	sfence.sel $0x180000  }
0x2c6: {  	[bflag:$0x0] =	sbarrier.arrive $0xFFFF  }
0x2c7: {  	_ =	strace $0x90000047  }
0x2c8: {  	s0 =	stileid.u32;
	[bflag:$0x2] =	sbarrier.arrive $0xFFFF  }
0x2c9: {  	p0 =	sne.s32 s0, $0x0;
	s0 =	rddreg [dreg:$0x2]  }
0x2ca: {  	s0 =	sadd.s32 @!p0 $0x100000, s0  }
0x2cb: {  	[sflag:s0] =	ssyncadd.tile.s32 @!p0 $0x1;
	_ =	shalt  }
.Lfunc_end2:
_tile_overlayer_lowered:
.L_overlay_start_2:
0x2cc: {  	(tag) =	ssettag $0x2  }
0x2cd: {  	s0 =	rddreg [dreg:$0x0];
	s2 =	stileid.u32  }
0x2ce: {  	s1 =	rddreg [dreg:$0x1];
	p0 =	sne.s32 s2, $0x0  }
0x2cf: {  	s3 =	rddreg [dreg:$0x2];
	[bflag:$0x3] =	sbarrier.arrive $0xFFFF;
	s2 =	simm.s32 @!p0 $0x1C03  }
0x2d0: {  	[timem:s3], [sflag:s2] =	dma.local @!p0 [hbm:s0], s1  }
0x2d1: {  	s0 =	simm.s32 @!p0 $0x3  }
0x2d2: {  	_ =	swait.ge @!p0 [sflag:s0], s1  }
0x2d3: {  	s1 =	ssub.s32 @!p0 $0x0, s1;
	[sflag:s0] =	ssyncset.done @!p0 $0x0  }
0x2d4: {  	[sflag:s0] =	ssyncadd.s32 @!p0 s1  }
0x2d5: {  	[bflag:$0x3] =	sbarrier.arrive $0xFFFF  }
0x2d6: {  	_ =	shalt  }

// kernel: kernel.7.cloned.1.call-start
scs
__scs_entry_jumppad:
0x0: {  	(pc) =	sbr.rel $0x88, $3  }
0x1: {  	(tag) =	ssettag $0x0;
	lr =	simm.s32 $0x1  }
0x2: {  	[smem:$0x3F9E] =	sst lr;
	_ =	strace $0xD0000000  }
0x3: {  	_ = 	snop  }
0x4: {  	_ = 	snop  }
0x5: {  	_ = 	snop  }
0x6: {  	_ = 	snop  }
0x7: {  	_ = 	snop  }
__scs_overlays_trampoline_lowered:
0x8: {  	[smem:$0x3FAD] =	sst s0  }
0x9: {  	[smem:$0x3FAE] =	sst s1  }
0xa: {  	[smem:$0x3FAF] =	sst s2  }
0xb: {  	[smem:$0x3FB0] =	sst s3  }
0xc: {  	[smem:$0x3FB1] =	sst s4  }
0xd: {  	[smem:$0x3FB2] =	sst s5  }
0xe: {  	[smem:$0x3FB3] =	sst s6  }
0xf: {  	[smem:$0x3FB4] =	sst s7  }
0x10: {  	[smem:$0x3FB5] =	sst s8  }
0x11: {  	[smem:$0x3FB6] =	sst s9;
	s0 =	simm.s32 @!p0 $0x0  }
0x12: {  	s1 =	sld [smem:$0x3F9C];
	s0 =	simm.s32 @p0 $0x1  }
0x13: {  	[smem:$0x3FB7] =	sst s0;
	s0 =	simm.s32 @!p1 $0x0  }
0x14: {  	s2 =	sld [smem:$0x3F9B];
	s0 =	simm.s32 @p1 $0x1  }
0x15: {  	[smem:$0x3FB8] =	sst s0;
	s0 =	simm.s32 @!p2 $0x0  }
0x16: {  	s3 =	sld [smem:$0x3FDB];
	s0 =	simm.s32 @p2 $0x1  }
0x17: {  	s4 =	simm.s32 $0x1BF5;
	[smem:$0x3FBA] =	sst s0  }
0x18: {  	s0 =	sld [smem:$0x3F9D];
	_ =	swait.ge [sflag:s4], $0x0  }
0x19: {  	s7 =	sld [smem:$0x3F9E]  }
0x1a: {  	s8 =	sadd.s32 $0xFFFFE003, lr  }
0x1b: {  	s9 =	sadd.s32 $0xFFFFFEF7, lr;
	s5 =	simm.s32 $0xFFFFFFFF;
	p2 =	slt.u32 s8, $0xFFFFF086  }
0x1c: {  	p1 =	slt.u32 s9, $0xF7A;
	s5 =	simm.s32 @!p2 $0x0  }
0x1d: {  	s5 =	simm.s32 @p1 $0x1;
	p0 =	seq.s32 s7, s2  }
0x1e: {  	s7 =	smul.u32 @!p0 $0xF7A, s2;
	p2 =	seq.s32 @!p0 s5, $0x0  }
0x1f: {  	s9 =	smul.u32 $0xF7A, s1;
	s8 =	simm.s32 @!p0 $0x1BF5;
	p2 =	por !p2, p0  }
0x20: {  	[sflag:s8] =	ssyncset.s32 @!p0 $0xFFFFF086;
	s6 =	sadd.s32 @!p0 s3, s7;
	s7 =	simm.s32 @!p0 $0x108  }
0x21: {  	s3 =	sadd.s32 s3, s9;
	s6 =	sadd.s32 @!p0 $0x88, s6;
	s7 =	simm.s32 @p2 $0x1082  }
0x22: {  	[simem:s7], [sflag:s8] =	dma.local @!p0 [hbm:s6], $0xF7A  }
0x23: {  	s9 =	sor.u32 $0xD0000000, s2;
	s6 =	simm.s32 $0x108;
	_ =	swait.ge @!p0 [sflag:s8], $0x0  }
0x24: {  	s3 =	sadd.s32 $0x88, s3;
	s6 =	simm.s32 @!p1 $0x1082;
	[sflag:s4] =	ssyncset.s32 $0xFFFFF086  }
0x25: {  	[simem:s6], [sflag:s4] =	dma.local [hbm:s3], $0xF7A  }
0x26: {  	[smem:$0x3F9E] =	sst s1;
	(tag) =	ssettag s2;
	_ =	strace s9  }
0x27: {  	s1 =	sld [smem:$0x3FAE]  }
0x28: {  	s2 =	sld [smem:$0x3FAF]  }
0x29: {  	s4 =	sld [smem:$0x3FB1]  }
0x2a: {  	p0 =	seq.s32 s5, $0x0;
	s5 =	sld [smem:$0x3FB2]  }
0x2b: {  	s6 =	sld [smem:$0x3FB3]  }
0x2c: {  	s7 =	sld [smem:$0x3FB4]  }
0x2d: {  	s3 =	simm.s32 $0x108;
	s8 =	sld [smem:$0x3FB5]  }
0x2e: {  	s3 =	simm.s32 @!p0 $0x1082;
	s9 =	sld [smem:$0x3FB6]  }
0x2f: {  	lr =	sadd.s32 s0, s3;
	s0 =	sld [smem:$0x3FAD]  }
0x30: {  	s3 =	sld [smem:$0x3FB0]  }
0x31: {  	[smem:$0x3FB9] =	sst s10  }
0x32: {  	s10 =	sld [smem:$0x3FB7];
	_ =	sdelay $0x3  }
0x33: {  	p0 =	seq.s32 s10, $0x1;
	s10 =	sld [smem:$0x3FB9];
	_ =	sdelay $0x3  }
0x34: {  	[smem:$0x3FB9] =	sst s10  }
0x35: {  	s10 =	sld [smem:$0x3FB8];
	_ =	sdelay $0x3  }
0x36: {  	p1 =	seq.s32 s10, $0x1;
	s10 =	sld [smem:$0x3FB9];
	_ =	sdelay $0x3  }
0x37: {  	[smem:$0x3FB9] =	sst s10  }
0x38: {  	s10 =	sld [smem:$0x3FBA]  }
0x39: {  	_ = 	snop;
	(pc) =	sbr.ind lr, $3  }
0x3a: {  	_ = 	snop  }
0x3b: {  	_ = 	snop  }
0x3c: {  	p2 =	seq.s32 s10, $0x1;
	s10 =	sld [smem:$0x3FB9]  }
0x3d: {  	_ =	shalt  }
0x3e: {  	_ =	shalt  }
0x3f: {  	_ =	shalt  }
0x40: {  	_ =	shalt  }
0x41: {  	_ =	shalt  }
0x42: {  	_ =	shalt  }
0x43: {  	_ =	shalt  }
0x44: {  	_ =	shalt  }
0x45: {  	_ =	shalt  }
0x46: {  	_ =	shalt  }
0x47: {  	_ =	shalt  }
0x48: {  	_ =	shalt  }
0x49: {  	_ =	shalt  }
0x4a: {  	_ =	shalt  }
0x4b: {  	_ =	shalt  }
0x4c: {  	_ =	shalt  }
0x4d: {  	_ =	shalt  }
0x4e: {  	_ =	shalt  }
0x4f: {  	_ =	shalt  }
0x50: {  	_ =	shalt  }
0x51: {  	_ =	shalt  }
0x52: {  	_ =	shalt  }
0x53: {  	_ =	shalt  }
0x54: {  	_ =	shalt  }
0x55: {  	_ =	shalt  }
0x56: {  	_ =	shalt  }
0x57: {  	_ =	shalt  }
0x58: {  	_ =	shalt  }
0x59: {  	_ =	shalt  }
0x5a: {  	_ =	shalt  }
0x5b: {  	_ =	shalt  }
0x5c: {  	_ =	shalt  }
0x5d: {  	_ =	shalt  }
0x5e: {  	_ =	shalt  }
0x5f: {  	_ =	shalt  }
0x60: {  	_ =	shalt  }
0x61: {  	_ =	shalt  }
0x62: {  	_ =	shalt  }
0x63: {  	_ =	shalt  }
0x64: {  	_ =	shalt  }
0x65: {  	_ =	shalt  }
0x66: {  	_ =	shalt  }
0x67: {  	_ =	shalt  }
0x68: {  	_ =	shalt  }
0x69: {  	_ =	shalt  }
0x6a: {  	_ =	shalt  }
0x6b: {  	_ =	shalt  }
0x6c: {  	_ =	shalt  }
0x6d: {  	_ =	shalt  }
0x6e: {  	_ =	shalt  }
0x6f: {  	_ =	shalt  }
0x70: {  	_ =	shalt  }
0x71: {  	_ =	shalt  }
0x72: {  	_ =	shalt  }
0x73: {  	_ =	shalt  }
0x74: {  	_ =	shalt  }
0x75: {  	_ =	shalt  }
0x76: {  	_ =	shalt  }
0x77: {  	_ =	shalt  }
0x78: {  	_ =	shalt  }
0x79: {  	_ =	shalt  }
0x7a: {  	_ =	shalt  }
0x7b: {  	_ =	shalt  }
0x7c: {  	_ =	shalt  }
0x7d: {  	_ =	shalt  }
0x7e: {  	_ =	shalt  }
0x7f: {  	_ =	shalt  }
0x80: {  	_ =	shalt  }
0x81: {  	_ =	shalt  }
0x82: {  	_ =	shalt  }
0x83: {  	_ =	shalt  }
0x84: {  	_ =	shalt  }
0x85: {  	_ =	shalt  }
0x86: {  	_ =	shalt  }
0x87: {  	_ =	shalt  }
.Lfunc_end0:
.L_simem_size_0:
called_computation.1_lowered:
.L_overlay_start_0:
0x88: {  	s2 =	sld [smem:$0x3FD9]  }
0x89: {  	s3 =	sld [smem:$0x3FFE];
	_ =	sdelay $0x1  }
0x8a: {  	s1 =	srdreg.scid  }
0x8b: {  	s0 =	sand.u32 $0x1, s1  }
0x8c: {  	s17 =	sshll.u32 s0, $0xA;
	s2 =	sadd.s32 s3, s2  }
0x8d: {  	s2 =	sadd.s32 s2, s17  }
0x8e: {  	[smem:$0x3FC5] =	sst s2  }
0x8f: {  	_ = 	snop  }
0x90: {  	(tm) =	ssettm $0x1  }
0x91: {  	s18 =	sld [smem:$0x3FFB];
	_ =	sdelay $0x3  }
0x92: {  	_ =	strace s18  }
0x93: {  	s2 =	sld [smem:$0x3FFC];
	_ =	sdelay $0x3  }
0x94: {  	_ =	strace s2  }
0x95: {  	s2 =	sld [smem:$0x3FFD];
	_ =	sdelay $0x3  }
0x96: {  	_ =	strace s2  }
0x97: {  	_ =	strace $0x8FFFFFFF  }
0x98: {  	s19 =	sld [smem:$0x3FDB];
	_ =	sdelay $0x1  }
0x99: {  	s20 =	simm.s32 $_scs_section_size  }
0x9a: {  	s4 =	simm.s32 $_size__tile_overlayer_lowered;
	s5 =	simm.s32 $_tile_overlayer_lowered  }
0x9b: {  	s6 =	simm.s32 $0x1BFF;
	s21 =	sshll.u32 s5, $0x1;
	s3 =	sadd.s32 s20, s19  }
0x9c: {  	s22 =	simm.s32 $0x0;
	s4 =	sshll.u32 s4, $0x1;
	s5 =	sadd.s32 s21, s3  }
0x9d: {  	[timem:s22], [sflag:s6] =	dma.local [hbm:s5], s4  }
0x9e: {  	_ =	swait.ge [sflag:s6], s4  }
0x9f: {  	s4 =	ssub.s32 $0x0, s4;
	[sflag:s6] =	ssyncset.done $0x0  }
0xa0: {  	[sflag:s6] =	ssyncadd.s32 s4;
	_ =	sdelay $0x1  }
0xa1: {  	s23 =	simm.s32 $0x1B8B  }
0xa2: {  	_ =	swait.ge [sflag:s23], $0x1  }
0xa3: {  	[sflag:s23] =	ssyncset.done $0x0  }
0xa4: {  	[sflag:s23] =	ssyncadd.s32 $0xFFFFFFFF  }
0xa5: {  	s4 =	sld [smem:$0x0]  }
0xa6: {  	s5 =	sand.u32 $0xFFFFFFFE, s1  }
0xa7: {  	p0 =	sne.s32 s1, s5  }
0xa8: {  	s5 =	sshll.u32 @p0 s5, $0xE  }
0xa9: {  	s5 =	sadd.s32 @p0 $0x11B8D, s5;
	s6 =	sshll.u32 @p0 s4, $0x11  }
0xaa: {  	s5 =	sor.u32 @p0 s6, s5  }
0xab: {  	[sflag:s5] =	ssyncadd.remote.s32 @p0 $0x1;
	_ =	sdelay $0x1  }
0xac: {  	s5 =	simm.s32 @p0 $0x1B8D  }
0xad: {  	_ =	swait.eq @p0 [sflag:s5], $0x1  }
0xae: {  	[sflag:s5] =	ssyncadd.s32 @p0 $0xFFFFFFFF  }
0xaf: {  	s6 =	sshll.u32 @!p0 s1, $0xE  }
0xb0: {  	s6 =	sor.u32 @!p0 $0x4000, s6;
	s5 =	simm.s32 @!p0 $0x1B8D  }
0xb1: {  	s4 =	sshll.u32 @!p0 s4, $0x11;
	s6 =	sadd.s32 @!p0 $0x11B8D, s6;
	_ =	swait.eq @!p0 [sflag:s5], $0x1  }
0xb2: {  	s4 =	sor.u32 @!p0 s4, s6;
	[sflag:s5] =	ssyncadd.s32 @!p0 $0xFFFFFFFF  }
0xb3: {  	s25 =	simm.s32 $0x1B8E;
	s24 =	sld [smem:$0x3FFE];
	[sflag:s4] =	ssyncadd.remote.s32 @!p0 $0x1  }
0xb4: {  	s26 =	simm.s32 $execute0_lowered;
	[smem:$0x3FD2] =	sst s25  }
0xb5: {  	s5 =	sshll.u32 s26, $0x1;
	_ =	strace $0x80000049;
	[dreg:$0x1] =	wrdreg $0xFFFFFFFF  }
0xb6: {  	s28 =	simm.s32 $_size_execute0_lowered;
	s3 =	sadd.s32 s3, s5;
	[dreg:$0x0] =	wrdreg $0x0  }
0xb7: {  	s5 =	sshll.u32 s28, $0x1;
	[dreg:$0x2] =	wrdreg s3  }
0xb8: {  	[dreg:$0x3] =	wrdreg s5  }
0xb9: {  	[dreg:$0x4] =	wrdreg $0xC0  }
0xba: {  	_ =	task [dreg:s22], $0x5FFFF  }
0xbb: {  	[dreg:$0x1] =	wrdreg $0xFFFFFFFF  }
0xbc: {  	[dreg:$0x0] =	wrdreg $0x60  }
0xbd: {  	[dreg:$0x2] =	wrdreg s24  }
0xbe: {  	[dreg:$0x3] =	wrdreg $0xA  }
0xbf: {  	_ =	task.clear_ibuf [dreg:s22], $0x4FFFF;
	_ =	strace $0x90000049  }
0xc0: {  	s29 =	simm.s32 $0xA;
	_ =	strace $0x8000004B  }
0xc1: {  	_ =	swait.ge [sflag:s29], $0x1  }
0xc2: {  	[sflag:s29] =	ssyncadd.s32 $0xFFFFFFFF  }
0xc3: {  	_ =	strace $0x9000004B  }
0xc4: {  	_ =	sfence  }
0xc5: {  	s30 =	sld [smem:$0x0];
	_ =	sdelay $0x2  }
0xc6: {  	s31 =	sshll.u32 s1, $0xD;
	s1 =	sshrl.u32 s1, $0x2  }
0xc7: {  	s4 =	sand.u32 $0x4000, s31;
	s1 =	sadd.s32 s1, s30  }
0xc8: {  	s0 =	sor.u32 s4, s0;
	s1 =	sshll.u32 s1, $0x11  }
0xc9: {  	s0 =	sor.u32 s1, s0  }
0xca: {  	s0 =	sadd.s32 $0x8F2B, s0  }
0xcb: {  	[sflag:s0] =	ssyncadd.remote.s32 $0x1  }
0xcc: {  	_ =	sfence.sel $0xFFFF  }
0xcd: {  	[dreg:$0x0] =	wrdreg $0xFFFFFFFF;
	(pc) =	sbr.abs _section_cstart, $3  }
0xce: {  	[dreg:$0x1] =	wrdreg $0xFFFFFFFF  }
0xcf: {  	_ =	task.clear_ibuf [dreg:s22], $0x2FFFF;
	_ =	strace $0x9FFFFFFF  }
0xd0: {  	(tm) =	ssettm $0x7FFFFFFF  }
0xd1: {  	_ =	shalt  }
tec
execute0_lowered:
.L_overlay_start_1:
0x0: {  	(tag) =	ssettag $0x1  }
0x1: {  	v1 =	vlaneseq.u32  }
0x2: {  	v0 =	vmul.u32 $0x14, v1;
	_ =	sdelay $0x1  }
0x3: {  	v27 =	vmul.u32 $0x40, v1;
	v2 =	vadd.s32 $0x140, v0;
	v6 =	vadd.s32 $0x780, v0  }
0x4: {  	v7 =	vadd.s32 $0x8C0, v0;
	v8 =	vor.u32 $0xA00, v0;
	v9 =	vadd.s32 $0xB40, v0  }
0x5: {  	v10 =	vadd.s32 $0xC80, v0;
	v11 =	vadd.s32 $0xDC0, v0;
	v12 =	vadd.s32 $0xF00, v0  }
0x6: {  	v13 =	vadd.s32 $0x1040, v0;
	v14 =	vadd.s32 $0x1180, v0;
	v15 =	vadd.s32 $0x12C0, v0  }
0x7: {  	v16 =	vor.u32 $0x1400, v0;
	v17 =	vadd.s32 $0x1540, v0;
	v18 =	vadd.s32 $0x1680, v0  }
0x8: {  	v19 =	vadd.s32 $0x17C0, v0;
	v20 =	vadd.s32 $0x1900, v0;
	v21 =	vadd.s32 $0x1A40, v0  }
0x9: {  	s0 =	srdreg.scid;
	v22 =	vadd.s32 $0x1B80, v0;
	v23 =	vadd.s32 $0x1CC0, v0;
	v24 =	vor.u32 $0x1E00, v0  }
0xa: {  	s1 =	stileid.u32;
	s4 =	rddreg [dreg:$0x0];
	v25 =	vadd.s32 $0x1F40, v0;
	v26 =	vadd.s32 $0x2080, v0;
	v28 =	vadd.s32 $0x21C0, v0  }
0xb: {  	s2 =	simm.s32 $0x0;
	s8 =	simm.s32 $0x3;
	s9 =	simm.s32 $0x80;
	v29 =	vadd.s32 $0x2300, v0;
	v30 =	vadd.s32 $0x2440, v0;
	v31 =	vadd.s32 $0x2580, v0  }
0xc: {  	s11 =	simm.s32 $0x2C00;
	s14 =	simm.s32 $0x2900;
	s15 =	simm.s32 $0x4C00;
	v32 =	vadd.s32 $0x26C0, v0;
	v33 =	vor.u32 $0x20, v27;
	v34 =	vor.u32 $0x400, v27  }
0xd: {  	s16 =	simm.s32 $0x2980;
	s17 =	simm.s32 $0x5C00;
	s18 =	simm.s32 $0x2A00;
	v35 =	vor.u32 $0x420, v27;
	v36 =	vor.u32 $0x800, v27;
	v37 =	vor.u32 $0x820, v27  }
0xe: {  	s19 =	simm.s32 $0x6C00;
	s20 =	simm.s32 $0x2A80;
	s21 =	simm.s32 $0x7C00;
	v38 =	vor.u32 $0xC00, v27;
	v39 =	vor.u32 $0xC20, v27;
	v40 =	vor.u32 $0x1000, v27  }
0xf: {  	s22 =	simm.s32 $0x2B00;
	s23 =	simm.s32 $0x8C00;
	s24 =	simm.s32 $0x2B80;
	v41 =	vor.u32 $0x1020, v27;
	v42 =	vor.u32 $0x1400, v27;
	v43 =	vor.u32 $0x1420, v27  }
0x10: {  	s25 =	simm.s32 $0x9C00;
	s0 =	sand.u32 $0x1, s0;
	s1 =	sshll.u32 s1, $0x1;
	v44 =	vor.u32 $0x1800, v27;
	v45 =	vor.u32 $0x1820, v27;
	v46 =	vor.u32 $0x1C00, v27  }
0x11: {  	s26 =	simm.s32 $0x1;
	s28 =	simm.s32 $0x100;
	s1 =	sor.u32 s0, s1;
	v47 =	vor.u32 $0x1C20, v27;
	v48 =	vor.u32 $0x2000, v27;
	[tilespmem:$0x1FFB0] =	vst v2;
	v2 =	vadd.s32 $0x280, v0  }
0x12: {  	s29 =	simm.s32 $0x2000;
	s0 =	ssub.s32 $0x2, s0;
	s3 =	smul.u32 $0x500, s1;
	v49 =	vor.u32 $0x2020, v27;
	v50 =	vor.u32 $0x2400, v27;
	[tilespmem:$0x1FFC0] =	vst v2;
	v2 =	vadd.s32 $0x3C0, v0  }
0x13: {  	s30 =	simm.s32 $0xAC00;
	s31 =	simm.s32 $0x2;
	s6 =	sshrl.u32 s0, $0x1;
	v51 =	vor.u32 $0x2420, v27;
	v52 =	vor.u32 $0x2800, v27;
	[tilespmem:$0x1FFD0] =	vst v2;
	v2 =	vadd.s32 $0x500, v0  }
0x14: {  	[smem:$0x7FF] =	sst s2;
	v53 =	vor.u32 $0x2820, v27;
	v54 =	vor.u32 $0x2C00, v27;
	s0 =	ssub.s32 s0, s6;
	s5 =	sadd.s32 s3, s4;
	[tilespmem:$0x1FFE0] =	vst v2;
	v2 =	vadd.s32 $0x640, v0  }
0x15: {  	v55 =	vor.u32 $0x2C20, v27;
	v56 =	vor.u32 $0x3000, v27;
	v57 =	vor.u32 $0x3020, v27;
	s6 =	sshll.u32 s1, $0x9;
	s1 =	simm.s32 $0x0;
	s5 =	sadd.s32 $0x800, s5;
	[tilespmem:$0x1FFF0] =	vst v2  }
0x16: {  	v58 =	vor.u32 $0x3400, v27;
	v59 =	vor.u32 $0x3420, v27;
	v60 =	vor.u32 $0x3800, v27;
	s0 =	smax.u32 s0, $0x1;
	_ =	strace $0x8000004A;
	[dreg:$0x2] =	wrdreg s5  }
0x17: {  	v61 =	vor.u32 $0x3820, v27;
	v62 =	vor.u32 $0x3C00, v27;
	v63 =	vor.u32 $0x3C20, v27;
	s3 =	sadd.s32 $0x131D600, s4;
	s4 =	sadd.s32 $0xA800, s4;
	[dreg:$0x3] =	wrdreg s0  }
.LBB2_1:
0x18: {  	[dreg:$0x4] =	wrdreg s1  }
0x19: {  	s0 =	rddreg [dreg:$0x2]  }
0x1a: {  	[tilespmem:s2], [sflag:$0x3] =	stream.linear.gather [hbm4b:s0+s2], $0x2800, $0x38;
	[tilespmem:$0xCC00] =	vst v63  }
0x1b: {  	_ =	swait.ge [sflag:s8], $0x2800  }
0x1c: {  	[sflag:s8] =	ssyncset.done $0x0  }
0x1d: {  	[sflag:s8] =	ssyncadd.s32 $0xFFFFD800  }
0x1e: {  	v1 =	vld.idx.msk [tilespmem:v0+s2+$0x0], $0xffff;
	_ =	sdelay $0x4  }
0x1f: {  	[tilespmem:$0x2800] =	vst v1;
	v1 =	vld [tilespmem:$0x1FFB0];
	_ =	sdelay $0x7  }
0x20: {  	v1 =	vld.idx.msk [tilespmem:v1+s2+$0x0], $0xffff;
	_ =	sdelay $0x4  }
0x21: {  	[tilespmem:$0x2810] =	vst v1;
	v1 =	vld [tilespmem:$0x1FFC0];
	_ =	sdelay $0x7  }
0x22: {  	v1 =	vld.idx.msk [tilespmem:v1+s2+$0x0], $0xffff;
	_ =	sdelay $0x4  }
0x23: {  	[tilespmem:$0x2820] =	vst v1;
	v1 =	vld [tilespmem:$0x1FFD0];
	_ =	sdelay $0x7  }
0x24: {  	v1 =	vld.idx.msk [tilespmem:v1+s2+$0x0], $0xffff;
	_ =	sdelay $0x4  }
0x25: {  	[tilespmem:$0x2830] =	vst v1;
	v1 =	vld [tilespmem:$0x1FFE0];
	_ =	sdelay $0x7  }
0x26: {  	v1 =	vld.idx.msk [tilespmem:v1+s2+$0x0], $0xffff;
	_ =	sdelay $0x4  }
0x27: {  	[tilespmem:$0x2840] =	vst v1;
	v1 =	vld [tilespmem:$0x1FFF0];
	_ =	sdelay $0x7  }
0x28: {  	v1 =	vld.idx.msk [tilespmem:v1+s2+$0x0], $0xffff;
	_ =	sdelay $0x4  }
0x29: {  	[tilespmem:$0x2850] =	vst v1  }
0x2a: {  	v1 =	vld.idx.msk [tilespmem:v6+s2+$0x0], $0xffff;
	_ =	sdelay $0x4  }
0x2b: {  	[tilespmem:$0x2860] =	vst v1  }
0x2c: {  	v1 =	vld.idx.msk [tilespmem:v7+s2+$0x0], $0xffff;
	_ =	sdelay $0x4  }
0x2d: {  	[tilespmem:$0x2870] =	vst v1  }
0x2e: {  	v1 =	vld.idx.msk [tilespmem:v8+s2+$0x0], $0xffff;
	_ =	sdelay $0x4  }
0x2f: {  	[tilespmem:$0x2880] =	vst v1  }
0x30: {  	v1 =	vld.idx.msk [tilespmem:v9+s2+$0x0], $0xffff;
	_ =	sdelay $0x4  }
0x31: {  	[tilespmem:$0x2890] =	vst v1  }
0x32: {  	v1 =	vld.idx.msk [tilespmem:v10+s2+$0x0], $0xffff;
	_ =	sdelay $0x4  }
0x33: {  	[tilespmem:$0x28A0] =	vst v1  }
0x34: {  	v1 =	vld.idx.msk [tilespmem:v11+s2+$0x0], $0xffff;
	_ =	sdelay $0x4  }
0x35: {  	[tilespmem:$0x28B0] =	vst v1  }
0x36: {  	v1 =	vld.idx.msk [tilespmem:v12+s2+$0x0], $0xffff;
	_ =	sdelay $0x4  }
0x37: {  	[tilespmem:$0x28C0] =	vst v1  }
0x38: {  	v1 =	vld.idx.msk [tilespmem:v13+s2+$0x0], $0xffff;
	_ =	sdelay $0x4  }
0x39: {  	[tilespmem:$0x28D0] =	vst v1  }
0x3a: {  	v1 =	vld.idx.msk [tilespmem:v14+s2+$0x0], $0xffff;
	_ =	sdelay $0x4  }
0x3b: {  	[tilespmem:$0x28E0] =	vst v1  }
0x3c: {  	v1 =	vld.idx.msk [tilespmem:v15+s2+$0x0], $0xffff;
	_ =	sdelay $0x4  }
0x3d: {  	[tilespmem:$0x28F0] =	vst v1  }
0x3e: {  	v1 =	vld.idx.msk [tilespmem:v16+s2+$0x0], $0xffff;
	_ =	sdelay $0x4  }
0x3f: {  	[tilespmem:$0x2900] =	vst v1  }
0x40: {  	v1 =	vld.idx.msk [tilespmem:v17+s2+$0x0], $0xffff;
	_ =	sdelay $0x4  }
0x41: {  	[tilespmem:$0x2910] =	vst v1  }
0x42: {  	v1 =	vld.idx.msk [tilespmem:v18+s2+$0x0], $0xffff;
	_ =	sdelay $0x4  }
0x43: {  	[tilespmem:$0x2920] =	vst v1  }
0x44: {  	v1 =	vld.idx.msk [tilespmem:v19+s2+$0x0], $0xffff;
	_ =	sdelay $0x4  }
0x45: {  	[tilespmem:$0x2930] =	vst v1  }
0x46: {  	v1 =	vld.idx.msk [tilespmem:v20+s2+$0x0], $0xffff;
	_ =	sdelay $0x4  }
0x47: {  	[tilespmem:$0x2940] =	vst v1  }
0x48: {  	v1 =	vld.idx.msk [tilespmem:v21+s2+$0x0], $0xffff;
	_ =	sdelay $0x4  }
0x49: {  	[tilespmem:$0x2950] =	vst v1  }
0x4a: {  	v1 =	vld.idx.msk [tilespmem:v22+s2+$0x0], $0xffff;
	_ =	sdelay $0x4  }
0x4b: {  	[tilespmem:$0x2960] =	vst v1  }
0x4c: {  	v1 =	vld.idx.msk [tilespmem:v23+s2+$0x0], $0xffff;
	_ =	sdelay $0x4  }
0x4d: {  	[tilespmem:$0x2970] =	vst v1  }
0x4e: {  	v1 =	vld.idx.msk [tilespmem:v24+s2+$0x0], $0xffff;
	_ =	sdelay $0x4  }
0x4f: {  	[tilespmem:$0x2980] =	vst v1  }
0x50: {  	v1 =	vld.idx.msk [tilespmem:v25+s2+$0x0], $0xffff;
	_ =	sdelay $0x4  }
0x51: {  	[tilespmem:$0x2990] =	vst v1  }
0x52: {  	v1 =	vld.idx.msk [tilespmem:v26+s2+$0x0], $0xffff;
	_ =	sdelay $0x4  }
0x53: {  	[tilespmem:$0x29A0] =	vst v1  }
0x54: {  	v1 =	vld.idx.msk [tilespmem:v28+s2+$0x0], $0xffff;
	_ =	sdelay $0x4  }
0x55: {  	[tilespmem:$0x29B0] =	vst v1  }
0x56: {  	v1 =	vld.idx.msk [tilespmem:v29+s2+$0x0], $0xffff;
	_ =	sdelay $0x4  }
0x57: {  	[tilespmem:$0x29C0] =	vst v1  }
0x58: {  	v1 =	vld.idx.msk [tilespmem:v30+s2+$0x0], $0xffff;
	_ =	sdelay $0x4  }
0x59: {  	[tilespmem:$0x29D0] =	vst v1  }
0x5a: {  	v1 =	vld.idx.msk [tilespmem:v31+s2+$0x0], $0xffff;
	_ =	sdelay $0x4  }
0x5b: {  	[tilespmem:$0x29E0] =	vst v1  }
0x5c: {  	v1 =	vld.idx.msk [tilespmem:v32+s2+$0x0], $0xffff;
	_ =	sdelay $0x4  }
0x5d: {  	s10 =	simm.s32 $0x2800;
	[tilespmem:$0x29F0] =	vst v1  }
0x5e: {  	[tilespmem:s11], [sflag:$0x1] =	stream.indirect.gather [hbm4b:s3+s9], $0x20, s10, s9, $0xb8;
	[tilespmem:$0xCC00] =	vst v63  }
0x5f: {  	s12 =	simm.s32 $0x2880;
	s13 =	simm.s32 $0x3C00  }
0x60: {  	[tilespmem:s13], [sflag:$0x1] =	stream.indirect.gather [hbm4b:s3+s9], $0x20, s12, s9, $0xb8;
	[tilespmem:$0xCC00] =	vst v63  }
0x61: {  	_ = 	snop  }
0x62: {  	[tilespmem:s15], [sflag:$0x1] =	stream.indirect.gather [hbm4b:s3+s9], $0x20, s14, s9, $0xb8;
	[tilespmem:$0xCC00] =	vst v63  }
0x63: {  	s0 =	simm.s32 $0x0  }
0x64: {  	[tilespmem:s17], [sflag:$0x1] =	stream.indirect.gather [hbm4b:s3+s9], $0x20, s16, s9, $0xb8;
	[tilespmem:$0xCC00] =	vst v63  }
.LBB2_2:
0x65: {  	s5 =	sshllo.u32 s0, $0x1  }
0x66: {  	v1 =	vadd.s32 s5, v0;
	_ =	sdelay $0x3  }
0x67: {  	s7 =	sshll.u32 s0, $0x1;
	s1 =	simm.s32 $0x0  }
0x68: {  	s10 =	sor.u32 $0x141, s7;
	v1 =	vld.idx.msk [tilespmem:v1+s1+$0x0], $0xffff  }
0x69: {  	v2 =	vadd.s32 s10, v0;
	_ =	sdelay $0x3  }
0x6a: {  	[tilespmem:$0x2A00] =	vst v1  }
0x6b: {  	s12 =	sor.u32 $0x281, s7;
	v1 =	vld.idx.msk [tilespmem:v2+s1+$0x0], $0xffff  }
0x6c: {  	v2 =	vadd.s32 s12, v0;
	_ =	sdelay $0x3  }
0x6d: {  	[tilespmem:$0x2A10] =	vst v1  }
0x6e: {  	s13 =	sor.u32 $0x3C1, s7;
	v1 =	vld.idx.msk [tilespmem:v2+s1+$0x0], $0xffff  }
0x6f: {  	v2 =	vadd.s32 s13, v0;
	_ =	sdelay $0x3  }
0x70: {  	[tilespmem:$0x2A20] =	vst v1  }
0x71: {  	s12 =	sor.u32 $0x501, s7;
	v1 =	vld.idx.msk [tilespmem:v2+s1+$0x0], $0xffff  }
0x72: {  	v2 =	vadd.s32 s12, v0;
	_ =	sdelay $0x3  }
0x73: {  	[tilespmem:$0x2A30] =	vst v1  }
0x74: {  	s13 =	sor.u32 $0x641, s7;
	v1 =	vld.idx.msk [tilespmem:v2+s1+$0x0], $0xffff  }
0x75: {  	v2 =	vadd.s32 s13, v0;
	_ =	sdelay $0x3  }
0x76: {  	[tilespmem:$0x2A40] =	vst v1  }
0x77: {  	s12 =	sor.u32 $0x781, s7;
	v1 =	vld.idx.msk [tilespmem:v2+s1+$0x0], $0xffff  }
0x78: {  	v2 =	vadd.s32 s12, v0;
	_ =	sdelay $0x3  }
0x79: {  	[tilespmem:$0x2A50] =	vst v1  }
0x7a: {  	s13 =	sor.u32 $0x8C1, s7;
	v1 =	vld.idx.msk [tilespmem:v2+s1+$0x0], $0xffff  }
0x7b: {  	v2 =	vadd.s32 s13, v0;
	_ =	sdelay $0x3  }
0x7c: {  	[tilespmem:$0x2A60] =	vst v1  }
0x7d: {  	s12 =	sor.u32 $0xA01, s7;
	v1 =	vld.idx.msk [tilespmem:v2+s1+$0x0], $0xffff  }
0x7e: {  	v2 =	vadd.s32 s12, v0;
	_ =	sdelay $0x3  }
0x7f: {  	[tilespmem:$0x2A70] =	vst v1  }
0x80: {  	s13 =	sor.u32 $0xB41, s7;
	v1 =	vld.idx.msk [tilespmem:v2+s1+$0x0], $0xffff  }
0x81: {  	v2 =	vadd.s32 s13, v0;
	_ =	sdelay $0x3  }
0x82: {  	[tilespmem:$0x2A80] =	vst v1  }
0x83: {  	s12 =	sor.u32 $0xC81, s7;
	v1 =	vld.idx.msk [tilespmem:v2+s1+$0x0], $0xffff  }
0x84: {  	v2 =	vadd.s32 s12, v0;
	_ =	sdelay $0x3  }
0x85: {  	[tilespmem:$0x2A90] =	vst v1  }
0x86: {  	s13 =	sor.u32 $0xDC1, s7;
	v1 =	vld.idx.msk [tilespmem:v2+s1+$0x0], $0xffff  }
0x87: {  	v2 =	vadd.s32 s13, v0;
	_ =	sdelay $0x3  }
0x88: {  	[tilespmem:$0x2AA0] =	vst v1  }
0x89: {  	s12 =	sor.u32 $0xF01, s7;
	v1 =	vld.idx.msk [tilespmem:v2+s1+$0x0], $0xffff  }
0x8a: {  	v2 =	vadd.s32 s12, v0;
	_ =	sdelay $0x3  }
0x8b: {  	[tilespmem:$0x2AB0] =	vst v1  }
0x8c: {  	s13 =	sor.u32 $0x1041, s7;
	v1 =	vld.idx.msk [tilespmem:v2+s1+$0x0], $0xffff  }
0x8d: {  	v2 =	vadd.s32 s13, v0;
	_ =	sdelay $0x3  }
0x8e: {  	[tilespmem:$0x2AC0] =	vst v1  }
0x8f: {  	s12 =	sor.u32 $0x1181, s7;
	v1 =	vld.idx.msk [tilespmem:v2+s1+$0x0], $0xffff  }
0x90: {  	v2 =	vadd.s32 s12, v0;
	_ =	sdelay $0x3  }
0x91: {  	[tilespmem:$0x2AD0] =	vst v1  }
0x92: {  	s13 =	sor.u32 $0x12C1, s7;
	v1 =	vld.idx.msk [tilespmem:v2+s1+$0x0], $0xffff  }
0x93: {  	v2 =	vadd.s32 s13, v0;
	_ =	sdelay $0x3  }
0x94: {  	[tilespmem:$0x2AE0] =	vst v1  }
0x95: {  	s12 =	sor.u32 $0x1401, s7;
	v1 =	vld.idx.msk [tilespmem:v2+s1+$0x0], $0xffff  }
0x96: {  	v2 =	vadd.s32 s12, v0;
	_ =	sdelay $0x3  }
0x97: {  	[tilespmem:$0x2AF0] =	vst v1  }
0x98: {  	s13 =	sor.u32 $0x1541, s7;
	v1 =	vld.idx.msk [tilespmem:v2+s1+$0x0], $0xffff  }
0x99: {  	v2 =	vadd.s32 s13, v0;
	_ =	sdelay $0x3  }
0x9a: {  	[tilespmem:$0x2B00] =	vst v1  }
0x9b: {  	s12 =	sor.u32 $0x1681, s7;
	v1 =	vld.idx.msk [tilespmem:v2+s1+$0x0], $0xffff  }
0x9c: {  	v2 =	vadd.s32 s12, v0;
	_ =	sdelay $0x3  }
0x9d: {  	[tilespmem:$0x2B10] =	vst v1  }
0x9e: {  	s13 =	sor.u32 $0x17C1, s7;
	v1 =	vld.idx.msk [tilespmem:v2+s1+$0x0], $0xffff  }
0x9f: {  	v2 =	vadd.s32 s13, v0;
	_ =	sdelay $0x3  }
0xa0: {  	[tilespmem:$0x2B20] =	vst v1  }
0xa1: {  	s12 =	sor.u32 $0x1901, s7;
	v1 =	vld.idx.msk [tilespmem:v2+s1+$0x0], $0xffff  }
0xa2: {  	v2 =	vadd.s32 s12, v0;
	_ =	sdelay $0x3  }
0xa3: {  	[tilespmem:$0x2B30] =	vst v1  }
0xa4: {  	s13 =	sor.u32 $0x1A41, s7;
	v1 =	vld.idx.msk [tilespmem:v2+s1+$0x0], $0xffff  }
0xa5: {  	v2 =	vadd.s32 s13, v0;
	_ =	sdelay $0x3  }
0xa6: {  	[tilespmem:$0x2B40] =	vst v1  }
0xa7: {  	s12 =	sor.u32 $0x1B81, s7;
	v1 =	vld.idx.msk [tilespmem:v2+s1+$0x0], $0xffff  }
0xa8: {  	v2 =	vadd.s32 s12, v0;
	_ =	sdelay $0x3  }
0xa9: {  	[tilespmem:$0x2B50] =	vst v1  }
0xaa: {  	s13 =	sor.u32 $0x1CC1, s7;
	v1 =	vld.idx.msk [tilespmem:v2+s1+$0x0], $0xffff  }
0xab: {  	v2 =	vadd.s32 s13, v0;
	_ =	sdelay $0x3  }
0xac: {  	[tilespmem:$0x2B60] =	vst v1  }
0xad: {  	s12 =	sor.u32 $0x1E01, s7;
	v1 =	vld.idx.msk [tilespmem:v2+s1+$0x0], $0xffff  }
0xae: {  	v2 =	vadd.s32 s12, v0;
	_ =	sdelay $0x3  }
0xaf: {  	[tilespmem:$0x2B70] =	vst v1  }
0xb0: {  	s13 =	sor.u32 $0x1F41, s7;
	v1 =	vld.idx.msk [tilespmem:v2+s1+$0x0], $0xffff  }
0xb1: {  	v2 =	vadd.s32 s13, v0;
	_ =	sdelay $0x3  }
0xb2: {  	[tilespmem:$0x2B80] =	vst v1  }
0xb3: {  	s12 =	sor.u32 $0x2081, s7;
	v1 =	vld.idx.msk [tilespmem:v2+s1+$0x0], $0xffff  }
0xb4: {  	v2 =	vadd.s32 s12, v0;
	_ =	sdelay $0x3  }
0xb5: {  	[tilespmem:$0x2B90] =	vst v1  }
0xb6: {  	s13 =	sor.u32 $0x21C1, s7;
	v1 =	vld.idx.msk [tilespmem:v2+s1+$0x0], $0xffff  }
0xb7: {  	v2 =	vadd.s32 s13, v0;
	_ =	sdelay $0x3  }
0xb8: {  	[tilespmem:$0x2BA0] =	vst v1  }
0xb9: {  	s12 =	sor.u32 $0x2301, s7;
	v1 =	vld.idx.msk [tilespmem:v2+s1+$0x0], $0xffff  }
0xba: {  	v2 =	vadd.s32 s12, v0;
	_ =	sdelay $0x3  }
0xbb: {  	[tilespmem:$0x2BB0] =	vst v1  }
0xbc: {  	s13 =	sor.u32 $0x2441, s7;
	v1 =	vld.idx.msk [tilespmem:v2+s1+$0x0], $0xffff  }
0xbd: {  	v2 =	vadd.s32 s13, v0;
	_ =	sdelay $0x3  }
0xbe: {  	[tilespmem:$0x2BC0] =	vst v1  }
0xbf: {  	s12 =	sor.u32 $0x2581, s7;
	v1 =	vld.idx.msk [tilespmem:v2+s1+$0x0], $0xffff  }
0xc0: {  	v2 =	vadd.s32 s12, v0;
	_ =	sdelay $0x3  }
0xc1: {  	[tilespmem:$0x2BD0] =	vst v1  }
0xc2: {  	s13 =	sor.u32 $0x26C1, s7;
	v1 =	vld.idx.msk [tilespmem:v2+s1+$0x0], $0xffff  }
0xc3: {  	v2 =	vadd.s32 s13, v0;
	_ =	sdelay $0x3  }
0xc4: {  	[tilespmem:$0x2BE0] =	vst v1  }
0xc5: {  	v1 =	vld.idx.msk [tilespmem:v2+s1+$0x0], $0xffff;
	_ =	sdelay $0x4  }
0xc6: {  	[tilespmem:$0x2BF0] =	vst v1  }
0xc7: {  	[tilespmem:s19], [sflag:$0x2] =	stream.indirect.gather [hbm4b:s3+s9], $0x20, s18, s9, $0xb8;
	[tilespmem:$0xCC00] =	vst v63  }
0xc8: {  	_ = 	snop  }
0xc9: {  	[tilespmem:s21], [sflag:$0x2] =	stream.indirect.gather [hbm4b:s3+s9], $0x20, s20, s9, $0xb8;
	[tilespmem:$0xCC00] =	vst v63  }
0xca: {  	_ = 	snop  }
0xcb: {  	[tilespmem:s23], [sflag:$0x2] =	stream.indirect.gather [hbm4b:s3+s9], $0x20, s22, s9, $0xb8;
	[tilespmem:$0xCC00] =	vst v63  }
0xcc: {  	_ = 	snop  }
0xcd: {  	[tilespmem:s25], [sflag:$0x2] =	stream.indirect.gather [hbm4b:s3+s9], $0x20, s24, s9, $0xb8;
	[tilespmem:$0xCC00] =	vst v63  }
0xce: {  	_ =	swait.ge [sflag:s26], $0x1000  }
0xcf: {  	[sflag:s26] =	ssyncset.done $0x0  }
0xd0: {  	[sflag:s26] =	ssyncadd.s32 $0xFFFFF000  }
0xd1: {  	v1 =	vmov s1;
	_ =	swait.ge [sflag:s26], $0x1000  }
0xd2: {  	v1 =	vand.u32 $0x1F, v1;
	[sflag:s26] =	ssyncset.done $0x0  }
0xd3: {  	v1 =	vbroadcast v1, $0x0;
	[sflag:s26] =	ssyncadd.s32 $0xFFFFF000  }
0xd4: {  	_ =	swait.ge [sflag:s26], $0x1000  }
0xd5: {  	v2 =	vor.u32 v27, v1;
	[sflag:s26] =	ssyncset.done $0x0  }
0xd6: {  	v3 =	vor.u32 v33, v1;
	[sflag:s26] =	ssyncadd.s32 $0xFFFFF000  }
0xd7: {  	_ =	swait.ge [sflag:s26], $0x1000  }
0xd8: {  	[sflag:s26] =	ssyncset.done $0x0  }
0xd9: {  	[sflag:s26] =	ssyncadd.s32 $0xFFFFF000  }
0xda: {  	v2 =	vld.idx.msk [tilespmem:v2+s11+$0x0], $0xffff  }
0xdb: {  	v3 =	vld.idx.msk [tilespmem:v3+s11+$0x0], $0xffff;
	_ =	sdelay $0x1  }
0xdc: {  	v4 =	vor.u32 v34, v1  }
0xdd: {  	v5 =	vor.u32 v35, v1;
	_ =	sdelay $0x1  }
0xde: {  	s1 =	simm.s32 $0xAC80;
	v2 =	vpack.i.f32.bf16 v3, v2  }
0xdf: {  	[tilespmem:s1+$0xFFFFFF80] =	vst v2  }
0xe0: {  	v2 =	vld.idx.msk [tilespmem:v4+s11+$0x0], $0xffff  }
0xe1: {  	v3 =	vld.idx.msk [tilespmem:v5+s11+$0x0], $0xffff;
	_ =	sdelay $0x1  }
0xe2: {  	v4 =	vor.u32 v36, v1  }
0xe3: {  	v5 =	vor.u32 v37, v1;
	_ =	sdelay $0x1  }
0xe4: {  	v2 =	vpack.i.f32.bf16 v3, v2  }
0xe5: {  	[tilespmem:s1+$0xFFFFFF90] =	vst v2  }
0xe6: {  	v2 =	vld.idx.msk [tilespmem:v4+s11+$0x0], $0xffff  }
0xe7: {  	v3 =	vld.idx.msk [tilespmem:v5+s11+$0x0], $0xffff;
	_ =	sdelay $0x1  }
0xe8: {  	v4 =	vor.u32 v38, v1  }
0xe9: {  	v5 =	vor.u32 v39, v1;
	_ =	sdelay $0x1  }
0xea: {  	v2 =	vpack.i.f32.bf16 v3, v2  }
0xeb: {  	[tilespmem:s1+$0xFFFFFFA0] =	vst v2  }
0xec: {  	v2 =	vld.idx.msk [tilespmem:v4+s11+$0x0], $0xffff  }
0xed: {  	v3 =	vld.idx.msk [tilespmem:v5+s11+$0x0], $0xffff;
	_ =	sdelay $0x1  }
0xee: {  	v4 =	vor.u32 v40, v1  }
0xef: {  	v5 =	vor.u32 v41, v1;
	_ =	sdelay $0x1  }
0xf0: {  	v2 =	vpack.i.f32.bf16 v3, v2  }
0xf1: {  	[tilespmem:s1+$0xFFFFFFB0] =	vst v2  }
0xf2: {  	v2 =	vld.idx.msk [tilespmem:v4+s11+$0x0], $0xffff  }
0xf3: {  	v3 =	vld.idx.msk [tilespmem:v5+s11+$0x0], $0xffff;
	_ =	sdelay $0x1  }
0xf4: {  	v4 =	vor.u32 v42, v1  }
0xf5: {  	v5 =	vor.u32 v43, v1;
	_ =	sdelay $0x1  }
0xf6: {  	v2 =	vpack.i.f32.bf16 v3, v2  }
0xf7: {  	[tilespmem:s1+$0xFFFFFFC0] =	vst v2  }
0xf8: {  	v2 =	vld.idx.msk [tilespmem:v4+s11+$0x0], $0xffff  }
0xf9: {  	v3 =	vld.idx.msk [tilespmem:v5+s11+$0x0], $0xffff;
	_ =	sdelay $0x1  }
0xfa: {  	v4 =	vor.u32 v44, v1  }
0xfb: {  	v5 =	vor.u32 v45, v1;
	_ =	sdelay $0x1  }
0xfc: {  	v2 =	vpack.i.f32.bf16 v3, v2  }
0xfd: {  	[tilespmem:s1+$0xFFFFFFD0] =	vst v2  }
0xfe: {  	v2 =	vld.idx.msk [tilespmem:v4+s11+$0x0], $0xffff  }
0xff: {  	v3 =	vld.idx.msk [tilespmem:v5+s11+$0x0], $0xffff;
	_ =	sdelay $0x1  }
0x100: {  	v4 =	vor.u32 v46, v1  }
0x101: {  	v5 =	vor.u32 v47, v1;
	_ =	sdelay $0x1  }
0x102: {  	v2 =	vpack.i.f32.bf16 v3, v2  }
0x103: {  	[tilespmem:s1+$0xFFFFFFE0] =	vst v2  }
0x104: {  	v2 =	vld.idx.msk [tilespmem:v4+s11+$0x0], $0xffff  }
0x105: {  	v3 =	vld.idx.msk [tilespmem:v5+s11+$0x0], $0xffff;
	_ =	sdelay $0x1  }
0x106: {  	v4 =	vor.u32 v48, v1  }
0x107: {  	v5 =	vor.u32 v49, v1;
	_ =	sdelay $0x1  }
0x108: {  	v2 =	vpack.i.f32.bf16 v3, v2  }
0x109: {  	[tilespmem:s1+$0xFFFFFFF0] =	vst v2  }
0x10a: {  	v2 =	vld.idx.msk [tilespmem:v4+s11+$0x0], $0xffff  }
0x10b: {  	v3 =	vld.idx.msk [tilespmem:v5+s11+$0x0], $0xffff;
	_ =	sdelay $0x1  }
0x10c: {  	v4 =	vor.u32 v50, v1  }
0x10d: {  	v5 =	vor.u32 v51, v1;
	_ =	sdelay $0x1  }
0x10e: {  	v2 =	vpack.i.f32.bf16 v3, v2  }
0x10f: {  	[tilespmem:s1+$0x0] =	vst v2  }
0x110: {  	v2 =	vld.idx.msk [tilespmem:v4+s11+$0x0], $0xffff  }
0x111: {  	v3 =	vld.idx.msk [tilespmem:v5+s11+$0x0], $0xffff;
	_ =	sdelay $0x1  }
0x112: {  	v4 =	vor.u32 v52, v1  }
0x113: {  	v5 =	vor.u32 v53, v1;
	_ =	sdelay $0x1  }
0x114: {  	v2 =	vpack.i.f32.bf16 v3, v2  }
0x115: {  	[tilespmem:s1+$0x10] =	vst v2  }
0x116: {  	v2 =	vld.idx.msk [tilespmem:v4+s11+$0x0], $0xffff  }
0x117: {  	v3 =	vld.idx.msk [tilespmem:v5+s11+$0x0], $0xffff;
	_ =	sdelay $0x1  }
0x118: {  	v4 =	vor.u32 v54, v1  }
0x119: {  	v5 =	vor.u32 v55, v1;
	_ =	sdelay $0x1  }
0x11a: {  	v2 =	vpack.i.f32.bf16 v3, v2  }
0x11b: {  	[tilespmem:s1+$0x20] =	vst v2  }
0x11c: {  	v2 =	vld.idx.msk [tilespmem:v4+s11+$0x0], $0xffff  }
0x11d: {  	v3 =	vld.idx.msk [tilespmem:v5+s11+$0x0], $0xffff;
	_ =	sdelay $0x1  }
0x11e: {  	v4 =	vor.u32 v56, v1  }
0x11f: {  	v5 =	vor.u32 v57, v1;
	_ =	sdelay $0x1  }
0x120: {  	v2 =	vpack.i.f32.bf16 v3, v2  }
0x121: {  	[tilespmem:s1+$0x30] =	vst v2  }
0x122: {  	v2 =	vld.idx.msk [tilespmem:v4+s11+$0x0], $0xffff  }
0x123: {  	v3 =	vld.idx.msk [tilespmem:v5+s11+$0x0], $0xffff;
	_ =	sdelay $0x1  }
0x124: {  	v4 =	vor.u32 v58, v1  }
0x125: {  	v5 =	vor.u32 v59, v1;
	_ =	sdelay $0x1  }
0x126: {  	v2 =	vpack.i.f32.bf16 v3, v2  }
0x127: {  	[tilespmem:s1+$0x40] =	vst v2  }
0x128: {  	v2 =	vld.idx.msk [tilespmem:v4+s11+$0x0], $0xffff  }
0x129: {  	v3 =	vld.idx.msk [tilespmem:v5+s11+$0x0], $0xffff;
	_ =	sdelay $0x2  }
0x12a: {  	v4 =	vor.u32 v60, v1;
	_ =	sdelay $0x1  }
0x12b: {  	v2 =	vpack.i.f32.bf16 v3, v2;
	v3 =	vor.u32 v61, v1;
	_ =	sdelay $0x1  }
0x12c: {  	[tilespmem:s1+$0x50] =	vst v2  }
0x12d: {  	s10 =	simm.s32 $0xAC80;
	s12 =	simm.s32 $0x1;
	v2 =	vld.idx.msk [tilespmem:v4+s11+$0x0], $0xffff  }
.LBB2_3:
0x12e: {  	p0 =	sne.s32 s12, $0x1F  }
0x12f: {  	v3 =	vld.idx.msk [tilespmem:v3+s11+$0x0], $0xffff;
	s1 =	sadd.s32 $0x100, s1;
	s13 =	smov.u32 s12;
	s12 =	sadd.s32 $0x1, s12  }
0x130: {  	_ =	sdelay $0x1  }
0x131: {  	v4 =	vor.u32 v62, v1;
	v1 =	vor.u32 v63, v1;
	_ =	sdelay $0x2  }
0x132: {  	v2 =	vpack.i.f32.bf16 v3, v2  }
0x133: {  	[tilespmem:s10+$0x60] =	vst v2  }
0x134: {  	v2 =	vmov s13;
	v3 =	vld.idx.msk [tilespmem:v4+s11+$0x0], $0xffff  }
0x135: {  	v2 =	vand.u32 $0x1F, v2;
	v4 =	vld.idx.msk [tilespmem:v1+s11+$0x0], $0xffff  }
0x136: {  	v1 =	vbroadcast v2, $0x0;
	_ =	sdelay $0x1  }
0x137: {  	v2 =	vor.u32 v27, v1;
	v5 =	vor.u32 v33, v1;
	_ =	sdelay $0x2  }
0x138: {  	v3 =	vpack.i.f32.bf16 v4, v3  }
0x139: {  	[tilespmem:s10+$0x70] =	vst v3;
	s10 =	smov.u32 s1  }
0x13a: {  	v2 =	vld.idx.msk [tilespmem:v2+s11+$0x0], $0xffff  }
0x13b: {  	v3 =	vld.idx.msk [tilespmem:v5+s11+$0x0], $0xffff;
	_ =	sdelay $0x2  }
0x13c: {  	v4 =	vor.u32 v34, v1;
	v5 =	vor.u32 v35, v1;
	_ =	sdelay $0x2  }
0x13d: {  	v2 =	vpack.i.f32.bf16 v3, v2  }
0x13e: {  	[tilespmem:s1+$0xFFFFFF80] =	vst v2  }
0x13f: {  	v2 =	vld.idx.msk [tilespmem:v4+s11+$0x0], $0xffff  }
0x140: {  	v3 =	vld.idx.msk [tilespmem:v5+s11+$0x0], $0xffff;
	_ =	sdelay $0x2  }
0x141: {  	v4 =	vor.u32 v36, v1;
	v5 =	vor.u32 v37, v1;
	_ =	sdelay $0x2  }
0x142: {  	v2 =	vpack.i.f32.bf16 v3, v2  }
0x143: {  	[tilespmem:s1+$0xFFFFFF90] =	vst v2  }
0x144: {  	v2 =	vld.idx.msk [tilespmem:v4+s11+$0x0], $0xffff  }
0x145: {  	v3 =	vld.idx.msk [tilespmem:v5+s11+$0x0], $0xffff;
	_ =	sdelay $0x2  }
0x146: {  	v4 =	vor.u32 v38, v1;
	v5 =	vor.u32 v39, v1;
	_ =	sdelay $0x2  }
0x147: {  	v2 =	vpack.i.f32.bf16 v3, v2  }
0x148: {  	[tilespmem:s1+$0xFFFFFFA0] =	vst v2  }
0x149: {  	v2 =	vld.idx.msk [tilespmem:v4+s11+$0x0], $0xffff  }
0x14a: {  	v3 =	vld.idx.msk [tilespmem:v5+s11+$0x0], $0xffff;
	_ =	sdelay $0x2  }
0x14b: {  	v4 =	vor.u32 v40, v1;
	v5 =	vor.u32 v41, v1;
	_ =	sdelay $0x2  }
0x14c: {  	v2 =	vpack.i.f32.bf16 v3, v2  }
0x14d: {  	[tilespmem:s1+$0xFFFFFFB0] =	vst v2  }
0x14e: {  	v2 =	vld.idx.msk [tilespmem:v4+s11+$0x0], $0xffff  }
0x14f: {  	v3 =	vld.idx.msk [tilespmem:v5+s11+$0x0], $0xffff;
	_ =	sdelay $0x2  }
0x150: {  	v4 =	vor.u32 v42, v1;
	v5 =	vor.u32 v43, v1;
	_ =	sdelay $0x2  }
0x151: {  	v2 =	vpack.i.f32.bf16 v3, v2  }
0x152: {  	[tilespmem:s1+$0xFFFFFFC0] =	vst v2  }
0x153: {  	v2 =	vld.idx.msk [tilespmem:v4+s11+$0x0], $0xffff  }
0x154: {  	v3 =	vld.idx.msk [tilespmem:v5+s11+$0x0], $0xffff;
	_ =	sdelay $0x2  }
0x155: {  	v4 =	vor.u32 v44, v1;
	v5 =	vor.u32 v45, v1;
	_ =	sdelay $0x2  }
0x156: {  	v2 =	vpack.i.f32.bf16 v3, v2  }
0x157: {  	[tilespmem:s1+$0xFFFFFFD0] =	vst v2  }
0x158: {  	v2 =	vld.idx.msk [tilespmem:v4+s11+$0x0], $0xffff  }
0x159: {  	v3 =	vld.idx.msk [tilespmem:v5+s11+$0x0], $0xffff;
	_ =	sdelay $0x2  }
0x15a: {  	v4 =	vor.u32 v46, v1;
	v5 =	vor.u32 v47, v1;
	_ =	sdelay $0x2  }
0x15b: {  	v2 =	vpack.i.f32.bf16 v3, v2  }
0x15c: {  	[tilespmem:s1+$0xFFFFFFE0] =	vst v2  }
0x15d: {  	v2 =	vld.idx.msk [tilespmem:v4+s11+$0x0], $0xffff  }
0x15e: {  	v3 =	vld.idx.msk [tilespmem:v5+s11+$0x0], $0xffff;
	_ =	sdelay $0x2  }
0x15f: {  	v4 =	vor.u32 v48, v1;
	v5 =	vor.u32 v49, v1;
	_ =	sdelay $0x2  }
0x160: {  	v2 =	vpack.i.f32.bf16 v3, v2  }
0x161: {  	[tilespmem:s1+$0xFFFFFFF0] =	vst v2  }
0x162: {  	v2 =	vld.idx.msk [tilespmem:v4+s11+$0x0], $0xffff  }
0x163: {  	v3 =	vld.idx.msk [tilespmem:v5+s11+$0x0], $0xffff;
	_ =	sdelay $0x2  }
0x164: {  	v4 =	vor.u32 v50, v1;
	v5 =	vor.u32 v51, v1;
	_ =	sdelay $0x2  }
0x165: {  	v2 =	vpack.i.f32.bf16 v3, v2  }
0x166: {  	[tilespmem:s1+$0x0] =	vst v2  }
0x167: {  	v2 =	vld.idx.msk [tilespmem:v4+s11+$0x0], $0xffff  }
0x168: {  	v3 =	vld.idx.msk [tilespmem:v5+s11+$0x0], $0xffff;
	_ =	sdelay $0x2  }
0x169: {  	v4 =	vor.u32 v52, v1;
	v5 =	vor.u32 v53, v1;
	_ =	sdelay $0x2  }
0x16a: {  	v2 =	vpack.i.f32.bf16 v3, v2  }
0x16b: {  	[tilespmem:s1+$0x10] =	vst v2  }
0x16c: {  	v2 =	vld.idx.msk [tilespmem:v4+s11+$0x0], $0xffff  }
0x16d: {  	v3 =	vld.idx.msk [tilespmem:v5+s11+$0x0], $0xffff;
	_ =	sdelay $0x2  }
0x16e: {  	v4 =	vor.u32 v54, v1;
	v5 =	vor.u32 v55, v1;
	_ =	sdelay $0x2  }
0x16f: {  	v2 =	vpack.i.f32.bf16 v3, v2  }
0x170: {  	[tilespmem:s1+$0x20] =	vst v2  }
0x171: {  	v2 =	vld.idx.msk [tilespmem:v4+s11+$0x0], $0xffff  }
0x172: {  	v3 =	vld.idx.msk [tilespmem:v5+s11+$0x0], $0xffff;
	_ =	sdelay $0x2  }
0x173: {  	v4 =	vor.u32 v56, v1;
	v5 =	vor.u32 v57, v1;
	_ =	sdelay $0x2  }
0x174: {  	v2 =	vpack.i.f32.bf16 v3, v2  }
0x175: {  	[tilespmem:s1+$0x30] =	vst v2  }
0x176: {  	v2 =	vld.idx.msk [tilespmem:v4+s11+$0x0], $0xffff  }
0x177: {  	v3 =	vld.idx.msk [tilespmem:v5+s11+$0x0], $0xffff;
	_ =	sdelay $0x2  }
0x178: {  	v4 =	vor.u32 v58, v1;
	v5 =	vor.u32 v59, v1;
	_ =	sdelay $0x2  }
0x179: {  	v2 =	vpack.i.f32.bf16 v3, v2  }
0x17a: {  	[tilespmem:s1+$0x40] =	vst v2  }
0x17b: {  	v2 =	vld.idx.msk [tilespmem:v4+s11+$0x0], $0xffff  }
0x17c: {  	v4 =	vld.idx.msk [tilespmem:v5+s11+$0x0], $0xffff;
	_ =	sdelay $0x2  }
0x17d: {  	v3 =	vor.u32 v61, v1;
	v5 =	vor.u32 v60, v1  }
.Ltmp0:
0x17e: {  	(pc) =	sbr.rel @p0 .LBB2_3-.Ltmp0, $4  }
0x17f: {  	_ = 	snop  }
0x180: {  	v2 =	vpack.i.f32.bf16 v4, v2  }
0x181: {  	[tilespmem:s1+$0x50] =	vst v2  }
0x182: {  	v2 =	vld.idx.msk [tilespmem:v5+s11+$0x0], $0xffff  }
0x183: {  	_ =	sdelay $0x3  }
0x184: {  	v3 =	vld.idx.msk [tilespmem:v3+s11+$0x0], $0xffff;
	_ =	sdelay $0x1  }
0x185: {  	v4 =	vor.u32 v62, v1  }
0x186: {  	v1 =	vor.u32 v63, v1;
	_ =	sdelay $0x1  }
0x187: {  	v2 =	vpack.i.f32.bf16 v3, v2  }
0x188: {  	[tilespmem:s10+$0x60] =	vst v2  }
0x189: {  	v2 =	vld.idx.msk [tilespmem:v4+s11+$0x0], $0xffff  }
0x18a: {  	v1 =	vld.idx.msk [tilespmem:v1+s11+$0x0], $0xffff;
	_ =	sdelay $0x2  }
0x18b: {  	s1 =	sshll.u32 s0, $0x14  }
0x18c: {  	s1 =	sor.u32 s6, s1  }
0x18d: {  	p0 =	seq.s32 s0, $0x9;
	s1 =	sshrl.u32 s1, $0x4;
	v1 =	vpack.i.f32.bf16 v1, v2  }
.Ltmp1:
0x18e: {  	s1 =	sadd.s32 s4, s1;
	[tilespmem:s10+$0x70] =	vst v1;
	(pc) =	sbr.rel @p0 .LBB2_6-.Ltmp1, $4  }
0x18f: {  	[hbm4b:s1+s28] =	stream.strided.scatter [tilespmem:s30], [sflag:$0x3], $0x2000, s29, s28, $0x38;
	[tilespmem:$0xCC00] =	vst v63  }
0x190: {  	_ =	swait.ge [sflag:s8], $0x2000  }
0x191: {  	[sflag:s8] =	ssyncset.done $0x0  }
0x192: {  	[sflag:s8] =	ssyncadd.s32 $0xFFFFE000  }
0x193: {  	s1 =	sadd.s32 $0x2, s7  }
0x194: {  	v1 =	vadd.s32 s1, v0;
	_ =	sdelay $0x4  }
0x195: {  	s10 =	sadd.s32 $0x142, s7;
	v1 =	vld.idx.msk [tilespmem:v1+s2+$0x0], $0xffff  }
0x196: {  	v2 =	vadd.s32 s10, v0;
	_ =	sdelay $0x3  }
0x197: {  	[tilespmem:$0x2800] =	vst v1  }
0x198: {  	s12 =	sadd.s32 $0x282, s7;
	v1 =	vld.idx.msk [tilespmem:v2+s2+$0x0], $0xffff  }
0x199: {  	v2 =	vadd.s32 s12, v0;
	_ =	sdelay $0x3  }
0x19a: {  	[tilespmem:$0x2810] =	vst v1  }
0x19b: {  	s13 =	sadd.s32 $0x3C2, s7;
	v1 =	vld.idx.msk [tilespmem:v2+s2+$0x0], $0xffff  }
0x19c: {  	v2 =	vadd.s32 s13, v0;
	_ =	sdelay $0x3  }
0x19d: {  	[tilespmem:$0x2820] =	vst v1  }
0x19e: {  	s10 =	sadd.s32 $0x502, s7;
	v1 =	vld.idx.msk [tilespmem:v2+s2+$0x0], $0xffff  }
0x19f: {  	v2 =	vadd.s32 s10, v0;
	_ =	sdelay $0x3  }
0x1a0: {  	[tilespmem:$0x2830] =	vst v1  }
0x1a1: {  	s12 =	sadd.s32 $0x642, s7;
	v1 =	vld.idx.msk [tilespmem:v2+s2+$0x0], $0xffff  }
0x1a2: {  	v2 =	vadd.s32 s12, v0;
	_ =	sdelay $0x3  }
0x1a3: {  	[tilespmem:$0x2840] =	vst v1  }
0x1a4: {  	s13 =	sadd.s32 $0x782, s7;
	v1 =	vld.idx.msk [tilespmem:v2+s2+$0x0], $0xffff  }
0x1a5: {  	v2 =	vadd.s32 s13, v0;
	_ =	sdelay $0x3  }
0x1a6: {  	[tilespmem:$0x2850] =	vst v1  }
0x1a7: {  	s10 =	sadd.s32 $0x8C2, s7;
	v1 =	vld.idx.msk [tilespmem:v2+s2+$0x0], $0xffff  }
0x1a8: {  	v2 =	vadd.s32 s10, v0;
	_ =	sdelay $0x3  }
0x1a9: {  	[tilespmem:$0x2860] =	vst v1  }
0x1aa: {  	s12 =	sadd.s32 $0xA02, s7;
	v1 =	vld.idx.msk [tilespmem:v2+s2+$0x0], $0xffff  }
0x1ab: {  	v2 =	vadd.s32 s12, v0;
	_ =	sdelay $0x3  }
0x1ac: {  	[tilespmem:$0x2870] =	vst v1  }
0x1ad: {  	s13 =	sadd.s32 $0xB42, s7;
	v1 =	vld.idx.msk [tilespmem:v2+s2+$0x0], $0xffff  }
0x1ae: {  	v2 =	vadd.s32 s13, v0;
	_ =	sdelay $0x3  }
0x1af: {  	[tilespmem:$0x2880] =	vst v1  }
0x1b0: {  	s10 =	sadd.s32 $0xC82, s7;
	v1 =	vld.idx.msk [tilespmem:v2+s2+$0x0], $0xffff  }
0x1b1: {  	v2 =	vadd.s32 s10, v0;
	_ =	sdelay $0x3  }
0x1b2: {  	[tilespmem:$0x2890] =	vst v1  }
0x1b3: {  	s12 =	sadd.s32 $0xDC2, s7;
	v1 =	vld.idx.msk [tilespmem:v2+s2+$0x0], $0xffff  }
0x1b4: {  	v2 =	vadd.s32 s12, v0;
	_ =	sdelay $0x3  }
0x1b5: {  	[tilespmem:$0x28A0] =	vst v1  }
0x1b6: {  	s13 =	sadd.s32 $0xF02, s7;
	v1 =	vld.idx.msk [tilespmem:v2+s2+$0x0], $0xffff  }
0x1b7: {  	v2 =	vadd.s32 s13, v0;
	_ =	sdelay $0x3  }
0x1b8: {  	[tilespmem:$0x28B0] =	vst v1  }
0x1b9: {  	s10 =	sadd.s32 $0x1042, s7;
	v1 =	vld.idx.msk [tilespmem:v2+s2+$0x0], $0xffff  }
0x1ba: {  	v2 =	vadd.s32 s10, v0;
	_ =	sdelay $0x3  }
0x1bb: {  	[tilespmem:$0x28C0] =	vst v1  }
0x1bc: {  	s12 =	sadd.s32 $0x1182, s7;
	v1 =	vld.idx.msk [tilespmem:v2+s2+$0x0], $0xffff  }
0x1bd: {  	v2 =	vadd.s32 s12, v0;
	_ =	sdelay $0x3  }
0x1be: {  	[tilespmem:$0x28D0] =	vst v1  }
0x1bf: {  	s13 =	sadd.s32 $0x12C2, s7;
	v1 =	vld.idx.msk [tilespmem:v2+s2+$0x0], $0xffff  }
0x1c0: {  	v2 =	vadd.s32 s13, v0;
	_ =	sdelay $0x3  }
0x1c1: {  	[tilespmem:$0x28E0] =	vst v1  }
0x1c2: {  	s10 =	sadd.s32 $0x1402, s7;
	v1 =	vld.idx.msk [tilespmem:v2+s2+$0x0], $0xffff  }
0x1c3: {  	v2 =	vadd.s32 s10, v0;
	_ =	sdelay $0x3  }
0x1c4: {  	[tilespmem:$0x28F0] =	vst v1  }
0x1c5: {  	s12 =	sadd.s32 $0x1542, s7;
	v1 =	vld.idx.msk [tilespmem:v2+s2+$0x0], $0xffff  }
0x1c6: {  	v2 =	vadd.s32 s12, v0;
	_ =	sdelay $0x3  }
0x1c7: {  	[tilespmem:$0x2900] =	vst v1  }
0x1c8: {  	s13 =	sadd.s32 $0x1682, s7;
	v1 =	vld.idx.msk [tilespmem:v2+s2+$0x0], $0xffff  }
0x1c9: {  	v2 =	vadd.s32 s13, v0;
	_ =	sdelay $0x3  }
0x1ca: {  	[tilespmem:$0x2910] =	vst v1  }
0x1cb: {  	s10 =	sadd.s32 $0x17C2, s7;
	v1 =	vld.idx.msk [tilespmem:v2+s2+$0x0], $0xffff  }
0x1cc: {  	v2 =	vadd.s32 s10, v0;
	_ =	sdelay $0x3  }
0x1cd: {  	[tilespmem:$0x2920] =	vst v1  }
0x1ce: {  	s12 =	sadd.s32 $0x1902, s7;
	v1 =	vld.idx.msk [tilespmem:v2+s2+$0x0], $0xffff  }
0x1cf: {  	v2 =	vadd.s32 s12, v0;
	_ =	sdelay $0x3  }
0x1d0: {  	[tilespmem:$0x2930] =	vst v1  }
0x1d1: {  	s13 =	sadd.s32 $0x1A42, s7;
	v1 =	vld.idx.msk [tilespmem:v2+s2+$0x0], $0xffff  }
0x1d2: {  	v2 =	vadd.s32 s13, v0;
	_ =	sdelay $0x3  }
0x1d3: {  	[tilespmem:$0x2940] =	vst v1  }
0x1d4: {  	s10 =	sadd.s32 $0x1B82, s7;
	v1 =	vld.idx.msk [tilespmem:v2+s2+$0x0], $0xffff  }
0x1d5: {  	v2 =	vadd.s32 s10, v0;
	_ =	sdelay $0x3  }
0x1d6: {  	[tilespmem:$0x2950] =	vst v1  }
0x1d7: {  	s12 =	sadd.s32 $0x1CC2, s7;
	v1 =	vld.idx.msk [tilespmem:v2+s2+$0x0], $0xffff  }
0x1d8: {  	v2 =	vadd.s32 s12, v0;
	_ =	sdelay $0x3  }
0x1d9: {  	[tilespmem:$0x2960] =	vst v1  }
0x1da: {  	s13 =	sadd.s32 $0x1E02, s7;
	v1 =	vld.idx.msk [tilespmem:v2+s2+$0x0], $0xffff  }
0x1db: {  	v2 =	vadd.s32 s13, v0;
	_ =	sdelay $0x3  }
0x1dc: {  	[tilespmem:$0x2970] =	vst v1  }
0x1dd: {  	s10 =	sadd.s32 $0x1F42, s7;
	v1 =	vld.idx.msk [tilespmem:v2+s2+$0x0], $0xffff  }
0x1de: {  	v2 =	vadd.s32 s10, v0;
	_ =	sdelay $0x3  }
0x1df: {  	[tilespmem:$0x2980] =	vst v1  }
0x1e0: {  	s12 =	sadd.s32 $0x2082, s7;
	v1 =	vld.idx.msk [tilespmem:v2+s2+$0x0], $0xffff  }
0x1e1: {  	v2 =	vadd.s32 s12, v0;
	_ =	sdelay $0x3  }
0x1e2: {  	[tilespmem:$0x2990] =	vst v1  }
0x1e3: {  	s13 =	sadd.s32 $0x21C2, s7;
	v1 =	vld.idx.msk [tilespmem:v2+s2+$0x0], $0xffff  }
0x1e4: {  	v2 =	vadd.s32 s13, v0;
	_ =	sdelay $0x3  }
0x1e5: {  	[tilespmem:$0x29A0] =	vst v1  }
0x1e6: {  	s10 =	sadd.s32 $0x2302, s7;
	v1 =	vld.idx.msk [tilespmem:v2+s2+$0x0], $0xffff  }
0x1e7: {  	v2 =	vadd.s32 s10, v0;
	_ =	sdelay $0x3  }
0x1e8: {  	[tilespmem:$0x29B0] =	vst v1  }
0x1e9: {  	s12 =	sadd.s32 $0x2442, s7;
	v1 =	vld.idx.msk [tilespmem:v2+s2+$0x0], $0xffff  }
0x1ea: {  	v2 =	vadd.s32 s12, v0;
	_ =	sdelay $0x3  }
0x1eb: {  	[tilespmem:$0x29C0] =	vst v1  }
0x1ec: {  	s13 =	sadd.s32 $0x2582, s7;
	v1 =	vld.idx.msk [tilespmem:v2+s2+$0x0], $0xffff  }
0x1ed: {  	v2 =	vadd.s32 s13, v0;
	_ =	sdelay $0x3  }
0x1ee: {  	[tilespmem:$0x29D0] =	vst v1  }
0x1ef: {  	s7 =	sadd.s32 $0x26C2, s7;
	v1 =	vld.idx.msk [tilespmem:v2+s2+$0x0], $0xffff  }
0x1f0: {  	v2 =	vadd.s32 s7, v0;
	_ =	sdelay $0x3  }
0x1f1: {  	[tilespmem:$0x29E0] =	vst v1  }
0x1f2: {  	v1 =	vld.idx.msk [tilespmem:v2+s2+$0x0], $0xffff;
	_ =	sdelay $0x4  }
0x1f3: {  	s10 =	simm.s32 $0x2800;
	[tilespmem:$0x29F0] =	vst v1  }
0x1f4: {  	[tilespmem:s11], [sflag:$0x1] =	stream.indirect.gather [hbm4b:s3+s9], $0x20, s10, s9, $0xb8;
	[tilespmem:$0xCC00] =	vst v63  }
0x1f5: {  	s12 =	simm.s32 $0x2880;
	s13 =	simm.s32 $0x3C00  }
0x1f6: {  	[tilespmem:s13], [sflag:$0x1] =	stream.indirect.gather [hbm4b:s3+s9], $0x20, s12, s9, $0xb8;
	[tilespmem:$0xCC00] =	vst v63  }
0x1f7: {  	_ = 	snop  }
0x1f8: {  	[tilespmem:s15], [sflag:$0x1] =	stream.indirect.gather [hbm4b:s3+s9], $0x20, s14, s9, $0xb8;
	[tilespmem:$0xCC00] =	vst v63  }
0x1f9: {  	_ = 	snop  }
0x1fa: {  	[tilespmem:s17], [sflag:$0x1] =	stream.indirect.gather [hbm4b:s3+s9], $0x20, s16, s9, $0xb8;
	[tilespmem:$0xCC00] =	vst v63  }
.LBB2_6:
0x1fb: {  	_ =	swait.ge [sflag:s31], $0x1000  }
0x1fc: {  	[sflag:s31] =	ssyncset.done $0x0  }
0x1fd: {  	s1 =	simm.s32 $0x0;
	[sflag:s31] =	ssyncadd.s32 $0xFFFFF000  }
0x1fe: {  	v1 =	vmov s1;
	_ =	swait.ge [sflag:s31], $0x1000  }
0x1ff: {  	v1 =	vand.u32 $0x1F, v1;
	[sflag:s31] =	ssyncset.done $0x0  }
0x200: {  	v1 =	vbroadcast v1, $0x0;
	[sflag:s31] =	ssyncadd.s32 $0xFFFFF000  }
0x201: {  	_ =	swait.ge [sflag:s31], $0x1000  }
0x202: {  	v2 =	vor.u32 v27, v1;
	[sflag:s31] =	ssyncset.done $0x0  }
0x203: {  	v3 =	vor.u32 v33, v1;
	[sflag:s31] =	ssyncadd.s32 $0xFFFFF000  }
0x204: {  	_ =	swait.ge [sflag:s31], $0x1000  }
0x205: {  	[sflag:s31] =	ssyncset.done $0x0  }
0x206: {  	[sflag:s31] =	ssyncadd.s32 $0xFFFFF000  }
0x207: {  	v2 =	vld.idx.msk [tilespmem:v2+s19+$0x0], $0xffff  }
0x208: {  	v3 =	vld.idx.msk [tilespmem:v3+s19+$0x0], $0xffff;
	_ =	sdelay $0x1  }
0x209: {  	v4 =	vor.u32 v34, v1  }
0x20a: {  	v5 =	vor.u32 v35, v1;
	_ =	sdelay $0x1  }
0x20b: {  	s1 =	simm.s32 $0xAC80;
	v2 =	vpack.i.f32.bf16 v3, v2  }
0x20c: {  	[tilespmem:s1+$0xFFFFFF80] =	vst v2  }
0x20d: {  	v2 =	vld.idx.msk [tilespmem:v4+s19+$0x0], $0xffff  }
0x20e: {  	v3 =	vld.idx.msk [tilespmem:v5+s19+$0x0], $0xffff;
	_ =	sdelay $0x1  }
0x20f: {  	v4 =	vor.u32 v36, v1  }
0x210: {  	v5 =	vor.u32 v37, v1;
	_ =	sdelay $0x1  }
0x211: {  	v2 =	vpack.i.f32.bf16 v3, v2  }
0x212: {  	[tilespmem:s1+$0xFFFFFF90] =	vst v2  }
0x213: {  	v2 =	vld.idx.msk [tilespmem:v4+s19+$0x0], $0xffff  }
0x214: {  	v3 =	vld.idx.msk [tilespmem:v5+s19+$0x0], $0xffff;
	_ =	sdelay $0x1  }
0x215: {  	v4 =	vor.u32 v38, v1  }
0x216: {  	v5 =	vor.u32 v39, v1;
	_ =	sdelay $0x1  }
0x217: {  	v2 =	vpack.i.f32.bf16 v3, v2  }
0x218: {  	[tilespmem:s1+$0xFFFFFFA0] =	vst v2  }
0x219: {  	v2 =	vld.idx.msk [tilespmem:v4+s19+$0x0], $0xffff  }
0x21a: {  	v3 =	vld.idx.msk [tilespmem:v5+s19+$0x0], $0xffff;
	_ =	sdelay $0x1  }
0x21b: {  	v4 =	vor.u32 v40, v1  }
0x21c: {  	v5 =	vor.u32 v41, v1;
	_ =	sdelay $0x1  }
0x21d: {  	v2 =	vpack.i.f32.bf16 v3, v2  }
0x21e: {  	[tilespmem:s1+$0xFFFFFFB0] =	vst v2  }
0x21f: {  	v2 =	vld.idx.msk [tilespmem:v4+s19+$0x0], $0xffff  }
0x220: {  	v3 =	vld.idx.msk [tilespmem:v5+s19+$0x0], $0xffff;
	_ =	sdelay $0x1  }
0x221: {  	v4 =	vor.u32 v42, v1  }
0x222: {  	v5 =	vor.u32 v43, v1;
	_ =	sdelay $0x1  }
0x223: {  	v2 =	vpack.i.f32.bf16 v3, v2  }
0x224: {  	[tilespmem:s1+$0xFFFFFFC0] =	vst v2  }
0x225: {  	v2 =	vld.idx.msk [tilespmem:v4+s19+$0x0], $0xffff  }
0x226: {  	v3 =	vld.idx.msk [tilespmem:v5+s19+$0x0], $0xffff;
	_ =	sdelay $0x1  }
0x227: {  	v4 =	vor.u32 v44, v1  }
0x228: {  	v5 =	vor.u32 v45, v1;
	_ =	sdelay $0x1  }
0x229: {  	v2 =	vpack.i.f32.bf16 v3, v2  }
0x22a: {  	[tilespmem:s1+$0xFFFFFFD0] =	vst v2  }
0x22b: {  	v2 =	vld.idx.msk [tilespmem:v4+s19+$0x0], $0xffff  }
0x22c: {  	v3 =	vld.idx.msk [tilespmem:v5+s19+$0x0], $0xffff;
	_ =	sdelay $0x1  }
0x22d: {  	v4 =	vor.u32 v46, v1  }
0x22e: {  	v5 =	vor.u32 v47, v1;
	_ =	sdelay $0x1  }
0x22f: {  	v2 =	vpack.i.f32.bf16 v3, v2  }
0x230: {  	[tilespmem:s1+$0xFFFFFFE0] =	vst v2  }
0x231: {  	v2 =	vld.idx.msk [tilespmem:v4+s19+$0x0], $0xffff  }
0x232: {  	v3 =	vld.idx.msk [tilespmem:v5+s19+$0x0], $0xffff;
	_ =	sdelay $0x1  }
0x233: {  	v4 =	vor.u32 v48, v1  }
0x234: {  	v5 =	vor.u32 v49, v1;
	_ =	sdelay $0x1  }
0x235: {  	v2 =	vpack.i.f32.bf16 v3, v2  }
0x236: {  	[tilespmem:s1+$0xFFFFFFF0] =	vst v2  }
0x237: {  	v2 =	vld.idx.msk [tilespmem:v4+s19+$0x0], $0xffff  }
0x238: {  	v3 =	vld.idx.msk [tilespmem:v5+s19+$0x0], $0xffff;
	_ =	sdelay $0x1  }
0x239: {  	v4 =	vor.u32 v50, v1  }
0x23a: {  	v5 =	vor.u32 v51, v1;
	_ =	sdelay $0x1  }
0x23b: {  	v2 =	vpack.i.f32.bf16 v3, v2  }
0x23c: {  	[tilespmem:s1+$0x0] =	vst v2  }
0x23d: {  	v2 =	vld.idx.msk [tilespmem:v4+s19+$0x0], $0xffff  }
0x23e: {  	v3 =	vld.idx.msk [tilespmem:v5+s19+$0x0], $0xffff;
	_ =	sdelay $0x1  }
0x23f: {  	v4 =	vor.u32 v52, v1  }
0x240: {  	v5 =	vor.u32 v53, v1;
	_ =	sdelay $0x1  }
0x241: {  	v2 =	vpack.i.f32.bf16 v3, v2  }
0x242: {  	[tilespmem:s1+$0x10] =	vst v2  }
0x243: {  	v2 =	vld.idx.msk [tilespmem:v4+s19+$0x0], $0xffff  }
0x244: {  	v3 =	vld.idx.msk [tilespmem:v5+s19+$0x0], $0xffff;
	_ =	sdelay $0x1  }
0x245: {  	v4 =	vor.u32 v54, v1  }
0x246: {  	v5 =	vor.u32 v55, v1;
	_ =	sdelay $0x1  }
0x247: {  	v2 =	vpack.i.f32.bf16 v3, v2  }
0x248: {  	[tilespmem:s1+$0x20] =	vst v2  }
0x249: {  	v2 =	vld.idx.msk [tilespmem:v4+s19+$0x0], $0xffff  }
0x24a: {  	v3 =	vld.idx.msk [tilespmem:v5+s19+$0x0], $0xffff;
	_ =	sdelay $0x1  }
0x24b: {  	v4 =	vor.u32 v56, v1  }
0x24c: {  	v5 =	vor.u32 v57, v1;
	_ =	sdelay $0x1  }
0x24d: {  	v2 =	vpack.i.f32.bf16 v3, v2  }
0x24e: {  	[tilespmem:s1+$0x30] =	vst v2  }
0x24f: {  	v2 =	vld.idx.msk [tilespmem:v4+s19+$0x0], $0xffff  }
0x250: {  	v3 =	vld.idx.msk [tilespmem:v5+s19+$0x0], $0xffff;
	_ =	sdelay $0x1  }
0x251: {  	v4 =	vor.u32 v58, v1  }
0x252: {  	v5 =	vor.u32 v59, v1;
	_ =	sdelay $0x1  }
0x253: {  	v2 =	vpack.i.f32.bf16 v3, v2  }
0x254: {  	[tilespmem:s1+$0x40] =	vst v2  }
0x255: {  	v2 =	vld.idx.msk [tilespmem:v4+s19+$0x0], $0xffff  }
0x256: {  	v3 =	vld.idx.msk [tilespmem:v5+s19+$0x0], $0xffff;
	_ =	sdelay $0x2  }
0x257: {  	v4 =	vor.u32 v60, v1;
	_ =	sdelay $0x1  }
0x258: {  	v2 =	vpack.i.f32.bf16 v3, v2;
	v3 =	vor.u32 v61, v1;
	_ =	sdelay $0x1  }
0x259: {  	[tilespmem:s1+$0x50] =	vst v2  }
0x25a: {  	s10 =	simm.s32 $0x1;
	s7 =	simm.s32 $0xAC80;
	v2 =	vld.idx.msk [tilespmem:v4+s19+$0x0], $0xffff  }
.LBB2_7:
0x25b: {  	p0 =	sne.s32 s10, $0x1F  }
0x25c: {  	v3 =	vld.idx.msk [tilespmem:v3+s19+$0x0], $0xffff;
	s1 =	sadd.s32 $0x100, s1;
	s12 =	smov.u32 s10;
	s10 =	sadd.s32 $0x1, s10  }
0x25d: {  	_ =	sdelay $0x1  }
0x25e: {  	v4 =	vor.u32 v62, v1;
	v1 =	vor.u32 v63, v1;
	_ =	sdelay $0x2  }
0x25f: {  	v2 =	vpack.i.f32.bf16 v3, v2  }
0x260: {  	[tilespmem:s7+$0x60] =	vst v2  }
0x261: {  	v2 =	vmov s12;
	v3 =	vld.idx.msk [tilespmem:v4+s19+$0x0], $0xffff  }
0x262: {  	v2 =	vand.u32 $0x1F, v2;
	v4 =	vld.idx.msk [tilespmem:v1+s19+$0x0], $0xffff  }
0x263: {  	v1 =	vbroadcast v2, $0x0;
	_ =	sdelay $0x1  }
0x264: {  	v2 =	vor.u32 v27, v1;
	v5 =	vor.u32 v33, v1;
	_ =	sdelay $0x2  }
0x265: {  	v3 =	vpack.i.f32.bf16 v4, v3  }
0x266: {  	[tilespmem:s7+$0x70] =	vst v3;
	s7 =	smov.u32 s1  }
0x267: {  	v2 =	vld.idx.msk [tilespmem:v2+s19+$0x0], $0xffff  }
0x268: {  	v3 =	vld.idx.msk [tilespmem:v5+s19+$0x0], $0xffff;
	_ =	sdelay $0x2  }
0x269: {  	v4 =	vor.u32 v34, v1;
	v5 =	vor.u32 v35, v1;
	_ =	sdelay $0x2  }
0x26a: {  	v2 =	vpack.i.f32.bf16 v3, v2  }
0x26b: {  	[tilespmem:s1+$0xFFFFFF80] =	vst v2  }
0x26c: {  	v2 =	vld.idx.msk [tilespmem:v4+s19+$0x0], $0xffff  }
0x26d: {  	v3 =	vld.idx.msk [tilespmem:v5+s19+$0x0], $0xffff;
	_ =	sdelay $0x2  }
0x26e: {  	v4 =	vor.u32 v36, v1;
	v5 =	vor.u32 v37, v1;
	_ =	sdelay $0x2  }
0x26f: {  	v2 =	vpack.i.f32.bf16 v3, v2  }
0x270: {  	[tilespmem:s1+$0xFFFFFF90] =	vst v2  }
0x271: {  	v2 =	vld.idx.msk [tilespmem:v4+s19+$0x0], $0xffff  }
0x272: {  	v3 =	vld.idx.msk [tilespmem:v5+s19+$0x0], $0xffff;
	_ =	sdelay $0x2  }
0x273: {  	v4 =	vor.u32 v38, v1;
	v5 =	vor.u32 v39, v1;
	_ =	sdelay $0x2  }
0x274: {  	v2 =	vpack.i.f32.bf16 v3, v2  }
0x275: {  	[tilespmem:s1+$0xFFFFFFA0] =	vst v2  }
0x276: {  	v2 =	vld.idx.msk [tilespmem:v4+s19+$0x0], $0xffff  }
0x277: {  	v3 =	vld.idx.msk [tilespmem:v5+s19+$0x0], $0xffff;
	_ =	sdelay $0x2  }
0x278: {  	v4 =	vor.u32 v40, v1;
	v5 =	vor.u32 v41, v1;
	_ =	sdelay $0x2  }
0x279: {  	v2 =	vpack.i.f32.bf16 v3, v2  }
0x27a: {  	[tilespmem:s1+$0xFFFFFFB0] =	vst v2  }
0x27b: {  	v2 =	vld.idx.msk [tilespmem:v4+s19+$0x0], $0xffff  }
0x27c: {  	v3 =	vld.idx.msk [tilespmem:v5+s19+$0x0], $0xffff;
	_ =	sdelay $0x2  }
0x27d: {  	v4 =	vor.u32 v42, v1;
	v5 =	vor.u32 v43, v1;
	_ =	sdelay $0x2  }
0x27e: {  	v2 =	vpack.i.f32.bf16 v3, v2  }
0x27f: {  	[tilespmem:s1+$0xFFFFFFC0] =	vst v2  }
0x280: {  	v2 =	vld.idx.msk [tilespmem:v4+s19+$0x0], $0xffff  }
0x281: {  	v3 =	vld.idx.msk [tilespmem:v5+s19+$0x0], $0xffff;
	_ =	sdelay $0x2  }
0x282: {  	v4 =	vor.u32 v44, v1;
	v5 =	vor.u32 v45, v1;
	_ =	sdelay $0x2  }
0x283: {  	v2 =	vpack.i.f32.bf16 v3, v2  }
0x284: {  	[tilespmem:s1+$0xFFFFFFD0] =	vst v2  }
0x285: {  	v2 =	vld.idx.msk [tilespmem:v4+s19+$0x0], $0xffff  }
0x286: {  	v3 =	vld.idx.msk [tilespmem:v5+s19+$0x0], $0xffff;
	_ =	sdelay $0x2  }
0x287: {  	v4 =	vor.u32 v46, v1;
	v5 =	vor.u32 v47, v1;
	_ =	sdelay $0x2  }
0x288: {  	v2 =	vpack.i.f32.bf16 v3, v2  }
0x289: {  	[tilespmem:s1+$0xFFFFFFE0] =	vst v2  }
0x28a: {  	v2 =	vld.idx.msk [tilespmem:v4+s19+$0x0], $0xffff  }
0x28b: {  	v3 =	vld.idx.msk [tilespmem:v5+s19+$0x0], $0xffff;
	_ =	sdelay $0x2  }
0x28c: {  	v4 =	vor.u32 v48, v1;
	v5 =	vor.u32 v49, v1;
	_ =	sdelay $0x2  }
0x28d: {  	v2 =	vpack.i.f32.bf16 v3, v2  }
0x28e: {  	[tilespmem:s1+$0xFFFFFFF0] =	vst v2  }
0x28f: {  	v2 =	vld.idx.msk [tilespmem:v4+s19+$0x0], $0xffff  }
0x290: {  	v3 =	vld.idx.msk [tilespmem:v5+s19+$0x0], $0xffff;
	_ =	sdelay $0x2  }
0x291: {  	v4 =	vor.u32 v50, v1;
	v5 =	vor.u32 v51, v1;
	_ =	sdelay $0x2  }
0x292: {  	v2 =	vpack.i.f32.bf16 v3, v2  }
0x293: {  	[tilespmem:s1+$0x0] =	vst v2  }
0x294: {  	v2 =	vld.idx.msk [tilespmem:v4+s19+$0x0], $0xffff  }
0x295: {  	v3 =	vld.idx.msk [tilespmem:v5+s19+$0x0], $0xffff;
	_ =	sdelay $0x2  }
0x296: {  	v4 =	vor.u32 v52, v1;
	v5 =	vor.u32 v53, v1;
	_ =	sdelay $0x2  }
0x297: {  	v2 =	vpack.i.f32.bf16 v3, v2  }
0x298: {  	[tilespmem:s1+$0x10] =	vst v2  }
0x299: {  	v2 =	vld.idx.msk [tilespmem:v4+s19+$0x0], $0xffff  }
0x29a: {  	v3 =	vld.idx.msk [tilespmem:v5+s19+$0x0], $0xffff;
	_ =	sdelay $0x2  }
0x29b: {  	v4 =	vor.u32 v54, v1;
	v5 =	vor.u32 v55, v1;
	_ =	sdelay $0x2  }
0x29c: {  	v2 =	vpack.i.f32.bf16 v3, v2  }
0x29d: {  	[tilespmem:s1+$0x20] =	vst v2  }
0x29e: {  	v2 =	vld.idx.msk [tilespmem:v4+s19+$0x0], $0xffff  }
0x29f: {  	v3 =	vld.idx.msk [tilespmem:v5+s19+$0x0], $0xffff;
	_ =	sdelay $0x2  }
0x2a0: {  	v4 =	vor.u32 v56, v1;
	v5 =	vor.u32 v57, v1;
	_ =	sdelay $0x2  }
0x2a1: {  	v2 =	vpack.i.f32.bf16 v3, v2  }
0x2a2: {  	[tilespmem:s1+$0x30] =	vst v2  }
0x2a3: {  	v2 =	vld.idx.msk [tilespmem:v4+s19+$0x0], $0xffff  }
0x2a4: {  	v3 =	vld.idx.msk [tilespmem:v5+s19+$0x0], $0xffff;
	_ =	sdelay $0x2  }
0x2a5: {  	v4 =	vor.u32 v58, v1;
	v5 =	vor.u32 v59, v1;
	_ =	sdelay $0x2  }
0x2a6: {  	v2 =	vpack.i.f32.bf16 v3, v2  }
0x2a7: {  	[tilespmem:s1+$0x40] =	vst v2  }
0x2a8: {  	v2 =	vld.idx.msk [tilespmem:v4+s19+$0x0], $0xffff  }
0x2a9: {  	v4 =	vld.idx.msk [tilespmem:v5+s19+$0x0], $0xffff;
	_ =	sdelay $0x2  }
0x2aa: {  	v3 =	vor.u32 v61, v1;
	v5 =	vor.u32 v60, v1  }
.Ltmp2:
0x2ab: {  	(pc) =	sbr.rel @p0 .LBB2_7-.Ltmp2, $4  }
0x2ac: {  	_ = 	snop  }
0x2ad: {  	v2 =	vpack.i.f32.bf16 v4, v2  }
0x2ae: {  	[tilespmem:s1+$0x50] =	vst v2  }
0x2af: {  	v2 =	vld.idx.msk [tilespmem:v5+s19+$0x0], $0xffff  }
0x2b0: {  	_ =	sdelay $0x3  }
0x2b1: {  	v3 =	vld.idx.msk [tilespmem:v3+s19+$0x0], $0xffff;
	_ =	sdelay $0x1  }
0x2b2: {  	v4 =	vor.u32 v62, v1  }
0x2b3: {  	v1 =	vor.u32 v63, v1;
	_ =	sdelay $0x1  }
0x2b4: {  	v2 =	vpack.i.f32.bf16 v3, v2  }
0x2b5: {  	[tilespmem:s7+$0x60] =	vst v2  }
0x2b6: {  	v2 =	vld.idx.msk [tilespmem:v4+s19+$0x0], $0xffff  }
0x2b7: {  	v1 =	vld.idx.msk [tilespmem:v1+s19+$0x0], $0xffff;
	_ =	sdelay $0x2  }
0x2b8: {  	s1 =	sshll.u32 s5, $0x13  }
0x2b9: {  	s0 =	sadd.s32 $0x1, s0;
	s1 =	sor.u32 s6, s1  }
0x2ba: {  	p0 =	sne.s32 s0, $0xA;
	s1 =	sshrl.u32 s1, $0x4;
	v1 =	vpack.i.f32.bf16 v1, v2  }
.Ltmp3:
0x2bb: {  	s1 =	sadd.s32 s4, s1;
	[tilespmem:s7+$0x70] =	vst v1;
	(pc) =	sbr.rel @p0 .LBB2_2-.Ltmp3, $4  }
0x2bc: {  	[hbm4b:s1+s28] =	stream.strided.scatter [tilespmem:s30], [sflag:$0x3], $0x2000, s29, s28, $0x38;
	[tilespmem:$0xCC00] =	vst v63  }
0x2bd: {  	_ =	swait.ge [sflag:s8], $0x2000  }
0x2be: {  	[sflag:s8] =	ssyncset.done $0x0  }
0x2bf: {  	[sflag:s8] =	ssyncadd.s32 $0xFFFFE000  }
0x2c0: {  	s1 =	rddreg [dreg:$0x4]  }
0x2c1: {  	s0 =	rddreg [dreg:$0x3];
	s1 =	sadd.s32 $0x1, s1  }
0x2c2: {  	p0 =	sne.s32 s1, s0  }
.Ltmp4:
0x2c3: {  	_ = 	snop;
	(pc) =	sbr.rel @p0 .LBB2_1-.Ltmp4, $1  }
0x2c4: {  	_ =	sdelay $0x3  }
0x2c5: {  	_ =	sfence.sel $0x180000  }
0x2c6: {  	[bflag:$0x0] =	sbarrier.arrive $0xFFFF  }
0x2c7: {  	_ =	strace $0x9000004A  }
0x2c8: {  	s0 =	stileid.u32;
	[bflag:$0x2] =	sbarrier.arrive $0xFFFF  }
0x2c9: {  	p0 =	sne.s32 s0, $0x0;
	s0 =	rddreg [dreg:$0x1]  }
0x2ca: {  	s0 =	sadd.s32 @!p0 $0x100000, s0  }
0x2cb: {  	[sflag:s0] =	ssyncadd.tile.s32 @!p0 $0x1;
	_ =	shalt  }
.Lfunc_end2:
_tile_overlayer_lowered:
.L_overlay_start_2:
0x2cc: {  	(tag) =	ssettag $0x2  }
0x2cd: {  	s0 =	rddreg [dreg:$0x0];
	s2 =	stileid.u32  }
0x2ce: {  	s1 =	rddreg [dreg:$0x1];
	p0 =	sne.s32 s2, $0x0  }
0x2cf: {  	s3 =	rddreg [dreg:$0x2];
	[bflag:$0x3] =	sbarrier.arrive $0xFFFF;
	s2 =	simm.s32 @!p0 $0x1C03  }
0x2d0: {  	[timem:s3], [sflag:s2] =	dma.local @!p0 [hbm:s0], s1  }
0x2d1: {  	s0 =	simm.s32 @!p0 $0x3  }
0x2d2: {  	_ =	swait.ge @!p0 [sflag:s0], s1  }
0x2d3: {  	s1 =	ssub.s32 @!p0 $0x0, s1;
	[sflag:s0] =	ssyncset.done @!p0 $0x0  }
0x2d4: {  	[sflag:s0] =	ssyncadd.s32 @!p0 s1  }
0x2d5: {  	[bflag:$0x3] =	sbarrier.arrive $0xFFFF  }
0x2d6: {  	_ =	shalt  }

</sc_bundles>
